<compile_context>
chip_gen: v7x
topology: tpu7x:2x2x1
jax: 0.10.2.dev20260603
libtpu: 0.0.44.dev20260713+nightly
codegen_flags: <defaults>
</compile_context>

<pallas_src>
import functools

import jax
import jax.numpy as jnp
from jax import lax
from jax.experimental import pallas as pl
from jax.experimental.pallas import tpu as pltpu
from jax.experimental.pallas import tpu_sc as plsc

_N = 10000
_E = 320000
_D = 128
_H = 128
_DE = 16
_CP = 16

_NC = 2
_NS = 16
_NW = _NC * _NS
_TPW = _E // _NW
_CH = 80
_NCH = _TPW // _CH
_NP = 10240
_NPS = _NP // _NS
_SCH = 40
_SNCH = _TPW // _SCH
_CW = 8
_NQ = _NP // 16
_NQS = _NQ // _NS



def _sc_gather_body(p_hbm, q_hbm, cx_hbm, cy_hbm, cz_hbm,
                    idxrf_hbm, idxcf_hbm,
                    g_hbm, cd_hbm,
                    idxrf_v, idxcf_v,
                    cx_v, cy_v, cz_v, bufp, bufq, cdbuf,
                    sem0, sem1, sem2, sem3):
  c = lax.axis_index("c")
  s = lax.axis_index("s")
  wid = s * _NC + c
  base = wid * _TPW
  pltpu.sync_copy(idxrf_hbm.at[wid], idxrf_v)
  pltpu.sync_copy(idxcf_hbm.at[wid], idxcf_v)
  pltpu.sync_copy(cx_hbm, cx_v)
  pltpu.sync_copy(cy_hbm, cy_v)
  pltpu.sync_copy(cz_hbm, cz_v)

  b0p, b0q = bufp.at[0], bufq.at[0]
  b1p, b1q = bufp.at[1], bufq.at[1]

  def issue(cc, bp, bq, semp, semq):
    pltpu.async_copy(p_hbm.at[idxrf_v.at[pl.ds(cc * _CH, _CH)]], bp, semp)
    pltpu.async_copy(q_hbm.at[idxcf_v.at[pl.ds(cc * _CH, _CH)]], bq, semq)

  def waitg(bp, bq, semp, semq):
    pltpu.make_async_copy(p_hbm.at[idxrf_v.at[pl.ds(0, _CH)]], bp,
                          semp).wait()
    pltpu.make_async_copy(q_hbm.at[idxcf_v.at[pl.ds(0, _CH)]], bq,
                          semq).wait()

  def coordwork(cc):
    lane = lax.iota(jnp.int32, 16)
    col0 = jnp.zeros((16,), jnp.int32)
    for k in range(_CH // 16):
      m = cc * _CH + k * 16
      ir = idxrf_v[pl.ds(m, 16)]
      ic = idxcf_v[pl.ds(m, 16)]
      dx = plsc.load_gather(cx_v, [ir]) - plsc.load_gather(cx_v, [ic])
      dy = plsc.load_gather(cy_v, [ir]) - plsc.load_gather(cy_v, [ic])
      dz = plsc.load_gather(cz_v, [ir]) - plsc.load_gather(cz_v, [ic])
      rad = dx * dx + dy * dy + dz * dz
      rows = lane + (k * 16)
      plsc.store_scatter(cdbuf, [rows, col0], dx)
      plsc.store_scatter(cdbuf, [rows, col0 + 1], dy)
      plsc.store_scatter(cdbuf, [rows, col0 + 2], dz)
      plsc.store_scatter(cdbuf, [rows, col0 + 3], rad)

  def addbufs(bp, bq):
    def arow(i, carry):
      for k in range(_D // 16):
        sl = pl.ds(k * 16, 16)
        bp[i, sl] = bp[i, sl] + bq[i, sl]
      return carry

    lax.fori_loop(0, _CH, arow, 0)

  def emit(cc, bp, bq):
    addbufs(bp, bq)
    row0 = base + cc * _CH
    pltpu.sync_copy(bp, g_hbm.at[pl.ds(row0, _CH), :])
    pltpu.sync_copy(cdbuf, cd_hbm.at[pl.ds(row0, _CH), :])

  issue(0, b0p, b0q, sem0, sem1)

  def body(j2, carry):
    c0 = 2 * j2
    issue(c0 + 1, b1p, b1q, sem2, sem3)
    coordwork(c0)
    waitg(b0p, b0q, sem0, sem1)
    emit(c0, b0p, b0q)
    issue(c0 + 2, b0p, b0q, sem0, sem1)
    coordwork(c0 + 1)
    waitg(b1p, b1q, sem2, sem3)
    emit(c0 + 1, b1p, b1q)
    return carry

  lax.fori_loop(0, (_NCH - 1) // 2, body, 0)
  coordwork(_NCH - 1)
  waitg(b0p, b0q, sem0, sem1)
  emit(_NCH - 1, b0p, b0q)


def _sc_gather(p, q, cx, cy, cz, idxrf, idxcf):
  mesh = plsc.VectorSubcoreMesh(core_axis_name="c", subcore_axis_name="s")
  f = pl.kernel(
      _sc_gather_body,
      out_type=[
          jax.ShapeDtypeStruct((_E, _D), jnp.float32),
          jax.ShapeDtypeStruct((_E, _CP), jnp.float32),
      ],
      mesh=mesh,
      scratch_types=[
          pltpu.VMEM((_TPW,), jnp.int32),
          pltpu.VMEM((_TPW,), jnp.int32),
          pltpu.VMEM((_N,), jnp.float32),
          pltpu.VMEM((_N,), jnp.float32),
          pltpu.VMEM((_N,), jnp.float32),
          pltpu.VMEM((2, _CH, _D), jnp.float32),
          pltpu.VMEM((2, _CH, _D), jnp.float32),
          pltpu.VMEM((_CH, _CP), jnp.float32),
          pltpu.SemaphoreType.DMA,
          pltpu.SemaphoreType.DMA,
          pltpu.SemaphoreType.DMA,
          pltpu.SemaphoreType.DMA,
      ],
      compiler_params=pltpu.CompilerParams(needs_layout_passes=False),
  )
  return f(p, q, cx, cy, cz, idxrf, idxcf)


def _make_scatter_body(nrows, nslab):
  w = min(_SCH, nslab)

  def body_fn(src_hbm, idx_hbm, z_hbm, out_hbm, idx_v, buf, acc_sh,
              sem0, sem1):
    c = lax.axis_index("c")
    s = lax.axis_index("s")
    wid = s * _NC + c
    base = wid * _TPW
    slab = s * nslab
    pltpu.sync_copy(z_hbm.at[pl.ds(0, _SCH), :], buf.at[0])

    def zbody(k, carry):
      off = slab + k * _SCH
      pltpu.sync_copy(buf.at[0, pl.ds(0, w), :],
                      acc_sh.at[pl.ds(off, w), :])
      return carry

    lax.fori_loop(0, max(1, nslab // _SCH), zbody, 0)
    pltpu.sync_copy(idx_hbm.at[wid], idx_v)
    plsc.subcore_barrier()

    def sissue(cc, bslot, sem):
      row0 = base + cc * _SCH
      pltpu.async_copy(src_hbm.at[pl.ds(row0, _SCH), :], bslot, sem)

    def swait(bslot, sem):
      pltpu.make_async_copy(src_hbm.at[pl.ds(0, _SCH), :], bslot, sem).wait()

    sissue(0, buf.at[0], sem0)

    def body(j2, carry):
      c0 = 2 * j2
      sissue(c0 + 1, buf.at[1], sem1)
      swait(buf.at[0], sem0)
      pltpu.sync_copy(buf.at[0], acc_sh.at[idx_v.at[c0]], add=True)
      sissue(c0 + 2, buf.at[0], sem0)
      swait(buf.at[1], sem1)
      pltpu.sync_copy(buf.at[1], acc_sh.at[idx_v.at[c0 + 1]], add=True)
      return carry

    lax.fori_loop(0, (_SNCH - 1) // 2, body, 0)
    if _SNCH % 2 == 0:
      sissue(_SNCH - 1, buf.at[1], sem1)
      swait(buf.at[0], sem0)
      pltpu.sync_copy(buf.at[0], acc_sh.at[idx_v.at[_SNCH - 2]], add=True)
      swait(buf.at[1], sem1)
      pltpu.sync_copy(buf.at[1], acc_sh.at[idx_v.at[_SNCH - 1]], add=True)
    else:
      swait(buf.at[0], sem0)
      pltpu.sync_copy(buf.at[0], acc_sh.at[idx_v.at[_SNCH - 1]], add=True)
    plsc.subcore_barrier()

    def wbody(k, carry):
      off = slab + k * _SCH
      pltpu.sync_copy(acc_sh.at[pl.ds(off, w), :], buf.at[0, pl.ds(0, w), :])
      pltpu.sync_copy(buf.at[0, pl.ds(0, w), :],
                      out_hbm.at[c, pl.ds(off, w), :])
      return carry

    lax.fori_loop(0, max(1, nslab // _SCH), wbody, 0)

  return body_fn


def _sc_scatter(src, idx3, z128, nrows, nslab):
  mesh = plsc.VectorSubcoreMesh(core_axis_name="c", subcore_axis_name="s")
  f = pl.kernel(
      _make_scatter_body(nrows, nslab),
      out_type=[
          jax.ShapeDtypeStruct((_NC, nrows, _H), jnp.float32),
      ],
      mesh=mesh,
      scratch_types=[
          pltpu.VMEM((_SNCH, _SCH), jnp.int32),
          pltpu.VMEM((2, _SCH, _H), jnp.float32),
          pltpu.VMEM_SHARED((nrows, _H), jnp.float32),
          pltpu.SemaphoreType.DMA,
          pltpu.SemaphoreType.DMA,
      ],
  )
  return f(src, idx3, z128)[0]



_BN = 1000
_BE = 640


def _prep_body(h_ref, wa_ref, wb_ref, wr_ref, p_ref, q_ref, r_ref):
  h = h_ref[...]
  p_ref[...] = jnp.dot(h, wa_ref[...], preferred_element_type=jnp.float32)
  q_ref[...] = jnp.dot(h, wb_ref[...], preferred_element_type=jnp.float32)
  r_ref[...] = jnp.dot(h, wr_ref[...], preferred_element_type=jnp.float32)


def _tc_prep(h, wa, wb, wr):
  grid = (_N // _BN,)
  return pl.pallas_call(
      _prep_body,
      grid=grid,
      in_specs=[
          pl.BlockSpec((_BN, _D), lambda i: (i, 0)),
          pl.BlockSpec((_D, _H), lambda i: (0, 0)),
          pl.BlockSpec((_D, _H), lambda i: (0, 0)),
          pl.BlockSpec((_D, _H), lambda i: (0, 0)),
      ],
      out_specs=[
          pl.BlockSpec((_BN, _H), lambda i: (i, 0)),
          pl.BlockSpec((_BN, _H), lambda i: (i, 0)),
          pl.BlockSpec((_BN, _H), lambda i: (i, 0)),
      ],
      out_shape=[
          jax.ShapeDtypeStruct((_N, _H), jnp.float32),
          jax.ShapeDtypeStruct((_N, _H), jnp.float32),
          jax.ShapeDtypeStruct((_N, _H), jnp.float32),
      ],
  )(h, wa, wb, wr)


def _silu(x):
  return x * jax.nn.sigmoid(x)


def _edge_body(g_ref, cd_ref, ea_ref, rem_ref,
               w1d_ref, w1c_ref, be1_ref, we2_ref, be2_ref,
               wc1_ref, bc1_ref, wc2t_ref,
               ef_ref, tp_ref):
  cd = cd_ref[...]
  lanes = lax.broadcasted_iota(jnp.int32, (1, _CP), 1)
  diff = jnp.where(lanes < 3, cd, 0.0)
  radial = jnp.sum(jnp.where(lanes == 3, cd, 0.0),
                   axis=1, keepdims=True)
  norm = jnp.sqrt(radial + 1e-8)
  pre1 = (g_ref[...]
          + radial * w1c_ref[...]
          + jnp.dot(ea_ref[...], w1d_ref[...],
                    preferred_element_type=jnp.float32)
          + be1_ref[...])
  f = _silu(pre1)
  ef = _silu(jnp.dot(f, we2_ref[...], preferred_element_type=jnp.float32)
             + be2_ref[...])
  m = _silu(jnp.dot(ef, wc1_ref[...], preferred_element_type=jnp.float32)
            + bc1_ref[...])
  csc = jnp.sum(m * wc2t_ref[...], axis=1, keepdims=True)
  ef_ref[...] = ef
  trans = diff * (csc / norm)
  big = jnp.concatenate([trans[:, :_CW]] * 16, axis=1)
  grp = lax.broadcasted_iota(jnp.int32, (1, _D), 1) // _CW
  tp_ref[...] = jnp.where(grp == rem_ref[...], big, 0.0)


def _tc_edge(g, cd, ea, rem, w1d, w1c, be1, we2, be2, wc1, bc1, wc2t):
  grid = (_E // _BE,)
  return pl.pallas_call(
      _edge_body,
      grid=grid,
      in_specs=[
          pl.BlockSpec((_BE, _D), lambda i: (i, 0)),
          pl.BlockSpec((_BE, _CP), lambda i: (i, 0)),
          pl.BlockSpec((_BE, _DE), lambda i: (i, 0)),
          pl.BlockSpec((_BE, 1), lambda i: (i, 0)),
          pl.BlockSpec((_DE, _H), lambda i: (0, 0)),
          pl.BlockSpec((1, _H), lambda i: (0, 0)),
          pl.BlockSpec((1, _H), lambda i: (0, 0)),
          pl.BlockSpec((_H, _H), lambda i: (0, 0)),
          pl.BlockSpec((1, _H), lambda i: (0, 0)),
          pl.BlockSpec((_H, _H), lambda i: (0, 0)),
          pl.BlockSpec((1, _H), lambda i: (0, 0)),
          pl.BlockSpec((1, _H), lambda i: (0, 0)),
      ],
      out_specs=[
          pl.BlockSpec((_BE, _H), lambda i: (i, 0)),
          pl.BlockSpec((_BE, _D), lambda i: (i, 0)),
      ],
      out_shape=[
          jax.ShapeDtypeStruct((_E, _H), jnp.float32),
          jax.ShapeDtypeStruct((_E, _D), jnp.float32),
      ],
  )(g, cd, ea, rem, w1d, w1c, be1, we2, be2, wc1, bc1, wc2t)


def _node_body(h_ref, r_ref, agg0_ref, agg1_ref, ca0_ref, ca1_ref, cp_ref,
               wn1b_ref, bn1_ref, wn2_ref, bn2_ref,
               hout_ref, cpout_ref):
  agg = agg0_ref[...] + agg1_ref[...]
  mid = _silu(r_ref[...]
              + jnp.dot(agg, wn1b_ref[...], preferred_element_type=jnp.float32)
              + bn1_ref[...])
  hout_ref[...] = (h_ref[...]
                   + jnp.dot(mid, wn2_ref[...],
                             preferred_element_type=jnp.float32)
                   + bn2_ref[...])
  cpout_ref[...] = cp_ref[...] + ca0_ref[...] + ca1_ref[...]


def _tc_node(h, r, agg0, agg1, ca0, ca1, cp, wn1b, bn1, wn2, bn2):
  grid = (_N // _BN,)
  return pl.pallas_call(
      _node_body,
      grid=grid,
      in_specs=[
          pl.BlockSpec((_BN, _D), lambda i: (i, 0)),
          pl.BlockSpec((_BN, _H), lambda i: (i, 0)),
          pl.BlockSpec((_BN, _H), lambda i: (i, 0)),
          pl.BlockSpec((_BN, _H), lambda i: (i, 0)),
          pl.BlockSpec((_BN, _CW), lambda i: (i, 0)),
          pl.BlockSpec((_BN, _CW), lambda i: (i, 0)),
          pl.BlockSpec((_BN, _CW), lambda i: (i, 0)),
          pl.BlockSpec((_H, _H), lambda i: (0, 0)),
          pl.BlockSpec((1, _H), lambda i: (0, 0)),
          pl.BlockSpec((_H, _D), lambda i: (0, 0)),
          pl.BlockSpec((1, _D), lambda i: (0, 0)),
      ],
      out_specs=[
          pl.BlockSpec((_BN, _D), lambda i: (i, 0)),
          pl.BlockSpec((_BN, _CW), lambda i: (i, 0)),
      ],
      out_shape=[
          jax.ShapeDtypeStruct((_N, _D), jnp.float32),
          jax.ShapeDtypeStruct((_N, _CW), jnp.float32),
      ],
  )(h, r, agg0, agg1, ca0, ca1, cp, wn1b, bn1, wn2, bn2)



@jax.jit
def kernel(h, edge_index, coord, edge_attr,
           W_e1, b_e1, W_e2, b_e2,
           W_n1, b_n1, W_n2, b_n2,
           W_c1, b_c1, W_c2):
  row = edge_index[0]
  col = edge_index[1]
  idxrf = row.reshape(_NW, _TPW)
  idxcf = col.reshape(_NW, _TPW)
  coordp = jnp.zeros((_N, _CW), jnp.float32).at[:, :3].set(coord)
  cx = coord[:, 0]
  cy = coord[:, 1]
  cz = coord[:, 2]

  p, q, r = _tc_prep(h, W_e1[:_D], W_e1[_D:2 * _D], W_n1[:_D])
  g, cd = _sc_gather(p, q, cx, cy, cz, idxrf, idxcf)

  w1c = W_e1[2 * _D:2 * _D + 1]
  w1d = W_e1[2 * _D + 1:]
  rem = (row % 16).reshape(_E, 1)
  ef, tp = _tc_edge(g, cd, edge_attr, rem,
                    w1d, w1c, b_e1[None, :], W_e2, b_e2[None, :],
                    W_c1, b_c1[None, :], W_c2.reshape(1, _H))

  idxr_s = row.reshape(_NW, _SNCH, _SCH)
  idxq_s = (row // 16).reshape(_NW, _SNCH, _SCH)
  z128 = jnp.zeros((_NP, _H), jnp.float32)
  aggp = _sc_scatter(ef, idxr_s, z128, _NP, _NPS)
  caggp = _sc_scatter(tp, idxq_s, z128, _NQ, _NQS)
  cagg = caggp.reshape(_NC, _NP, _CW)

  h_out, cpout = _tc_node(h, r, aggp[0], aggp[1], cagg[0], cagg[1], coordp,
                          W_n1[_D:], b_n1[None, :], W_n2, b_n2[None, :])
  coord_out = cpout[:, :3]
  return (h_out, coord_out, edge_attr)

# --- scband reference (transcript-rebuilt; emitter-appended) ---
"""Pipeline reference for scband-e-gcl-7567732375779 (READ-ONLY COPY).

The authoritative reference and input builder live on the scoring server;
editing this copy changes nothing except your own understanding.
"""

import jax, jax.numpy as jnp
import numpy as np

N = 10000
E = 320000
D = 128   # input_nf = output_nf
H = 128   # hidden_nf
DE = 16   # edges_in_d


def setup_inputs(seed: int = 0) -> dict:
    key = jax.random.key(seed)
    ks = jax.random.split(key, 16)
    h = jax.random.normal(ks[0], (N, D), dtype=jnp.float32)
    edge_index = jax.random.randint(ks[1], (2, E), 0, N, dtype=jnp.int32)
    coord = jax.random.normal(ks[2], (N, 3), dtype=jnp.float32)
    edge_attr = jax.random.normal(ks[3], (E, DE), dtype=jnp.float32)
    s = 0.02
    # edge_mlp: Linear(2D+1+DE -> H), SiLU, Linear(H -> H), SiLU
    W_e1 = jax.random.normal(ks[4], (2 * D + 1 + DE, H), jnp.float32) * s
    b_e1 = jnp.zeros((H,), jnp.float32)
    W_e2 = jax.random.normal(ks[5], (H, H), jnp.float32) * s
    b_e2 = jnp.zeros((H,), jnp.float32)
    # node_mlp: Linear(H + D -> H), SiLU, Linear(H -> D)
    W_n1 = jax.random.normal(ks[6], (H + D, H), jnp.float32) * s
    b_n1 = jnp.zeros((H,), jnp.float32)
    W_n2 = jax.random.normal(ks[7], (H, D), jnp.float32) * s
    b_n2 = jnp.zeros((D,), jnp.float32)
    # coord_mlp: Linear(H -> H), SiLU, Linear(H -> 1, bias=False, xavier gain=0.001)
    W_c1 = jax.random.normal(ks[8], (H, H), jnp.float32) * s
    b_c1 = jnp.zeros((H,), jnp.float32)
    W_c2 = jax.random.normal(ks[9], (H, 1), jnp.float32) * 0.001
    return {"h": h, "edge_index": edge_index, "coord": coord, "edge_attr": edge_attr,
            "W_e1": W_e1, "b_e1": b_e1, "W_e2": W_e2, "b_e2": b_e2,
            "W_n1": W_n1, "b_n1": b_n1, "W_n2": W_n2, "b_n2": b_n2,
            "W_c1": W_c1, "b_c1": b_c1, "W_c2": W_c2}


def reference(h, edge_index, coord, edge_attr,
              W_e1, b_e1, W_e2, b_e2,
              W_n1, b_n1, W_n2, b_n2,
              W_c1, b_c1, W_c2):
    row = edge_index[0]
    col = edge_index[1]
    # coord2radial (norm_diff=True, norm_constant=0)
    coord_diff = coord[row] - coord[col]
    radial = jnp.sum(coord_diff ** 2, axis=1, keepdims=True)
    norm = jnp.sqrt(radial + 1e-8)
    coord_diff = coord_diff / norm
    # edge_model (attention=False, edge_mask=None)
    src = jnp.take(h, row, axis=0)
    dst = jnp.take(h, col, axis=0)
    e_in = jnp.concatenate([src, dst, radial, edge_attr], axis=1)
    edge_feat = jax.nn.silu(e_in @ W_e1 + b_e1)
    edge_feat = jax.nn.silu(edge_feat @ W_e2 + b_e2)
    # coord_model (tanh=False)
    trans = coord_diff * (jax.nn.silu(edge_feat @ W_c1 + b_c1) @ W_c2)
    coord_out = coord + jax.ops.segment_sum(trans, row, num_segments=N)
    # node_model (node_attr=None)
    agg = jax.ops.segment_sum(edge_feat, row, num_segments=N)
    n_in = jnp.concatenate([h, agg], axis=1)
    h_out = h + (jax.nn.silu(n_in @ W_n1 + b_n1) @ W_n2 + b_n2)
    return (h_out, coord_out, edge_attr)

if __name__ == "__main__":
    import jax
    _d = setup_inputs()
    print(jax.jit(kernel)(*tuple(_d.values())))

</pallas_src>

<mosaic_0001>
#map = affine_map<(d0, d1) -> (0, 0)>
#map1 = affine_map<(d0, d1) -> (0, 0, 0)>
module attributes {stable_mosaic.version = 14 : i64} {
  func.func @body_fn(%arg0: i32, %arg1: i32, %arg2: memref<320000x128xf32, #tpu.memory_space<hbm>>, %arg3: memref<32x250x40xi32, #tpu.memory_space<hbm>>, %arg4: memref<10240x128xf32, #tpu.memory_space<hbm>>, %arg5: memref<2x640x128xf32, #tpu.memory_space<hbm>>, %arg6: memref<250x40xi32, #tpu.memory_space<vmem>>, %arg7: memref<2x40x128xf32, #tpu.memory_space<vmem>>, %arg8: memref<640x128xf32, #tpu.memory_space<vmem_shared>>, %arg9: memref<!tpu.dma_semaphore, #tpu.memory_space<semaphore_mem>>, %arg10: memref<!tpu.dma_semaphore, #tpu.memory_space<semaphore_mem>>) attributes {dimension_semantics = [#tpu.dimension_semantics<core_parallel>, #tpu.dimension_semantics<subcore_parallel>], iteration_bounds = array<i64: 2, 16>, scalar_prefetch = 0 : i64, scratch_operands = 5 : i64, tpu.core_type = #tpu.core_type<sc_vector_subcore>, window_params = [{transform_indices = #map}, {transform_indices = #map1}, {transform_indices = #map}, {transform_indices = #map1}]} {
    %mul3A = arith.constant 2 : i32
    %mul3A_0 = arith.muli %arg1, %mul3A : i32
    %add3A = arith.addi %mul3A_0, %arg0 : i32
    %mul3A_1 = arith.constant 10000 : i32
    %mul3A_2 = arith.muli %add3A, %mul3A_1 : i32
    %mul3A_3 = arith.constant 40 : i32
    %mul3A_4 = arith.muli %arg1, %mul3A_3 : i32
    %run_scoped3A = arith.constant 0 : i32
    "tpu.region"() ({
      %run_scoped3A_88 = tpu.sem_alloc : memref<!tpu.dma_semaphore, #tpu.memory_space<semaphore_mem>>
      %dma_start3A_89 = arith.constant 0 : i32
      %dma_start3A_90 = arith.constant 0 : i32
      %dma_start3A_91 = tpu.memref_slice %arg7[%run_scoped3A, %dma_start3A_89, %dma_start3A_90] : memref<2x40x128xf32, #tpu.memory_space<vmem>> -> memref<1x40x128xf32, #tpu.memory_space<vmem>>
      %dma_start3A_92 = tpu.memref_squeeze %dma_start3A_91 : memref<1x40x128xf32, #tpu.memory_space<vmem>> -> memref<40x128xf32, #tpu.memory_space<vmem>>
      %dma_start3A_93 = arith.constant 0 : i32
      %dma_start3A_94 = arith.constant 0 : i32
      %dma_start3A_95 = tpu.memref_slice %arg4[%dma_start3A_93, %dma_start3A_94] : memref<10240x128xf32, #tpu.memory_space<hbm>> -> memref<40x128xf32, #tpu.memory_space<hbm>>
      %dma_start3A_96 = arith.constant 0 : i32
      %dma_start3A_97 = arith.constant 0 : i32
      %dma_start3A_98 = tpu.memref_slice %arg7[%run_scoped3A, %dma_start3A_96, %dma_start3A_97] : memref<2x40x128xf32, #tpu.memory_space<vmem>> -> memref<1x40x128xf32, #tpu.memory_space<vmem>>
      %dma_start3A_99 = tpu.memref_squeeze %dma_start3A_98 : memref<1x40x128xf32, #tpu.memory_space<vmem>> -> memref<40x128xf32, #tpu.memory_space<vmem>>
      %dma_start3A_100 = arith.constant 0 : i32
      %dma_start3A_101 = arith.constant 0 : i32
      %dma_start3A_102 = tpu.memref_slice %arg4[%dma_start3A_100, %dma_start3A_101] : memref<10240x128xf32, #tpu.memory_space<hbm>> -> memref<40x128xf32, #tpu.memory_space<hbm>>
      tpu.enqueue_dma source(%dma_start3A_102 : memref<40x128xf32, #tpu.memory_space<hbm>>) target(%dma_start3A_99 : memref<40x128xf32, #tpu.memory_space<vmem>>) target_semaphore(%run_scoped3A_88 : memref<!tpu.dma_semaphore, #tpu.memory_space<semaphore_mem>>)
      %dma_wait3A_103 = arith.constant 0 : i32
      %dma_wait3A_104 = arith.constant 0 : i32
      %dma_wait3A_105 = tpu.memref_slice %arg7[%run_scoped3A, %dma_wait3A_103, %dma_wait3A_104] : memref<2x40x128xf32, #tpu.memory_space<vmem>> -> memref<1x40x128xf32, #tpu.memory_space<vmem>>
      %dma_wait3A_106 = tpu.memref_squeeze %dma_wait3A_105 : memref<1x40x128xf32, #tpu.memory_space<vmem>> -> memref<40x128xf32, #tpu.memory_space<vmem>>
      %dma_wait3A_107 = arith.constant 0 : i32
      %dma_wait3A_108 = arith.constant 0 : i32
      %dma_wait3A_109 = tpu.memref_slice %arg4[%dma_wait3A_107, %dma_wait3A_108] : memref<10240x128xf32, #tpu.memory_space<hbm>> -> memref<40x128xf32, #tpu.memory_space<hbm>>
      %dma_wait3A_110 = arith.constant 0 : i32
      %dma_wait3A_111 = arith.constant 0 : i32
      %dma_wait3A_112 = tpu.memref_slice %arg7[%run_scoped3A, %dma_wait3A_110, %dma_wait3A_111] : memref<2x40x128xf32, #tpu.memory_space<vmem>> -> memref<1x40x128xf32, #tpu.memory_space<vmem>>
      %dma_wait3A_113 = tpu.memref_squeeze %dma_wait3A_112 : memref<1x40x128xf32, #tpu.memory_space<vmem>> -> memref<40x128xf32, #tpu.memory_space<vmem>>
      %dma_wait3A_114 = arith.constant 0 : i32
      %dma_wait3A_115 = arith.constant 0 : i32
      %dma_wait3A_116 = tpu.memref_slice %arg4[%dma_wait3A_114, %dma_wait3A_115] : memref<10240x128xf32, #tpu.memory_space<hbm>> -> memref<40x128xf32, #tpu.memory_space<hbm>>
      tpu.wait_dma2 semaphore(%run_scoped3A_88 : memref<!tpu.dma_semaphore, #tpu.memory_space<semaphore_mem>>) src(%dma_wait3A_116 : memref<40x128xf32, #tpu.memory_space<hbm>>) dst(%dma_wait3A_113 : memref<40x128xf32, #tpu.memory_space<vmem>>)
      tpu.yield
    }) : () -> ()
    %scan3A = arith.constant 0 : i32
    %scan3A_5 = arith.constant 0 : i32
    %mul3A_6 = arith.constant 40 : i32
    %mul3A_7 = arith.muli %scan3A_5, %mul3A_6 : i32
    %add3A_8 = arith.addi %mul3A_4, %mul3A_7 : i32
    %run_scoped3A_9 = arith.constant 0 : i32
    "tpu.region"() ({
      %run_scoped3A_88 = tpu.sem_alloc : memref<!tpu.dma_semaphore, #tpu.memory_space<semaphore_mem>>
      %dma_start3A_89 = arith.constant 0 : i32
      %dma_start3A_90 = arith.constant 0 : i32
      %dma_start3A_91 = tpu.memref_slice %arg7[%run_scoped3A_9, %dma_start3A_89, %dma_start3A_90] : memref<2x40x128xf32, #tpu.memory_space<vmem>> -> memref<1x40x128xf32, #tpu.memory_space<vmem>>
      %dma_start3A_92 = tpu.memref_squeeze %dma_start3A_91 : memref<1x40x128xf32, #tpu.memory_space<vmem>> -> memref<40x128xf32, #tpu.memory_space<vmem>>
      %dma_start3A_93 = arith.constant 0 : i32
      %dma_start3A_94 = tpu.memref_slice %arg8[%add3A_8, %dma_start3A_93] : memref<640x128xf32, #tpu.memory_space<vmem_shared>> -> memref<40x128xf32, #tpu.memory_space<vmem_shared>>
      %dma_start3A_95 = arith.constant 0 : i32
      %dma_start3A_96 = tpu.memref_slice %arg8[%add3A_8, %dma_start3A_95] : memref<640x128xf32, #tpu.memory_space<vmem_shared>> -> memref<40x128xf32, #tpu.memory_space<vmem_shared>>
      %dma_start3A_97 = arith.constant 0 : i32
      %dma_start3A_98 = arith.constant 0 : i32
      %dma_start3A_99 = tpu.memref_slice %arg7[%run_scoped3A_9, %dma_start3A_97, %dma_start3A_98] : memref<2x40x128xf32, #tpu.memory_space<vmem>> -> memref<1x40x128xf32, #tpu.memory_space<vmem>>
      %dma_start3A_100 = tpu.memref_squeeze %dma_start3A_99 : memref<1x40x128xf32, #tpu.memory_space<vmem>> -> memref<40x128xf32, #tpu.memory_space<vmem>>
      tpu.enqueue_dma source(%dma_start3A_100 : memref<40x128xf32, #tpu.memory_space<vmem>>) target(%dma_start3A_96 : memref<40x128xf32, #tpu.memory_space<vmem_shared>>) target_semaphore(%run_scoped3A_88 : memref<!tpu.dma_semaphore, #tpu.memory_space<semaphore_mem>>)
      %dma_wait3A_101 = arith.constant 0 : i32
      %dma_wait3A_102 = arith.constant 0 : i32
      %dma_wait3A_103 = tpu.memref_slice %arg7[%run_scoped3A_9, %dma_wait3A_101, %dma_wait3A_102] : memref<2x40x128xf32, #tpu.memory_space<vmem>> -> memref<1x40x128xf32, #tpu.memory_space<vmem>>
      %dma_wait3A_104 = tpu.memref_squeeze %dma_wait3A_103 : memref<1x40x128xf32, #tpu.memory_space<vmem>> -> memref<40x128xf32, #tpu.memory_space<vmem>>
      %dma_wait3A_105 = arith.constant 0 : i32
      %dma_wait3A_106 = tpu.memref_slice %arg8[%add3A_8, %dma_wait3A_105] : memref<640x128xf32, #tpu.memory_space<vmem_shared>> -> memref<40x128xf32, #tpu.memory_space<vmem_shared>>
      %dma_wait3A_107 = arith.constant 0 : i32
      %dma_wait3A_108 = tpu.memref_slice %arg8[%add3A_8, %dma_wait3A_107] : memref<640x128xf32, #tpu.memory_space<vmem_shared>> -> memref<40x128xf32, #tpu.memory_space<vmem_shared>>
      %dma_wait3A_109 = arith.constant 0 : i32
      %dma_wait3A_110 = arith.constant 0 : i32
      %dma_wait3A_111 = tpu.memref_slice %arg7[%run_scoped3A_9, %dma_wait3A_109, %dma_wait3A_110] : memref<2x40x128xf32, #tpu.memory_space<vmem>> -> memref<1x40x128xf32, #tpu.memory_space<vmem>>
      %dma_wait3A_112 = tpu.memref_squeeze %dma_wait3A_111 : memref<1x40x128xf32, #tpu.memory_space<vmem>> -> memref<40x128xf32, #tpu.memory_space<vmem>>
      tpu.wait_dma2 semaphore(%run_scoped3A_88 : memref<!tpu.dma_semaphore, #tpu.memory_space<semaphore_mem>>) src(%dma_wait3A_112 : memref<40x128xf32, #tpu.memory_space<vmem>>) dst(%dma_wait3A_108 : memref<40x128xf32, #tpu.memory_space<vmem_shared>>)
      tpu.yield
    }) : () -> ()
    %scan3A_10 = arith.constant 1 : i32
    "tpu.region"() ({
      %run_scoped3A_88 = tpu.sem_alloc : memref<!tpu.dma_semaphore, #tpu.memory_space<semaphore_mem>>
      %dma_start3A_89 = arith.constant 0 : i32
      %dma_start3A_90 = arith.constant 0 : i32
      %dma_start3A_91 = tpu.memref_slice %arg3[%add3A, %dma_start3A_89, %dma_start3A_90] : memref<32x250x40xi32, #tpu.memory_space<hbm>> -> memref<1x250x40xi32, #tpu.memory_space<hbm>>
      %dma_start3A_92 = tpu.memref_squeeze %dma_start3A_91 : memref<1x250x40xi32, #tpu.memory_space<hbm>> -> memref<250x40xi32, #tpu.memory_space<hbm>>
      %dma_start3A_93 = arith.constant 0 : i32
      %dma_start3A_94 = arith.constant 0 : i32
      %dma_start3A_95 = tpu.memref_slice %arg3[%add3A, %dma_start3A_93, %dma_start3A_94] : memref<32x250x40xi32, #tpu.memory_space<hbm>> -> memref<1x250x40xi32, #tpu.memory_space<hbm>>
      %dma_start3A_96 = tpu.memref_squeeze %dma_start3A_95 : memref<1x250x40xi32, #tpu.memory_space<hbm>> -> memref<250x40xi32, #tpu.memory_space<hbm>>
      tpu.enqueue_dma source(%dma_start3A_96 : memref<250x40xi32, #tpu.memory_space<hbm>>) target(%arg6 : memref<250x40xi32, #tpu.memory_space<vmem>>) target_semaphore(%run_scoped3A_88 : memref<!tpu.dma_semaphore, #tpu.memory_space<semaphore_mem>>)
      %dma_wait3A_97 = arith.constant 0 : i32
      %dma_wait3A_98 = arith.constant 0 : i32
      %dma_wait3A_99 = tpu.memref_slice %arg3[%add3A, %dma_wait3A_97, %dma_wait3A_98] : memref<32x250x40xi32, #tpu.memory_space<hbm>> -> memref<1x250x40xi32, #tpu.memory_space<hbm>>
      %dma_wait3A_100 = tpu.memref_squeeze %dma_wait3A_99 : memref<1x250x40xi32, #tpu.memory_space<hbm>> -> memref<250x40xi32, #tpu.memory_space<hbm>>
      %dma_wait3A_101 = arith.constant 0 : i32
      %dma_wait3A_102 = arith.constant 0 : i32
      %dma_wait3A_103 = tpu.memref_slice %arg3[%add3A, %dma_wait3A_101, %dma_wait3A_102] : memref<32x250x40xi32, #tpu.memory_space<hbm>> -> memref<1x250x40xi32, #tpu.memory_space<hbm>>
      %dma_wait3A_104 = tpu.memref_squeeze %dma_wait3A_103 : memref<1x250x40xi32, #tpu.memory_space<hbm>> -> memref<250x40xi32, #tpu.memory_space<hbm>>
      tpu.wait_dma2 semaphore(%run_scoped3A_88 : memref<!tpu.dma_semaphore, #tpu.memory_space<semaphore_mem>>) src(%dma_wait3A_104 : memref<250x40xi32, #tpu.memory_space<hbm>>) dst(%arg6 : memref<250x40xi32, #tpu.memory_space<vmem>>)
      tpu.yield
    }) : () -> ()
    %barrier3A = arith.constant 0 : index
    tpu.barrier barrier_id(%barrier3A)
    %add3A_11 = arith.constant 0 : i32
    %add3A_12 = arith.addi %mul3A_2, %add3A_11 : i32
    %dma_start3A = arith.constant 0 : i32
    %dma_start3A_13 = arith.constant 0 : i32
    %dma_start3A_14 = arith.constant 0 : i32
    %dma_start3A_15 = tpu.memref_slice %arg7[%dma_start3A, %dma_start3A_13, %dma_start3A_14] : memref<2x40x128xf32, #tpu.memory_space<vmem>> -> memref<1x40x128xf32, #tpu.memory_space<vmem>>
    %dma_start3A_16 = tpu.memref_squeeze %dma_start3A_15 : memref<1x40x128xf32, #tpu.memory_space<vmem>> -> memref<40x128xf32, #tpu.memory_space<vmem>>
    %dma_start3A_17 = arith.constant 0 : i32
    %dma_start3A_18 = tpu.memref_slice %arg2[%add3A_12, %dma_start3A_17] : memref<320000x128xf32, #tpu.memory_space<hbm>> -> memref<40x128xf32, #tpu.memory_space<hbm>>
    %dma_start3A_19 = arith.constant 0 : i32
    %dma_start3A_20 = arith.constant 0 : i32
    %dma_start3A_21 = tpu.memref_slice %arg7[%dma_start3A, %dma_start3A_19, %dma_start3A_20] : memref<2x40x128xf32, #tpu.memory_space<vmem>> -> memref<1x40x128xf32, #tpu.memory_space<vmem>>
    %dma_start3A_22 = tpu.memref_squeeze %dma_start3A_21 : memref<1x40x128xf32, #tpu.memory_space<vmem>> -> memref<40x128xf32, #tpu.memory_space<vmem>>
    %dma_start3A_23 = arith.constant 0 : i32
    %dma_start3A_24 = tpu.memref_slice %arg2[%add3A_12, %dma_start3A_23] : memref<320000x128xf32, #tpu.memory_space<hbm>> -> memref<40x128xf32, #tpu.memory_space<hbm>>
    tpu.enqueue_dma source(%dma_start3A_24 : memref<40x128xf32, #tpu.memory_space<hbm>>) target(%dma_start3A_22 : memref<40x128xf32, #tpu.memory_space<vmem>>) target_semaphore(%arg9 : memref<!tpu.dma_semaphore, #tpu.memory_space<semaphore_mem>>)
    %scan3A_25 = arith.constant 0 : i32
    %scan3A_26 = arith.constant 0 : i32
    %scan3A_27 = arith.constant 124 : i32
    %scan3A_28 = arith.addi %scan3A_26, %scan3A_27 : i32
    %scan3A_29 = arith.constant 1 : i32
    scf.for %scan3A_88 = %scan3A_26 to %scan3A_28 step %scan3A_29  : i32 {
      %mul3A_89 = arith.constant 2 : i32
      %mul3A_90 = arith.muli %mul3A_89, %scan3A_88 : i32
      %add3A_91 = arith.constant 1 : i32
      %add3A_92 = arith.addi %mul3A_90, %add3A_91 : i32
      %mul3A_93 = arith.constant 40 : i32
      %mul3A_94 = arith.muli %add3A_92, %mul3A_93 : i32
      %add3A_95 = arith.addi %mul3A_2, %mul3A_94 : i32
      %dma_start3A_96 = arith.constant 1 : i32
      %dma_start3A_97 = arith.constant 0 : i32
      %dma_start3A_98 = arith.constant 0 : i32
      %dma_start3A_99 = tpu.memref_slice %arg7[%dma_start3A_96, %dma_start3A_97, %dma_start3A_98] : memref<2x40x128xf32, #tpu.memory_space<vmem>> -> memref<1x40x128xf32, #tpu.memory_space<vmem>>
      %dma_start3A_100 = tpu.memref_squeeze %dma_start3A_99 : memref<1x40x128xf32, #tpu.memory_space<vmem>> -> memref<40x128xf32, #tpu.memory_space<vmem>>
      %dma_start3A_101 = arith.constant 0 : i32
      %dma_start3A_102 = tpu.memref_slice %arg2[%add3A_95, %dma_start3A_101] : memref<320000x128xf32, #tpu.memory_space<hbm>> -> memref<40x128xf32, #tpu.memory_space<hbm>>
      %dma_start3A_103 = arith.constant 0 : i32
      %dma_start3A_104 = arith.constant 0 : i32
      %dma_start3A_105 = tpu.memref_slice %arg7[%dma_start3A_96, %dma_start3A_103, %dma_start3A_104] : memref<2x40x128xf32, #tpu.memory_space<vmem>> -> memref<1x40x128xf32, #tpu.memory_space<vmem>>
      %dma_start3A_106 = tpu.memref_squeeze %dma_start3A_105 : memref<1x40x128xf32, #tpu.memory_space<vmem>> -> memref<40x128xf32, #tpu.memory_space<vmem>>
      %dma_start3A_107 = arith.constant 0 : i32
      %dma_start3A_108 = tpu.memref_slice %arg2[%add3A_95, %dma_start3A_107] : memref<320000x128xf32, #tpu.memory_space<hbm>> -> memref<40x128xf32, #tpu.memory_space<hbm>>
      tpu.enqueue_dma source(%dma_start3A_108 : memref<40x128xf32, #tpu.memory_space<hbm>>) target(%dma_start3A_106 : memref<40x128xf32, #tpu.memory_space<vmem>>) target_semaphore(%arg10 : memref<!tpu.dma_semaphore, #tpu.memory_space<semaphore_mem>>)
      %dma_wait3A_109 = arith.constant 0 : i32
      %dma_wait3A_110 = arith.constant 0 : i32
      %dma_wait3A_111 = arith.constant 0 : i32
      %dma_wait3A_112 = tpu.memref_slice %arg7[%dma_wait3A_109, %dma_wait3A_110, %dma_wait3A_111] : memref<2x40x128xf32, #tpu.memory_space<vmem>> -> memref<1x40x128xf32, #tpu.memory_space<vmem>>
      %dma_wait3A_113 = tpu.memref_squeeze %dma_wait3A_112 : memref<1x40x128xf32, #tpu.memory_space<vmem>> -> memref<40x128xf32, #tpu.memory_space<vmem>>
      %dma_wait3A_114 = arith.constant 0 : i32
      %dma_wait3A_115 = arith.constant 0 : i32
      %dma_wait3A_116 = tpu.memref_slice %arg2[%dma_wait3A_114, %dma_wait3A_115] : memref<320000x128xf32, #tpu.memory_space<hbm>> -> memref<40x128xf32, #tpu.memory_space<hbm>>
      %dma_wait3A_117 = arith.constant 0 : i32
      %dma_wait3A_118 = arith.constant 0 : i32
      %dma_wait3A_119 = tpu.memref_slice %arg7[%dma_wait3A_109, %dma_wait3A_117, %dma_wait3A_118] : memref<2x40x128xf32, #tpu.memory_space<vmem>> -> memref<1x40x128xf32, #tpu.memory_space<vmem>>
      %dma_wait3A_120 = tpu.memref_squeeze %dma_wait3A_119 : memref<1x40x128xf32, #tpu.memory_space<vmem>> -> memref<40x128xf32, #tpu.memory_space<vmem>>
      %dma_wait3A_121 = arith.constant 0 : i32
      %dma_wait3A_122 = arith.constant 0 : i32
      %dma_wait3A_123 = tpu.memref_slice %arg2[%dma_wait3A_121, %dma_wait3A_122] : memref<320000x128xf32, #tpu.memory_space<hbm>> -> memref<40x128xf32, #tpu.memory_space<hbm>>
      tpu.wait_dma2 semaphore(%arg9 : memref<!tpu.dma_semaphore, #tpu.memory_space<semaphore_mem>>) src(%dma_wait3A_123 : memref<40x128xf32, #tpu.memory_space<hbm>>) dst(%dma_wait3A_120 : memref<40x128xf32, #tpu.memory_space<vmem>>)
      %run_scoped3A_124 = arith.constant 0 : i32
      "tpu.region"() ({
        %run_scoped3A_161 = tpu.sem_alloc : memref<!tpu.dma_semaphore, #tpu.memory_space<semaphore_mem>>
        %dma_start3A_162 = arith.constant 0 : i32
        %dma_start3A_163 = arith.constant 0 : i32
        %dma_start3A_164 = tpu.memref_slice %arg7[%run_scoped3A_124, %dma_start3A_162, %dma_start3A_163] : memref<2x40x128xf32, #tpu.memory_space<vmem>> -> memref<1x40x128xf32, #tpu.memory_space<vmem>>
        %dma_start3A_165 = tpu.memref_squeeze %dma_start3A_164 : memref<1x40x128xf32, #tpu.memory_space<vmem>> -> memref<40x128xf32, #tpu.memory_space<vmem>>
        %dma_start3A_166 = arith.constant 0 : i32
        %dma_start3A_167 = tpu.memref_slice %arg6[%mul3A_90, %dma_start3A_166] : memref<250x40xi32, #tpu.memory_space<vmem>> -> memref<1x40xi32, #tpu.memory_space<vmem>>
        %dma_start3A_168 = tpu.memref_squeeze %dma_start3A_167 : memref<1x40xi32, #tpu.memory_space<vmem>> -> memref<40xi32, #tpu.memory_space<vmem>>
        %dma_start3A_169 = arith.constant 0 : i32
        %dma_start3A_170 = arith.constant 0 : i32
        %dma_start3A_171 = tpu.memref_slice %arg8[%dma_start3A_169, %dma_start3A_170] : memref<640x128xf32, #tpu.memory_space<vmem_shared>> -> memref<640x128xf32, #tpu.memory_space<vmem_shared>>
        tpu.enqueue_indirect_dma source(%dma_start3A_165 : memref<40x128xf32, #tpu.memory_space<vmem>>) target(%dma_start3A_171 : memref<640x128xf32, #tpu.memory_space<vmem_shared>>) offsets(%dma_start3A_168 : memref<40xi32, #tpu.memory_space<vmem>>) semaphore(%run_scoped3A_161 : memref<!tpu.dma_semaphore, #tpu.memory_space<semaphore_mem>>) {add = true}
        %dma_wait3A_172 = arith.constant 0 : i32
        %dma_wait3A_173 = arith.constant 0 : i32
        %dma_wait3A_174 = tpu.memref_slice %arg7[%run_scoped3A_124, %dma_wait3A_172, %dma_wait3A_173] : memref<2x40x128xf32, #tpu.memory_space<vmem>> -> memref<1x40x128xf32, #tpu.memory_space<vmem>>
        %dma_wait3A_175 = tpu.memref_squeeze %dma_wait3A_174 : memref<1x40x128xf32, #tpu.memory_space<vmem>> -> memref<40x128xf32, #tpu.memory_space<vmem>>
        %dma_wait3A_176 = arith.constant 0 : i32
        %dma_wait3A_177 = tpu.memref_slice %arg6[%mul3A_90, %dma_wait3A_176] : memref<250x40xi32, #tpu.memory_space<vmem>> -> memref<1x40xi32, #tpu.memory_space<vmem>>
        %dma_wait3A_178 = tpu.memref_squeeze %dma_wait3A_177 : memref<1x40xi32, #tpu.memory_space<vmem>> -> memref<40xi32, #tpu.memory_space<vmem>>
        %dma_wait3A_179 = arith.constant 0 : i32
        %dma_wait3A_180 = arith.constant 0 : i32
        %dma_wait3A_181 = tpu.memref_slice %arg8[%dma_wait3A_179, %dma_wait3A_180] : memref<640x128xf32, #tpu.memory_space<vmem_shared>> -> memref<640x128xf32, #tpu.memory_space<vmem_shared>>
        tpu.wait_indirect_dma semaphore(%run_scoped3A_161 : memref<!tpu.dma_semaphore, #tpu.memory_space<semaphore_mem>>) src(%dma_wait3A_175 : memref<40x128xf32, #tpu.memory_space<vmem>>) dst(%dma_wait3A_181 : memref<640x128xf32, #tpu.memory_space<vmem_shared>>)
        tpu.yield
      }) : () -> ()
      %add3A_125 = arith.constant 2 : i32
      %add3A_126 = arith.addi %mul3A_90, %add3A_125 : i32
      %mul3A_127 = arith.constant 40 : i32
      %mul3A_128 = arith.muli %add3A_126, %mul3A_127 : i32
      %add3A_129 = arith.addi %mul3A_2, %mul3A_128 : i32
      %dma_start3A_130 = arith.constant 0 : i32
      %dma_start3A_131 = arith.constant 0 : i32
      %dma_start3A_132 = arith.constant 0 : i32
      %dma_start3A_133 = tpu.memref_slice %arg7[%dma_start3A_130, %dma_start3A_131, %dma_start3A_132] : memref<2x40x128xf32, #tpu.memory_space<vmem>> -> memref<1x40x128xf32, #tpu.memory_space<vmem>>
      %dma_start3A_134 = tpu.memref_squeeze %dma_start3A_133 : memref<1x40x128xf32, #tpu.memory_space<vmem>> -> memref<40x128xf32, #tpu.memory_space<vmem>>
      %dma_start3A_135 = arith.constant 0 : i32
      %dma_start3A_136 = tpu.memref_slice %arg2[%add3A_129, %dma_start3A_135] : memref<320000x128xf32, #tpu.memory_space<hbm>> -> memref<40x128xf32, #tpu.memory_space<hbm>>
      %dma_start3A_137 = arith.constant 0 : i32
      %dma_start3A_138 = arith.constant 0 : i32
      %dma_start3A_139 = tpu.memref_slice %arg7[%dma_start3A_130, %dma_start3A_137, %dma_start3A_138] : memref<2x40x128xf32, #tpu.memory_space<vmem>> -> memref<1x40x128xf32, #tpu.memory_space<vmem>>
      %dma_start3A_140 = tpu.memref_squeeze %dma_start3A_139 : memref<1x40x128xf32, #tpu.memory_space<vmem>> -> memref<40x128xf32, #tpu.memory_space<vmem>>
      %dma_start3A_141 = arith.constant 0 : i32
      %dma_start3A_142 = tpu.memref_slice %arg2[%add3A_129, %dma_start3A_141] : memref<320000x128xf32, #tpu.memory_space<hbm>> -> memref<40x128xf32, #tpu.memory_space<hbm>>
      tpu.enqueue_dma source(%dma_start3A_142 : memref<40x128xf32, #tpu.memory_space<hbm>>) target(%dma_start3A_140 : memref<40x128xf32, #tpu.memory_space<vmem>>) target_semaphore(%arg9 : memref<!tpu.dma_semaphore, #tpu.memory_space<semaphore_mem>>)
      %dma_wait3A_143 = arith.constant 1 : i32
      %dma_wait3A_144 = arith.constant 0 : i32
      %dma_wait3A_145 = arith.constant 0 : i32
      %dma_wait3A_146 = tpu.memref_slice %arg7[%dma_wait3A_143, %dma_wait3A_144, %dma_wait3A_145] : memref<2x40x128xf32, #tpu.memory_space<vmem>> -> memref<1x40x128xf32, #tpu.memory_space<vmem>>
      %dma_wait3A_147 = tpu.memref_squeeze %dma_wait3A_146 : memref<1x40x128xf32, #tpu.memory_space<vmem>> -> memref<40x128xf32, #tpu.memory_space<vmem>>
      %dma_wait3A_148 = arith.constant 0 : i32
      %dma_wait3A_149 = arith.constant 0 : i32
      %dma_wait3A_150 = tpu.memref_slice %arg2[%dma_wait3A_148, %dma_wait3A_149] : memref<320000x128xf32, #tpu.memory_space<hbm>> -> memref<40x128xf32, #tpu.memory_space<hbm>>
      %dma_wait3A_151 = arith.constant 0 : i32
      %dma_wait3A_152 = arith.constant 0 : i32
      %dma_wait3A_153 = tpu.memref_slice %arg7[%dma_wait3A_143, %dma_wait3A_151, %dma_wait3A_152] : memref<2x40x128xf32, #tpu.memory_space<vmem>> -> memref<1x40x128xf32, #tpu.memory_space<vmem>>
      %dma_wait3A_154 = tpu.memref_squeeze %dma_wait3A_153 : memref<1x40x128xf32, #tpu.memory_space<vmem>> -> memref<40x128xf32, #tpu.memory_space<vmem>>
      %dma_wait3A_155 = arith.constant 0 : i32
      %dma_wait3A_156 = arith.constant 0 : i32
      %dma_wait3A_157 = tpu.memref_slice %arg2[%dma_wait3A_155, %dma_wait3A_156] : memref<320000x128xf32, #tpu.memory_space<hbm>> -> memref<40x128xf32, #tpu.memory_space<hbm>>
      tpu.wait_dma2 semaphore(%arg10 : memref<!tpu.dma_semaphore, #tpu.memory_space<semaphore_mem>>) src(%dma_wait3A_157 : memref<40x128xf32, #tpu.memory_space<hbm>>) dst(%dma_wait3A_154 : memref<40x128xf32, #tpu.memory_space<vmem>>)
      %add3A_158 = arith.constant 1 : i32
      %add3A_159 = arith.addi %mul3A_90, %add3A_158 : i32
      %run_scoped3A_160 = arith.constant 1 : i32
      "tpu.region"() ({
        %run_scoped3A_161 = tpu.sem_alloc : memref<!tpu.dma_semaphore, #tpu.memory_space<semaphore_mem>>
        %dma_start3A_162 = arith.constant 0 : i32
        %dma_start3A_163 = arith.constant 0 : i32
        %dma_start3A_164 = tpu.memref_slice %arg7[%run_scoped3A_160, %dma_start3A_162, %dma_start3A_163] : memref<2x40x128xf32, #tpu.memory_space<vmem>> -> memref<1x40x128xf32, #tpu.memory_space<vmem>>
        %dma_start3A_165 = tpu.memref_squeeze %dma_start3A_164 : memref<1x40x128xf32, #tpu.memory_space<vmem>> -> memref<40x128xf32, #tpu.memory_space<vmem>>
        %dma_start3A_166 = arith.constant 0 : i32
        %dma_start3A_167 = tpu.memref_slice %arg6[%add3A_159, %dma_start3A_166] : memref<250x40xi32, #tpu.memory_space<vmem>> -> memref<1x40xi32, #tpu.memory_space<vmem>>
        %dma_start3A_168 = tpu.memref_squeeze %dma_start3A_167 : memref<1x40xi32, #tpu.memory_space<vmem>> -> memref<40xi32, #tpu.memory_space<vmem>>
        %dma_start3A_169 = arith.constant 0 : i32
        %dma_start3A_170 = arith.constant 0 : i32
        %dma_start3A_171 = tpu.memref_slice %arg8[%dma_start3A_169, %dma_start3A_170] : memref<640x128xf32, #tpu.memory_space<vmem_shared>> -> memref<640x128xf32, #tpu.memory_space<vmem_shared>>
        tpu.enqueue_indirect_dma source(%dma_start3A_165 : memref<40x128xf32, #tpu.memory_space<vmem>>) target(%dma_start3A_171 : memref<640x128xf32, #tpu.memory_space<vmem_shared>>) offsets(%dma_start3A_168 : memref<40xi32, #tpu.memory_space<vmem>>) semaphore(%run_scoped3A_161 : memref<!tpu.dma_semaphore, #tpu.memory_space<semaphore_mem>>) {add = true}
        %dma_wait3A_172 = arith.constant 0 : i32
        %dma_wait3A_173 = arith.constant 0 : i32
        %dma_wait3A_174 = tpu.memref_slice %arg7[%run_scoped3A_160, %dma_wait3A_172, %dma_wait3A_173] : memref<2x40x128xf32, #tpu.memory_space<vmem>> -> memref<1x40x128xf32, #tpu.memory_space<vmem>>
        %dma_wait3A_175 = tpu.memref_squeeze %dma_wait3A_174 : memref<1x40x128xf32, #tpu.memory_space<vmem>> -> memref<40x128xf32, #tpu.memory_space<vmem>>
        %dma_wait3A_176 = arith.constant 0 : i32
        %dma_wait3A_177 = tpu.memref_slice %arg6[%add3A_159, %dma_wait3A_176] : memref<250x40xi32, #tpu.memory_space<vmem>> -> memref<1x40xi32, #tpu.memory_space<vmem>>
        %dma_wait3A_178 = tpu.memref_squeeze %dma_wait3A_177 : memref<1x40xi32, #tpu.memory_space<vmem>> -> memref<40xi32, #tpu.memory_space<vmem>>
        %dma_wait3A_179 = arith.constant 0 : i32
        %dma_wait3A_180 = arith.constant 0 : i32
        %dma_wait3A_181 = tpu.memref_slice %arg8[%dma_wait3A_179, %dma_wait3A_180] : memref<640x128xf32, #tpu.memory_space<vmem_shared>> -> memref<640x128xf32, #tpu.memory_space<vmem_shared>>
        tpu.wait_indirect_dma semaphore(%run_scoped3A_161 : memref<!tpu.dma_semaphore, #tpu.memory_space<semaphore_mem>>) src(%dma_wait3A_175 : memref<40x128xf32, #tpu.memory_space<vmem>>) dst(%dma_wait3A_181 : memref<640x128xf32, #tpu.memory_space<vmem_shared>>)
        tpu.yield
      }) : () -> ()
    }
    %scan3A_30 = arith.constant 124 : i32
    %add3A_31 = arith.constant 9960 : i32
    %add3A_32 = arith.addi %mul3A_2, %add3A_31 : i32
    %dma_start3A_33 = arith.constant 1 : i32
    %dma_start3A_34 = arith.constant 0 : i32
    %dma_start3A_35 = arith.constant 0 : i32
    %dma_start3A_36 = tpu.memref_slice %arg7[%dma_start3A_33, %dma_start3A_34, %dma_start3A_35] : memref<2x40x128xf32, #tpu.memory_space<vmem>> -> memref<1x40x128xf32, #tpu.memory_space<vmem>>
    %dma_start3A_37 = tpu.memref_squeeze %dma_start3A_36 : memref<1x40x128xf32, #tpu.memory_space<vmem>> -> memref<40x128xf32, #tpu.memory_space<vmem>>
    %dma_start3A_38 = arith.constant 0 : i32
    %dma_start3A_39 = tpu.memref_slice %arg2[%add3A_32, %dma_start3A_38] : memref<320000x128xf32, #tpu.memory_space<hbm>> -> memref<40x128xf32, #tpu.memory_space<hbm>>
    %dma_start3A_40 = arith.constant 0 : i32
    %dma_start3A_41 = arith.constant 0 : i32
    %dma_start3A_42 = tpu.memref_slice %arg7[%dma_start3A_33, %dma_start3A_40, %dma_start3A_41] : memref<2x40x128xf32, #tpu.memory_space<vmem>> -> memref<1x40x128xf32, #tpu.memory_space<vmem>>
    %dma_start3A_43 = tpu.memref_squeeze %dma_start3A_42 : memref<1x40x128xf32, #tpu.memory_space<vmem>> -> memref<40x128xf32, #tpu.memory_space<vmem>>
    %dma_start3A_44 = arith.constant 0 : i32
    %dma_start3A_45 = tpu.memref_slice %arg2[%add3A_32, %dma_start3A_44] : memref<320000x128xf32, #tpu.memory_space<hbm>> -> memref<40x128xf32, #tpu.memory_space<hbm>>
    tpu.enqueue_dma source(%dma_start3A_45 : memref<40x128xf32, #tpu.memory_space<hbm>>) target(%dma_start3A_43 : memref<40x128xf32, #tpu.memory_space<vmem>>) target_semaphore(%arg10 : memref<!tpu.dma_semaphore, #tpu.memory_space<semaphore_mem>>)
    %dma_wait3A = arith.constant 0 : i32
    %dma_wait3A_46 = arith.constant 0 : i32
    %dma_wait3A_47 = arith.constant 0 : i32
    %dma_wait3A_48 = tpu.memref_slice %arg7[%dma_wait3A, %dma_wait3A_46, %dma_wait3A_47] : memref<2x40x128xf32, #tpu.memory_space<vmem>> -> memref<1x40x128xf32, #tpu.memory_space<vmem>>
    %dma_wait3A_49 = tpu.memref_squeeze %dma_wait3A_48 : memref<1x40x128xf32, #tpu.memory_space<vmem>> -> memref<40x128xf32, #tpu.memory_space<vmem>>
    %dma_wait3A_50 = arith.constant 0 : i32
    %dma_wait3A_51 = arith.constant 0 : i32
    %dma_wait3A_52 = tpu.memref_slice %arg2[%dma_wait3A_50, %dma_wait3A_51] : memref<320000x128xf32, #tpu.memory_space<hbm>> -> memref<40x128xf32, #tpu.memory_space<hbm>>
    %dma_wait3A_53 = arith.constant 0 : i32
    %dma_wait3A_54 = arith.constant 0 : i32
    %dma_wait3A_55 = tpu.memref_slice %arg7[%dma_wait3A, %dma_wait3A_53, %dma_wait3A_54] : memref<2x40x128xf32, #tpu.memory_space<vmem>> -> memref<1x40x128xf32, #tpu.memory_space<vmem>>
    %dma_wait3A_56 = tpu.memref_squeeze %dma_wait3A_55 : memref<1x40x128xf32, #tpu.memory_space<vmem>> -> memref<40x128xf32, #tpu.memory_space<vmem>>
    %dma_wait3A_57 = arith.constant 0 : i32
    %dma_wait3A_58 = arith.constant 0 : i32
    %dma_wait3A_59 = tpu.memref_slice %arg2[%dma_wait3A_57, %dma_wait3A_58] : memref<320000x128xf32, #tpu.memory_space<hbm>> -> memref<40x128xf32, #tpu.memory_space<hbm>>
    tpu.wait_dma2 semaphore(%arg9 : memref<!tpu.dma_semaphore, #tpu.memory_space<semaphore_mem>>) src(%dma_wait3A_59 : memref<40x128xf32, #tpu.memory_space<hbm>>) dst(%dma_wait3A_56 : memref<40x128xf32, #tpu.memory_space<vmem>>)
    %run_scoped3A_60 = arith.constant 0 : i32
    %run_scoped3A_61 = arith.constant 248 : i32
    "tpu.region"() ({
      %run_scoped3A_88 = tpu.sem_alloc : memref<!tpu.dma_semaphore, #tpu.memory_space<semaphore_mem>>
      %dma_start3A_89 = arith.constant 0 : i32
      %dma_start3A_90 = arith.constant 0 : i32
      %dma_start3A_91 = tpu.memref_slice %arg7[%run_scoped3A_60, %dma_start3A_89, %dma_start3A_90] : memref<2x40x128xf32, #tpu.memory_space<vmem>> -> memref<1x40x128xf32, #tpu.memory_space<vmem>>
      %dma_start3A_92 = tpu.memref_squeeze %dma_start3A_91 : memref<1x40x128xf32, #tpu.memory_space<vmem>> -> memref<40x128xf32, #tpu.memory_space<vmem>>
      %dma_start3A_93 = arith.constant 0 : i32
      %dma_start3A_94 = tpu.memref_slice %arg6[%run_scoped3A_61, %dma_start3A_93] : memref<250x40xi32, #tpu.memory_space<vmem>> -> memref<1x40xi32, #tpu.memory_space<vmem>>
      %dma_start3A_95 = tpu.memref_squeeze %dma_start3A_94 : memref<1x40xi32, #tpu.memory_space<vmem>> -> memref<40xi32, #tpu.memory_space<vmem>>
      %dma_start3A_96 = arith.constant 0 : i32
      %dma_start3A_97 = arith.constant 0 : i32
      %dma_start3A_98 = tpu.memref_slice %arg8[%dma_start3A_96, %dma_start3A_97] : memref<640x128xf32, #tpu.memory_space<vmem_shared>> -> memref<640x128xf32, #tpu.memory_space<vmem_shared>>
      tpu.enqueue_indirect_dma source(%dma_start3A_92 : memref<40x128xf32, #tpu.memory_space<vmem>>) target(%dma_start3A_98 : memref<640x128xf32, #tpu.memory_space<vmem_shared>>) offsets(%dma_start3A_95 : memref<40xi32, #tpu.memory_space<vmem>>) semaphore(%run_scoped3A_88 : memref<!tpu.dma_semaphore, #tpu.memory_space<semaphore_mem>>) {add = true}
      %dma_wait3A_99 = arith.constant 0 : i32
      %dma_wait3A_100 = arith.constant 0 : i32
      %dma_wait3A_101 = tpu.memref_slice %arg7[%run_scoped3A_60, %dma_wait3A_99, %dma_wait3A_100] : memref<2x40x128xf32, #tpu.memory_space<vmem>> -> memref<1x40x128xf32, #tpu.memory_space<vmem>>
      %dma_wait3A_102 = tpu.memref_squeeze %dma_wait3A_101 : memref<1x40x128xf32, #tpu.memory_space<vmem>> -> memref<40x128xf32, #tpu.memory_space<vmem>>
      %dma_wait3A_103 = arith.constant 0 : i32
      %dma_wait3A_104 = tpu.memref_slice %arg6[%run_scoped3A_61, %dma_wait3A_103] : memref<250x40xi32, #tpu.memory_space<vmem>> -> memref<1x40xi32, #tpu.memory_space<vmem>>
      %dma_wait3A_105 = tpu.memref_squeeze %dma_wait3A_104 : memref<1x40xi32, #tpu.memory_space<vmem>> -> memref<40xi32, #tpu.memory_space<vmem>>
      %dma_wait3A_106 = arith.constant 0 : i32
      %dma_wait3A_107 = arith.constant 0 : i32
      %dma_wait3A_108 = tpu.memref_slice %arg8[%dma_wait3A_106, %dma_wait3A_107] : memref<640x128xf32, #tpu.memory_space<vmem_shared>> -> memref<640x128xf32, #tpu.memory_space<vmem_shared>>
      tpu.wait_indirect_dma semaphore(%run_scoped3A_88 : memref<!tpu.dma_semaphore, #tpu.memory_space<semaphore_mem>>) src(%dma_wait3A_102 : memref<40x128xf32, #tpu.memory_space<vmem>>) dst(%dma_wait3A_108 : memref<640x128xf32, #tpu.memory_space<vmem_shared>>)
      tpu.yield
    }) : () -> ()
    %dma_wait3A_62 = arith.constant 1 : i32
    %dma_wait3A_63 = arith.constant 0 : i32
    %dma_wait3A_64 = arith.constant 0 : i32
    %dma_wait3A_65 = tpu.memref_slice %arg7[%dma_wait3A_62, %dma_wait3A_63, %dma_wait3A_64] : memref<2x40x128xf32, #tpu.memory_space<vmem>> -> memref<1x40x128xf32, #tpu.memory_space<vmem>>
    %dma_wait3A_66 = tpu.memref_squeeze %dma_wait3A_65 : memref<1x40x128xf32, #tpu.memory_space<vmem>> -> memref<40x128xf32, #tpu.memory_space<vmem>>
    %dma_wait3A_67 = arith.constant 0 : i32
    %dma_wait3A_68 = arith.constant 0 : i32
    %dma_wait3A_69 = tpu.memref_slice %arg2[%dma_wait3A_67, %dma_wait3A_68] : memref<320000x128xf32, #tpu.memory_space<hbm>> -> memref<40x128xf32, #tpu.memory_space<hbm>>
    %dma_wait3A_70 = arith.constant 0 : i32
    %dma_wait3A_71 = arith.constant 0 : i32
    %dma_wait3A_72 = tpu.memref_slice %arg7[%dma_wait3A_62, %dma_wait3A_70, %dma_wait3A_71] : memref<2x40x128xf32, #tpu.memory_space<vmem>> -> memref<1x40x128xf32, #tpu.memory_space<vmem>>
    %dma_wait3A_73 = tpu.memref_squeeze %dma_wait3A_72 : memref<1x40x128xf32, #tpu.memory_space<vmem>> -> memref<40x128xf32, #tpu.memory_space<vmem>>
    %dma_wait3A_74 = arith.constant 0 : i32
    %dma_wait3A_75 = arith.constant 0 : i32
    %dma_wait3A_76 = tpu.memref_slice %arg2[%dma_wait3A_74, %dma_wait3A_75] : memref<320000x128xf32, #tpu.memory_space<hbm>> -> memref<40x128xf32, #tpu.memory_space<hbm>>
    tpu.wait_dma2 semaphore(%arg10 : memref<!tpu.dma_semaphore, #tpu.memory_space<semaphore_mem>>) src(%dma_wait3A_76 : memref<40x128xf32, #tpu.memory_space<hbm>>) dst(%dma_wait3A_73 : memref<40x128xf32, #tpu.memory_space<vmem>>)
    %run_scoped3A_77 = arith.constant 1 : i32
    %run_scoped3A_78 = arith.constant 249 : i32
    "tpu.region"() ({
      %run_scoped3A_88 = tpu.sem_alloc : memref<!tpu.dma_semaphore, #tpu.memory_space<semaphore_mem>>
      %dma_start3A_89 = arith.constant 0 : i32
      %dma_start3A_90 = arith.constant 0 : i32
      %dma_start3A_91 = tpu.memref_slice %arg7[%run_scoped3A_77, %dma_start3A_89, %dma_start3A_90] : memref<2x40x128xf32, #tpu.memory_space<vmem>> -> memref<1x40x128xf32, #tpu.memory_space<vmem>>
      %dma_start3A_92 = tpu.memref_squeeze %dma_start3A_91 : memref<1x40x128xf32, #tpu.memory_space<vmem>> -> memref<40x128xf32, #tpu.memory_space<vmem>>
      %dma_start3A_93 = arith.constant 0 : i32
      %dma_start3A_94 = tpu.memref_slice %arg6[%run_scoped3A_78, %dma_start3A_93] : memref<250x40xi32, #tpu.memory_space<vmem>> -> memref<1x40xi32, #tpu.memory_space<vmem>>
      %dma_start3A_95 = tpu.memref_squeeze %dma_start3A_94 : memref<1x40xi32, #tpu.memory_space<vmem>> -> memref<40xi32, #tpu.memory_space<vmem>>
      %dma_start3A_96 = arith.constant 0 : i32
      %dma_start3A_97 = arith.constant 0 : i32
      %dma_start3A_98 = tpu.memref_slice %arg8[%dma_start3A_96, %dma_start3A_97] : memref<640x128xf32, #tpu.memory_space<vmem_shared>> -> memref<640x128xf32, #tpu.memory_space<vmem_shared>>
      tpu.enqueue_indirect_dma source(%dma_start3A_92 : memref<40x128xf32, #tpu.memory_space<vmem>>) target(%dma_start3A_98 : memref<640x128xf32, #tpu.memory_space<vmem_shared>>) offsets(%dma_start3A_95 : memref<40xi32, #tpu.memory_space<vmem>>) semaphore(%run_scoped3A_88 : memref<!tpu.dma_semaphore, #tpu.memory_space<semaphore_mem>>) {add = true}
      %dma_wait3A_99 = arith.constant 0 : i32
      %dma_wait3A_100 = arith.constant 0 : i32
      %dma_wait3A_101 = tpu.memref_slice %arg7[%run_scoped3A_77, %dma_wait3A_99, %dma_wait3A_100] : memref<2x40x128xf32, #tpu.memory_space<vmem>> -> memref<1x40x128xf32, #tpu.memory_space<vmem>>
      %dma_wait3A_102 = tpu.memref_squeeze %dma_wait3A_101 : memref<1x40x128xf32, #tpu.memory_space<vmem>> -> memref<40x128xf32, #tpu.memory_space<vmem>>
      %dma_wait3A_103 = arith.constant 0 : i32
      %dma_wait3A_104 = tpu.memref_slice %arg6[%run_scoped3A_78, %dma_wait3A_103] : memref<250x40xi32, #tpu.memory_space<vmem>> -> memref<1x40xi32, #tpu.memory_space<vmem>>
      %dma_wait3A_105 = tpu.memref_squeeze %dma_wait3A_104 : memref<1x40xi32, #tpu.memory_space<vmem>> -> memref<40xi32, #tpu.memory_space<vmem>>
      %dma_wait3A_106 = arith.constant 0 : i32
      %dma_wait3A_107 = arith.constant 0 : i32
      %dma_wait3A_108 = tpu.memref_slice %arg8[%dma_wait3A_106, %dma_wait3A_107] : memref<640x128xf32, #tpu.memory_space<vmem_shared>> -> memref<640x128xf32, #tpu.memory_space<vmem_shared>>
      tpu.wait_indirect_dma semaphore(%run_scoped3A_88 : memref<!tpu.dma_semaphore, #tpu.memory_space<semaphore_mem>>) src(%dma_wait3A_102 : memref<40x128xf32, #tpu.memory_space<vmem>>) dst(%dma_wait3A_108 : memref<640x128xf32, #tpu.memory_space<vmem_shared>>)
      tpu.yield
    }) : () -> ()
    %barrier3A_79 = arith.constant 0 : index
    tpu.barrier barrier_id(%barrier3A_79)
    %scan3A_80 = arith.constant 0 : i32
    %scan3A_81 = arith.constant 0 : i32
    %mul3A_82 = arith.constant 40 : i32
    %mul3A_83 = arith.muli %scan3A_81, %mul3A_82 : i32
    %add3A_84 = arith.addi %mul3A_4, %mul3A_83 : i32
    %run_scoped3A_85 = arith.constant 0 : i32
    "tpu.region"() ({
      %run_scoped3A_88 = tpu.sem_alloc : memref<!tpu.dma_semaphore, #tpu.memory_space<semaphore_mem>>
      %dma_start3A_89 = arith.constant 0 : i32
      %dma_start3A_90 = arith.constant 0 : i32
      %dma_start3A_91 = tpu.memref_slice %arg7[%run_scoped3A_85, %dma_start3A_89, %dma_start3A_90] : memref<2x40x128xf32, #tpu.memory_space<vmem>> -> memref<1x40x128xf32, #tpu.memory_space<vmem>>
      %dma_start3A_92 = tpu.memref_squeeze %dma_start3A_91 : memref<1x40x128xf32, #tpu.memory_space<vmem>> -> memref<40x128xf32, #tpu.memory_space<vmem>>
      %dma_start3A_93 = arith.constant 0 : i32
      %dma_start3A_94 = tpu.memref_slice %arg8[%add3A_84, %dma_start3A_93] : memref<640x128xf32, #tpu.memory_space<vmem_shared>> -> memref<40x128xf32, #tpu.memory_space<vmem_shared>>
      %dma_start3A_95 = arith.constant 0 : i32
      %dma_start3A_96 = arith.constant 0 : i32
      %dma_start3A_97 = tpu.memref_slice %arg7[%run_scoped3A_85, %dma_start3A_95, %dma_start3A_96] : memref<2x40x128xf32, #tpu.memory_space<vmem>> -> memref<1x40x128xf32, #tpu.memory_space<vmem>>
      %dma_start3A_98 = tpu.memref_squeeze %dma_start3A_97 : memref<1x40x128xf32, #tpu.memory_space<vmem>> -> memref<40x128xf32, #tpu.memory_space<vmem>>
      %dma_start3A_99 = arith.constant 0 : i32
      %dma_start3A_100 = tpu.memref_slice %arg8[%add3A_84, %dma_start3A_99] : memref<640x128xf32, #tpu.memory_space<vmem_shared>> -> memref<40x128xf32, #tpu.memory_space<vmem_shared>>
      tpu.enqueue_dma source(%dma_start3A_100 : memref<40x128xf32, #tpu.memory_space<vmem_shared>>) target(%dma_start3A_98 : memref<40x128xf32, #tpu.memory_space<vmem>>) target_semaphore(%run_scoped3A_88 : memref<!tpu.dma_semaphore, #tpu.memory_space<semaphore_mem>>)
      %dma_wait3A_101 = arith.constant 0 : i32
      %dma_wait3A_102 = arith.constant 0 : i32
      %dma_wait3A_103 = tpu.memref_slice %arg7[%run_scoped3A_85, %dma_wait3A_101, %dma_wait3A_102] : memref<2x40x128xf32, #tpu.memory_space<vmem>> -> memref<1x40x128xf32, #tpu.memory_space<vmem>>
      %dma_wait3A_104 = tpu.memref_squeeze %dma_wait3A_103 : memref<1x40x128xf32, #tpu.memory_space<vmem>> -> memref<40x128xf32, #tpu.memory_space<vmem>>
      %dma_wait3A_105 = arith.constant 0 : i32
      %dma_wait3A_106 = tpu.memref_slice %arg8[%add3A_84, %dma_wait3A_105] : memref<640x128xf32, #tpu.memory_space<vmem_shared>> -> memref<40x128xf32, #tpu.memory_space<vmem_shared>>
      %dma_wait3A_107 = arith.constant 0 : i32
      %dma_wait3A_108 = arith.constant 0 : i32
      %dma_wait3A_109 = tpu.memref_slice %arg7[%run_scoped3A_85, %dma_wait3A_107, %dma_wait3A_108] : memref<2x40x128xf32, #tpu.memory_space<vmem>> -> memref<1x40x128xf32, #tpu.memory_space<vmem>>
      %dma_wait3A_110 = tpu.memref_squeeze %dma_wait3A_109 : memref<1x40x128xf32, #tpu.memory_space<vmem>> -> memref<40x128xf32, #tpu.memory_space<vmem>>
      %dma_wait3A_111 = arith.constant 0 : i32
      %dma_wait3A_112 = tpu.memref_slice %arg8[%add3A_84, %dma_wait3A_111] : memref<640x128xf32, #tpu.memory_space<vmem_shared>> -> memref<40x128xf32, #tpu.memory_space<vmem_shared>>
      tpu.wait_dma2 semaphore(%run_scoped3A_88 : memref<!tpu.dma_semaphore, #tpu.memory_space<semaphore_mem>>) src(%dma_wait3A_112 : memref<40x128xf32, #tpu.memory_space<vmem_shared>>) dst(%dma_wait3A_110 : memref<40x128xf32, #tpu.memory_space<vmem>>)
      tpu.yield
    }) : () -> ()
    %run_scoped3A_86 = arith.constant 0 : i32
    "tpu.region"() ({
      %run_scoped3A_88 = tpu.sem_alloc : memref<!tpu.dma_semaphore, #tpu.memory_space<semaphore_mem>>
      %dma_start3A_89 = arith.constant 0 : i32
      %dma_start3A_90 = arith.constant 0 : i32
      %dma_start3A_91 = tpu.memref_slice %arg7[%run_scoped3A_86, %dma_start3A_89, %dma_start3A_90] : memref<2x40x128xf32, #tpu.memory_space<vmem>> -> memref<1x40x128xf32, #tpu.memory_space<vmem>>
      %dma_start3A_92 = tpu.memref_squeeze %dma_start3A_91 : memref<1x40x128xf32, #tpu.memory_space<vmem>> -> memref<40x128xf32, #tpu.memory_space<vmem>>
      %dma_start3A_93 = arith.constant 0 : i32
      %dma_start3A_94 = tpu.memref_slice %arg5[%arg0, %add3A_84, %dma_start3A_93] : memref<2x640x128xf32, #tpu.memory_space<hbm>> -> memref<1x40x128xf32, #tpu.memory_space<hbm>>
      %dma_start3A_95 = tpu.memref_squeeze %dma_start3A_94 : memref<1x40x128xf32, #tpu.memory_space<hbm>> -> memref<40x128xf32, #tpu.memory_space<hbm>>
      %dma_start3A_96 = arith.constant 0 : i32
      %dma_start3A_97 = tpu.memref_slice %arg5[%arg0, %add3A_84, %dma_start3A_96] : memref<2x640x128xf32, #tpu.memory_space<hbm>> -> memref<1x40x128xf32, #tpu.memory_space<hbm>>
      %dma_start3A_98 = tpu.memref_squeeze %dma_start3A_97 : memref<1x40x128xf32, #tpu.memory_space<hbm>> -> memref<40x128xf32, #tpu.memory_space<hbm>>
      %dma_start3A_99 = arith.constant 0 : i32
      %dma_start3A_100 = arith.constant 0 : i32
      %dma_start3A_101 = tpu.memref_slice %arg7[%run_scoped3A_86, %dma_start3A_99, %dma_start3A_100] : memref<2x40x128xf32, #tpu.memory_space<vmem>> -> memref<1x40x128xf32, #tpu.memory_space<vmem>>
      %dma_start3A_102 = tpu.memref_squeeze %dma_start3A_101 : memref<1x40x128xf32, #tpu.memory_space<vmem>> -> memref<40x128xf32, #tpu.memory_space<vmem>>
      tpu.enqueue_dma source(%dma_start3A_102 : memref<40x128xf32, #tpu.memory_space<vmem>>) target(%dma_start3A_98 : memref<40x128xf32, #tpu.memory_space<hbm>>) target_semaphore(%run_scoped3A_88 : memref<!tpu.dma_semaphore, #tpu.memory_space<semaphore_mem>>)
      %dma_wait3A_103 = arith.constant 0 : i32
      %dma_wait3A_104 = arith.constant 0 : i32
      %dma_wait3A_105 = tpu.memref_slice %arg7[%run_scoped3A_86, %dma_wait3A_103, %dma_wait3A_104] : memref<2x40x128xf32, #tpu.memory_space<vmem>> -> memref<1x40x128xf32, #tpu.memory_space<vmem>>
      %dma_wait3A_106 = tpu.memref_squeeze %dma_wait3A_105 : memref<1x40x128xf32, #tpu.memory_space<vmem>> -> memref<40x128xf32, #tpu.memory_space<vmem>>
      %dma_wait3A_107 = arith.constant 0 : i32
      %dma_wait3A_108 = tpu.memref_slice %arg5[%arg0, %add3A_84, %dma_wait3A_107] : memref<2x640x128xf32, #tpu.memory_space<hbm>> -> memref<1x40x128xf32, #tpu.memory_space<hbm>>
      %dma_wait3A_109 = tpu.memref_squeeze %dma_wait3A_108 : memref<1x40x128xf32, #tpu.memory_space<hbm>> -> memref<40x128xf32, #tpu.memory_space<hbm>>
      %dma_wait3A_110 = arith.constant 0 : i32
      %dma_wait3A_111 = tpu.memref_slice %arg5[%arg0, %add3A_84, %dma_wait3A_110] : memref<2x640x128xf32, #tpu.memory_space<hbm>> -> memref<1x40x128xf32, #tpu.memory_space<hbm>>
      %dma_wait3A_112 = tpu.memref_squeeze %dma_wait3A_111 : memref<1x40x128xf32, #tpu.memory_space<hbm>> -> memref<40x128xf32, #tpu.memory_space<hbm>>
      %dma_wait3A_113 = arith.constant 0 : i32
      %dma_wait3A_114 = arith.constant 0 : i32
      %dma_wait3A_115 = tpu.memref_slice %arg7[%run_scoped3A_86, %dma_wait3A_113, %dma_wait3A_114] : memref<2x40x128xf32, #tpu.memory_space<vmem>> -> memref<1x40x128xf32, #tpu.memory_space<vmem>>
      %dma_wait3A_116 = tpu.memref_squeeze %dma_wait3A_115 : memref<1x40x128xf32, #tpu.memory_space<vmem>> -> memref<40x128xf32, #tpu.memory_space<vmem>>
      tpu.wait_dma2 semaphore(%run_scoped3A_88 : memref<!tpu.dma_semaphore, #tpu.memory_space<semaphore_mem>>) src(%dma_wait3A_116 : memref<40x128xf32, #tpu.memory_space<vmem>>) dst(%dma_wait3A_112 : memref<40x128xf32, #tpu.memory_space<hbm>>)
      tpu.yield
    }) : () -> ()
    %scan3A_87 = arith.constant 1 : i32
    return
  }
}

#map = affine_map<(d0, d1) -> (0, 0)>
#map1 = affine_map<(d0, d1) -> (0)>
module attributes {stable_mosaic.version = 14 : i64} {
  func.func @_sc_gather_body(%arg0: i32, %arg1: i32, %arg2: memref<10000x128xf32, #tpu.memory_space<hbm>>, %arg3: memref<10000x128xf32, #tpu.memory_space<hbm>>, %arg4: memref<10000xf32, #tpu.memory_space<hbm>>, %arg5: memref<10000xf32, #tpu.memory_space<hbm>>, %arg6: memref<10000xf32, #tpu.memory_space<hbm>>, %arg7: memref<32x10000xi32, #tpu.memory_space<hbm>>, %arg8: memref<32x10000xi32, #tpu.memory_space<hbm>>, %arg9: memref<320000x128xf32, #tpu.memory_space<hbm>>, %arg10: memref<320000x16xf32, #tpu.memory_space<hbm>>, %arg11: memref<10000xi32, #tpu.memory_space<vmem>>, %arg12: memref<10000xi32, #tpu.memory_space<vmem>>, %arg13: memref<10000xf32, #tpu.memory_space<vmem>>, %arg14: memref<10000xf32, #tpu.memory_space<vmem>>, %arg15: memref<10000xf32, #tpu.memory_space<vmem>>, %arg16: memref<2x80x128xf32, #tpu.memory_space<vmem>>, %arg17: memref<2x80x128xf32, #tpu.memory_space<vmem>>, %arg18: memref<80x16xf32, #tpu.memory_space<vmem>>, %arg19: memref<!tpu.dma_semaphore, #tpu.memory_space<semaphore_mem>>, %arg20: memref<!tpu.dma_semaphore, #tpu.memory_space<semaphore_mem>>, %arg21: memref<!tpu.dma_semaphore, #tpu.memory_space<semaphore_mem>>, %arg22: memref<!tpu.dma_semaphore, #tpu.memory_space<semaphore_mem>>) attributes {dimension_semantics = [#tpu.dimension_semantics<core_parallel>, #tpu.dimension_semantics<subcore_parallel>], iteration_bounds = array<i64: 2, 16>, scalar_prefetch = 0 : i64, scratch_operands = 12 : i64, tpu.core_type = #tpu.core_type<sc_vector_subcore>, window_params = [{transform_indices = #map}, {transform_indices = #map}, {transform_indices = #map1}, {transform_indices = #map1}, {transform_indices = #map1}, {transform_indices = #map}, {transform_indices = #map}, {transform_indices = #map}, {transform_indices = #map}]} {
    %mul3A = arith.constant 2 : i32
    %mul3A_0 = arith.muli %arg1, %mul3A : i32
    %add3A = arith.addi %mul3A_0, %arg0 : i32
    %mul3A_1 = arith.constant 10000 : i32
    %mul3A_2 = arith.muli %add3A, %mul3A_1 : i32
    "tpu.region"() ({
      %run_scoped3A_208 = tpu.sem_alloc : memref<!tpu.dma_semaphore, #tpu.memory_space<semaphore_mem>>
      %dma_start3A_209 = arith.constant 0 : i32
      %dma_start3A_210 = tpu.memref_slice %arg7[%add3A, %dma_start3A_209] : memref<32x10000xi32, #tpu.memory_space<hbm>> -> memref<1x10000xi32, #tpu.memory_space<hbm>>
      %dma_start3A_211 = tpu.memref_squeeze %dma_start3A_210 : memref<1x10000xi32, #tpu.memory_space<hbm>> -> memref<10000xi32, #tpu.memory_space<hbm>>
      %dma_start3A_212 = arith.constant 0 : i32
      %dma_start3A_213 = tpu.memref_slice %arg7[%add3A, %dma_start3A_212] : memref<32x10000xi32, #tpu.memory_space<hbm>> -> memref<1x10000xi32, #tpu.memory_space<hbm>>
      %dma_start3A_214 = tpu.memref_squeeze %dma_start3A_213 : memref<1x10000xi32, #tpu.memory_space<hbm>> -> memref<10000xi32, #tpu.memory_space<hbm>>
      tpu.enqueue_dma source(%dma_start3A_214 : memref<10000xi32, #tpu.memory_space<hbm>>) target(%arg11 : memref<10000xi32, #tpu.memory_space<vmem>>) target_semaphore(%run_scoped3A_208 : memref<!tpu.dma_semaphore, #tpu.memory_space<semaphore_mem>>)
      %dma_wait3A_215 = arith.constant 0 : i32
      %dma_wait3A_216 = tpu.memref_slice %arg7[%add3A, %dma_wait3A_215] : memref<32x10000xi32, #tpu.memory_space<hbm>> -> memref<1x10000xi32, #tpu.memory_space<hbm>>
      %dma_wait3A_217 = tpu.memref_squeeze %dma_wait3A_216 : memref<1x10000xi32, #tpu.memory_space<hbm>> -> memref<10000xi32, #tpu.memory_space<hbm>>
      %dma_wait3A_218 = arith.constant 0 : i32
      %dma_wait3A_219 = tpu.memref_slice %arg7[%add3A, %dma_wait3A_218] : memref<32x10000xi32, #tpu.memory_space<hbm>> -> memref<1x10000xi32, #tpu.memory_space<hbm>>
      %dma_wait3A_220 = tpu.memref_squeeze %dma_wait3A_219 : memref<1x10000xi32, #tpu.memory_space<hbm>> -> memref<10000xi32, #tpu.memory_space<hbm>>
      tpu.wait_dma2 semaphore(%run_scoped3A_208 : memref<!tpu.dma_semaphore, #tpu.memory_space<semaphore_mem>>) src(%dma_wait3A_220 : memref<10000xi32, #tpu.memory_space<hbm>>) dst(%arg11 : memref<10000xi32, #tpu.memory_space<vmem>>)
      tpu.yield
    }) : () -> ()
    "tpu.region"() ({
      %run_scoped3A_208 = tpu.sem_alloc : memref<!tpu.dma_semaphore, #tpu.memory_space<semaphore_mem>>
      %dma_start3A_209 = arith.constant 0 : i32
      %dma_start3A_210 = tpu.memref_slice %arg8[%add3A, %dma_start3A_209] : memref<32x10000xi32, #tpu.memory_space<hbm>> -> memref<1x10000xi32, #tpu.memory_space<hbm>>
      %dma_start3A_211 = tpu.memref_squeeze %dma_start3A_210 : memref<1x10000xi32, #tpu.memory_space<hbm>> -> memref<10000xi32, #tpu.memory_space<hbm>>
      %dma_start3A_212 = arith.constant 0 : i32
      %dma_start3A_213 = tpu.memref_slice %arg8[%add3A, %dma_start3A_212] : memref<32x10000xi32, #tpu.memory_space<hbm>> -> memref<1x10000xi32, #tpu.memory_space<hbm>>
      %dma_start3A_214 = tpu.memref_squeeze %dma_start3A_213 : memref<1x10000xi32, #tpu.memory_space<hbm>> -> memref<10000xi32, #tpu.memory_space<hbm>>
      tpu.enqueue_dma source(%dma_start3A_214 : memref<10000xi32, #tpu.memory_space<hbm>>) target(%arg12 : memref<10000xi32, #tpu.memory_space<vmem>>) target_semaphore(%run_scoped3A_208 : memref<!tpu.dma_semaphore, #tpu.memory_space<semaphore_mem>>)
      %dma_wait3A_215 = arith.constant 0 : i32
      %dma_wait3A_216 = tpu.memref_slice %arg8[%add3A, %dma_wait3A_215] : memref<32x10000xi32, #tpu.memory_space<hbm>> -> memref<1x10000xi32, #tpu.memory_space<hbm>>
      %dma_wait3A_217 = tpu.memref_squeeze %dma_wait3A_216 : memref<1x10000xi32, #tpu.memory_space<hbm>> -> memref<10000xi32, #tpu.memory_space<hbm>>
      %dma_wait3A_218 = arith.constant 0 : i32
      %dma_wait3A_219 = tpu.memref_slice %arg8[%add3A, %dma_wait3A_218] : memref<32x10000xi32, #tpu.memory_space<hbm>> -> memref<1x10000xi32, #tpu.memory_space<hbm>>
      %dma_wait3A_220 = tpu.memref_squeeze %dma_wait3A_219 : memref<1x10000xi32, #tpu.memory_space<hbm>> -> memref<10000xi32, #tpu.memory_space<hbm>>
      tpu.wait_dma2 semaphore(%run_scoped3A_208 : memref<!tpu.dma_semaphore, #tpu.memory_space<semaphore_mem>>) src(%dma_wait3A_220 : memref<10000xi32, #tpu.memory_space<hbm>>) dst(%arg12 : memref<10000xi32, #tpu.memory_space<vmem>>)
      tpu.yield
    }) : () -> ()
    "tpu.region"() ({
      %run_scoped3A_208 = tpu.sem_alloc : memref<!tpu.dma_semaphore, #tpu.memory_space<semaphore_mem>>
      tpu.enqueue_dma source(%arg4 : memref<10000xf32, #tpu.memory_space<hbm>>) target(%arg13 : memref<10000xf32, #tpu.memory_space<vmem>>) target_semaphore(%run_scoped3A_208 : memref<!tpu.dma_semaphore, #tpu.memory_space<semaphore_mem>>)
      tpu.wait_dma2 semaphore(%run_scoped3A_208 : memref<!tpu.dma_semaphore, #tpu.memory_space<semaphore_mem>>) src(%arg4 : memref<10000xf32, #tpu.memory_space<hbm>>) dst(%arg13 : memref<10000xf32, #tpu.memory_space<vmem>>)
      tpu.yield
    }) : () -> ()
    "tpu.region"() ({
      %run_scoped3A_208 = tpu.sem_alloc : memref<!tpu.dma_semaphore, #tpu.memory_space<semaphore_mem>>
      tpu.enqueue_dma source(%arg5 : memref<10000xf32, #tpu.memory_space<hbm>>) target(%arg14 : memref<10000xf32, #tpu.memory_space<vmem>>) target_semaphore(%run_scoped3A_208 : memref<!tpu.dma_semaphore, #tpu.memory_space<semaphore_mem>>)
      tpu.wait_dma2 semaphore(%run_scoped3A_208 : memref<!tpu.dma_semaphore, #tpu.memory_space<semaphore_mem>>) src(%arg5 : memref<10000xf32, #tpu.memory_space<hbm>>) dst(%arg14 : memref<10000xf32, #tpu.memory_space<vmem>>)
      tpu.yield
    }) : () -> ()
    "tpu.region"() ({
      %run_scoped3A_208 = tpu.sem_alloc : memref<!tpu.dma_semaphore, #tpu.memory_space<semaphore_mem>>
      tpu.enqueue_dma source(%arg6 : memref<10000xf32, #tpu.memory_space<hbm>>) target(%arg15 : memref<10000xf32, #tpu.memory_space<vmem>>) target_semaphore(%run_scoped3A_208 : memref<!tpu.dma_semaphore, #tpu.memory_space<semaphore_mem>>)
      tpu.wait_dma2 semaphore(%run_scoped3A_208 : memref<!tpu.dma_semaphore, #tpu.memory_space<semaphore_mem>>) src(%arg6 : memref<10000xf32, #tpu.memory_space<hbm>>) dst(%arg15 : memref<10000xf32, #tpu.memory_space<vmem>>)
      tpu.yield
    }) : () -> ()
    %dma_start3A = arith.constant 0 : i32
    %dma_start3A_3 = arith.constant 0 : i32
    %dma_start3A_4 = arith.constant 0 : i32
    %dma_start3A_5 = tpu.memref_slice %arg16[%dma_start3A, %dma_start3A_3, %dma_start3A_4] : memref<2x80x128xf32, #tpu.memory_space<vmem>> -> memref<1x80x128xf32, #tpu.memory_space<vmem>>
    %dma_start3A_6 = tpu.memref_squeeze %dma_start3A_5 : memref<1x80x128xf32, #tpu.memory_space<vmem>> -> memref<80x128xf32, #tpu.memory_space<vmem>>
    %dma_start3A_7 = arith.constant 0 : i32
    %dma_start3A_8 = tpu.memref_slice %arg11[%dma_start3A_7] : memref<10000xi32, #tpu.memory_space<vmem>> -> memref<80xi32, #tpu.memory_space<vmem>>
    %dma_start3A_9 = arith.constant 0 : i32
    %dma_start3A_10 = arith.constant 0 : i32
    %dma_start3A_11 = tpu.memref_slice %arg2[%dma_start3A_9, %dma_start3A_10] : memref<10000x128xf32, #tpu.memory_space<hbm>> -> memref<10000x128xf32, #tpu.memory_space<hbm>>
    tpu.enqueue_indirect_dma source(%dma_start3A_11 : memref<10000x128xf32, #tpu.memory_space<hbm>>) target(%dma_start3A_6 : memref<80x128xf32, #tpu.memory_space<vmem>>) offsets(%dma_start3A_8 : memref<80xi32, #tpu.memory_space<vmem>>) semaphore(%arg19 : memref<!tpu.dma_semaphore, #tpu.memory_space<semaphore_mem>>)
    %dma_start3A_12 = arith.constant 0 : i32
    %dma_start3A_13 = arith.constant 0 : i32
    %dma_start3A_14 = arith.constant 0 : i32
    %dma_start3A_15 = tpu.memref_slice %arg17[%dma_start3A_12, %dma_start3A_13, %dma_start3A_14] : memref<2x80x128xf32, #tpu.memory_space<vmem>> -> memref<1x80x128xf32, #tpu.memory_space<vmem>>
    %dma_start3A_16 = tpu.memref_squeeze %dma_start3A_15 : memref<1x80x128xf32, #tpu.memory_space<vmem>> -> memref<80x128xf32, #tpu.memory_space<vmem>>
    %dma_start3A_17 = arith.constant 0 : i32
    %dma_start3A_18 = tpu.memref_slice %arg12[%dma_start3A_17] : memref<10000xi32, #tpu.memory_space<vmem>> -> memref<80xi32, #tpu.memory_space<vmem>>
    %dma_start3A_19 = arith.constant 0 : i32
    %dma_start3A_20 = arith.constant 0 : i32
    %dma_start3A_21 = tpu.memref_slice %arg3[%dma_start3A_19, %dma_start3A_20] : memref<10000x128xf32, #tpu.memory_space<hbm>> -> memref<10000x128xf32, #tpu.memory_space<hbm>>
    tpu.enqueue_indirect_dma source(%dma_start3A_21 : memref<10000x128xf32, #tpu.memory_space<hbm>>) target(%dma_start3A_16 : memref<80x128xf32, #tpu.memory_space<vmem>>) offsets(%dma_start3A_18 : memref<80xi32, #tpu.memory_space<vmem>>) semaphore(%arg20 : memref<!tpu.dma_semaphore, #tpu.memory_space<semaphore_mem>>)
    %scan3A = arith.constant 0 : i32
    %scan3A_22 = arith.constant 1 : i32
    %scan3A_23 = arith.constant 1 : i32
    %scan3A_24 = arith.constant 0 : i32
    %scan3A_25 = arith.constant 0 : i32
    %scan3A_26 = arith.constant 0 : i32
    %scan3A_27 = arith.constant 62 : i32
    %scan3A_28 = arith.addi %scan3A_26, %scan3A_27 : i32
    %scan3A_29 = arith.constant 1 : i32
    scf.for %scan3A_208 = %scan3A_26 to %scan3A_28 step %scan3A_29  : i32 {
      %mul3A_209 = arith.constant 2 : i32
      %mul3A_210 = arith.muli %mul3A_209, %scan3A_208 : i32
      %add3A_211 = arith.constant 1 : i32
      %add3A_212 = arith.addi %mul3A_210, %add3A_211 : i32
      %mul3A_213 = arith.constant 80 : i32
      %mul3A_214 = arith.muli %add3A_212, %mul3A_213 : i32
      %dma_start3A_215 = arith.constant 0 : i32
      %dma_start3A_216 = arith.constant 0 : i32
      %dma_start3A_217 = tpu.memref_slice %arg16[%scan3A_22, %dma_start3A_215, %dma_start3A_216] : memref<2x80x128xf32, #tpu.memory_space<vmem>> -> memref<1x80x128xf32, #tpu.memory_space<vmem>>
      %dma_start3A_218 = tpu.memref_squeeze %dma_start3A_217 : memref<1x80x128xf32, #tpu.memory_space<vmem>> -> memref<80x128xf32, #tpu.memory_space<vmem>>
      %dma_start3A_219 = tpu.memref_slice %arg11[%mul3A_214] : memref<10000xi32, #tpu.memory_space<vmem>> -> memref<80xi32, #tpu.memory_space<vmem>>
      %dma_start3A_220 = arith.constant 0 : i32
      %dma_start3A_221 = arith.constant 0 : i32
      %dma_start3A_222 = tpu.memref_slice %arg2[%dma_start3A_220, %dma_start3A_221] : memref<10000x128xf32, #tpu.memory_space<hbm>> -> memref<10000x128xf32, #tpu.memory_space<hbm>>
      tpu.enqueue_indirect_dma source(%dma_start3A_222 : memref<10000x128xf32, #tpu.memory_space<hbm>>) target(%dma_start3A_218 : memref<80x128xf32, #tpu.memory_space<vmem>>) offsets(%dma_start3A_219 : memref<80xi32, #tpu.memory_space<vmem>>) semaphore(%arg21 : memref<!tpu.dma_semaphore, #tpu.memory_space<semaphore_mem>>)
      %mul3A_223 = arith.constant 80 : i32
      %mul3A_224 = arith.muli %add3A_212, %mul3A_223 : i32
      %dma_start3A_225 = arith.constant 0 : i32
      %dma_start3A_226 = arith.constant 0 : i32
      %dma_start3A_227 = tpu.memref_slice %arg17[%scan3A_23, %dma_start3A_225, %dma_start3A_226] : memref<2x80x128xf32, #tpu.memory_space<vmem>> -> memref<1x80x128xf32, #tpu.memory_space<vmem>>
      %dma_start3A_228 = tpu.memref_squeeze %dma_start3A_227 : memref<1x80x128xf32, #tpu.memory_space<vmem>> -> memref<80x128xf32, #tpu.memory_space<vmem>>
      %dma_start3A_229 = tpu.memref_slice %arg12[%mul3A_224] : memref<10000xi32, #tpu.memory_space<vmem>> -> memref<80xi32, #tpu.memory_space<vmem>>
      %dma_start3A_230 = arith.constant 0 : i32
      %dma_start3A_231 = arith.constant 0 : i32
      %dma_start3A_232 = tpu.memref_slice %arg3[%dma_start3A_230, %dma_start3A_231] : memref<10000x128xf32, #tpu.memory_space<hbm>> -> memref<10000x128xf32, #tpu.memory_space<hbm>>
      tpu.enqueue_indirect_dma source(%dma_start3A_232 : memref<10000x128xf32, #tpu.memory_space<hbm>>) target(%dma_start3A_228 : memref<80x128xf32, #tpu.memory_space<vmem>>) offsets(%dma_start3A_229 : memref<80xi32, #tpu.memory_space<vmem>>) semaphore(%arg22 : memref<!tpu.dma_semaphore, #tpu.memory_space<semaphore_mem>>)
      %iota3A_233 = tpu.iota {dimensions = array<i32: 0>} : vector<16xi32>
      %broadcast_in_dim3A_234 = arith.constant 0 : i32
      %broadcast_in_dim3A_235 = vector.broadcast %broadcast_in_dim3A_234 : i32 to vector<16xi32>
      %mul3A_236 = arith.constant 80 : i32
      %mul3A_237 = arith.muli %mul3A_210, %mul3A_236 : i32
      %add3A_238 = arith.constant 0 : i32
      %add3A_239 = arith.addi %mul3A_237, %add3A_238 : i32
      %get3A_240 = arith.index_cast %add3A_239 : i32 to index
      %get3A_241 = tpu.vector_load %arg11[%get3A_240] {strides = array<i32>} : memref<10000xi32, #tpu.memory_space<vmem>>, vector<16xi32>,
      %get3A_242 = arith.index_cast %add3A_239 : i32 to index
      %get3A_243 = tpu.vector_load %arg12[%get3A_242] {strides = array<i32>} : memref<10000xi32, #tpu.memory_space<vmem>>, vector<16xi32>,
      %gather3A_244 = tpu.vector_load_idx %arg13[%get3A_241] : memref<10000xf32, #tpu.memory_space<vmem>>[vector<16xi32>], vector<16xf32>,
      %gather3A_245 = tpu.vector_load_idx %arg13[%get3A_243] : memref<10000xf32, #tpu.memory_space<vmem>>[vector<16xi32>], vector<16xf32>,
      %sub3A_246 = arith.subf %gather3A_244, %gather3A_245 : vector<16xf32>
      %gather3A_247 = tpu.vector_load_idx %arg14[%get3A_241] : memref<10000xf32, #tpu.memory_space<vmem>>[vector<16xi32>], vector<16xf32>,
      %gather3A_248 = tpu.vector_load_idx %arg14[%get3A_243] : memref<10000xf32, #tpu.memory_space<vmem>>[vector<16xi32>], vector<16xf32>,
      %sub3A_249 = arith.subf %gather3A_247, %gather3A_248 : vector<16xf32>
      %gather3A_250 = tpu.vector_load_idx %arg15[%get3A_241] : memref<10000xf32, #tpu.memory_space<vmem>>[vector<16xi32>], vector<16xf32>,
      %gather3A_251 = tpu.vector_load_idx %arg15[%get3A_243] : memref<10000xf32, #tpu.memory_space<vmem>>[vector<16xi32>], vector<16xf32>,
      %sub3A_252 = arith.subf %gather3A_250, %gather3A_251 : vector<16xf32>
      %mul3A_253 = arith.mulf %sub3A_246, %sub3A_246 : vector<16xf32>
      %mul3A_254 = arith.mulf %sub3A_249, %sub3A_249 : vector<16xf32>
      %add3A_255 = arith.addf %mul3A_253, %mul3A_254 : vector<16xf32>
      %mul3A_256 = arith.mulf %sub3A_252, %sub3A_252 : vector<16xf32>
      %add3A_257 = arith.addf %add3A_255, %mul3A_256 : vector<16xf32>
      %add3A_258 = arith.constant 0 : i32
      %add3A_259 = vector.broadcast %add3A_258 : i32 to vector<16xi32>
      %add3A_260 = arith.addi %iota3A_233, %add3A_259 : vector<16xi32>
      tpu.vector_store_idx %arg18[%add3A_260, %broadcast_in_dim3A_235], %sub3A_246 : memref<80x16xf32, #tpu.memory_space<vmem>>[vector<16xi32>, vector<16xi32>], vector<16xf32>,
      %add3A_261 = arith.constant 1 : i32
      %add3A_262 = vector.broadcast %add3A_261 : i32 to vector<16xi32>
      %add3A_263 = arith.addi %broadcast_in_dim3A_235, %add3A_262 : vector<16xi32>
      tpu.vector_store_idx %arg18[%add3A_260, %add3A_263], %sub3A_249 : memref<80x16xf32, #tpu.memory_space<vmem>>[vector<16xi32>, vector<16xi32>], vector<16xf32>,
      %add3A_264 = arith.constant 2 : i32
      %add3A_265 = vector.broadcast %add3A_264 : i32 to vector<16xi32>
      %add3A_266 = arith.addi %broadcast_in_dim3A_235, %add3A_265 : vector<16xi32>
      tpu.vector_store_idx %arg18[%add3A_260, %add3A_266], %sub3A_252 : memref<80x16xf32, #tpu.memory_space<vmem>>[vector<16xi32>, vector<16xi32>], vector<16xf32>,
      %add3A_267 = arith.constant 3 : i32
      %add3A_268 = vector.broadcast %add3A_267 : i32 to vector<16xi32>
      %add3A_269 = arith.addi %broadcast_in_dim3A_235, %add3A_268 : vector<16xi32>
      tpu.vector_store_idx %arg18[%add3A_260, %add3A_269], %add3A_257 : memref<80x16xf32, #tpu.memory_space<vmem>>[vector<16xi32>, vector<16xi32>], vector<16xf32>,
      %mul3A_270 = arith.constant 80 : i32
      %mul3A_271 = arith.muli %mul3A_210, %mul3A_270 : i32
      %add3A_272 = arith.constant 16 : i32
      %add3A_273 = arith.addi %mul3A_271, %add3A_272 : i32
      %get3A_274 = arith.index_cast %add3A_273 : i32 to index
      %get3A_275 = tpu.vector_load %arg11[%get3A_274] {strides = array<i32>} : memref<10000xi32, #tpu.memory_space<vmem>>, vector<16xi32>,
      %get3A_276 = arith.index_cast %add3A_273 : i32 to index
      %get3A_277 = tpu.vector_load %arg12[%get3A_276] {strides = array<i32>} : memref<10000xi32, #tpu.memory_space<vmem>>, vector<16xi32>,
      %gather3A_278 = tpu.vector_load_idx %arg13[%get3A_275] : memref<10000xf32, #tpu.memory_space<vmem>>[vector<16xi32>], vector<16xf32>,
      %gather3A_279 = tpu.vector_load_idx %arg13[%get3A_277] : memref<10000xf32, #tpu.memory_space<vmem>>[vector<16xi32>], vector<16xf32>,
      %sub3A_280 = arith.subf %gather3A_278, %gather3A_279 : vector<16xf32>
      %gather3A_281 = tpu.vector_load_idx %arg14[%get3A_275] : memref<10000xf32, #tpu.memory_space<vmem>>[vector<16xi32>], vector<16xf32>,
      %gather3A_282 = tpu.vector_load_idx %arg14[%get3A_277] : memref<10000xf32, #tpu.memory_space<vmem>>[vector<16xi32>], vector<16xf32>,
      %sub3A_283 = arith.subf %gather3A_281, %gather3A_282 : vector<16xf32>
      %gather3A_284 = tpu.vector_load_idx %arg15[%get3A_275] : memref<10000xf32, #tpu.memory_space<vmem>>[vector<16xi32>], vector<16xf32>,
      %gather3A_285 = tpu.vector_load_idx %arg15[%get3A_277] : memref<10000xf32, #tpu.memory_space<vmem>>[vector<16xi32>], vector<16xf32>,
      %sub3A_286 = arith.subf %gather3A_284, %gather3A_285 : vector<16xf32>
      %mul3A_287 = arith.mulf %sub3A_280, %sub3A_280 : vector<16xf32>
      %mul3A_288 = arith.mulf %sub3A_283, %sub3A_283 : vector<16xf32>
      %add3A_289 = arith.addf %mul3A_287, %mul3A_288 : vector<16xf32>
      %mul3A_290 = arith.mulf %sub3A_286, %sub3A_286 : vector<16xf32>
      %add3A_291 = arith.addf %add3A_289, %mul3A_290 : vector<16xf32>
      %add3A_292 = arith.constant 16 : i32
      %add3A_293 = vector.broadcast %add3A_292 : i32 to vector<16xi32>
      %add3A_294 = arith.addi %iota3A_233, %add3A_293 : vector<16xi32>
      tpu.vector_store_idx %arg18[%add3A_294, %broadcast_in_dim3A_235], %sub3A_280 : memref<80x16xf32, #tpu.memory_space<vmem>>[vector<16xi32>, vector<16xi32>], vector<16xf32>,
      %add3A_295 = arith.constant 1 : i32
      %add3A_296 = vector.broadcast %add3A_295 : i32 to vector<16xi32>
      %add3A_297 = arith.addi %broadcast_in_dim3A_235, %add3A_296 : vector<16xi32>
      tpu.vector_store_idx %arg18[%add3A_294, %add3A_297], %sub3A_283 : memref<80x16xf32, #tpu.memory_space<vmem>>[vector<16xi32>, vector<16xi32>], vector<16xf32>,
      %add3A_298 = arith.constant 2 : i32
      %add3A_299 = vector.broadcast %add3A_298 : i32 to vector<16xi32>
      %add3A_300 = arith.addi %broadcast_in_dim3A_235, %add3A_299 : vector<16xi32>
      tpu.vector_store_idx %arg18[%add3A_294, %add3A_300], %sub3A_286 : memref<80x16xf32, #tpu.memory_space<vmem>>[vector<16xi32>, vector<16xi32>], vector<16xf32>,
      %add3A_301 = arith.constant 3 : i32
      %add3A_302 = vector.broadcast %add3A_301 : i32 to vector<16xi32>
      %add3A_303 = arith.addi %broadcast_in_dim3A_235, %add3A_302 : vector<16xi32>
      tpu.vector_store_idx %arg18[%add3A_294, %add3A_303], %add3A_291 : memref<80x16xf32, #tpu.memory_space<vmem>>[vector<16xi32>, vector<16xi32>], vector<16xf32>,
      %mul3A_304 = arith.constant 80 : i32
      %mul3A_305 = arith.muli %mul3A_210, %mul3A_304 : i32
      %add3A_306 = arith.constant 32 : i32
      %add3A_307 = arith.addi %mul3A_305, %add3A_306 : i32
      %get3A_308 = arith.index_cast %add3A_307 : i32 to index
      %get3A_309 = tpu.vector_load %arg11[%get3A_308] {strides = array<i32>} : memref<10000xi32, #tpu.memory_space<vmem>>, vector<16xi32>,
      %get3A_310 = arith.index_cast %add3A_307 : i32 to index
      %get3A_311 = tpu.vector_load %arg12[%get3A_310] {strides = array<i32>} : memref<10000xi32, #tpu.memory_space<vmem>>, vector<16xi32>,
      %gather3A_312 = tpu.vector_load_idx %arg13[%get3A_309] : memref<10000xf32, #tpu.memory_space<vmem>>[vector<16xi32>], vector<16xf32>,
      %gather3A_313 = tpu.vector_load_idx %arg13[%get3A_311] : memref<10000xf32, #tpu.memory_space<vmem>>[vector<16xi32>], vector<16xf32>,
      %sub3A_314 = arith.subf %gather3A_312, %gather3A_313 : vector<16xf32>
      %gather3A_315 = tpu.vector_load_idx %arg14[%get3A_309] : memref<10000xf32, #tpu.memory_space<vmem>>[vector<16xi32>], vector<16xf32>,
      %gather3A_316 = tpu.vector_load_idx %arg14[%get3A_311] : memref<10000xf32, #tpu.memory_space<vmem>>[vector<16xi32>], vector<16xf32>,
      %sub3A_317 = arith.subf %gather3A_315, %gather3A_316 : vector<16xf32>
      %gather3A_318 = tpu.vector_load_idx %arg15[%get3A_309] : memref<10000xf32, #tpu.memory_space<vmem>>[vector<16xi32>], vector<16xf32>,
      %gather3A_319 = tpu.vector_load_idx %arg15[%get3A_311] : memref<10000xf32, #tpu.memory_space<vmem>>[vector<16xi32>], vector<16xf32>,
      %sub3A_320 = arith.subf %gather3A_318, %gather3A_319 : vector<16xf32>
      %mul3A_321 = arith.mulf %sub3A_314, %sub3A_314 : vector<16xf32>
      %mul3A_322 = arith.mulf %sub3A_317, %sub3A_317 : vector<16xf32>
      %add3A_323 = arith.addf %mul3A_321, %mul3A_322 : vector<16xf32>
      %mul3A_324 = arith.mulf %sub3A_320, %sub3A_320 : vector<16xf32>
      %add3A_325 = arith.addf %add3A_323, %mul3A_324 : vector<16xf32>
      %add3A_326 = arith.constant 32 : i32
      %add3A_327 = vector.broadcast %add3A_326 : i32 to vector<16xi32>
      %add3A_328 = arith.addi %iota3A_233, %add3A_327 : vector<16xi32>
      tpu.vector_store_idx %arg18[%add3A_328, %broadcast_in_dim3A_235], %sub3A_314 : memref<80x16xf32, #tpu.memory_space<vmem>>[vector<16xi32>, vector<16xi32>], vector<16xf32>,
      %add3A_329 = arith.constant 1 : i32
      %add3A_330 = vector.broadcast %add3A_329 : i32 to vector<16xi32>
      %add3A_331 = arith.addi %broadcast_in_dim3A_235, %add3A_330 : vector<16xi32>
      tpu.vector_store_idx %arg18[%add3A_328, %add3A_331], %sub3A_317 : memref<80x16xf32, #tpu.memory_space<vmem>>[vector<16xi32>, vector<16xi32>], vector<16xf32>,
      %add3A_332 = arith.constant 2 : i32
      %add3A_333 = vector.broadcast %add3A_332 : i32 to vector<16xi32>
      %add3A_334 = arith.addi %broadcast_in_dim3A_235, %add3A_333 : vector<16xi32>
      tpu.vector_store_idx %arg18[%add3A_328, %add3A_334], %sub3A_320 : memref<80x16xf32, #tpu.memory_space<vmem>>[vector<16xi32>, vector<16xi32>], vector<16xf32>,
      %add3A_335 = arith.constant 3 : i32
      %add3A_336 = vector.broadcast %add3A_335 : i32 to vector<16xi32>
      %add3A_337 = arith.addi %broadcast_in_dim3A_235, %add3A_336 : vector<16xi32>
      tpu.vector_store_idx %arg18[%add3A_328, %add3A_337], %add3A_325 : memref<80x16xf32, #tpu.memory_space<vmem>>[vector<16xi32>, vector<16xi32>], vector<16xf32>,
      %mul3A_338 = arith.constant 80 : i32
      %mul3A_339 = arith.muli %mul3A_210, %mul3A_338 : i32
      %add3A_340 = arith.constant 48 : i32
      %add3A_341 = arith.addi %mul3A_339, %add3A_340 : i32
      %get3A_342 = arith.index_cast %add3A_341 : i32 to index
      %get3A_343 = tpu.vector_load %arg11[%get3A_342] {strides = array<i32>} : memref<10000xi32, #tpu.memory_space<vmem>>, vector<16xi32>,
      %get3A_344 = arith.index_cast %add3A_341 : i32 to index
      %get3A_345 = tpu.vector_load %arg12[%get3A_344] {strides = array<i32>} : memref<10000xi32, #tpu.memory_space<vmem>>, vector<16xi32>,
      %gather3A_346 = tpu.vector_load_idx %arg13[%get3A_343] : memref<10000xf32, #tpu.memory_space<vmem>>[vector<16xi32>], vector<16xf32>,
      %gather3A_347 = tpu.vector_load_idx %arg13[%get3A_345] : memref<10000xf32, #tpu.memory_space<vmem>>[vector<16xi32>], vector<16xf32>,
      %sub3A_348 = arith.subf %gather3A_346, %gather3A_347 : vector<16xf32>
      %gather3A_349 = tpu.vector_load_idx %arg14[%get3A_343] : memref<10000xf32, #tpu.memory_space<vmem>>[vector<16xi32>], vector<16xf32>,
      %gather3A_350 = tpu.vector_load_idx %arg14[%get3A_345] : memref<10000xf32, #tpu.memory_space<vmem>>[vector<16xi32>], vector<16xf32>,
      %sub3A_351 = arith.subf %gather3A_349, %gather3A_350 : vector<16xf32>
      %gather3A_352 = tpu.vector_load_idx %arg15[%get3A_343] : memref<10000xf32, #tpu.memory_space<vmem>>[vector<16xi32>], vector<16xf32>,
      %gather3A_353 = tpu.vector_load_idx %arg15[%get3A_345] : memref<10000xf32, #tpu.memory_space<vmem>>[vector<16xi32>], vector<16xf32>,
      %sub3A_354 = arith.subf %gather3A_352, %gather3A_353 : vector<16xf32>
      %mul3A_355 = arith.mulf %sub3A_348, %sub3A_348 : vector<16xf32>
      %mul3A_356 = arith.mulf %sub3A_351, %sub3A_351 : vector<16xf32>
      %add3A_357 = arith.addf %mul3A_355, %mul3A_356 : vector<16xf32>
      %mul3A_358 = arith.mulf %sub3A_354, %sub3A_354 : vector<16xf32>
      %add3A_359 = arith.addf %add3A_357, %mul3A_358 : vector<16xf32>
      %add3A_360 = arith.constant 48 : i32
      %add3A_361 = vector.broadcast %add3A_360 : i32 to vector<16xi32>
      %add3A_362 = arith.addi %iota3A_233, %add3A_361 : vector<16xi32>
      tpu.vector_store_idx %arg18[%add3A_362, %broadcast_in_dim3A_235], %sub3A_348 : memref<80x16xf32, #tpu.memory_space<vmem>>[vector<16xi32>, vector<16xi32>], vector<16xf32>,
      %add3A_363 = arith.constant 1 : i32
      %add3A_364 = vector.broadcast %add3A_363 : i32 to vector<16xi32>
      %add3A_365 = arith.addi %broadcast_in_dim3A_235, %add3A_364 : vector<16xi32>
      tpu.vector_store_idx %arg18[%add3A_362, %add3A_365], %sub3A_351 : memref<80x16xf32, #tpu.memory_space<vmem>>[vector<16xi32>, vector<16xi32>], vector<16xf32>,
      %add3A_366 = arith.constant 2 : i32
      %add3A_367 = vector.broadcast %add3A_366 : i32 to vector<16xi32>
      %add3A_368 = arith.addi %broadcast_in_dim3A_235, %add3A_367 : vector<16xi32>
      tpu.vector_store_idx %arg18[%add3A_362, %add3A_368], %sub3A_354 : memref<80x16xf32, #tpu.memory_space<vmem>>[vector<16xi32>, vector<16xi32>], vector<16xf32>,
      %add3A_369 = arith.constant 3 : i32
      %add3A_370 = vector.broadcast %add3A_369 : i32 to vector<16xi32>
      %add3A_371 = arith.addi %broadcast_in_dim3A_235, %add3A_370 : vector<16xi32>
      tpu.vector_store_idx %arg18[%add3A_362, %add3A_371], %add3A_359 : memref<80x16xf32, #tpu.memory_space<vmem>>[vector<16xi32>, vector<16xi32>], vector<16xf32>,
      %mul3A_372 = arith.constant 80 : i32
      %mul3A_373 = arith.muli %mul3A_210, %mul3A_372 : i32
      %add3A_374 = arith.constant 64 : i32
      %add3A_375 = arith.addi %mul3A_373, %add3A_374 : i32
      %get3A_376 = arith.index_cast %add3A_375 : i32 to index
      %get3A_377 = tpu.vector_load %arg11[%get3A_376] {strides = array<i32>} : memref<10000xi32, #tpu.memory_space<vmem>>, vector<16xi32>,
      %get3A_378 = arith.index_cast %add3A_375 : i32 to index
      %get3A_379 = tpu.vector_load %arg12[%get3A_378] {strides = array<i32>} : memref<10000xi32, #tpu.memory_space<vmem>>, vector<16xi32>,
      %gather3A_380 = tpu.vector_load_idx %arg13[%get3A_377] : memref<10000xf32, #tpu.memory_space<vmem>>[vector<16xi32>], vector<16xf32>,
      %gather3A_381 = tpu.vector_load_idx %arg13[%get3A_379] : memref<10000xf32, #tpu.memory_space<vmem>>[vector<16xi32>], vector<16xf32>,
      %sub3A_382 = arith.subf %gather3A_380, %gather3A_381 : vector<16xf32>
      %gather3A_383 = tpu.vector_load_idx %arg14[%get3A_377] : memref<10000xf32, #tpu.memory_space<vmem>>[vector<16xi32>], vector<16xf32>,
      %gather3A_384 = tpu.vector_load_idx %arg14[%get3A_379] : memref<10000xf32, #tpu.memory_space<vmem>>[vector<16xi32>], vector<16xf32>,
      %sub3A_385 = arith.subf %gather3A_383, %gather3A_384 : vector<16xf32>
      %gather3A_386 = tpu.vector_load_idx %arg15[%get3A_377] : memref<10000xf32, #tpu.memory_space<vmem>>[vector<16xi32>], vector<16xf32>,
      %gather3A_387 = tpu.vector_load_idx %arg15[%get3A_379] : memref<10000xf32, #tpu.memory_space<vmem>>[vector<16xi32>], vector<16xf32>,
      %sub3A_388 = arith.subf %gather3A_386, %gather3A_387 : vector<16xf32>
      %mul3A_389 = arith.mulf %sub3A_382, %sub3A_382 : vector<16xf32>
      %mul3A_390 = arith.mulf %sub3A_385, %sub3A_385 : vector<16xf32>
      %add3A_391 = arith.addf %mul3A_389, %mul3A_390 : vector<16xf32>
      %mul3A_392 = arith.mulf %sub3A_388, %sub3A_388 : vector<16xf32>
      %add3A_393 = arith.addf %add3A_391, %mul3A_392 : vector<16xf32>
      %add3A_394 = arith.constant 64 : i32
      %add3A_395 = vector.broadcast %add3A_394 : i32 to vector<16xi32>
      %add3A_396 = arith.addi %iota3A_233, %add3A_395 : vector<16xi32>
      tpu.vector_store_idx %arg18[%add3A_396, %broadcast_in_dim3A_235], %sub3A_382 : memref<80x16xf32, #tpu.memory_space<vmem>>[vector<16xi32>, vector<16xi32>], vector<16xf32>,
      %add3A_397 = arith.constant 1 : i32
      %add3A_398 = vector.broadcast %add3A_397 : i32 to vector<16xi32>
      %add3A_399 = arith.addi %broadcast_in_dim3A_235, %add3A_398 : vector<16xi32>
      tpu.vector_store_idx %arg18[%add3A_396, %add3A_399], %sub3A_385 : memref<80x16xf32, #tpu.memory_space<vmem>>[vector<16xi32>, vector<16xi32>], vector<16xf32>,
      %add3A_400 = arith.constant 2 : i32
      %add3A_401 = vector.broadcast %add3A_400 : i32 to vector<16xi32>
      %add3A_402 = arith.addi %broadcast_in_dim3A_235, %add3A_401 : vector<16xi32>
      tpu.vector_store_idx %arg18[%add3A_396, %add3A_402], %sub3A_388 : memref<80x16xf32, #tpu.memory_space<vmem>>[vector<16xi32>, vector<16xi32>], vector<16xf32>,
      %add3A_403 = arith.constant 3 : i32
      %add3A_404 = vector.broadcast %add3A_403 : i32 to vector<16xi32>
      %add3A_405 = arith.addi %broadcast_in_dim3A_235, %add3A_404 : vector<16xi32>
      tpu.vector_store_idx %arg18[%add3A_396, %add3A_405], %add3A_393 : memref<80x16xf32, #tpu.memory_space<vmem>>[vector<16xi32>, vector<16xi32>], vector<16xf32>,
      %dma_wait3A_406 = arith.constant 0 : i32
      %dma_wait3A_407 = arith.constant 0 : i32
      %dma_wait3A_408 = tpu.memref_slice %arg16[%scan3A_24, %dma_wait3A_406, %dma_wait3A_407] : memref<2x80x128xf32, #tpu.memory_space<vmem>> -> memref<1x80x128xf32, #tpu.memory_space<vmem>>
      %dma_wait3A_409 = tpu.memref_squeeze %dma_wait3A_408 : memref<1x80x128xf32, #tpu.memory_space<vmem>> -> memref<80x128xf32, #tpu.memory_space<vmem>>
      %dma_wait3A_410 = arith.constant 0 : i32
      %dma_wait3A_411 = tpu.memref_slice %arg11[%dma_wait3A_410] : memref<10000xi32, #tpu.memory_space<vmem>> -> memref<80xi32, #tpu.memory_space<vmem>>
      %dma_wait3A_412 = arith.constant 0 : i32
      %dma_wait3A_413 = arith.constant 0 : i32
      %dma_wait3A_414 = tpu.memref_slice %arg2[%dma_wait3A_412, %dma_wait3A_413] : memref<10000x128xf32, #tpu.memory_space<hbm>> -> memref<10000x128xf32, #tpu.memory_space<hbm>>
      tpu.wait_indirect_dma semaphore(%arg19 : memref<!tpu.dma_semaphore, #tpu.memory_space<semaphore_mem>>) src(%dma_wait3A_414 : memref<10000x128xf32, #tpu.memory_space<hbm>>) dst(%dma_wait3A_409 : memref<80x128xf32, #tpu.memory_space<vmem>>)
      %dma_wait3A_415 = arith.constant 0 : i32
      %dma_wait3A_416 = arith.constant 0 : i32
      %dma_wait3A_417 = tpu.memref_slice %arg17[%scan3A_25, %dma_wait3A_415, %dma_wait3A_416] : memref<2x80x128xf32, #tpu.memory_space<vmem>> -> memref<1x80x128xf32, #tpu.memory_space<vmem>>
      %dma_wait3A_418 = tpu.memref_squeeze %dma_wait3A_417 : memref<1x80x128xf32, #tpu.memory_space<vmem>> -> memref<80x128xf32, #tpu.memory_space<vmem>>
      %dma_wait3A_419 = arith.constant 0 : i32
      %dma_wait3A_420 = tpu.memref_slice %arg12[%dma_wait3A_419] : memref<10000xi32, #tpu.memory_space<vmem>> -> memref<80xi32, #tpu.memory_space<vmem>>
      %dma_wait3A_421 = arith.constant 0 : i32
      %dma_wait3A_422 = arith.constant 0 : i32
      %dma_wait3A_423 = tpu.memref_slice %arg3[%dma_wait3A_421, %dma_wait3A_422] : memref<10000x128xf32, #tpu.memory_space<hbm>> -> memref<10000x128xf32, #tpu.memory_space<hbm>>
      tpu.wait_indirect_dma semaphore(%arg20 : memref<!tpu.dma_semaphore, #tpu.memory_space<semaphore_mem>>) src(%dma_wait3A_423 : memref<10000x128xf32, #tpu.memory_space<hbm>>) dst(%dma_wait3A_418 : memref<80x128xf32, #tpu.memory_space<vmem>>)
      %scan3A_424 = arith.constant 0 : i32
      %scan3A_425 = arith.constant 0 : i32
      %scan3A_426 = arith.constant 80 : i32
      %scan3A_427 = arith.addi %scan3A_425, %scan3A_426 : i32
      %scan3A_428 = arith.constant 1 : i32
      scf.for %scan3A_659 = %scan3A_425 to %scan3A_427 step %scan3A_428  : i32 {
        %get3A_660 = arith.constant 0 : i32
        %get3A_661 = arith.constant 0 : i32
        %get3A_662 = tpu.memref_slice %arg16[%scan3A_24, %get3A_660, %get3A_661] : memref<2x80x128xf32, #tpu.memory_space<vmem>> -> memref<1x80x128xf32, #tpu.memory_space<vmem>>
        %get3A_663 = tpu.memref_squeeze %get3A_662 : memref<1x80x128xf32, #tpu.memory_space<vmem>> -> memref<80x128xf32, #tpu.memory_space<vmem>>
        %get3A_664 = arith.index_cast %scan3A_659 : i32 to index
        %get3A_665 = arith.constant 0 : index
        %get3A_666 = tpu.vector_load %get3A_663[%get3A_664, %get3A_665] {strides = array<i32>} : memref<80x128xf32, #tpu.memory_space<vmem>>, vector<16xf32>,
        %get3A_667 = arith.constant 0 : i32
        %get3A_668 = arith.constant 0 : i32
        %get3A_669 = tpu.memref_slice %arg17[%scan3A_25, %get3A_667, %get3A_668] : memref<2x80x128xf32, #tpu.memory_space<vmem>> -> memref<1x80x128xf32, #tpu.memory_space<vmem>>
        %get3A_670 = tpu.memref_squeeze %get3A_669 : memref<1x80x128xf32, #tpu.memory_space<vmem>> -> memref<80x128xf32, #tpu.memory_space<vmem>>
        %get3A_671 = arith.index_cast %scan3A_659 : i32 to index
        %get3A_672 = arith.constant 0 : index
        %get3A_673 = tpu.vector_load %get3A_670[%get3A_671, %get3A_672] {strides = array<i32>} : memref<80x128xf32, #tpu.memory_space<vmem>>, vector<16xf32>,
        %add3A_674 = arith.addf %get3A_666, %get3A_673 : vector<16xf32>
        %swap3A = arith.constant 0 : i32
        %swap3A_675 = arith.constant 0 : i32
        %swap3A_676 = tpu.memref_slice %arg16[%scan3A_24, %swap3A, %swap3A_675] : memref<2x80x128xf32, #tpu.memory_space<vmem>> -> memref<1x80x128xf32, #tpu.memory_space<vmem>>
        %swap3A_677 = tpu.memref_squeeze %swap3A_676 : memref<1x80x128xf32, #tpu.memory_space<vmem>> -> memref<80x128xf32, #tpu.memory_space<vmem>>
        %swap3A_678 = arith.index_cast %scan3A_659 : i32 to index
        %swap3A_679 = arith.constant 0 : index
        %swap3A_680 = tpu.vector_load %swap3A_677[%swap3A_678, %swap3A_679] {strides = array<i32>} : memref<80x128xf32, #tpu.memory_space<vmem>>, vector<16xf32>,
        tpu.vector_store %swap3A_677[%swap3A_678, %swap3A_679], %add3A_674 {strides = array<i32>} : memref<80x128xf32, #tpu.memory_space<vmem>>, vector<16xf32>,
        %get3A_681 = arith.constant 0 : i32
        %get3A_682 = arith.constant 0 : i32
        %get3A_683 = tpu.memref_slice %arg16[%scan3A_24, %get3A_681, %get3A_682] : memref<2x80x128xf32, #tpu.memory_space<vmem>> -> memref<1x80x128xf32, #tpu.memory_space<vmem>>
        %get3A_684 = tpu.memref_squeeze %get3A_683 : memref<1x80x128xf32, #tpu.memory_space<vmem>> -> memref<80x128xf32, #tpu.memory_space<vmem>>
        %get3A_685 = arith.index_cast %scan3A_659 : i32 to index
        %get3A_686 = arith.constant 16 : index
        %get3A_687 = tpu.vector_load %get3A_684[%get3A_685, %get3A_686] {strides = array<i32>} : memref<80x128xf32, #tpu.memory_space<vmem>>, vector<16xf32>,
        %get3A_688 = arith.constant 0 : i32
        %get3A_689 = arith.constant 0 : i32
        %get3A_690 = tpu.memref_slice %arg17[%scan3A_25, %get3A_688, %get3A_689] : memref<2x80x128xf32, #tpu.memory_space<vmem>> -> memref<1x80x128xf32, #tpu.memory_space<vmem>>
        %get3A_691 = tpu.memref_squeeze %get3A_690 : memref<1x80x128xf32, #tpu.memory_space<vmem>> -> memref<80x128xf32, #tpu.memory_space<vmem>>
        %get3A_692 = arith.index_cast %scan3A_659 : i32 to index
        %get3A_693 = arith.constant 16 : index
        %get3A_694 = tpu.vector_load %get3A_691[%get3A_692, %get3A_693] {strides = array<i32>} : memref<80x128xf32, #tpu.memory_space<vmem>>, vector<16xf32>,
        %add3A_695 = arith.addf %get3A_687, %get3A_694 : vector<16xf32>
        %swap3A_696 = arith.constant 0 : i32
        %swap3A_697 = arith.constant 0 : i32
        %swap3A_698 = tpu.memref_slice %arg16[%scan3A_24, %swap3A_696, %swap3A_697] : memref<2x80x128xf32, #tpu.memory_space<vmem>> -> memref<1x80x128xf32, #tpu.memory_space<vmem>>
        %swap3A_699 = tpu.memref_squeeze %swap3A_698 : memref<1x80x128xf32, #tpu.memory_space<vmem>> -> memref<80x128xf32, #tpu.memory_space<vmem>>
        %swap3A_700 = arith.index_cast %scan3A_659 : i32 to index
        %swap3A_701 = arith.constant 16 : index
        %swap3A_702 = tpu.vector_load %swap3A_699[%swap3A_700, %swap3A_701] {strides = array<i32>} : memref<80x128xf32, #tpu.memory_space<vmem>>, vector<16xf32>,
        tpu.vector_store %swap3A_699[%swap3A_700, %swap3A_701], %add3A_695 {strides = array<i32>} : memref<80x128xf32, #tpu.memory_space<vmem>>, vector<16xf32>,
        %get3A_703 = arith.constant 0 : i32
        %get3A_704 = arith.constant 0 : i32
        %get3A_705 = tpu.memref_slice %arg16[%scan3A_24, %get3A_703, %get3A_704] : memref<2x80x128xf32, #tpu.memory_space<vmem>> -> memref<1x80x128xf32, #tpu.memory_space<vmem>>
        %get3A_706 = tpu.memref_squeeze %get3A_705 : memref<1x80x128xf32, #tpu.memory_space<vmem>> -> memref<80x128xf32, #tpu.memory_space<vmem>>
        %get3A_707 = arith.index_cast %scan3A_659 : i32 to index
        %get3A_708 = arith.constant 32 : index
        %get3A_709 = tpu.vector_load %get3A_706[%get3A_707, %get3A_708] {strides = array<i32>} : memref<80x128xf32, #tpu.memory_space<vmem>>, vector<16xf32>,
        %get3A_710 = arith.constant 0 : i32
        %get3A_711 = arith.constant 0 : i32
        %get3A_712 = tpu.memref_slice %arg17[%scan3A_25, %get3A_710, %get3A_711] : memref<2x80x128xf32, #tpu.memory_space<vmem>> -> memref<1x80x128xf32, #tpu.memory_space<vmem>>
        %get3A_713 = tpu.memref_squeeze %get3A_712 : memref<1x80x128xf32, #tpu.memory_space<vmem>> -> memref<80x128xf32, #tpu.memory_space<vmem>>
        %get3A_714 = arith.index_cast %scan3A_659 : i32 to index
        %get3A_715 = arith.constant 32 : index
        %get3A_716 = tpu.vector_load %get3A_713[%get3A_714, %get3A_715] {strides = array<i32>} : memref<80x128xf32, #tpu.memory_space<vmem>>, vector<16xf32>,
        %add3A_717 = arith.addf %get3A_709, %get3A_716 : vector<16xf32>
        %swap3A_718 = arith.constant 0 : i32
        %swap3A_719 = arith.constant 0 : i32
        %swap3A_720 = tpu.memref_slice %arg16[%scan3A_24, %swap3A_718, %swap3A_719] : memref<2x80x128xf32, #tpu.memory_space<vmem>> -> memref<1x80x128xf32, #tpu.memory_space<vmem>>
        %swap3A_721 = tpu.memref_squeeze %swap3A_720 : memref<1x80x128xf32, #tpu.memory_space<vmem>> -> memref<80x128xf32, #tpu.memory_space<vmem>>
        %swap3A_722 = arith.index_cast %scan3A_659 : i32 to index
        %swap3A_723 = arith.constant 32 : index
        %swap3A_724 = tpu.vector_load %swap3A_721[%swap3A_722, %swap3A_723] {strides = array<i32>} : memref<80x128xf32, #tpu.memory_space<vmem>>, vector<16xf32>,
        tpu.vector_store %swap3A_721[%swap3A_722, %swap3A_723], %add3A_717 {strides = array<i32>} : memref<80x128xf32, #tpu.memory_space<vmem>>, vector<16xf32>,
        %get3A_725 = arith.constant 0 : i32
        %get3A_726 = arith.constant 0 : i32
        %get3A_727 = tpu.memref_slice %arg16[%scan3A_24, %get3A_725, %get3A_726] : memref<2x80x128xf32, #tpu.memory_space<vmem>> -> memref<1x80x128xf32, #tpu.memory_space<vmem>>
        %get3A_728 = tpu.memref_squeeze %get3A_727 : memref<1x80x128xf32, #tpu.memory_space<vmem>> -> memref<80x128xf32, #tpu.memory_space<vmem>>
        %get3A_729 = arith.index_cast %scan3A_659 : i32 to index
        %get3A_730 = arith.constant 48 : index
        %get3A_731 = tpu.vector_load %get3A_728[%get3A_729, %get3A_730] {strides = array<i32>} : memref<80x128xf32, #tpu.memory_space<vmem>>, vector<16xf32>,
        %get3A_732 = arith.constant 0 : i32
        %get3A_733 = arith.constant 0 : i32
        %get3A_734 = tpu.memref_slice %arg17[%scan3A_25, %get3A_732, %get3A_733] : memref<2x80x128xf32, #tpu.memory_space<vmem>> -> memref<1x80x128xf32, #tpu.memory_space<vmem>>
        %get3A_735 = tpu.memref_squeeze %get3A_734 : memref<1x80x128xf32, #tpu.memory_space<vmem>> -> memref<80x128xf32, #tpu.memory_space<vmem>>
        %get3A_736 = arith.index_cast %scan3A_659 : i32 to index
        %get3A_737 = arith.constant 48 : index
        %get3A_738 = tpu.vector_load %get3A_735[%get3A_736, %get3A_737] {strides = array<i32>} : memref<80x128xf32, #tpu.memory_space<vmem>>, vector<16xf32>,
        %add3A_739 = arith.addf %get3A_731, %get3A_738 : vector<16xf32>
        %swap3A_740 = arith.constant 0 : i32
        %swap3A_741 = arith.constant 0 : i32
        %swap3A_742 = tpu.memref_slice %arg16[%scan3A_24, %swap3A_740, %swap3A_741] : memref<2x80x128xf32, #tpu.memory_space<vmem>> -> memref<1x80x128xf32, #tpu.memory_space<vmem>>
        %swap3A_743 = tpu.memref_squeeze %swap3A_742 : memref<1x80x128xf32, #tpu.memory_space<vmem>> -> memref<80x128xf32, #tpu.memory_space<vmem>>
        %swap3A_744 = arith.index_cast %scan3A_659 : i32 to index
        %swap3A_745 = arith.constant 48 : index
        %swap3A_746 = tpu.vector_load %swap3A_743[%swap3A_744, %swap3A_745] {strides = array<i32>} : memref<80x128xf32, #tpu.memory_space<vmem>>, vector<16xf32>,
        tpu.vector_store %swap3A_743[%swap3A_744, %swap3A_745], %add3A_739 {strides = array<i32>} : memref<80x128xf32, #tpu.memory_space<vmem>>, vector<16xf32>,
        %get3A_747 = arith.constant 0 : i32
        %get3A_748 = arith.constant 0 : i32
        %get3A_749 = tpu.memref_slice %arg16[%scan3A_24, %get3A_747, %get3A_748] : memref<2x80x128xf32, #tpu.memory_space<vmem>> -> memref<1x80x128xf32, #tpu.memory_space<vmem>>
        %get3A_750 = tpu.memref_squeeze %get3A_749 : memref<1x80x128xf32, #tpu.memory_space<vmem>> -> memref<80x128xf32, #tpu.memory_space<vmem>>
        %get3A_751 = arith.index_cast %scan3A_659 : i32 to index
        %get3A_752 = arith.constant 64 : index
        %get3A_753 = tpu.vector_load %get3A_750[%get3A_751, %get3A_752] {strides = array<i32>} : memref<80x128xf32, #tpu.memory_space<vmem>>, vector<16xf32>,
        %get3A_754 = arith.constant 0 : i32
        %get3A_755 = arith.constant 0 : i32
        %get3A_756 = tpu.memref_slice %arg17[%scan3A_25, %get3A_754, %get3A_755] : memref<2x80x128xf32, #tpu.memory_space<vmem>> -> memref<1x80x128xf32, #tpu.memory_space<vmem>>
        %get3A_757 = tpu.memref_squeeze %get3A_756 : memref<1x80x128xf32, #tpu.memory_space<vmem>> -> memref<80x128xf32, #tpu.memory_space<vmem>>
        %get3A_758 = arith.index_cast %scan3A_659 : i32 to index
        %get3A_759 = arith.constant 64 : index
        %get3A_760 = tpu.vector_load %get3A_757[%get3A_758, %get3A_759] {strides = array<i32>} : memref<80x128xf32, #tpu.memory_space<vmem>>, vector<16xf32>,
        %add3A_761 = arith.addf %get3A_753, %get3A_760 : vector<16xf32>
        %swap3A_762 = arith.constant 0 : i32
        %swap3A_763 = arith.constant 0 : i32
        %swap3A_764 = tpu.memref_slice %arg16[%scan3A_24, %swap3A_762, %swap3A_763] : memref<2x80x128xf32, #tpu.memory_space<vmem>> -> memref<1x80x128xf32, #tpu.memory_space<vmem>>
        %swap3A_765 = tpu.memref_squeeze %swap3A_764 : memref<1x80x128xf32, #tpu.memory_space<vmem>> -> memref<80x128xf32, #tpu.memory_space<vmem>>
        %swap3A_766 = arith.index_cast %scan3A_659 : i32 to index
        %swap3A_767 = arith.constant 64 : index
        %swap3A_768 = tpu.vector_load %swap3A_765[%swap3A_766, %swap3A_767] {strides = array<i32>} : memref<80x128xf32, #tpu.memory_space<vmem>>, vector<16xf32>,
        tpu.vector_store %swap3A_765[%swap3A_766, %swap3A_767], %add3A_761 {strides = array<i32>} : memref<80x128xf32, #tpu.memory_space<vmem>>, vector<16xf32>,
        %get3A_769 = arith.constant 0 : i32
        %get3A_770 = arith.constant 0 : i32
        %get3A_771 = tpu.memref_slice %arg16[%scan3A_24, %get3A_769, %get3A_770] : memref<2x80x128xf32, #tpu.memory_space<vmem>> -> memref<1x80x128xf32, #tpu.memory_space<vmem>>
        %get3A_772 = tpu.memref_squeeze %get3A_771 : memref<1x80x128xf32, #tpu.memory_space<vmem>> -> memref<80x128xf32, #tpu.memory_space<vmem>>
        %get3A_773 = arith.index_cast %scan3A_659 : i32 to index
        %get3A_774 = arith.constant 80 : index
        %get3A_775 = tpu.vector_load %get3A_772[%get3A_773, %get3A_774] {strides = array<i32>} : memref<80x128xf32, #tpu.memory_space<vmem>>, vector<16xf32>,
        %get3A_776 = arith.constant 0 : i32
        %get3A_777 = arith.constant 0 : i32
        %get3A_778 = tpu.memref_slice %arg17[%scan3A_25, %get3A_776, %get3A_777] : memref<2x80x128xf32, #tpu.memory_space<vmem>> -> memref<1x80x128xf32, #tpu.memory_space<vmem>>
        %get3A_779 = tpu.memref_squeeze %get3A_778 : memref<1x80x128xf32, #tpu.memory_space<vmem>> -> memref<80x128xf32, #tpu.memory_space<vmem>>
        %get3A_780 = arith.index_cast %scan3A_659 : i32 to index
        %get3A_781 = arith.constant 80 : index
        %get3A_782 = tpu.vector_load %get3A_779[%get3A_780, %get3A_781] {strides = array<i32>} : memref<80x128xf32, #tpu.memory_space<vmem>>, vector<16xf32>,
        %add3A_783 = arith.addf %get3A_775, %get3A_782 : vector<16xf32>
        %swap3A_784 = arith.constant 0 : i32
        %swap3A_785 = arith.constant 0 : i32
        %swap3A_786 = tpu.memref_slice %arg16[%scan3A_24, %swap3A_784, %swap3A_785] : memref<2x80x128xf32, #tpu.memory_space<vmem>> -> memref<1x80x128xf32, #tpu.memory_space<vmem>>
        %swap3A_787 = tpu.memref_squeeze %swap3A_786 : memref<1x80x128xf32, #tpu.memory_space<vmem>> -> memref<80x128xf32, #tpu.memory_space<vmem>>
        %swap3A_788 = arith.index_cast %scan3A_659 : i32 to index
        %swap3A_789 = arith.constant 80 : index
        %swap3A_790 = tpu.vector_load %swap3A_787[%swap3A_788, %swap3A_789] {strides = array<i32>} : memref<80x128xf32, #tpu.memory_space<vmem>>, vector<16xf32>,
        tpu.vector_store %swap3A_787[%swap3A_788, %swap3A_789], %add3A_783 {strides = array<i32>} : memref<80x128xf32, #tpu.memory_space<vmem>>, vector<16xf32>,
        %get3A_791 = arith.constant 0 : i32
        %get3A_792 = arith.constant 0 : i32
        %get3A_793 = tpu.memref_slice %arg16[%scan3A_24, %get3A_791, %get3A_792] : memref<2x80x128xf32, #tpu.memory_space<vmem>> -> memref<1x80x128xf32, #tpu.memory_space<vmem>>
        %get3A_794 = tpu.memref_squeeze %get3A_793 : memref<1x80x128xf32, #tpu.memory_space<vmem>> -> memref<80x128xf32, #tpu.memory_space<vmem>>
        %get3A_795 = arith.index_cast %scan3A_659 : i32 to index
        %get3A_796 = arith.constant 96 : index
        %get3A_797 = tpu.vector_load %get3A_794[%get3A_795, %get3A_796] {strides = array<i32>} : memref<80x128xf32, #tpu.memory_space<vmem>>, vector<16xf32>,
        %get3A_798 = arith.constant 0 : i32
        %get3A_799 = arith.constant 0 : i32
        %get3A_800 = tpu.memref_slice %arg17[%scan3A_25, %get3A_798, %get3A_799] : memref<2x80x128xf32, #tpu.memory_space<vmem>> -> memref<1x80x128xf32, #tpu.memory_space<vmem>>
        %get3A_801 = tpu.memref_squeeze %get3A_800 : memref<1x80x128xf32, #tpu.memory_space<vmem>> -> memref<80x128xf32, #tpu.memory_space<vmem>>
        %get3A_802 = arith.index_cast %scan3A_659 : i32 to index
        %get3A_803 = arith.constant 96 : index
        %get3A_804 = tpu.vector_load %get3A_801[%get3A_802, %get3A_803] {strides = array<i32>} : memref<80x128xf32, #tpu.memory_space<vmem>>, vector<16xf32>,
        %add3A_805 = arith.addf %get3A_797, %get3A_804 : vector<16xf32>
        %swap3A_806 = arith.constant 0 : i32
        %swap3A_807 = arith.constant 0 : i32
        %swap3A_808 = tpu.memref_slice %arg16[%scan3A_24, %swap3A_806, %swap3A_807] : memref<2x80x128xf32, #tpu.memory_space<vmem>> -> memref<1x80x128xf32, #tpu.memory_space<vmem>>
        %swap3A_809 = tpu.memref_squeeze %swap3A_808 : memref<1x80x128xf32, #tpu.memory_space<vmem>> -> memref<80x128xf32, #tpu.memory_space<vmem>>
        %swap3A_810 = arith.index_cast %scan3A_659 : i32 to index
        %swap3A_811 = arith.constant 96 : index
        %swap3A_812 = tpu.vector_load %swap3A_809[%swap3A_810, %swap3A_811] {strides = array<i32>} : memref<80x128xf32, #tpu.memory_space<vmem>>, vector<16xf32>,
        tpu.vector_store %swap3A_809[%swap3A_810, %swap3A_811], %add3A_805 {strides = array<i32>} : memref<80x128xf32, #tpu.memory_space<vmem>>, vector<16xf32>,
        %get3A_813 = arith.constant 0 : i32
        %get3A_814 = arith.constant 0 : i32
        %get3A_815 = tpu.memref_slice %arg16[%scan3A_24, %get3A_813, %get3A_814] : memref<2x80x128xf32, #tpu.memory_space<vmem>> -> memref<1x80x128xf32, #tpu.memory_space<vmem>>
        %get3A_816 = tpu.memref_squeeze %get3A_815 : memref<1x80x128xf32, #tpu.memory_space<vmem>> -> memref<80x128xf32, #tpu.memory_space<vmem>>
        %get3A_817 = arith.index_cast %scan3A_659 : i32 to index
        %get3A_818 = arith.constant 112 : index
        %get3A_819 = tpu.vector_load %get3A_816[%get3A_817, %get3A_818] {strides = array<i32>} : memref<80x128xf32, #tpu.memory_space<vmem>>, vector<16xf32>,
        %get3A_820 = arith.constant 0 : i32
        %get3A_821 = arith.constant 0 : i32
        %get3A_822 = tpu.memref_slice %arg17[%scan3A_25, %get3A_820, %get3A_821] : memref<2x80x128xf32, #tpu.memory_space<vmem>> -> memref<1x80x128xf32, #tpu.memory_space<vmem>>
        %get3A_823 = tpu.memref_squeeze %get3A_822 : memref<1x80x128xf32, #tpu.memory_space<vmem>> -> memref<80x128xf32, #tpu.memory_space<vmem>>
        %get3A_824 = arith.index_cast %scan3A_659 : i32 to index
        %get3A_825 = arith.constant 112 : index
        %get3A_826 = tpu.vector_load %get3A_823[%get3A_824, %get3A_825] {strides = array<i32>} : memref<80x128xf32, #tpu.memory_space<vmem>>, vector<16xf32>,
        %add3A_827 = arith.addf %get3A_819, %get3A_826 : vector<16xf32>
        %swap3A_828 = arith.constant 0 : i32
        %swap3A_829 = arith.constant 0 : i32
        %swap3A_830 = tpu.memref_slice %arg16[%scan3A_24, %swap3A_828, %swap3A_829] : memref<2x80x128xf32, #tpu.memory_space<vmem>> -> memref<1x80x128xf32, #tpu.memory_space<vmem>>
        %swap3A_831 = tpu.memref_squeeze %swap3A_830 : memref<1x80x128xf32, #tpu.memory_space<vmem>> -> memref<80x128xf32, #tpu.memory_space<vmem>>
        %swap3A_832 = arith.index_cast %scan3A_659 : i32 to index
        %swap3A_833 = arith.constant 112 : index
        %swap3A_834 = tpu.vector_load %swap3A_831[%swap3A_832, %swap3A_833] {strides = array<i32>} : memref<80x128xf32, #tpu.memory_space<vmem>>, vector<16xf32>,
        tpu.vector_store %swap3A_831[%swap3A_832, %swap3A_833], %add3A_827 {strides = array<i32>} : memref<80x128xf32, #tpu.memory_space<vmem>>, vector<16xf32>,
      }
      %scan3A_429 = arith.constant 80 : i32
      %mul3A_430 = arith.constant 80 : i32
      %mul3A_431 = arith.muli %mul3A_210, %mul3A_430 : i32
      %add3A_432 = arith.addi %mul3A_2, %mul3A_431 : i32
      "tpu.region"() ({
        %run_scoped3A_659 = tpu.sem_alloc : memref<!tpu.dma_semaphore, #tpu.memory_space<semaphore_mem>>
        %dma_start3A_660 = arith.constant 0 : i32
        %dma_start3A_661 = arith.constant 0 : i32
        %dma_start3A_662 = tpu.memref_slice %arg16[%scan3A_24, %dma_start3A_660, %dma_start3A_661] : memref<2x80x128xf32, #tpu.memory_space<vmem>> -> memref<1x80x128xf32, #tpu.memory_space<vmem>>
        %dma_start3A_663 = tpu.memref_squeeze %dma_start3A_662 : memref<1x80x128xf32, #tpu.memory_space<vmem>> -> memref<80x128xf32, #tpu.memory_space<vmem>>
        %dma_start3A_664 = arith.constant 0 : i32
        %dma_start3A_665 = tpu.memref_slice %arg9[%add3A_432, %dma_start3A_664] : memref<320000x128xf32, #tpu.memory_space<hbm>> -> memref<80x128xf32, #tpu.memory_space<hbm>>
        %dma_start3A_666 = arith.constant 0 : i32
        %dma_start3A_667 = tpu.memref_slice %arg9[%add3A_432, %dma_start3A_666] : memref<320000x128xf32, #tpu.memory_space<hbm>> -> memref<80x128xf32, #tpu.memory_space<hbm>>
        %dma_start3A_668 = arith.constant 0 : i32
        %dma_start3A_669 = arith.constant 0 : i32
        %dma_start3A_670 = tpu.memref_slice %arg16[%scan3A_24, %dma_start3A_668, %dma_start3A_669] : memref<2x80x128xf32, #tpu.memory_space<vmem>> -> memref<1x80x128xf32, #tpu.memory_space<vmem>>
        %dma_start3A_671 = tpu.memref_squeeze %dma_start3A_670 : memref<1x80x128xf32, #tpu.memory_space<vmem>> -> memref<80x128xf32, #tpu.memory_space<vmem>>
        tpu.enqueue_dma source(%dma_start3A_671 : memref<80x128xf32, #tpu.memory_space<vmem>>) target(%dma_start3A_667 : memref<80x128xf32, #tpu.memory_space<hbm>>) target_semaphore(%run_scoped3A_659 : memref<!tpu.dma_semaphore, #tpu.memory_space<semaphore_mem>>)
        %dma_wait3A_672 = arith.constant 0 : i32
        %dma_wait3A_673 = arith.constant 0 : i32
        %dma_wait3A_674 = tpu.memref_slice %arg16[%scan3A_24, %dma_wait3A_672, %dma_wait3A_673] : memref<2x80x128xf32, #tpu.memory_space<vmem>> -> memref<1x80x128xf32, #tpu.memory_space<vmem>>
        %dma_wait3A_675 = tpu.memref_squeeze %dma_wait3A_674 : memref<1x80x128xf32, #tpu.memory_space<vmem>> -> memref<80x128xf32, #tpu.memory_space<vmem>>
        %dma_wait3A_676 = arith.constant 0 : i32
        %dma_wait3A_677 = tpu.memref_slice %arg9[%add3A_432, %dma_wait3A_676] : memref<320000x128xf32, #tpu.memory_space<hbm>> -> memref<80x128xf32, #tpu.memory_space<hbm>>
        %dma_wait3A_678 = arith.constant 0 : i32
        %dma_wait3A_679 = tpu.memref_slice %arg9[%add3A_432, %dma_wait3A_678] : memref<320000x128xf32, #tpu.memory_space<hbm>> -> memref<80x128xf32, #tpu.memory_space<hbm>>
        %dma_wait3A_680 = arith.constant 0 : i32
        %dma_wait3A_681 = arith.constant 0 : i32
        %dma_wait3A_682 = tpu.memref_slice %arg16[%scan3A_24, %dma_wait3A_680, %dma_wait3A_681] : memref<2x80x128xf32, #tpu.memory_space<vmem>> -> memref<1x80x128xf32, #tpu.memory_space<vmem>>
        %dma_wait3A_683 = tpu.memref_squeeze %dma_wait3A_682 : memref<1x80x128xf32, #tpu.memory_space<vmem>> -> memref<80x128xf32, #tpu.memory_space<vmem>>
        tpu.wait_dma2 semaphore(%run_scoped3A_659 : memref<!tpu.dma_semaphore, #tpu.memory_space<semaphore_mem>>) src(%dma_wait3A_683 : memref<80x128xf32, #tpu.memory_space<vmem>>) dst(%dma_wait3A_679 : memref<80x128xf32, #tpu.memory_space<hbm>>)
        tpu.yield
      }) : () -> ()
      "tpu.region"() ({
        %run_scoped3A_659 = tpu.sem_alloc : memref<!tpu.dma_semaphore, #tpu.memory_space<semaphore_mem>>
        %dma_start3A_660 = arith.constant 0 : i32
        %dma_start3A_661 = tpu.memref_slice %arg10[%add3A_432, %dma_start3A_660] : memref<320000x16xf32, #tpu.memory_space<hbm>> -> memref<80x16xf32, #tpu.memory_space<hbm>>
        %dma_start3A_662 = arith.constant 0 : i32
        %dma_start3A_663 = tpu.memref_slice %arg10[%add3A_432, %dma_start3A_662] : memref<320000x16xf32, #tpu.memory_space<hbm>> -> memref<80x16xf32, #tpu.memory_space<hbm>>
        tpu.enqueue_dma source(%arg18 : memref<80x16xf32, #tpu.memory_space<vmem>>) target(%dma_start3A_663 : memref<80x16xf32, #tpu.memory_space<hbm>>) target_semaphore(%run_scoped3A_659 : memref<!tpu.dma_semaphore, #tpu.memory_space<semaphore_mem>>)
        %dma_wait3A_664 = arith.constant 0 : i32
        %dma_wait3A_665 = tpu.memref_slice %arg10[%add3A_432, %dma_wait3A_664] : memref<320000x16xf32, #tpu.memory_space<hbm>> -> memref<80x16xf32, #tpu.memory_space<hbm>>
        %dma_wait3A_666 = arith.constant 0 : i32
        %dma_wait3A_667 = tpu.memref_slice %arg10[%add3A_432, %dma_wait3A_666] : memref<320000x16xf32, #tpu.memory_space<hbm>> -> memref<80x16xf32, #tpu.memory_space<hbm>>
        tpu.wait_dma2 semaphore(%run_scoped3A_659 : memref<!tpu.dma_semaphore, #tpu.memory_space<semaphore_mem>>) src(%arg18 : memref<80x16xf32, #tpu.memory_space<vmem>>) dst(%dma_wait3A_667 : memref<80x16xf32, #tpu.memory_space<hbm>>)
        tpu.yield
      }) : () -> ()
      %add3A_433 = arith.constant 2 : i32
      %add3A_434 = arith.addi %mul3A_210, %add3A_433 : i32
      %mul3A_435 = arith.constant 80 : i32
      %mul3A_436 = arith.muli %add3A_434, %mul3A_435 : i32
      %dma_start3A_437 = arith.constant 0 : i32
      %dma_start3A_438 = arith.constant 0 : i32
      %dma_start3A_439 = tpu.memref_slice %arg16[%scan3A_24, %dma_start3A_437, %dma_start3A_438] : memref<2x80x128xf32, #tpu.memory_space<vmem>> -> memref<1x80x128xf32, #tpu.memory_space<vmem>>
      %dma_start3A_440 = tpu.memref_squeeze %dma_start3A_439 : memref<1x80x128xf32, #tpu.memory_space<vmem>> -> memref<80x128xf32, #tpu.memory_space<vmem>>
      %dma_start3A_441 = tpu.memref_slice %arg11[%mul3A_436] : memref<10000xi32, #tpu.memory_space<vmem>> -> memref<80xi32, #tpu.memory_space<vmem>>
      %dma_start3A_442 = arith.constant 0 : i32
      %dma_start3A_443 = arith.constant 0 : i32
      %dma_start3A_444 = tpu.memref_slice %arg2[%dma_start3A_442, %dma_start3A_443] : memref<10000x128xf32, #tpu.memory_space<hbm>> -> memref<10000x128xf32, #tpu.memory_space<hbm>>
      tpu.enqueue_indirect_dma source(%dma_start3A_444 : memref<10000x128xf32, #tpu.memory_space<hbm>>) target(%dma_start3A_440 : memref<80x128xf32, #tpu.memory_space<vmem>>) offsets(%dma_start3A_441 : memref<80xi32, #tpu.memory_space<vmem>>) semaphore(%arg19 : memref<!tpu.dma_semaphore, #tpu.memory_space<semaphore_mem>>)
      %mul3A_445 = arith.constant 80 : i32
      %mul3A_446 = arith.muli %add3A_434, %mul3A_445 : i32
      %dma_start3A_447 = arith.constant 0 : i32
      %dma_start3A_448 = arith.constant 0 : i32
      %dma_start3A_449 = tpu.memref_slice %arg17[%scan3A_25, %dma_start3A_447, %dma_start3A_448] : memref<2x80x128xf32, #tpu.memory_space<vmem>> -> memref<1x80x128xf32, #tpu.memory_space<vmem>>
      %dma_start3A_450 = tpu.memref_squeeze %dma_start3A_449 : memref<1x80x128xf32, #tpu.memory_space<vmem>> -> memref<80x128xf32, #tpu.memory_space<vmem>>
      %dma_start3A_451 = tpu.memref_slice %arg12[%mul3A_446] : memref<10000xi32, #tpu.memory_space<vmem>> -> memref<80xi32, #tpu.memory_space<vmem>>
      %dma_start3A_452 = arith.constant 0 : i32
      %dma_start3A_453 = arith.constant 0 : i32
      %dma_start3A_454 = tpu.memref_slice %arg3[%dma_start3A_452, %dma_start3A_453] : memref<10000x128xf32, #tpu.memory_space<hbm>> -> memref<10000x128xf32, #tpu.memory_space<hbm>>
      tpu.enqueue_indirect_dma source(%dma_start3A_454 : memref<10000x128xf32, #tpu.memory_space<hbm>>) target(%dma_start3A_450 : memref<80x128xf32, #tpu.memory_space<vmem>>) offsets(%dma_start3A_451 : memref<80xi32, #tpu.memory_space<vmem>>) semaphore(%arg20 : memref<!tpu.dma_semaphore, #tpu.memory_space<semaphore_mem>>)
      %add3A_455 = arith.constant 1 : i32
      %add3A_456 = arith.addi %mul3A_210, %add3A_455 : i32
      %iota3A_457 = tpu.iota {dimensions = array<i32: 0>} : vector<16xi32>
      %broadcast_in_dim3A_458 = arith.constant 0 : i32
      %broadcast_in_dim3A_459 = vector.broadcast %broadcast_in_dim3A_458 : i32 to vector<16xi32>
      %mul3A_460 = arith.constant 80 : i32
      %mul3A_461 = arith.muli %add3A_456, %mul3A_460 : i32
      %add3A_462 = arith.constant 0 : i32
      %add3A_463 = arith.addi %mul3A_461, %add3A_462 : i32
      %get3A_464 = arith.index_cast %add3A_463 : i32 to index
      %get3A_465 = tpu.vector_load %arg11[%get3A_464] {strides = array<i32>} : memref<10000xi32, #tpu.memory_space<vmem>>, vector<16xi32>,
      %get3A_466 = arith.index_cast %add3A_463 : i32 to index
      %get3A_467 = tpu.vector_load %arg12[%get3A_466] {strides = array<i32>} : memref<10000xi32, #tpu.memory_space<vmem>>, vector<16xi32>,
      %gather3A_468 = tpu.vector_load_idx %arg13[%get3A_465] : memref<10000xf32, #tpu.memory_space<vmem>>[vector<16xi32>], vector<16xf32>,
      %gather3A_469 = tpu.vector_load_idx %arg13[%get3A_467] : memref<10000xf32, #tpu.memory_space<vmem>>[vector<16xi32>], vector<16xf32>,
      %sub3A_470 = arith.subf %gather3A_468, %gather3A_469 : vector<16xf32>
      %gather3A_471 = tpu.vector_load_idx %arg14[%get3A_465] : memref<10000xf32, #tpu.memory_space<vmem>>[vector<16xi32>], vector<16xf32>,
      %gather3A_472 = tpu.vector_load_idx %arg14[%get3A_467] : memref<10000xf32, #tpu.memory_space<vmem>>[vector<16xi32>], vector<16xf32>,
      %sub3A_473 = arith.subf %gather3A_471, %gather3A_472 : vector<16xf32>
      %gather3A_474 = tpu.vector_load_idx %arg15[%get3A_465] : memref<10000xf32, #tpu.memory_space<vmem>>[vector<16xi32>], vector<16xf32>,
      %gather3A_475 = tpu.vector_load_idx %arg15[%get3A_467] : memref<10000xf32, #tpu.memory_space<vmem>>[vector<16xi32>], vector<16xf32>,
      %sub3A_476 = arith.subf %gather3A_474, %gather3A_475 : vector<16xf32>
      %mul3A_477 = arith.mulf %sub3A_470, %sub3A_470 : vector<16xf32>
      %mul3A_478 = arith.mulf %sub3A_473, %sub3A_473 : vector<16xf32>
      %add3A_479 = arith.addf %mul3A_477, %mul3A_478 : vector<16xf32>
      %mul3A_480 = arith.mulf %sub3A_476, %sub3A_476 : vector<16xf32>
      %add3A_481 = arith.addf %add3A_479, %mul3A_480 : vector<16xf32>
      %add3A_482 = arith.constant 0 : i32
      %add3A_483 = vector.broadcast %add3A_482 : i32 to vector<16xi32>
      %add3A_484 = arith.addi %iota3A_457, %add3A_483 : vector<16xi32>
      tpu.vector_store_idx %arg18[%add3A_484, %broadcast_in_dim3A_459], %sub3A_470 : memref<80x16xf32, #tpu.memory_space<vmem>>[vector<16xi32>, vector<16xi32>], vector<16xf32>,
      %add3A_485 = arith.constant 1 : i32
      %add3A_486 = vector.broadcast %add3A_485 : i32 to vector<16xi32>
      %add3A_487 = arith.addi %broadcast_in_dim3A_459, %add3A_486 : vector<16xi32>
      tpu.vector_store_idx %arg18[%add3A_484, %add3A_487], %sub3A_473 : memref<80x16xf32, #tpu.memory_space<vmem>>[vector<16xi32>, vector<16xi32>], vector<16xf32>,
      %add3A_488 = arith.constant 2 : i32
      %add3A_489 = vector.broadcast %add3A_488 : i32 to vector<16xi32>
      %add3A_490 = arith.addi %broadcast_in_dim3A_459, %add3A_489 : vector<16xi32>
      tpu.vector_store_idx %arg18[%add3A_484, %add3A_490], %sub3A_476 : memref<80x16xf32, #tpu.memory_space<vmem>>[vector<16xi32>, vector<16xi32>], vector<16xf32>,
      %add3A_491 = arith.constant 3 : i32
      %add3A_492 = vector.broadcast %add3A_491 : i32 to vector<16xi32>
      %add3A_493 = arith.addi %broadcast_in_dim3A_459, %add3A_492 : vector<16xi32>
      tpu.vector_store_idx %arg18[%add3A_484, %add3A_493], %add3A_481 : memref<80x16xf32, #tpu.memory_space<vmem>>[vector<16xi32>, vector<16xi32>], vector<16xf32>,
      %mul3A_494 = arith.constant 80 : i32
      %mul3A_495 = arith.muli %add3A_456, %mul3A_494 : i32
      %add3A_496 = arith.constant 16 : i32
      %add3A_497 = arith.addi %mul3A_495, %add3A_496 : i32
      %get3A_498 = arith.index_cast %add3A_497 : i32 to index
      %get3A_499 = tpu.vector_load %arg11[%get3A_498] {strides = array<i32>} : memref<10000xi32, #tpu.memory_space<vmem>>, vector<16xi32>,
      %get3A_500 = arith.index_cast %add3A_497 : i32 to index
      %get3A_501 = tpu.vector_load %arg12[%get3A_500] {strides = array<i32>} : memref<10000xi32, #tpu.memory_space<vmem>>, vector<16xi32>,
      %gather3A_502 = tpu.vector_load_idx %arg13[%get3A_499] : memref<10000xf32, #tpu.memory_space<vmem>>[vector<16xi32>], vector<16xf32>,
      %gather3A_503 = tpu.vector_load_idx %arg13[%get3A_501] : memref<10000xf32, #tpu.memory_space<vmem>>[vector<16xi32>], vector<16xf32>,
      %sub3A_504 = arith.subf %gather3A_502, %gather3A_503 : vector<16xf32>
      %gather3A_505 = tpu.vector_load_idx %arg14[%get3A_499] : memref<10000xf32, #tpu.memory_space<vmem>>[vector<16xi32>], vector<16xf32>,
      %gather3A_506 = tpu.vector_load_idx %arg14[%get3A_501] : memref<10000xf32, #tpu.memory_space<vmem>>[vector<16xi32>], vector<16xf32>,
      %sub3A_507 = arith.subf %gather3A_505, %gather3A_506 : vector<16xf32>
      %gather3A_508 = tpu.vector_load_idx %arg15[%get3A_499] : memref<10000xf32, #tpu.memory_space<vmem>>[vector<16xi32>], vector<16xf32>,
      %gather3A_509 = tpu.vector_load_idx %arg15[%get3A_501] : memref<10000xf32, #tpu.memory_space<vmem>>[vector<16xi32>], vector<16xf32>,
      %sub3A_510 = arith.subf %gather3A_508, %gather3A_509 : vector<16xf32>
      %mul3A_511 = arith.mulf %sub3A_504, %sub3A_504 : vector<16xf32>
      %mul3A_512 = arith.mulf %sub3A_507, %sub3A_507 : vector<16xf32>
      %add3A_513 = arith.addf %mul3A_511, %mul3A_512 : vector<16xf32>
      %mul3A_514 = arith.mulf %sub3A_510, %sub3A_510 : vector<16xf32>
      %add3A_515 = arith.addf %add3A_513, %mul3A_514 : vector<16xf32>
      %add3A_516 = arith.constant 16 : i32
      %add3A_517 = vector.broadcast %add3A_516 : i32 to vector<16xi32>
      %add3A_518 = arith.addi %iota3A_457, %add3A_517 : vector<16xi32>
      tpu.vector_store_idx %arg18[%add3A_518, %broadcast_in_dim3A_459], %sub3A_504 : memref<80x16xf32, #tpu.memory_space<vmem>>[vector<16xi32>, vector<16xi32>], vector<16xf32>,
      %add3A_519 = arith.constant 1 : i32
      %add3A_520 = vector.broadcast %add3A_519 : i32 to vector<16xi32>
      %add3A_521 = arith.addi %broadcast_in_dim3A_459, %add3A_520 : vector<16xi32>
      tpu.vector_store_idx %arg18[%add3A_518, %add3A_521], %sub3A_507 : memref<80x16xf32, #tpu.memory_space<vmem>>[vector<16xi32>, vector<16xi32>], vector<16xf32>,
      %add3A_522 = arith.constant 2 : i32
      %add3A_523 = vector.broadcast %add3A_522 : i32 to vector<16xi32>
      %add3A_524 = arith.addi %broadcast_in_dim3A_459, %add3A_523 : vector<16xi32>
      tpu.vector_store_idx %arg18[%add3A_518, %add3A_524], %sub3A_510 : memref<80x16xf32, #tpu.memory_space<vmem>>[vector<16xi32>, vector<16xi32>], vector<16xf32>,
      %add3A_525 = arith.constant 3 : i32
      %add3A_526 = vector.broadcast %add3A_525 : i32 to vector<16xi32>
      %add3A_527 = arith.addi %broadcast_in_dim3A_459, %add3A_526 : vector<16xi32>
      tpu.vector_store_idx %arg18[%add3A_518, %add3A_527], %add3A_515 : memref<80x16xf32, #tpu.memory_space<vmem>>[vector<16xi32>, vector<16xi32>], vector<16xf32>,
      %mul3A_528 = arith.constant 80 : i32
      %mul3A_529 = arith.muli %add3A_456, %mul3A_528 : i32
      %add3A_530 = arith.constant 32 : i32
      %add3A_531 = arith.addi %mul3A_529, %add3A_530 : i32
      %get3A_532 = arith.index_cast %add3A_531 : i32 to index
      %get3A_533 = tpu.vector_load %arg11[%get3A_532] {strides = array<i32>} : memref<10000xi32, #tpu.memory_space<vmem>>, vector<16xi32>,
      %get3A_534 = arith.index_cast %add3A_531 : i32 to index
      %get3A_535 = tpu.vector_load %arg12[%get3A_534] {strides = array<i32>} : memref<10000xi32, #tpu.memory_space<vmem>>, vector<16xi32>,
      %gather3A_536 = tpu.vector_load_idx %arg13[%get3A_533] : memref<10000xf32, #tpu.memory_space<vmem>>[vector<16xi32>], vector<16xf32>,
      %gather3A_537 = tpu.vector_load_idx %arg13[%get3A_535] : memref<10000xf32, #tpu.memory_space<vmem>>[vector<16xi32>], vector<16xf32>,
      %sub3A_538 = arith.subf %gather3A_536, %gather3A_537 : vector<16xf32>
      %gather3A_539 = tpu.vector_load_idx %arg14[%get3A_533] : memref<10000xf32, #tpu.memory_space<vmem>>[vector<16xi32>], vector<16xf32>,
      %gather3A_540 = tpu.vector_load_idx %arg14[%get3A_535] : memref<10000xf32, #tpu.memory_space<vmem>>[vector<16xi32>], vector<16xf32>,
      %sub3A_541 = arith.subf %gather3A_539, %gather3A_540 : vector<16xf32>
      %gather3A_542 = tpu.vector_load_idx %arg15[%get3A_533] : memref<10000xf32, #tpu.memory_space<vmem>>[vector<16xi32>], vector<16xf32>,
      %gather3A_543 = tpu.vector_load_idx %arg15[%get3A_535] : memref<10000xf32, #tpu.memory_space<vmem>>[vector<16xi32>], vector<16xf32>,
      %sub3A_544 = arith.subf %gather3A_542, %gather3A_543 : vector<16xf32>
      %mul3A_545 = arith.mulf %sub3A_538, %sub3A_538 : vector<16xf32>
      %mul3A_546 = arith.mulf %sub3A_541, %sub3A_541 : vector<16xf32>
      %add3A_547 = arith.addf %mul3A_545, %mul3A_546 : vector<16xf32>
      %mul3A_548 = arith.mulf %sub3A_544, %sub3A_544 : vector<16xf32>
      %add3A_549 = arith.addf %add3A_547, %mul3A_548 : vector<16xf32>
      %add3A_550 = arith.constant 32 : i32
      %add3A_551 = vector.broadcast %add3A_550 : i32 to vector<16xi32>
      %add3A_552 = arith.addi %iota3A_457, %add3A_551 : vector<16xi32>
      tpu.vector_store_idx %arg18[%add3A_552, %broadcast_in_dim3A_459], %sub3A_538 : memref<80x16xf32, #tpu.memory_space<vmem>>[vector<16xi32>, vector<16xi32>], vector<16xf32>,
      %add3A_553 = arith.constant 1 : i32
      %add3A_554 = vector.broadcast %add3A_553 : i32 to vector<16xi32>
      %add3A_555 = arith.addi %broadcast_in_dim3A_459, %add3A_554 : vector<16xi32>
      tpu.vector_store_idx %arg18[%add3A_552, %add3A_555], %sub3A_541 : memref<80x16xf32, #tpu.memory_space<vmem>>[vector<16xi32>, vector<16xi32>], vector<16xf32>,
      %add3A_556 = arith.constant 2 : i32
      %add3A_557 = vector.broadcast %add3A_556 : i32 to vector<16xi32>
      %add3A_558 = arith.addi %broadcast_in_dim3A_459, %add3A_557 : vector<16xi32>
      tpu.vector_store_idx %arg18[%add3A_552, %add3A_558], %sub3A_544 : memref<80x16xf32, #tpu.memory_space<vmem>>[vector<16xi32>, vector<16xi32>], vector<16xf32>,
      %add3A_559 = arith.constant 3 : i32
      %add3A_560 = vector.broadcast %add3A_559 : i32 to vector<16xi32>
      %add3A_561 = arith.addi %broadcast_in_dim3A_459, %add3A_560 : vector<16xi32>
      tpu.vector_store_idx %arg18[%add3A_552, %add3A_561], %add3A_549 : memref<80x16xf32, #tpu.memory_space<vmem>>[vector<16xi32>, vector<16xi32>], vector<16xf32>,
      %mul3A_562 = arith.constant 80 : i32
      %mul3A_563 = arith.muli %add3A_456, %mul3A_562 : i32
      %add3A_564 = arith.constant 48 : i32
      %add3A_565 = arith.addi %mul3A_563, %add3A_564 : i32
      %get3A_566 = arith.index_cast %add3A_565 : i32 to index
      %get3A_567 = tpu.vector_load %arg11[%get3A_566] {strides = array<i32>} : memref<10000xi32, #tpu.memory_space<vmem>>, vector<16xi32>,
      %get3A_568 = arith.index_cast %add3A_565 : i32 to index
      %get3A_569 = tpu.vector_load %arg12[%get3A_568] {strides = array<i32>} : memref<10000xi32, #tpu.memory_space<vmem>>, vector<16xi32>,
      %gather3A_570 = tpu.vector_load_idx %arg13[%get3A_567] : memref<10000xf32, #tpu.memory_space<vmem>>[vector<16xi32>], vector<16xf32>,
      %gather3A_571 = tpu.vector_load_idx %arg13[%get3A_569] : memref<10000xf32, #tpu.memory_space<vmem>>[vector<16xi32>], vector<16xf32>,
      %sub3A_572 = arith.subf %gather3A_570, %gather3A_571 : vector<16xf32>
      %gather3A_573 = tpu.vector_load_idx %arg14[%get3A_567] : memref<10000xf32, #tpu.memory_space<vmem>>[vector<16xi32>], vector<16xf32>,
      %gather3A_574 = tpu.vector_load_idx %arg14[%get3A_569] : memref<10000xf32, #tpu.memory_space<vmem>>[vector<16xi32>], vector<16xf32>,
      %sub3A_575 = arith.subf %gather3A_573, %gather3A_574 : vector<16xf32>
      %gather3A_576 = tpu.vector_load_idx %arg15[%get3A_567] : memref<10000xf32, #tpu.memory_space<vmem>>[vector<16xi32>], vector<16xf32>,
      %gather3A_577 = tpu.vector_load_idx %arg15[%get3A_569] : memref<10000xf32, #tpu.memory_space<vmem>>[vector<16xi32>], vector<16xf32>,
      %sub3A_578 = arith.subf %gather3A_576, %gather3A_577 : vector<16xf32>
      %mul3A_579 = arith.mulf %sub3A_572, %sub3A_572 : vector<16xf32>
      %mul3A_580 = arith.mulf %sub3A_575, %sub3A_575 : vector<16xf32>
      %add3A_581 = arith.addf %mul3A_579, %mul3A_580 : vector<16xf32>
      %mul3A_582 = arith.mulf %sub3A_578, %sub3A_578 : vector<16xf32>
      %add3A_583 = arith.addf %add3A_581, %mul3A_582 : vector<16xf32>
      %add3A_584 = arith.constant 48 : i32
      %add3A_585 = vector.broadcast %add3A_584 : i32 to vector<16xi32>
      %add3A_586 = arith.addi %iota3A_457, %add3A_585 : vector<16xi32>
      tpu.vector_store_idx %arg18[%add3A_586, %broadcast_in_dim3A_459], %sub3A_572 : memref<80x16xf32, #tpu.memory_space<vmem>>[vector<16xi32>, vector<16xi32>], vector<16xf32>,
      %add3A_587 = arith.constant 1 : i32
      %add3A_588 = vector.broadcast %add3A_587 : i32 to vector<16xi32>
      %add3A_589 = arith.addi %broadcast_in_dim3A_459, %add3A_588 : vector<16xi32>
      tpu.vector_store_idx %arg18[%add3A_586, %add3A_589], %sub3A_575 : memref<80x16xf32, #tpu.memory_space<vmem>>[vector<16xi32>, vector<16xi32>], vector<16xf32>,
      %add3A_590 = arith.constant 2 : i32
      %add3A_591 = vector.broadcast %add3A_590 : i32 to vector<16xi32>
      %add3A_592 = arith.addi %broadcast_in_dim3A_459, %add3A_591 : vector<16xi32>
      tpu.vector_store_idx %arg18[%add3A_586, %add3A_592], %sub3A_578 : memref<80x16xf32, #tpu.memory_space<vmem>>[vector<16xi32>, vector<16xi32>], vector<16xf32>,
      %add3A_593 = arith.constant 3 : i32
      %add3A_594 = vector.broadcast %add3A_593 : i32 to vector<16xi32>
      %add3A_595 = arith.addi %broadcast_in_dim3A_459, %add3A_594 : vector<16xi32>
      tpu.vector_store_idx %arg18[%add3A_586, %add3A_595], %add3A_583 : memref<80x16xf32, #tpu.memory_space<vmem>>[vector<16xi32>, vector<16xi32>], vector<16xf32>,
      %mul3A_596 = arith.constant 80 : i32
      %mul3A_597 = arith.muli %add3A_456, %mul3A_596 : i32
      %add3A_598 = arith.constant 64 : i32
      %add3A_599 = arith.addi %mul3A_597, %add3A_598 : i32
      %get3A_600 = arith.index_cast %add3A_599 : i32 to index
      %get3A_601 = tpu.vector_load %arg11[%get3A_600] {strides = array<i32>} : memref<10000xi32, #tpu.memory_space<vmem>>, vector<16xi32>,
      %get3A_602 = arith.index_cast %add3A_599 : i32 to index
      %get3A_603 = tpu.vector_load %arg12[%get3A_602] {strides = array<i32>} : memref<10000xi32, #tpu.memory_space<vmem>>, vector<16xi32>,
      %gather3A_604 = tpu.vector_load_idx %arg13[%get3A_601] : memref<10000xf32, #tpu.memory_space<vmem>>[vector<16xi32>], vector<16xf32>,
      %gather3A_605 = tpu.vector_load_idx %arg13[%get3A_603] : memref<10000xf32, #tpu.memory_space<vmem>>[vector<16xi32>], vector<16xf32>,
      %sub3A_606 = arith.subf %gather3A_604, %gather3A_605 : vector<16xf32>
      %gather3A_607 = tpu.vector_load_idx %arg14[%get3A_601] : memref<10000xf32, #tpu.memory_space<vmem>>[vector<16xi32>], vector<16xf32>,
      %gather3A_608 = tpu.vector_load_idx %arg14[%get3A_603] : memref<10000xf32, #tpu.memory_space<vmem>>[vector<16xi32>], vector<16xf32>,
      %sub3A_609 = arith.subf %gather3A_607, %gather3A_608 : vector<16xf32>
      %gather3A_610 = tpu.vector_load_idx %arg15[%get3A_601] : memref<10000xf32, #tpu.memory_space<vmem>>[vector<16xi32>], vector<16xf32>,
      %gather3A_611 = tpu.vector_load_idx %arg15[%get3A_603] : memref<10000xf32, #tpu.memory_space<vmem>>[vector<16xi32>], vector<16xf32>,
      %sub3A_612 = arith.subf %gather3A_610, %gather3A_611 : vector<16xf32>
      %mul3A_613 = arith.mulf %sub3A_606, %sub3A_606 : vector<16xf32>
      %mul3A_614 = arith.mulf %sub3A_609, %sub3A_609 : vector<16xf32>
      %add3A_615 = arith.addf %mul3A_613, %mul3A_614 : vector<16xf32>
      %mul3A_616 = arith.mulf %sub3A_612, %sub3A_612 : vector<16xf32>
      %add3A_617 = arith.addf %add3A_615, %mul3A_616 : vector<16xf32>
      %add3A_618 = arith.constant 64 : i32
      %add3A_619 = vector.broadcast %add3A_618 : i32 to vector<16xi32>
      %add3A_620 = arith.addi %iota3A_457, %add3A_619 : vector<16xi32>
      tpu.vector_store_idx %arg18[%add3A_620, %broadcast_in_dim3A_459], %sub3A_606 : memref<80x16xf32, #tpu.memory_space<vmem>>[vector<16xi32>, vector<16xi32>], vector<16xf32>,
      %add3A_621 = arith.constant 1 : i32
      %add3A_622 = vector.broadcast %add3A_621 : i32 to vector<16xi32>
      %add3A_623 = arith.addi %broadcast_in_dim3A_459, %add3A_622 : vector<16xi32>
      tpu.vector_store_idx %arg18[%add3A_620, %add3A_623], %sub3A_609 : memref<80x16xf32, #tpu.memory_space<vmem>>[vector<16xi32>, vector<16xi32>], vector<16xf32>,
      %add3A_624 = arith.constant 2 : i32
      %add3A_625 = vector.broadcast %add3A_624 : i32 to vector<16xi32>
      %add3A_626 = arith.addi %broadcast_in_dim3A_459, %add3A_625 : vector<16xi32>
      tpu.vector_store_idx %arg18[%add3A_620, %add3A_626], %sub3A_612 : memref<80x16xf32, #tpu.memory_space<vmem>>[vector<16xi32>, vector<16xi32>], vector<16xf32>,
      %add3A_627 = arith.constant 3 : i32
      %add3A_628 = vector.broadcast %add3A_627 : i32 to vector<16xi32>
      %add3A_629 = arith.addi %broadcast_in_dim3A_459, %add3A_628 : vector<16xi32>
      tpu.vector_store_idx %arg18[%add3A_620, %add3A_629], %add3A_617 : memref<80x16xf32, #tpu.memory_space<vmem>>[vector<16xi32>, vector<16xi32>], vector<16xf32>,
      %dma_wait3A_630 = arith.constant 0 : i32
      %dma_wait3A_631 = arith.constant 0 : i32
      %dma_wait3A_632 = tpu.memref_slice %arg16[%scan3A_22, %dma_wait3A_630, %dma_wait3A_631] : memref<2x80x128xf32, #tpu.memory_space<vmem>> -> memref<1x80x128xf32, #tpu.memory_space<vmem>>
      %dma_wait3A_633 = tpu.memref_squeeze %dma_wait3A_632 : memref<1x80x128xf32, #tpu.memory_space<vmem>> -> memref<80x128xf32, #tpu.memory_space<vmem>>
      %dma_wait3A_634 = arith.constant 0 : i32
      %dma_wait3A_635 = tpu.memref_slice %arg11[%dma_wait3A_634] : memref<10000xi32, #tpu.memory_space<vmem>> -> memref<80xi32, #tpu.memory_space<vmem>>
      %dma_wait3A_636 = arith.constant 0 : i32
      %dma_wait3A_637 = arith.constant 0 : i32
      %dma_wait3A_638 = tpu.memref_slice %arg2[%dma_wait3A_636, %dma_wait3A_637] : memref<10000x128xf32, #tpu.memory_space<hbm>> -> memref<10000x128xf32, #tpu.memory_space<hbm>>
      tpu.wait_indirect_dma semaphore(%arg21 : memref<!tpu.dma_semaphore, #tpu.memory_space<semaphore_mem>>) src(%dma_wait3A_638 : memref<10000x128xf32, #tpu.memory_space<hbm>>) dst(%dma_wait3A_633 : memref<80x128xf32, #tpu.memory_space<vmem>>)
      %dma_wait3A_639 = arith.constant 0 : i32
      %dma_wait3A_640 = arith.constant 0 : i32
      %dma_wait3A_641 = tpu.memref_slice %arg17[%scan3A_23, %dma_wait3A_639, %dma_wait3A_640] : memref<2x80x128xf32, #tpu.memory_space<vmem>> -> memref<1x80x128xf32, #tpu.memory_space<vmem>>
      %dma_wait3A_642 = tpu.memref_squeeze %dma_wait3A_641 : memref<1x80x128xf32, #tpu.memory_space<vmem>> -> memref<80x128xf32, #tpu.memory_space<vmem>>
      %dma_wait3A_643 = arith.constant 0 : i32
      %dma_wait3A_644 = tpu.memref_slice %arg12[%dma_wait3A_643] : memref<10000xi32, #tpu.memory_space<vmem>> -> memref<80xi32, #tpu.memory_space<vmem>>
      %dma_wait3A_645 = arith.constant 0 : i32
      %dma_wait3A_646 = arith.constant 0 : i32
      %dma_wait3A_647 = tpu.memref_slice %arg3[%dma_wait3A_645, %dma_wait3A_646] : memref<10000x128xf32, #tpu.memory_space<hbm>> -> memref<10000x128xf32, #tpu.memory_space<hbm>>
      tpu.wait_indirect_dma semaphore(%arg22 : memref<!tpu.dma_semaphore, #tpu.memory_space<semaphore_mem>>) src(%dma_wait3A_647 : memref<10000x128xf32, #tpu.memory_space<hbm>>) dst(%dma_wait3A_642 : memref<80x128xf32, #tpu.memory_space<vmem>>)
      %add3A_648 = arith.constant 1 : i32
      %add3A_649 = arith.addi %mul3A_210, %add3A_648 : i32
      %scan3A_650 = arith.constant 0 : i32
      %scan3A_651 = arith.constant 0 : i32
      %scan3A_652 = arith.constant 80 : i32
      %scan3A_653 = arith.addi %scan3A_651, %scan3A_652 : i32
      %scan3A_654 = arith.constant 1 : i32
      scf.for %scan3A_659 = %scan3A_651 to %scan3A_653 step %scan3A_654  : i32 {
        %get3A_660 = arith.constant 0 : i32
        %get3A_661 = arith.constant 0 : i32
        %get3A_662 = tpu.memref_slice %arg16[%scan3A_22, %get3A_660, %get3A_661] : memref<2x80x128xf32, #tpu.memory_space<vmem>> -> memref<1x80x128xf32, #tpu.memory_space<vmem>>
        %get3A_663 = tpu.memref_squeeze %get3A_662 : memref<1x80x128xf32, #tpu.memory_space<vmem>> -> memref<80x128xf32, #tpu.memory_space<vmem>>
        %get3A_664 = arith.index_cast %scan3A_659 : i32 to index
        %get3A_665 = arith.constant 0 : index
        %get3A_666 = tpu.vector_load %get3A_663[%get3A_664, %get3A_665] {strides = array<i32>} : memref<80x128xf32, #tpu.memory_space<vmem>>, vector<16xf32>,
        %get3A_667 = arith.constant 0 : i32
        %get3A_668 = arith.constant 0 : i32
        %get3A_669 = tpu.memref_slice %arg17[%scan3A_23, %get3A_667, %get3A_668] : memref<2x80x128xf32, #tpu.memory_space<vmem>> -> memref<1x80x128xf32, #tpu.memory_space<vmem>>
        %get3A_670 = tpu.memref_squeeze %get3A_669 : memref<1x80x128xf32, #tpu.memory_space<vmem>> -> memref<80x128xf32, #tpu.memory_space<vmem>>
        %get3A_671 = arith.index_cast %scan3A_659 : i32 to index
        %get3A_672 = arith.constant 0 : index
        %get3A_673 = tpu.vector_load %get3A_670[%get3A_671, %get3A_672] {strides = array<i32>} : memref<80x128xf32, #tpu.memory_space<vmem>>, vector<16xf32>,
        %add3A_674 = arith.addf %get3A_666, %get3A_673 : vector<16xf32>
        %swap3A = arith.constant 0 : i32
        %swap3A_675 = arith.constant 0 : i32
        %swap3A_676 = tpu.memref_slice %arg16[%scan3A_22, %swap3A, %swap3A_675] : memref<2x80x128xf32, #tpu.memory_space<vmem>> -> memref<1x80x128xf32, #tpu.memory_space<vmem>>
        %swap3A_677 = tpu.memref_squeeze %swap3A_676 : memref<1x80x128xf32, #tpu.memory_space<vmem>> -> memref<80x128xf32, #tpu.memory_space<vmem>>
        %swap3A_678 = arith.index_cast %scan3A_659 : i32 to index
        %swap3A_679 = arith.constant 0 : index
        %swap3A_680 = tpu.vector_load %swap3A_677[%swap3A_678, %swap3A_679] {strides = array<i32>} : memref<80x128xf32, #tpu.memory_space<vmem>>, vector<16xf32>,
        tpu.vector_store %swap3A_677[%swap3A_678, %swap3A_679], %add3A_674 {strides = array<i32>} : memref<80x128xf32, #tpu.memory_space<vmem>>, vector<16xf32>,
        %get3A_681 = arith.constant 0 : i32
        %get3A_682 = arith.constant 0 : i32
        %get3A_683 = tpu.memref_slice %arg16[%scan3A_22, %get3A_681, %get3A_682] : memref<2x80x128xf32, #tpu.memory_space<vmem>> -> memref<1x80x128xf32, #tpu.memory_space<vmem>>
        %get3A_684 = tpu.memref_squeeze %get3A_683 : memref<1x80x128xf32, #tpu.memory_space<vmem>> -> memref<80x128xf32, #tpu.memory_space<vmem>>
        %get3A_685 = arith.index_cast %scan3A_659 : i32 to index
        %get3A_686 = arith.constant 16 : index
        %get3A_687 = tpu.vector_load %get3A_684[%get3A_685, %get3A_686] {strides = array<i32>} : memref<80x128xf32, #tpu.memory_space<vmem>>, vector<16xf32>,
        %get3A_688 = arith.constant 0 : i32
        %get3A_689 = arith.constant 0 : i32
        %get3A_690 = tpu.memref_slice %arg17[%scan3A_23, %get3A_688, %get3A_689] : memref<2x80x128xf32, #tpu.memory_space<vmem>> -> memref<1x80x128xf32, #tpu.memory_space<vmem>>
        %get3A_691 = tpu.memref_squeeze %get3A_690 : memref<1x80x128xf32, #tpu.memory_space<vmem>> -> memref<80x128xf32, #tpu.memory_space<vmem>>
        %get3A_692 = arith.index_cast %scan3A_659 : i32 to index
        %get3A_693 = arith.constant 16 : index
        %get3A_694 = tpu.vector_load %get3A_691[%get3A_692, %get3A_693] {strides = array<i32>} : memref<80x128xf32, #tpu.memory_space<vmem>>, vector<16xf32>,
        %add3A_695 = arith.addf %get3A_687, %get3A_694 : vector<16xf32>
        %swap3A_696 = arith.constant 0 : i32
        %swap3A_697 = arith.constant 0 : i32
        %swap3A_698 = tpu.memref_slice %arg16[%scan3A_22, %swap3A_696, %swap3A_697] : memref<2x80x128xf32, #tpu.memory_space<vmem>> -> memref<1x80x128xf32, #tpu.memory_space<vmem>>
        %swap3A_699 = tpu.memref_squeeze %swap3A_698 : memref<1x80x128xf32, #tpu.memory_space<vmem>> -> memref<80x128xf32, #tpu.memory_space<vmem>>
        %swap3A_700 = arith.index_cast %scan3A_659 : i32 to index
        %swap3A_701 = arith.constant 16 : index
        %swap3A_702 = tpu.vector_load %swap3A_699[%swap3A_700, %swap3A_701] {strides = array<i32>} : memref<80x128xf32, #tpu.memory_space<vmem>>, vector<16xf32>,
        tpu.vector_store %swap3A_699[%swap3A_700, %swap3A_701], %add3A_695 {strides = array<i32>} : memref<80x128xf32, #tpu.memory_space<vmem>>, vector<16xf32>,
        %get3A_703 = arith.constant 0 : i32
        %get3A_704 = arith.constant 0 : i32
        %get3A_705 = tpu.memref_slice %arg16[%scan3A_22, %get3A_703, %get3A_704] : memref<2x80x128xf32, #tpu.memory_space<vmem>> -> memref<1x80x128xf32, #tpu.memory_space<vmem>>
        %get3A_706 = tpu.memref_squeeze %get3A_705 : memref<1x80x128xf32, #tpu.memory_space<vmem>> -> memref<80x128xf32, #tpu.memory_space<vmem>>
        %get3A_707 = arith.index_cast %scan3A_659 : i32 to index
        %get3A_708 = arith.constant 32 : index
        %get3A_709 = tpu.vector_load %get3A_706[%get3A_707, %get3A_708] {strides = array<i32>} : memref<80x128xf32, #tpu.memory_space<vmem>>, vector<16xf32>,
        %get3A_710 = arith.constant 0 : i32
        %get3A_711 = arith.constant 0 : i32
        %get3A_712 = tpu.memref_slice %arg17[%scan3A_23, %get3A_710, %get3A_711] : memref<2x80x128xf32, #tpu.memory_space<vmem>> -> memref<1x80x128xf32, #tpu.memory_space<vmem>>
        %get3A_713 = tpu.memref_squeeze %get3A_712 : memref<1x80x128xf32, #tpu.memory_space<vmem>> -> memref<80x128xf32, #tpu.memory_space<vmem>>
        %get3A_714 = arith.index_cast %scan3A_659 : i32 to index
        %get3A_715 = arith.constant 32 : index
        %get3A_716 = tpu.vector_load %get3A_713[%get3A_714, %get3A_715] {strides = array<i32>} : memref<80x128xf32, #tpu.memory_space<vmem>>, vector<16xf32>,
        %add3A_717 = arith.addf %get3A_709, %get3A_716 : vector<16xf32>
        %swap3A_718 = arith.constant 0 : i32
        %swap3A_719 = arith.constant 0 : i32
        %swap3A_720 = tpu.memref_slice %arg16[%scan3A_22, %swap3A_718, %swap3A_719] : memref<2x80x128xf32, #tpu.memory_space<vmem>> -> memref<1x80x128xf32, #tpu.memory_space<vmem>>
        %swap3A_721 = tpu.memref_squeeze %swap3A_720 : memref<1x80x128xf32, #tpu.memory_space<vmem>> -> memref<80x128xf32, #tpu.memory_space<vmem>>
        %swap3A_722 = arith.index_cast %scan3A_659 : i32 to index
        %swap3A_723 = arith.constant 32 : index
        %swap3A_724 = tpu.vector_load %swap3A_721[%swap3A_722, %swap3A_723] {strides = array<i32>} : memref<80x128xf32, #tpu.memory_space<vmem>>, vector<16xf32>,
        tpu.vector_store %swap3A_721[%swap3A_722, %swap3A_723], %add3A_717 {strides = array<i32>} : memref<80x128xf32, #tpu.memory_space<vmem>>, vector<16xf32>,
        %get3A_725 = arith.constant 0 : i32
        %get3A_726 = arith.constant 0 : i32
        %get3A_727 = tpu.memref_slice %arg16[%scan3A_22, %get3A_725, %get3A_726] : memref<2x80x128xf32, #tpu.memory_space<vmem>> -> memref<1x80x128xf32, #tpu.memory_space<vmem>>
        %get3A_728 = tpu.memref_squeeze %get3A_727 : memref<1x80x128xf32, #tpu.memory_space<vmem>> -> memref<80x128xf32, #tpu.memory_space<vmem>>
        %get3A_729 = arith.index_cast %scan3A_659 : i32 to index
        %get3A_730 = arith.constant 48 : index
        %get3A_731 = tpu.vector_load %get3A_728[%get3A_729, %get3A_730] {strides = array<i32>} : memref<80x128xf32, #tpu.memory_space<vmem>>, vector<16xf32>,
        %get3A_732 = arith.constant 0 : i32
        %get3A_733 = arith.constant 0 : i32
        %get3A_734 = tpu.memref_slice %arg17[%scan3A_23, %get3A_732, %get3A_733] : memref<2x80x128xf32, #tpu.memory_space<vmem>> -> memref<1x80x128xf32, #tpu.memory_space<vmem>>
        %get3A_735 = tpu.memref_squeeze %get3A_734 : memref<1x80x128xf32, #tpu.memory_space<vmem>> -> memref<80x128xf32, #tpu.memory_space<vmem>>
        %get3A_736 = arith.index_cast %scan3A_659 : i32 to index
        %get3A_737 = arith.constant 48 : index
        %get3A_738 = tpu.vector_load %get3A_735[%get3A_736, %get3A_737] {strides = array<i32>} : memref<80x128xf32, #tpu.memory_space<vmem>>, vector<16xf32>,
        %add3A_739 = arith.addf %get3A_731, %get3A_738 : vector<16xf32>
        %swap3A_740 = arith.constant 0 : i32
        %swap3A_741 = arith.constant 0 : i32
        %swap3A_742 = tpu.memref_slice %arg16[%scan3A_22, %swap3A_740, %swap3A_741] : memref<2x80x128xf32, #tpu.memory_space<vmem>> -> memref<1x80x128xf32, #tpu.memory_space<vmem>>
        %swap3A_743 = tpu.memref_squeeze %swap3A_742 : memref<1x80x128xf32, #tpu.memory_space<vmem>> -> memref<80x128xf32, #tpu.memory_space<vmem>>
        %swap3A_744 = arith.index_cast %scan3A_659 : i32 to index
        %swap3A_745 = arith.constant 48 : index
        %swap3A_746 = tpu.vector_load %swap3A_743[%swap3A_744, %swap3A_745] {strides = array<i32>} : memref<80x128xf32, #tpu.memory_space<vmem>>, vector<16xf32>,
        tpu.vector_store %swap3A_743[%swap3A_744, %swap3A_745], %add3A_739 {strides = array<i32>} : memref<80x128xf32, #tpu.memory_space<vmem>>, vector<16xf32>,
        %get3A_747 = arith.constant 0 : i32
        %get3A_748 = arith.constant 0 : i32
        %get3A_749 = tpu.memref_slice %arg16[%scan3A_22, %get3A_747, %get3A_748] : memref<2x80x128xf32, #tpu.memory_space<vmem>> -> memref<1x80x128xf32, #tpu.memory_space<vmem>>
        %get3A_750 = tpu.memref_squeeze %get3A_749 : memref<1x80x128xf32, #tpu.memory_space<vmem>> -> memref<80x128xf32, #tpu.memory_space<vmem>>
        %get3A_751 = arith.index_cast %scan3A_659 : i32 to index
        %get3A_752 = arith.constant 64 : index
        %get3A_753 = tpu.vector_load %get3A_750[%get3A_751, %get3A_752] {strides = array<i32>} : memref<80x128xf32, #tpu.memory_space<vmem>>, vector<16xf32>,
        %get3A_754 = arith.constant 0 : i32
        %get3A_755 = arith.constant 0 : i32
        %get3A_756 = tpu.memref_slice %arg17[%scan3A_23, %get3A_754, %get3A_755] : memref<2x80x128xf32, #tpu.memory_space<vmem>> -> memref<1x80x128xf32, #tpu.memory_space<vmem>>
        %get3A_757 = tpu.memref_squeeze %get3A_756 : memref<1x80x128xf32, #tpu.memory_space<vmem>> -> memref<80x128xf32, #tpu.memory_space<vmem>>
        %get3A_758 = arith.index_cast %scan3A_659 : i32 to index
        %get3A_759 = arith.constant 64 : index
        %get3A_760 = tpu.vector_load %get3A_757[%get3A_758, %get3A_759] {strides = array<i32>} : memref<80x128xf32, #tpu.memory_space<vmem>>, vector<16xf32>,
        %add3A_761 = arith.addf %get3A_753, %get3A_760 : vector<16xf32>
        %swap3A_762 = arith.constant 0 : i32
        %swap3A_763 = arith.constant 0 : i32
        %swap3A_764 = tpu.memref_slice %arg16[%scan3A_22, %swap3A_762, %swap3A_763] : memref<2x80x128xf32, #tpu.memory_space<vmem>> -> memref<1x80x128xf32, #tpu.memory_space<vmem>>
        %swap3A_765 = tpu.memref_squeeze %swap3A_764 : memref<1x80x128xf32, #tpu.memory_space<vmem>> -> memref<80x128xf32, #tpu.memory_space<vmem>>
        %swap3A_766 = arith.index_cast %scan3A_659 : i32 to index
        %swap3A_767 = arith.constant 64 : index
        %swap3A_768 = tpu.vector_load %swap3A_765[%swap3A_766, %swap3A_767] {strides = array<i32>} : memref<80x128xf32, #tpu.memory_space<vmem>>, vector<16xf32>,
        tpu.vector_store %swap3A_765[%swap3A_766, %swap3A_767], %add3A_761 {strides = array<i32>} : memref<80x128xf32, #tpu.memory_space<vmem>>, vector<16xf32>,
        %get3A_769 = arith.constant 0 : i32
        %get3A_770 = arith.constant 0 : i32
        %get3A_771 = tpu.memref_slice %arg16[%scan3A_22, %get3A_769, %get3A_770] : memref<2x80x128xf32, #tpu.memory_space<vmem>> -> memref<1x80x128xf32, #tpu.memory_space<vmem>>
        %get3A_772 = tpu.memref_squeeze %get3A_771 : memref<1x80x128xf32, #tpu.memory_space<vmem>> -> memref<80x128xf32, #tpu.memory_space<vmem>>
        %get3A_773 = arith.index_cast %scan3A_659 : i32 to index
        %get3A_774 = arith.constant 80 : index
        %get3A_775 = tpu.vector_load %get3A_772[%get3A_773, %get3A_774] {strides = array<i32>} : memref<80x128xf32, #tpu.memory_space<vmem>>, vector<16xf32>,
        %get3A_776 = arith.constant 0 : i32
        %get3A_777 = arith.constant 0 : i32
        %get3A_778 = tpu.memref_slice %arg17[%scan3A_23, %get3A_776, %get3A_777] : memref<2x80x128xf32, #tpu.memory_space<vmem>> -> memref<1x80x128xf32, #tpu.memory_space<vmem>>
        %get3A_779 = tpu.memref_squeeze %get3A_778 : memref<1x80x128xf32, #tpu.memory_space<vmem>> -> memref<80x128xf32, #tpu.memory_space<vmem>>
        %get3A_780 = arith.index_cast %scan3A_659 : i32 to index
        %get3A_781 = arith.constant 80 : index
        %get3A_782 = tpu.vector_load %get3A_779[%get3A_780, %get3A_781] {strides = array<i32>} : memref<80x128xf32, #tpu.memory_space<vmem>>, vector<16xf32>,
        %add3A_783 = arith.addf %get3A_775, %get3A_782 : vector<16xf32>
        %swap3A_784 = arith.constant 0 : i32
        %swap3A_785 = arith.constant 0 : i32
        %swap3A_786 = tpu.memref_slice %arg16[%scan3A_22, %swap3A_784, %swap3A_785] : memref<2x80x128xf32, #tpu.memory_space<vmem>> -> memref<1x80x128xf32, #tpu.memory_space<vmem>>
        %swap3A_787 = tpu.memref_squeeze %swap3A_786 : memref<1x80x128xf32, #tpu.memory_space<vmem>> -> memref<80x128xf32, #tpu.memory_space<vmem>>
        %swap3A_788 = arith.index_cast %scan3A_659 : i32 to index
        %swap3A_789 = arith.constant 80 : index
        %swap3A_790 = tpu.vector_load %swap3A_787[%swap3A_788, %swap3A_789] {strides = array<i32>} : memref<80x128xf32, #tpu.memory_space<vmem>>, vector<16xf32>,
        tpu.vector_store %swap3A_787[%swap3A_788, %swap3A_789], %add3A_783 {strides = array<i32>} : memref<80x128xf32, #tpu.memory_space<vmem>>, vector<16xf32>,
        %get3A_791 = arith.constant 0 : i32
        %get3A_792 = arith.constant 0 : i32
        %get3A_793 = tpu.memref_slice %arg16[%scan3A_22, %get3A_791, %get3A_792] : memref<2x80x128xf32, #tpu.memory_space<vmem>> -> memref<1x80x128xf32, #tpu.memory_space<vmem>>
        %get3A_794 = tpu.memref_squeeze %get3A_793 : memref<1x80x128xf32, #tpu.memory_space<vmem>> -> memref<80x128xf32, #tpu.memory_space<vmem>>
        %get3A_795 = arith.index_cast %scan3A_659 : i32 to index
        %get3A_796 = arith.constant 96 : index
        %get3A_797 = tpu.vector_load %get3A_794[%get3A_795, %get3A_796] {strides = array<i32>} : memref<80x128xf32, #tpu.memory_space<vmem>>, vector<16xf32>,
        %get3A_798 = arith.constant 0 : i32
        %get3A_799 = arith.constant 0 : i32
        %get3A_800 = tpu.memref_slice %arg17[%scan3A_23, %get3A_798, %get3A_799] : memref<2x80x128xf32, #tpu.memory_space<vmem>> -> memref<1x80x128xf32, #tpu.memory_space<vmem>>
        %get3A_801 = tpu.memref_squeeze %get3A_800 : memref<1x80x128xf32, #tpu.memory_space<vmem>> -> memref<80x128xf32, #tpu.memory_space<vmem>>
        %get3A_802 = arith.index_cast %scan3A_659 : i32 to index
        %get3A_803 = arith.constant 96 : index
        %get3A_804 = tpu.vector_load %get3A_801[%get3A_802, %get3A_803] {strides = array<i32>} : memref<80x128xf32, #tpu.memory_space<vmem>>, vector<16xf32>,
        %add3A_805 = arith.addf %get3A_797, %get3A_804 : vector<16xf32>
        %swap3A_806 = arith.constant 0 : i32
        %swap3A_807 = arith.constant 0 : i32
        %swap3A_808 = tpu.memref_slice %arg16[%scan3A_22, %swap3A_806, %swap3A_807] : memref<2x80x128xf32, #tpu.memory_space<vmem>> -> memref<1x80x128xf32, #tpu.memory_space<vmem>>
        %swap3A_809 = tpu.memref_squeeze %swap3A_808 : memref<1x80x128xf32, #tpu.memory_space<vmem>> -> memref<80x128xf32, #tpu.memory_space<vmem>>
        %swap3A_810 = arith.index_cast %scan3A_659 : i32 to index
        %swap3A_811 = arith.constant 96 : index
        %swap3A_812 = tpu.vector_load %swap3A_809[%swap3A_810, %swap3A_811] {strides = array<i32>} : memref<80x128xf32, #tpu.memory_space<vmem>>, vector<16xf32>,
        tpu.vector_store %swap3A_809[%swap3A_810, %swap3A_811], %add3A_805 {strides = array<i32>} : memref<80x128xf32, #tpu.memory_space<vmem>>, vector<16xf32>,
        %get3A_813 = arith.constant 0 : i32
        %get3A_814 = arith.constant 0 : i32
        %get3A_815 = tpu.memref_slice %arg16[%scan3A_22, %get3A_813, %get3A_814] : memref<2x80x128xf32, #tpu.memory_space<vmem>> -> memref<1x80x128xf32, #tpu.memory_space<vmem>>
        %get3A_816 = tpu.memref_squeeze %get3A_815 : memref<1x80x128xf32, #tpu.memory_space<vmem>> -> memref<80x128xf32, #tpu.memory_space<vmem>>
        %get3A_817 = arith.index_cast %scan3A_659 : i32 to index
        %get3A_818 = arith.constant 112 : index
        %get3A_819 = tpu.vector_load %get3A_816[%get3A_817, %get3A_818] {strides = array<i32>} : memref<80x128xf32, #tpu.memory_space<vmem>>, vector<16xf32>,
        %get3A_820 = arith.constant 0 : i32
        %get3A_821 = arith.constant 0 : i32
        %get3A_822 = tpu.memref_slice %arg17[%scan3A_23, %get3A_820, %get3A_821] : memref<2x80x128xf32, #tpu.memory_space<vmem>> -> memref<1x80x128xf32, #tpu.memory_space<vmem>>
        %get3A_823 = tpu.memref_squeeze %get3A_822 : memref<1x80x128xf32, #tpu.memory_space<vmem>> -> memref<80x128xf32, #tpu.memory_space<vmem>>
        %get3A_824 = arith.index_cast %scan3A_659 : i32 to index
        %get3A_825 = arith.constant 112 : index
        %get3A_826 = tpu.vector_load %get3A_823[%get3A_824, %get3A_825] {strides = array<i32>} : memref<80x128xf32, #tpu.memory_space<vmem>>, vector<16xf32>,
        %add3A_827 = arith.addf %get3A_819, %get3A_826 : vector<16xf32>
        %swap3A_828 = arith.constant 0 : i32
        %swap3A_829 = arith.constant 0 : i32
        %swap3A_830 = tpu.memref_slice %arg16[%scan3A_22, %swap3A_828, %swap3A_829] : memref<2x80x128xf32, #tpu.memory_space<vmem>> -> memref<1x80x128xf32, #tpu.memory_space<vmem>>
        %swap3A_831 = tpu.memref_squeeze %swap3A_830 : memref<1x80x128xf32, #tpu.memory_space<vmem>> -> memref<80x128xf32, #tpu.memory_space<vmem>>
        %swap3A_832 = arith.index_cast %scan3A_659 : i32 to index
        %swap3A_833 = arith.constant 112 : index
        %swap3A_834 = tpu.vector_load %swap3A_831[%swap3A_832, %swap3A_833] {strides = array<i32>} : memref<80x128xf32, #tpu.memory_space<vmem>>, vector<16xf32>,
        tpu.vector_store %swap3A_831[%swap3A_832, %swap3A_833], %add3A_827 {strides = array<i32>} : memref<80x128xf32, #tpu.memory_space<vmem>>, vector<16xf32>,
      }
      %scan3A_655 = arith.constant 80 : i32
      %mul3A_656 = arith.constant 80 : i32
      %mul3A_657 = arith.muli %add3A_649, %mul3A_656 : i32
      %add3A_658 = arith.addi %mul3A_2, %mul3A_657 : i32
      "tpu.region"() ({
        %run_scoped3A_659 = tpu.sem_alloc : memref<!tpu.dma_semaphore, #tpu.memory_space<semaphore_mem>>
        %dma_start3A_660 = arith.constant 0 : i32
        %dma_start3A_661 = arith.constant 0 : i32
        %dma_start3A_662 = tpu.memref_slice %arg16[%scan3A_22, %dma_start3A_660, %dma_start3A_661] : memref<2x80x128xf32, #tpu.memory_space<vmem>> -> memref<1x80x128xf32, #tpu.memory_space<vmem>>
        %dma_start3A_663 = tpu.memref_squeeze %dma_start3A_662 : memref<1x80x128xf32, #tpu.memory_space<vmem>> -> memref<80x128xf32, #tpu.memory_space<vmem>>
        %dma_start3A_664 = arith.constant 0 : i32
        %dma_start3A_665 = tpu.memref_slice %arg9[%add3A_658, %dma_start3A_664] : memref<320000x128xf32, #tpu.memory_space<hbm>> -> memref<80x128xf32, #tpu.memory_space<hbm>>
        %dma_start3A_666 = arith.constant 0 : i32
        %dma_start3A_667 = tpu.memref_slice %arg9[%add3A_658, %dma_start3A_666] : memref<320000x128xf32, #tpu.memory_space<hbm>> -> memref<80x128xf32, #tpu.memory_space<hbm>>
        %dma_start3A_668 = arith.constant 0 : i32
        %dma_start3A_669 = arith.constant 0 : i32
        %dma_start3A_670 = tpu.memref_slice %arg16[%scan3A_22, %dma_start3A_668, %dma_start3A_669] : memref<2x80x128xf32, #tpu.memory_space<vmem>> -> memref<1x80x128xf32, #tpu.memory_space<vmem>>
        %dma_start3A_671 = tpu.memref_squeeze %dma_start3A_670 : memref<1x80x128xf32, #tpu.memory_space<vmem>> -> memref<80x128xf32, #tpu.memory_space<vmem>>
        tpu.enqueue_dma source(%dma_start3A_671 : memref<80x128xf32, #tpu.memory_space<vmem>>) target(%dma_start3A_667 : memref<80x128xf32, #tpu.memory_space<hbm>>) target_semaphore(%run_scoped3A_659 : memref<!tpu.dma_semaphore, #tpu.memory_space<semaphore_mem>>)
        %dma_wait3A_672 = arith.constant 0 : i32
        %dma_wait3A_673 = arith.constant 0 : i32
        %dma_wait3A_674 = tpu.memref_slice %arg16[%scan3A_22, %dma_wait3A_672, %dma_wait3A_673] : memref<2x80x128xf32, #tpu.memory_space<vmem>> -> memref<1x80x128xf32, #tpu.memory_space<vmem>>
        %dma_wait3A_675 = tpu.memref_squeeze %dma_wait3A_674 : memref<1x80x128xf32, #tpu.memory_space<vmem>> -> memref<80x128xf32, #tpu.memory_space<vmem>>
        %dma_wait3A_676 = arith.constant 0 : i32
        %dma_wait3A_677 = tpu.memref_slice %arg9[%add3A_658, %dma_wait3A_676] : memref<320000x128xf32, #tpu.memory_space<hbm>> -> memref<80x128xf32, #tpu.memory_space<hbm>>
        %dma_wait3A_678 = arith.constant 0 : i32
        %dma_wait3A_679 = tpu.memref_slice %arg9[%add3A_658, %dma_wait3A_678] : memref<320000x128xf32, #tpu.memory_space<hbm>> -> memref<80x128xf32, #tpu.memory_space<hbm>>
        %dma_wait3A_680 = arith.constant 0 : i32
        %dma_wait3A_681 = arith.constant 0 : i32
        %dma_wait3A_682 = tpu.memref_slice %arg16[%scan3A_22, %dma_wait3A_680, %dma_wait3A_681] : memref<2x80x128xf32, #tpu.memory_space<vmem>> -> memref<1x80x128xf32, #tpu.memory_space<vmem>>
        %dma_wait3A_683 = tpu.memref_squeeze %dma_wait3A_682 : memref<1x80x128xf32, #tpu.memory_space<vmem>> -> memref<80x128xf32, #tpu.memory_space<vmem>>
        tpu.wait_dma2 semaphore(%run_scoped3A_659 : memref<!tpu.dma_semaphore, #tpu.memory_space<semaphore_mem>>) src(%dma_wait3A_683 : memref<80x128xf32, #tpu.memory_space<vmem>>) dst(%dma_wait3A_679 : memref<80x128xf32, #tpu.memory_space<hbm>>)
        tpu.yield
      }) : () -> ()
      "tpu.region"() ({
        %run_scoped3A_659 = tpu.sem_alloc : memref<!tpu.dma_semaphore, #tpu.memory_space<semaphore_mem>>
        %dma_start3A_660 = arith.constant 0 : i32
        %dma_start3A_661 = tpu.memref_slice %arg10[%add3A_658, %dma_start3A_660] : memref<320000x16xf32, #tpu.memory_space<hbm>> -> memref<80x16xf32, #tpu.memory_space<hbm>>
        %dma_start3A_662 = arith.constant 0 : i32
        %dma_start3A_663 = tpu.memref_slice %arg10[%add3A_658, %dma_start3A_662] : memref<320000x16xf32, #tpu.memory_space<hbm>> -> memref<80x16xf32, #tpu.memory_space<hbm>>
        tpu.enqueue_dma source(%arg18 : memref<80x16xf32, #tpu.memory_space<vmem>>) target(%dma_start3A_663 : memref<80x16xf32, #tpu.memory_space<hbm>>) target_semaphore(%run_scoped3A_659 : memref<!tpu.dma_semaphore, #tpu.memory_space<semaphore_mem>>)
        %dma_wait3A_664 = arith.constant 0 : i32
        %dma_wait3A_665 = tpu.memref_slice %arg10[%add3A_658, %dma_wait3A_664] : memref<320000x16xf32, #tpu.memory_space<hbm>> -> memref<80x16xf32, #tpu.memory_space<hbm>>
        %dma_wait3A_666 = arith.constant 0 : i32
        %dma_wait3A_667 = tpu.memref_slice %arg10[%add3A_658, %dma_wait3A_666] : memref<320000x16xf32, #tpu.memory_space<hbm>> -> memref<80x16xf32, #tpu.memory_space<hbm>>
        tpu.wait_dma2 semaphore(%run_scoped3A_659 : memref<!tpu.dma_semaphore, #tpu.memory_space<semaphore_mem>>) src(%arg18 : memref<80x16xf32, #tpu.memory_space<vmem>>) dst(%dma_wait3A_667 : memref<80x16xf32, #tpu.memory_space<hbm>>)
        tpu.yield
      }) : () -> ()
    }
    %scan3A_30 = arith.constant 62 : i32
    %iota3A = tpu.iota {dimensions = array<i32: 0>} : vector<16xi32>
    %broadcast_in_dim3A = arith.constant 0 : i32
    %broadcast_in_dim3A_31 = vector.broadcast %broadcast_in_dim3A : i32 to vector<16xi32>
    %get3A = arith.constant 9920 : index
    %get3A_32 = tpu.vector_load %arg11[%get3A] {strides = array<i32>} : memref<10000xi32, #tpu.memory_space<vmem>>, vector<16xi32>,
    %get3A_33 = arith.constant 9920 : index
    %get3A_34 = tpu.vector_load %arg12[%get3A_33] {strides = array<i32>} : memref<10000xi32, #tpu.memory_space<vmem>>, vector<16xi32>,
    %gather3A = tpu.vector_load_idx %arg13[%get3A_32] : memref<10000xf32, #tpu.memory_space<vmem>>[vector<16xi32>], vector<16xf32>,
    %gather3A_35 = tpu.vector_load_idx %arg13[%get3A_34] : memref<10000xf32, #tpu.memory_space<vmem>>[vector<16xi32>], vector<16xf32>,
    %sub3A = arith.subf %gather3A, %gather3A_35 : vector<16xf32>
    %gather3A_36 = tpu.vector_load_idx %arg14[%get3A_32] : memref<10000xf32, #tpu.memory_space<vmem>>[vector<16xi32>], vector<16xf32>,
    %gather3A_37 = tpu.vector_load_idx %arg14[%get3A_34] : memref<10000xf32, #tpu.memory_space<vmem>>[vector<16xi32>], vector<16xf32>,
    %sub3A_38 = arith.subf %gather3A_36, %gather3A_37 : vector<16xf32>
    %gather3A_39 = tpu.vector_load_idx %arg15[%get3A_32] : memref<10000xf32, #tpu.memory_space<vmem>>[vector<16xi32>], vector<16xf32>,
    %gather3A_40 = tpu.vector_load_idx %arg15[%get3A_34] : memref<10000xf32, #tpu.memory_space<vmem>>[vector<16xi32>], vector<16xf32>,
    %sub3A_41 = arith.subf %gather3A_39, %gather3A_40 : vector<16xf32>
    %mul3A_42 = arith.mulf %sub3A, %sub3A : vector<16xf32>
    %mul3A_43 = arith.mulf %sub3A_38, %sub3A_38 : vector<16xf32>
    %add3A_44 = arith.addf %mul3A_42, %mul3A_43 : vector<16xf32>
    %mul3A_45 = arith.mulf %sub3A_41, %sub3A_41 : vector<16xf32>
    %add3A_46 = arith.addf %add3A_44, %mul3A_45 : vector<16xf32>
    %add3A_47 = arith.constant 0 : i32
    %add3A_48 = vector.broadcast %add3A_47 : i32 to vector<16xi32>
    %add3A_49 = arith.addi %iota3A, %add3A_48 : vector<16xi32>
    tpu.vector_store_idx %arg18[%add3A_49, %broadcast_in_dim3A_31], %sub3A : memref<80x16xf32, #tpu.memory_space<vmem>>[vector<16xi32>, vector<16xi32>], vector<16xf32>,
    %add3A_50 = arith.constant 1 : i32
    %add3A_51 = vector.broadcast %add3A_50 : i32 to vector<16xi32>
    %add3A_52 = arith.addi %broadcast_in_dim3A_31, %add3A_51 : vector<16xi32>
    tpu.vector_store_idx %arg18[%add3A_49, %add3A_52], %sub3A_38 : memref<80x16xf32, #tpu.memory_space<vmem>>[vector<16xi32>, vector<16xi32>], vector<16xf32>,
    %add3A_53 = arith.constant 2 : i32
    %add3A_54 = vector.broadcast %add3A_53 : i32 to vector<16xi32>
    %add3A_55 = arith.addi %broadcast_in_dim3A_31, %add3A_54 : vector<16xi32>
    tpu.vector_store_idx %arg18[%add3A_49, %add3A_55], %sub3A_41 : memref<80x16xf32, #tpu.memory_space<vmem>>[vector<16xi32>, vector<16xi32>], vector<16xf32>,
    %add3A_56 = arith.constant 3 : i32
    %add3A_57 = vector.broadcast %add3A_56 : i32 to vector<16xi32>
    %add3A_58 = arith.addi %broadcast_in_dim3A_31, %add3A_57 : vector<16xi32>
    tpu.vector_store_idx %arg18[%add3A_49, %add3A_58], %add3A_46 : memref<80x16xf32, #tpu.memory_space<vmem>>[vector<16xi32>, vector<16xi32>], vector<16xf32>,
    %get3A_59 = arith.constant 9936 : index
    %get3A_60 = tpu.vector_load %arg11[%get3A_59] {strides = array<i32>} : memref<10000xi32, #tpu.memory_space<vmem>>, vector<16xi32>,
    %get3A_61 = arith.constant 9936 : index
    %get3A_62 = tpu.vector_load %arg12[%get3A_61] {strides = array<i32>} : memref<10000xi32, #tpu.memory_space<vmem>>, vector<16xi32>,
    %gather3A_63 = tpu.vector_load_idx %arg13[%get3A_60] : memref<10000xf32, #tpu.memory_space<vmem>>[vector<16xi32>], vector<16xf32>,
    %gather3A_64 = tpu.vector_load_idx %arg13[%get3A_62] : memref<10000xf32, #tpu.memory_space<vmem>>[vector<16xi32>], vector<16xf32>,
    %sub3A_65 = arith.subf %gather3A_63, %gather3A_64 : vector<16xf32>
    %gather3A_66 = tpu.vector_load_idx %arg14[%get3A_60] : memref<10000xf32, #tpu.memory_space<vmem>>[vector<16xi32>], vector<16xf32>,
    %gather3A_67 = tpu.vector_load_idx %arg14[%get3A_62] : memref<10000xf32, #tpu.memory_space<vmem>>[vector<16xi32>], vector<16xf32>,
    %sub3A_68 = arith.subf %gather3A_66, %gather3A_67 : vector<16xf32>
    %gather3A_69 = tpu.vector_load_idx %arg15[%get3A_60] : memref<10000xf32, #tpu.memory_space<vmem>>[vector<16xi32>], vector<16xf32>,
    %gather3A_70 = tpu.vector_load_idx %arg15[%get3A_62] : memref<10000xf32, #tpu.memory_space<vmem>>[vector<16xi32>], vector<16xf32>,
    %sub3A_71 = arith.subf %gather3A_69, %gather3A_70 : vector<16xf32>
    %mul3A_72 = arith.mulf %sub3A_65, %sub3A_65 : vector<16xf32>
    %mul3A_73 = arith.mulf %sub3A_68, %sub3A_68 : vector<16xf32>
    %add3A_74 = arith.addf %mul3A_72, %mul3A_73 : vector<16xf32>
    %mul3A_75 = arith.mulf %sub3A_71, %sub3A_71 : vector<16xf32>
    %add3A_76 = arith.addf %add3A_74, %mul3A_75 : vector<16xf32>
    %add3A_77 = arith.constant 16 : i32
    %add3A_78 = vector.broadcast %add3A_77 : i32 to vector<16xi32>
    %add3A_79 = arith.addi %iota3A, %add3A_78 : vector<16xi32>
    tpu.vector_store_idx %arg18[%add3A_79, %broadcast_in_dim3A_31], %sub3A_65 : memref<80x16xf32, #tpu.memory_space<vmem>>[vector<16xi32>, vector<16xi32>], vector<16xf32>,
    %add3A_80 = arith.constant 1 : i32
    %add3A_81 = vector.broadcast %add3A_80 : i32 to vector<16xi32>
    %add3A_82 = arith.addi %broadcast_in_dim3A_31, %add3A_81 : vector<16xi32>
    tpu.vector_store_idx %arg18[%add3A_79, %add3A_82], %sub3A_68 : memref<80x16xf32, #tpu.memory_space<vmem>>[vector<16xi32>, vector<16xi32>], vector<16xf32>,
    %add3A_83 = arith.constant 2 : i32
    %add3A_84 = vector.broadcast %add3A_83 : i32 to vector<16xi32>
    %add3A_85 = arith.addi %broadcast_in_dim3A_31, %add3A_84 : vector<16xi32>
    tpu.vector_store_idx %arg18[%add3A_79, %add3A_85], %sub3A_71 : memref<80x16xf32, #tpu.memory_space<vmem>>[vector<16xi32>, vector<16xi32>], vector<16xf32>,
    %add3A_86 = arith.constant 3 : i32
    %add3A_87 = vector.broadcast %add3A_86 : i32 to vector<16xi32>
    %add3A_88 = arith.addi %broadcast_in_dim3A_31, %add3A_87 : vector<16xi32>
    tpu.vector_store_idx %arg18[%add3A_79, %add3A_88], %add3A_76 : memref<80x16xf32, #tpu.memory_space<vmem>>[vector<16xi32>, vector<16xi32>], vector<16xf32>,
    %get3A_89 = arith.constant 9952 : index
    %get3A_90 = tpu.vector_load %arg11[%get3A_89] {strides = array<i32>} : memref<10000xi32, #tpu.memory_space<vmem>>, vector<16xi32>,
    %get3A_91 = arith.constant 9952 : index
    %get3A_92 = tpu.vector_load %arg12[%get3A_91] {strides = array<i32>} : memref<10000xi32, #tpu.memory_space<vmem>>, vector<16xi32>,
    %gather3A_93 = tpu.vector_load_idx %arg13[%get3A_90] : memref<10000xf32, #tpu.memory_space<vmem>>[vector<16xi32>], vector<16xf32>,
    %gather3A_94 = tpu.vector_load_idx %arg13[%get3A_92] : memref<10000xf32, #tpu.memory_space<vmem>>[vector<16xi32>], vector<16xf32>,
    %sub3A_95 = arith.subf %gather3A_93, %gather3A_94 : vector<16xf32>
    %gather3A_96 = tpu.vector_load_idx %arg14[%get3A_90] : memref<10000xf32, #tpu.memory_space<vmem>>[vector<16xi32>], vector<16xf32>,
    %gather3A_97 = tpu.vector_load_idx %arg14[%get3A_92] : memref<10000xf32, #tpu.memory_space<vmem>>[vector<16xi32>], vector<16xf32>,
    %sub3A_98 = arith.subf %gather3A_96, %gather3A_97 : vector<16xf32>
    %gather3A_99 = tpu.vector_load_idx %arg15[%get3A_90] : memref<10000xf32, #tpu.memory_space<vmem>>[vector<16xi32>], vector<16xf32>,
    %gather3A_100 = tpu.vector_load_idx %arg15[%get3A_92] : memref<10000xf32, #tpu.memory_space<vmem>>[vector<16xi32>], vector<16xf32>,
    %sub3A_101 = arith.subf %gather3A_99, %gather3A_100 : vector<16xf32>
    %mul3A_102 = arith.mulf %sub3A_95, %sub3A_95 : vector<16xf32>
    %mul3A_103 = arith.mulf %sub3A_98, %sub3A_98 : vector<16xf32>
    %add3A_104 = arith.addf %mul3A_102, %mul3A_103 : vector<16xf32>
    %mul3A_105 = arith.mulf %sub3A_101, %sub3A_101 : vector<16xf32>
    %add3A_106 = arith.addf %add3A_104, %mul3A_105 : vector<16xf32>
    %add3A_107 = arith.constant 32 : i32
    %add3A_108 = vector.broadcast %add3A_107 : i32 to vector<16xi32>
    %add3A_109 = arith.addi %iota3A, %add3A_108 : vector<16xi32>
    tpu.vector_store_idx %arg18[%add3A_109, %broadcast_in_dim3A_31], %sub3A_95 : memref<80x16xf32, #tpu.memory_space<vmem>>[vector<16xi32>, vector<16xi32>], vector<16xf32>,
    %add3A_110 = arith.constant 1 : i32
    %add3A_111 = vector.broadcast %add3A_110 : i32 to vector<16xi32>
    %add3A_112 = arith.addi %broadcast_in_dim3A_31, %add3A_111 : vector<16xi32>
    tpu.vector_store_idx %arg18[%add3A_109, %add3A_112], %sub3A_98 : memref<80x16xf32, #tpu.memory_space<vmem>>[vector<16xi32>, vector<16xi32>], vector<16xf32>,
    %add3A_113 = arith.constant 2 : i32
    %add3A_114 = vector.broadcast %add3A_113 : i32 to vector<16xi32>
    %add3A_115 = arith.addi %broadcast_in_dim3A_31, %add3A_114 : vector<16xi32>
    tpu.vector_store_idx %arg18[%add3A_109, %add3A_115], %sub3A_101 : memref<80x16xf32, #tpu.memory_space<vmem>>[vector<16xi32>, vector<16xi32>], vector<16xf32>,
    %add3A_116 = arith.constant 3 : i32
    %add3A_117 = vector.broadcast %add3A_116 : i32 to vector<16xi32>
    %add3A_118 = arith.addi %broadcast_in_dim3A_31, %add3A_117 : vector<16xi32>
    tpu.vector_store_idx %arg18[%add3A_109, %add3A_118], %add3A_106 : memref<80x16xf32, #tpu.memory_space<vmem>>[vector<16xi32>, vector<16xi32>], vector<16xf32>,
    %get3A_119 = arith.constant 9968 : index
    %get3A_120 = tpu.vector_load %arg11[%get3A_119] {strides = array<i32>} : memref<10000xi32, #tpu.memory_space<vmem>>, vector<16xi32>,
    %get3A_121 = arith.constant 9968 : index
    %get3A_122 = tpu.vector_load %arg12[%get3A_121] {strides = array<i32>} : memref<10000xi32, #tpu.memory_space<vmem>>, vector<16xi32>,
    %gather3A_123 = tpu.vector_load_idx %arg13[%get3A_120] : memref<10000xf32, #tpu.memory_space<vmem>>[vector<16xi32>], vector<16xf32>,
    %gather3A_124 = tpu.vector_load_idx %arg13[%get3A_122] : memref<10000xf32, #tpu.memory_space<vmem>>[vector<16xi32>], vector<16xf32>,
    %sub3A_125 = arith.subf %gather3A_123, %gather3A_124 : vector<16xf32>
    %gather3A_126 = tpu.vector_load_idx %arg14[%get3A_120] : memref<10000xf32, #tpu.memory_space<vmem>>[vector<16xi32>], vector<16xf32>,
    %gather3A_127 = tpu.vector_load_idx %arg14[%get3A_122] : memref<10000xf32, #tpu.memory_space<vmem>>[vector<16xi32>], vector<16xf32>,
    %sub3A_128 = arith.subf %gather3A_126, %gather3A_127 : vector<16xf32>
    %gather3A_129 = tpu.vector_load_idx %arg15[%get3A_120] : memref<10000xf32, #tpu.memory_space<vmem>>[vector<16xi32>], vector<16xf32>,
    %gather3A_130 = tpu.vector_load_idx %arg15[%get3A_122] : memref<10000xf32, #tpu.memory_space<vmem>>[vector<16xi32>], vector<16xf32>,
    %sub3A_131 = arith.subf %gather3A_129, %gather3A_130 : vector<16xf32>
    %mul3A_132 = arith.mulf %sub3A_125, %sub3A_125 : vector<16xf32>
    %mul3A_133 = arith.mulf %sub3A_128, %sub3A_128 : vector<16xf32>
    %add3A_134 = arith.addf %mul3A_132, %mul3A_133 : vector<16xf32>
    %mul3A_135 = arith.mulf %sub3A_131, %sub3A_131 : vector<16xf32>
    %add3A_136 = arith.addf %add3A_134, %mul3A_135 : vector<16xf32>
    %add3A_137 = arith.constant 48 : i32
    %add3A_138 = vector.broadcast %add3A_137 : i32 to vector<16xi32>
    %add3A_139 = arith.addi %iota3A, %add3A_138 : vector<16xi32>
    tpu.vector_store_idx %arg18[%add3A_139, %broadcast_in_dim3A_31], %sub3A_125 : memref<80x16xf32, #tpu.memory_space<vmem>>[vector<16xi32>, vector<16xi32>], vector<16xf32>,
    %add3A_140 = arith.constant 1 : i32
    %add3A_141 = vector.broadcast %add3A_140 : i32 to vector<16xi32>
    %add3A_142 = arith.addi %broadcast_in_dim3A_31, %add3A_141 : vector<16xi32>
    tpu.vector_store_idx %arg18[%add3A_139, %add3A_142], %sub3A_128 : memref<80x16xf32, #tpu.memory_space<vmem>>[vector<16xi32>, vector<16xi32>], vector<16xf32>,
    %add3A_143 = arith.constant 2 : i32
    %add3A_144 = vector.broadcast %add3A_143 : i32 to vector<16xi32>
    %add3A_145 = arith.addi %broadcast_in_dim3A_31, %add3A_144 : vector<16xi32>
    tpu.vector_store_idx %arg18[%add3A_139, %add3A_145], %sub3A_131 : memref<80x16xf32, #tpu.memory_space<vmem>>[vector<16xi32>, vector<16xi32>], vector<16xf32>,
    %add3A_146 = arith.constant 3 : i32
    %add3A_147 = vector.broadcast %add3A_146 : i32 to vector<16xi32>
    %add3A_148 = arith.addi %broadcast_in_dim3A_31, %add3A_147 : vector<16xi32>
    tpu.vector_store_idx %arg18[%add3A_139, %add3A_148], %add3A_136 : memref<80x16xf32, #tpu.memory_space<vmem>>[vector<16xi32>, vector<16xi32>], vector<16xf32>,
    %get3A_149 = arith.constant 9984 : index
    %get3A_150 = tpu.vector_load %arg11[%get3A_149] {strides = array<i32>} : memref<10000xi32, #tpu.memory_space<vmem>>, vector<16xi32>,
    %get3A_151 = arith.constant 9984 : index
    %get3A_152 = tpu.vector_load %arg12[%get3A_151] {strides = array<i32>} : memref<10000xi32, #tpu.memory_space<vmem>>, vector<16xi32>,
    %gather3A_153 = tpu.vector_load_idx %arg13[%get3A_150] : memref<10000xf32, #tpu.memory_space<vmem>>[vector<16xi32>], vector<16xf32>,
    %gather3A_154 = tpu.vector_load_idx %arg13[%get3A_152] : memref<10000xf32, #tpu.memory_space<vmem>>[vector<16xi32>], vector<16xf32>,
    %sub3A_155 = arith.subf %gather3A_153, %gather3A_154 : vector<16xf32>
    %gather3A_156 = tpu.vector_load_idx %arg14[%get3A_150] : memref<10000xf32, #tpu.memory_space<vmem>>[vector<16xi32>], vector<16xf32>,
    %gather3A_157 = tpu.vector_load_idx %arg14[%get3A_152] : memref<10000xf32, #tpu.memory_space<vmem>>[vector<16xi32>], vector<16xf32>,
    %sub3A_158 = arith.subf %gather3A_156, %gather3A_157 : vector<16xf32>
    %gather3A_159 = tpu.vector_load_idx %arg15[%get3A_150] : memref<10000xf32, #tpu.memory_space<vmem>>[vector<16xi32>], vector<16xf32>,
    %gather3A_160 = tpu.vector_load_idx %arg15[%get3A_152] : memref<10000xf32, #tpu.memory_space<vmem>>[vector<16xi32>], vector<16xf32>,
    %sub3A_161 = arith.subf %gather3A_159, %gather3A_160 : vector<16xf32>
    %mul3A_162 = arith.mulf %sub3A_155, %sub3A_155 : vector<16xf32>
    %mul3A_163 = arith.mulf %sub3A_158, %sub3A_158 : vector<16xf32>
    %add3A_164 = arith.addf %mul3A_162, %mul3A_163 : vector<16xf32>
    %mul3A_165 = arith.mulf %sub3A_161, %sub3A_161 : vector<16xf32>
    %add3A_166 = arith.addf %add3A_164, %mul3A_165 : vector<16xf32>
    %add3A_167 = arith.constant 64 : i32
    %add3A_168 = vector.broadcast %add3A_167 : i32 to vector<16xi32>
    %add3A_169 = arith.addi %iota3A, %add3A_168 : vector<16xi32>
    tpu.vector_store_idx %arg18[%add3A_169, %broadcast_in_dim3A_31], %sub3A_155 : memref<80x16xf32, #tpu.memory_space<vmem>>[vector<16xi32>, vector<16xi32>], vector<16xf32>,
    %add3A_170 = arith.constant 1 : i32
    %add3A_171 = vector.broadcast %add3A_170 : i32 to vector<16xi32>
    %add3A_172 = arith.addi %broadcast_in_dim3A_31, %add3A_171 : vector<16xi32>
    tpu.vector_store_idx %arg18[%add3A_169, %add3A_172], %sub3A_158 : memref<80x16xf32, #tpu.memory_space<vmem>>[vector<16xi32>, vector<16xi32>], vector<16xf32>,
    %add3A_173 = arith.constant 2 : i32
    %add3A_174 = vector.broadcast %add3A_173 : i32 to vector<16xi32>
    %add3A_175 = arith.addi %broadcast_in_dim3A_31, %add3A_174 : vector<16xi32>
    tpu.vector_store_idx %arg18[%add3A_169, %add3A_175], %sub3A_161 : memref<80x16xf32, #tpu.memory_space<vmem>>[vector<16xi32>, vector<16xi32>], vector<16xf32>,
    %add3A_176 = arith.constant 3 : i32
    %add3A_177 = vector.broadcast %add3A_176 : i32 to vector<16xi32>
    %add3A_178 = arith.addi %broadcast_in_dim3A_31, %add3A_177 : vector<16xi32>
    tpu.vector_store_idx %arg18[%add3A_169, %add3A_178], %add3A_166 : memref<80x16xf32, #tpu.memory_space<vmem>>[vector<16xi32>, vector<16xi32>], vector<16xf32>,
    %dma_wait3A = arith.constant 0 : i32
    %dma_wait3A_179 = arith.constant 0 : i32
    %dma_wait3A_180 = arith.constant 0 : i32
    %dma_wait3A_181 = tpu.memref_slice %arg16[%dma_wait3A, %dma_wait3A_179, %dma_wait3A_180] : memref<2x80x128xf32, #tpu.memory_space<vmem>> -> memref<1x80x128xf32, #tpu.memory_space<vmem>>
    %dma_wait3A_182 = tpu.memref_squeeze %dma_wait3A_181 : memref<1x80x128xf32, #tpu.memory_space<vmem>> -> memref<80x128xf32, #tpu.memory_space<vmem>>
    %dma_wait3A_183 = arith.constant 0 : i32
    %dma_wait3A_184 = tpu.memref_slice %arg11[%dma_wait3A_183] : memref<10000xi32, #tpu.memory_space<vmem>> -> memref<80xi32, #tpu.memory_space<vmem>>
    %dma_wait3A_185 = arith.constant 0 : i32
    %dma_wait3A_186 = arith.constant 0 : i32
    %dma_wait3A_187 = tpu.memref_slice %arg2[%dma_wait3A_185, %dma_wait3A_186] : memref<10000x128xf32, #tpu.memory_space<hbm>> -> memref<10000x128xf32, #tpu.memory_space<hbm>>
    tpu.wait_indirect_dma semaphore(%arg19 : memref<!tpu.dma_semaphore, #tpu.memory_space<semaphore_mem>>) src(%dma_wait3A_187 : memref<10000x128xf32, #tpu.memory_space<hbm>>) dst(%dma_wait3A_182 : memref<80x128xf32, #tpu.memory_space<vmem>>)
    %dma_wait3A_188 = arith.constant 0 : i32
    %dma_wait3A_189 = arith.constant 0 : i32
    %dma_wait3A_190 = arith.constant 0 : i32
    %dma_wait3A_191 = tpu.memref_slice %arg17[%dma_wait3A_188, %dma_wait3A_189, %dma_wait3A_190] : memref<2x80x128xf32, #tpu.memory_space<vmem>> -> memref<1x80x128xf32, #tpu.memory_space<vmem>>
    %dma_wait3A_192 = tpu.memref_squeeze %dma_wait3A_191 : memref<1x80x128xf32, #tpu.memory_space<vmem>> -> memref<80x128xf32, #tpu.memory_space<vmem>>
    %dma_wait3A_193 = arith.constant 0 : i32
    %dma_wait3A_194 = tpu.memref_slice %arg12[%dma_wait3A_193] : memref<10000xi32, #tpu.memory_space<vmem>> -> memref<80xi32, #tpu.memory_space<vmem>>
    %dma_wait3A_195 = arith.constant 0 : i32
    %dma_wait3A_196 = arith.constant 0 : i32
    %dma_wait3A_197 = tpu.memref_slice %arg3[%dma_wait3A_195, %dma_wait3A_196] : memref<10000x128xf32, #tpu.memory_space<hbm>> -> memref<10000x128xf32, #tpu.memory_space<hbm>>
    tpu.wait_indirect_dma semaphore(%arg20 : memref<!tpu.dma_semaphore, #tpu.memory_space<semaphore_mem>>) src(%dma_wait3A_197 : memref<10000x128xf32, #tpu.memory_space<hbm>>) dst(%dma_wait3A_192 : memref<80x128xf32, #tpu.memory_space<vmem>>)
    %scan3A_198 = arith.constant 0 : i32
    %scan3A_199 = arith.constant 0 : i32
    %scan3A_200 = arith.constant 0 : i32
    %scan3A_201 = arith.constant 0 : i32
    %scan3A_202 = arith.constant 80 : i32
    %scan3A_203 = arith.addi %scan3A_201, %scan3A_202 : i32
    %scan3A_204 = arith.constant 1 : i32
    scf.for %scan3A_208 = %scan3A_201 to %scan3A_203 step %scan3A_204  : i32 {
      %get3A_209 = arith.constant 0 : i32
      %get3A_210 = arith.constant 0 : i32
      %get3A_211 = tpu.memref_slice %arg16[%scan3A_199, %get3A_209, %get3A_210] : memref<2x80x128xf32, #tpu.memory_space<vmem>> -> memref<1x80x128xf32, #tpu.memory_space<vmem>>
      %get3A_212 = tpu.memref_squeeze %get3A_211 : memref<1x80x128xf32, #tpu.memory_space<vmem>> -> memref<80x128xf32, #tpu.memory_space<vmem>>
      %get3A_213 = arith.index_cast %scan3A_208 : i32 to index
      %get3A_214 = arith.constant 0 : index
      %get3A_215 = tpu.vector_load %get3A_212[%get3A_213, %get3A_214] {strides = array<i32>} : memref<80x128xf32, #tpu.memory_space<vmem>>, vector<16xf32>,
      %get3A_216 = arith.constant 0 : i32
      %get3A_217 = arith.constant 0 : i32
      %get3A_218 = tpu.memref_slice %arg17[%scan3A_200, %get3A_216, %get3A_217] : memref<2x80x128xf32, #tpu.memory_space<vmem>> -> memref<1x80x128xf32, #tpu.memory_space<vmem>>
      %get3A_219 = tpu.memref_squeeze %get3A_218 : memref<1x80x128xf32, #tpu.memory_space<vmem>> -> memref<80x128xf32, #tpu.memory_space<vmem>>
      %get3A_220 = arith.index_cast %scan3A_208 : i32 to index
      %get3A_221 = arith.constant 0 : index
      %get3A_222 = tpu.vector_load %get3A_219[%get3A_220, %get3A_221] {strides = array<i32>} : memref<80x128xf32, #tpu.memory_space<vmem>>, vector<16xf32>,
      %add3A_223 = arith.addf %get3A_215, %get3A_222 : vector<16xf32>
      %swap3A = arith.constant 0 : i32
      %swap3A_224 = arith.constant 0 : i32
      %swap3A_225 = tpu.memref_slice %arg16[%scan3A_199, %swap3A, %swap3A_224] : memref<2x80x128xf32, #tpu.memory_space<vmem>> -> memref<1x80x128xf32, #tpu.memory_space<vmem>>
      %swap3A_226 = tpu.memref_squeeze %swap3A_225 : memref<1x80x128xf32, #tpu.memory_space<vmem>> -> memref<80x128xf32, #tpu.memory_space<vmem>>
      %swap3A_227 = arith.index_cast %scan3A_208 : i32 to index
      %swap3A_228 = arith.constant 0 : index
      %swap3A_229 = tpu.vector_load %swap3A_226[%swap3A_227, %swap3A_228] {strides = array<i32>} : memref<80x128xf32, #tpu.memory_space<vmem>>, vector<16xf32>,
      tpu.vector_store %swap3A_226[%swap3A_227, %swap3A_228], %add3A_223 {strides = array<i32>} : memref<80x128xf32, #tpu.memory_space<vmem>>, vector<16xf32>,
      %get3A_230 = arith.constant 0 : i32
      %get3A_231 = arith.constant 0 : i32
      %get3A_232 = tpu.memref_slice %arg16[%scan3A_199, %get3A_230, %get3A_231] : memref<2x80x128xf32, #tpu.memory_space<vmem>> -> memref<1x80x128xf32, #tpu.memory_space<vmem>>
      %get3A_233 = tpu.memref_squeeze %get3A_232 : memref<1x80x128xf32, #tpu.memory_space<vmem>> -> memref<80x128xf32, #tpu.memory_space<vmem>>
      %get3A_234 = arith.index_cast %scan3A_208 : i32 to index
      %get3A_235 = arith.constant 16 : index
      %get3A_236 = tpu.vector_load %get3A_233[%get3A_234, %get3A_235] {strides = array<i32>} : memref<80x128xf32, #tpu.memory_space<vmem>>, vector<16xf32>,
      %get3A_237 = arith.constant 0 : i32
      %get3A_238 = arith.constant 0 : i32
      %get3A_239 = tpu.memref_slice %arg17[%scan3A_200, %get3A_237, %get3A_238] : memref<2x80x128xf32, #tpu.memory_space<vmem>> -> memref<1x80x128xf32, #tpu.memory_space<vmem>>
      %get3A_240 = tpu.memref_squeeze %get3A_239 : memref<1x80x128xf32, #tpu.memory_space<vmem>> -> memref<80x128xf32, #tpu.memory_space<vmem>>
      %get3A_241 = arith.index_cast %scan3A_208 : i32 to index
      %get3A_242 = arith.constant 16 : index
      %get3A_243 = tpu.vector_load %get3A_240[%get3A_241, %get3A_242] {strides = array<i32>} : memref<80x128xf32, #tpu.memory_space<vmem>>, vector<16xf32>,
      %add3A_244 = arith.addf %get3A_236, %get3A_243 : vector<16xf32>
      %swap3A_245 = arith.constant 0 : i32
      %swap3A_246 = arith.constant 0 : i32
      %swap3A_247 = tpu.memref_slice %arg16[%scan3A_199, %swap3A_245, %swap3A_246] : memref<2x80x128xf32, #tpu.memory_space<vmem>> -> memref<1x80x128xf32, #tpu.memory_space<vmem>>
      %swap3A_248 = tpu.memref_squeeze %swap3A_247 : memref<1x80x128xf32, #tpu.memory_space<vmem>> -> memref<80x128xf32, #tpu.memory_space<vmem>>
      %swap3A_249 = arith.index_cast %scan3A_208 : i32 to index
      %swap3A_250 = arith.constant 16 : index
      %swap3A_251 = tpu.vector_load %swap3A_248[%swap3A_249, %swap3A_250] {strides = array<i32>} : memref<80x128xf32, #tpu.memory_space<vmem>>, vector<16xf32>,
      tpu.vector_store %swap3A_248[%swap3A_249, %swap3A_250], %add3A_244 {strides = array<i32>} : memref<80x128xf32, #tpu.memory_space<vmem>>, vector<16xf32>,
      %get3A_252 = arith.constant 0 : i32
      %get3A_253 = arith.constant 0 : i32
      %get3A_254 = tpu.memref_slice %arg16[%scan3A_199, %get3A_252, %get3A_253] : memref<2x80x128xf32, #tpu.memory_space<vmem>> -> memref<1x80x128xf32, #tpu.memory_space<vmem>>
      %get3A_255 = tpu.memref_squeeze %get3A_254 : memref<1x80x128xf32, #tpu.memory_space<vmem>> -> memref<80x128xf32, #tpu.memory_space<vmem>>
      %get3A_256 = arith.index_cast %scan3A_208 : i32 to index
      %get3A_257 = arith.constant 32 : index
      %get3A_258 = tpu.vector_load %get3A_255[%get3A_256, %get3A_257] {strides = array<i32>} : memref<80x128xf32, #tpu.memory_space<vmem>>, vector<16xf32>,
      %get3A_259 = arith.constant 0 : i32
      %get3A_260 = arith.constant 0 : i32
      %get3A_261 = tpu.memref_slice %arg17[%scan3A_200, %get3A_259, %get3A_260] : memref<2x80x128xf32, #tpu.memory_space<vmem>> -> memref<1x80x128xf32, #tpu.memory_space<vmem>>
      %get3A_262 = tpu.memref_squeeze %get3A_261 : memref<1x80x128xf32, #tpu.memory_space<vmem>> -> memref<80x128xf32, #tpu.memory_space<vmem>>
      %get3A_263 = arith.index_cast %scan3A_208 : i32 to index
      %get3A_264 = arith.constant 32 : index
      %get3A_265 = tpu.vector_load %get3A_262[%get3A_263, %get3A_264] {strides = array<i32>} : memref<80x128xf32, #tpu.memory_space<vmem>>, vector<16xf32>,
      %add3A_266 = arith.addf %get3A_258, %get3A_265 : vector<16xf32>
      %swap3A_267 = arith.constant 0 : i32
      %swap3A_268 = arith.constant 0 : i32
      %swap3A_269 = tpu.memref_slice %arg16[%scan3A_199, %swap3A_267, %swap3A_268] : memref<2x80x128xf32, #tpu.memory_space<vmem>> -> memref<1x80x128xf32, #tpu.memory_space<vmem>>
      %swap3A_270 = tpu.memref_squeeze %swap3A_269 : memref<1x80x128xf32, #tpu.memory_space<vmem>> -> memref<80x128xf32, #tpu.memory_space<vmem>>
      %swap3A_271 = arith.index_cast %scan3A_208 : i32 to index
      %swap3A_272 = arith.constant 32 : index
      %swap3A_273 = tpu.vector_load %swap3A_270[%swap3A_271, %swap3A_272] {strides = array<i32>} : memref<80x128xf32, #tpu.memory_space<vmem>>, vector<16xf32>,
      tpu.vector_store %swap3A_270[%swap3A_271, %swap3A_272], %add3A_266 {strides = array<i32>} : memref<80x128xf32, #tpu.memory_space<vmem>>, vector<16xf32>,
      %get3A_274 = arith.constant 0 : i32
      %get3A_275 = arith.constant 0 : i32
      %get3A_276 = tpu.memref_slice %arg16[%scan3A_199, %get3A_274, %get3A_275] : memref<2x80x128xf32, #tpu.memory_space<vmem>> -> memref<1x80x128xf32, #tpu.memory_space<vmem>>
      %get3A_277 = tpu.memref_squeeze %get3A_276 : memref<1x80x128xf32, #tpu.memory_space<vmem>> -> memref<80x128xf32, #tpu.memory_space<vmem>>
      %get3A_278 = arith.index_cast %scan3A_208 : i32 to index
      %get3A_279 = arith.constant 48 : index
      %get3A_280 = tpu.vector_load %get3A_277[%get3A_278, %get3A_279] {strides = array<i32>} : memref<80x128xf32, #tpu.memory_space<vmem>>, vector<16xf32>,
      %get3A_281 = arith.constant 0 : i32
      %get3A_282 = arith.constant 0 : i32
      %get3A_283 = tpu.memref_slice %arg17[%scan3A_200, %get3A_281, %get3A_282] : memref<2x80x128xf32, #tpu.memory_space<vmem>> -> memref<1x80x128xf32, #tpu.memory_space<vmem>>
      %get3A_284 = tpu.memref_squeeze %get3A_283 : memref<1x80x128xf32, #tpu.memory_space<vmem>> -> memref<80x128xf32, #tpu.memory_space<vmem>>
      %get3A_285 = arith.index_cast %scan3A_208 : i32 to index
      %get3A_286 = arith.constant 48 : index
      %get3A_287 = tpu.vector_load %get3A_284[%get3A_285, %get3A_286] {strides = array<i32>} : memref<80x128xf32, #tpu.memory_space<vmem>>, vector<16xf32>,
      %add3A_288 = arith.addf %get3A_280, %get3A_287 : vector<16xf32>
      %swap3A_289 = arith.constant 0 : i32
      %swap3A_290 = arith.constant 0 : i32
      %swap3A_291 = tpu.memref_slice %arg16[%scan3A_199, %swap3A_289, %swap3A_290] : memref<2x80x128xf32, #tpu.memory_space<vmem>> -> memref<1x80x128xf32, #tpu.memory_space<vmem>>
      %swap3A_292 = tpu.memref_squeeze %swap3A_291 : memref<1x80x128xf32, #tpu.memory_space<vmem>> -> memref<80x128xf32, #tpu.memory_space<vmem>>
      %swap3A_293 = arith.index_cast %scan3A_208 : i32 to index
      %swap3A_294 = arith.constant 48 : index
      %swap3A_295 = tpu.vector_load %swap3A_292[%swap3A_293, %swap3A_294] {strides = array<i32>} : memref<80x128xf32, #tpu.memory_space<vmem>>, vector<16xf32>,
      tpu.vector_store %swap3A_292[%swap3A_293, %swap3A_294], %add3A_288 {strides = array<i32>} : memref<80x128xf32, #tpu.memory_space<vmem>>, vector<16xf32>,
      %get3A_296 = arith.constant 0 : i32
      %get3A_297 = arith.constant 0 : i32
      %get3A_298 = tpu.memref_slice %arg16[%scan3A_199, %get3A_296, %get3A_297] : memref<2x80x128xf32, #tpu.memory_space<vmem>> -> memref<1x80x128xf32, #tpu.memory_space<vmem>>
      %get3A_299 = tpu.memref_squeeze %get3A_298 : memref<1x80x128xf32, #tpu.memory_space<vmem>> -> memref<80x128xf32, #tpu.memory_space<vmem>>
      %get3A_300 = arith.index_cast %scan3A_208 : i32 to index
      %get3A_301 = arith.constant 64 : index
      %get3A_302 = tpu.vector_load %get3A_299[%get3A_300, %get3A_301] {strides = array<i32>} : memref<80x128xf32, #tpu.memory_space<vmem>>, vector<16xf32>,
      %get3A_303 = arith.constant 0 : i32
      %get3A_304 = arith.constant 0 : i32
      %get3A_305 = tpu.memref_slice %arg17[%scan3A_200, %get3A_303, %get3A_304] : memref<2x80x128xf32, #tpu.memory_space<vmem>> -> memref<1x80x128xf32, #tpu.memory_space<vmem>>
      %get3A_306 = tpu.memref_squeeze %get3A_305 : memref<1x80x128xf32, #tpu.memory_space<vmem>> -> memref<80x128xf32, #tpu.memory_space<vmem>>
      %get3A_307 = arith.index_cast %scan3A_208 : i32 to index
      %get3A_308 = arith.constant 64 : index
      %get3A_309 = tpu.vector_load %get3A_306[%get3A_307, %get3A_308] {strides = array<i32>} : memref<80x128xf32, #tpu.memory_space<vmem>>, vector<16xf32>,
      %add3A_310 = arith.addf %get3A_302, %get3A_309 : vector<16xf32>
      %swap3A_311 = arith.constant 0 : i32
      %swap3A_312 = arith.constant 0 : i32
      %swap3A_313 = tpu.memref_slice %arg16[%scan3A_199, %swap3A_311, %swap3A_312] : memref<2x80x128xf32, #tpu.memory_space<vmem>> -> memref<1x80x128xf32, #tpu.memory_space<vmem>>
      %swap3A_314 = tpu.memref_squeeze %swap3A_313 : memref<1x80x128xf32, #tpu.memory_space<vmem>> -> memref<80x128xf32, #tpu.memory_space<vmem>>
      %swap3A_315 = arith.index_cast %scan3A_208 : i32 to index
      %swap3A_316 = arith.constant 64 : index
      %swap3A_317 = tpu.vector_load %swap3A_314[%swap3A_315, %swap3A_316] {strides = array<i32>} : memref<80x128xf32, #tpu.memory_space<vmem>>, vector<16xf32>,
      tpu.vector_store %swap3A_314[%swap3A_315, %swap3A_316], %add3A_310 {strides = array<i32>} : memref<80x128xf32, #tpu.memory_space<vmem>>, vector<16xf32>,
      %get3A_318 = arith.constant 0 : i32
      %get3A_319 = arith.constant 0 : i32
      %get3A_320 = tpu.memref_slice %arg16[%scan3A_199, %get3A_318, %get3A_319] : memref<2x80x128xf32, #tpu.memory_space<vmem>> -> memref<1x80x128xf32, #tpu.memory_space<vmem>>
      %get3A_321 = tpu.memref_squeeze %get3A_320 : memref<1x80x128xf32, #tpu.memory_space<vmem>> -> memref<80x128xf32, #tpu.memory_space<vmem>>
      %get3A_322 = arith.index_cast %scan3A_208 : i32 to index
      %get3A_323 = arith.constant 80 : index
      %get3A_324 = tpu.vector_load %get3A_321[%get3A_322, %get3A_323] {strides = array<i32>} : memref<80x128xf32, #tpu.memory_space<vmem>>, vector<16xf32>,
      %get3A_325 = arith.constant 0 : i32
      %get3A_326 = arith.constant 0 : i32
      %get3A_327 = tpu.memref_slice %arg17[%scan3A_200, %get3A_325, %get3A_326] : memref<2x80x128xf32, #tpu.memory_space<vmem>> -> memref<1x80x128xf32, #tpu.memory_space<vmem>>
      %get3A_328 = tpu.memref_squeeze %get3A_327 : memref<1x80x128xf32, #tpu.memory_space<vmem>> -> memref<80x128xf32, #tpu.memory_space<vmem>>
      %get3A_329 = arith.index_cast %scan3A_208 : i32 to index
      %get3A_330 = arith.constant 80 : index
      %get3A_331 = tpu.vector_load %get3A_328[%get3A_329, %get3A_330] {strides = array<i32>} : memref<80x128xf32, #tpu.memory_space<vmem>>, vector<16xf32>,
      %add3A_332 = arith.addf %get3A_324, %get3A_331 : vector<16xf32>
      %swap3A_333 = arith.constant 0 : i32
      %swap3A_334 = arith.constant 0 : i32
      %swap3A_335 = tpu.memref_slice %arg16[%scan3A_199, %swap3A_333, %swap3A_334] : memref<2x80x128xf32, #tpu.memory_space<vmem>> -> memref<1x80x128xf32, #tpu.memory_space<vmem>>
      %swap3A_336 = tpu.memref_squeeze %swap3A_335 : memref<1x80x128xf32, #tpu.memory_space<vmem>> -> memref<80x128xf32, #tpu.memory_space<vmem>>
      %swap3A_337 = arith.index_cast %scan3A_208 : i32 to index
      %swap3A_338 = arith.constant 80 : index
      %swap3A_339 = tpu.vector_load %swap3A_336[%swap3A_337, %swap3A_338] {strides = array<i32>} : memref<80x128xf32, #tpu.memory_space<vmem>>, vector<16xf32>,
      tpu.vector_store %swap3A_336[%swap3A_337, %swap3A_338], %add3A_332 {strides = array<i32>} : memref<80x128xf32, #tpu.memory_space<vmem>>, vector<16xf32>,
      %get3A_340 = arith.constant 0 : i32
      %get3A_341 = arith.constant 0 : i32
      %get3A_342 = tpu.memref_slice %arg16[%scan3A_199, %get3A_340, %get3A_341] : memref<2x80x128xf32, #tpu.memory_space<vmem>> -> memref<1x80x128xf32, #tpu.memory_space<vmem>>
      %get3A_343 = tpu.memref_squeeze %get3A_342 : memref<1x80x128xf32, #tpu.memory_space<vmem>> -> memref<80x128xf32, #tpu.memory_space<vmem>>
      %get3A_344 = arith.index_cast %scan3A_208 : i32 to index
      %get3A_345 = arith.constant 96 : index
      %get3A_346 = tpu.vector_load %get3A_343[%get3A_344, %get3A_345] {strides = array<i32>} : memref<80x128xf32, #tpu.memory_space<vmem>>, vector<16xf32>,
      %get3A_347 = arith.constant 0 : i32
      %get3A_348 = arith.constant 0 : i32
      %get3A_349 = tpu.memref_slice %arg17[%scan3A_200, %get3A_347, %get3A_348] : memref<2x80x128xf32, #tpu.memory_space<vmem>> -> memref<1x80x128xf32, #tpu.memory_space<vmem>>
      %get3A_350 = tpu.memref_squeeze %get3A_349 : memref<1x80x128xf32, #tpu.memory_space<vmem>> -> memref<80x128xf32, #tpu.memory_space<vmem>>
      %get3A_351 = arith.index_cast %scan3A_208 : i32 to index
      %get3A_352 = arith.constant 96 : index
      %get3A_353 = tpu.vector_load %get3A_350[%get3A_351, %get3A_352] {strides = array<i32>} : memref<80x128xf32, #tpu.memory_space<vmem>>, vector<16xf32>,
      %add3A_354 = arith.addf %get3A_346, %get3A_353 : vector<16xf32>
      %swap3A_355 = arith.constant 0 : i32
      %swap3A_356 = arith.constant 0 : i32
      %swap3A_357 = tpu.memref_slice %arg16[%scan3A_199, %swap3A_355, %swap3A_356] : memref<2x80x128xf32, #tpu.memory_space<vmem>> -> memref<1x80x128xf32, #tpu.memory_space<vmem>>
      %swap3A_358 = tpu.memref_squeeze %swap3A_357 : memref<1x80x128xf32, #tpu.memory_space<vmem>> -> memref<80x128xf32, #tpu.memory_space<vmem>>
      %swap3A_359 = arith.index_cast %scan3A_208 : i32 to index
      %swap3A_360 = arith.constant 96 : index
      %swap3A_361 = tpu.vector_load %swap3A_358[%swap3A_359, %swap3A_360] {strides = array<i32>} : memref<80x128xf32, #tpu.memory_space<vmem>>, vector<16xf32>,
      tpu.vector_store %swap3A_358[%swap3A_359, %swap3A_360], %add3A_354 {strides = array<i32>} : memref<80x128xf32, #tpu.memory_space<vmem>>, vector<16xf32>,
      %get3A_362 = arith.constant 0 : i32
      %get3A_363 = arith.constant 0 : i32
      %get3A_364 = tpu.memref_slice %arg16[%scan3A_199, %get3A_362, %get3A_363] : memref<2x80x128xf32, #tpu.memory_space<vmem>> -> memref<1x80x128xf32, #tpu.memory_space<vmem>>
      %get3A_365 = tpu.memref_squeeze %get3A_364 : memref<1x80x128xf32, #tpu.memory_space<vmem>> -> memref<80x128xf32, #tpu.memory_space<vmem>>
      %get3A_366 = arith.index_cast %scan3A_208 : i32 to index
      %get3A_367 = arith.constant 112 : index
      %get3A_368 = tpu.vector_load %get3A_365[%get3A_366, %get3A_367] {strides = array<i32>} : memref<80x128xf32, #tpu.memory_space<vmem>>, vector<16xf32>,
      %get3A_369 = arith.constant 0 : i32
      %get3A_370 = arith.constant 0 : i32
      %get3A_371 = tpu.memref_slice %arg17[%scan3A_200, %get3A_369, %get3A_370] : memref<2x80x128xf32, #tpu.memory_space<vmem>> -> memref<1x80x128xf32, #tpu.memory_space<vmem>>
      %get3A_372 = tpu.memref_squeeze %get3A_371 : memref<1x80x128xf32, #tpu.memory_space<vmem>> -> memref<80x128xf32, #tpu.memory_space<vmem>>
      %get3A_373 = arith.index_cast %scan3A_208 : i32 to index
      %get3A_374 = arith.constant 112 : index
      %get3A_375 = tpu.vector_load %get3A_372[%get3A_373, %get3A_374] {strides = array<i32>} : memref<80x128xf32, #tpu.memory_space<vmem>>, vector<16xf32>,
      %add3A_376 = arith.addf %get3A_368, %get3A_375 : vector<16xf32>
      %swap3A_377 = arith.constant 0 : i32
      %swap3A_378 = arith.constant 0 : i32
      %swap3A_379 = tpu.memref_slice %arg16[%scan3A_199, %swap3A_377, %swap3A_378] : memref<2x80x128xf32, #tpu.memory_space<vmem>> -> memref<1x80x128xf32, #tpu.memory_space<vmem>>
      %swap3A_380 = tpu.memref_squeeze %swap3A_379 : memref<1x80x128xf32, #tpu.memory_space<vmem>> -> memref<80x128xf32, #tpu.memory_space<vmem>>
      %swap3A_381 = arith.index_cast %scan3A_208 : i32 to index
      %swap3A_382 = arith.constant 112 : index
      %swap3A_383 = tpu.vector_load %swap3A_380[%swap3A_381, %swap3A_382] {strides = array<i32>} : memref<80x128xf32, #tpu.memory_space<vmem>>, vector<16xf32>,
      tpu.vector_store %swap3A_380[%swap3A_381, %swap3A_382], %add3A_376 {strides = array<i32>} : memref<80x128xf32, #tpu.memory_space<vmem>>, vector<16xf32>,
    }
    %scan3A_205 = arith.constant 80 : i32
    %add3A_206 = arith.constant 9920 : i32
    %add3A_207 = arith.addi %mul3A_2, %add3A_206 : i32
    %run_scoped3A = arith.constant 0 : i32
    "tpu.region"() ({
      %run_scoped3A_208 = tpu.sem_alloc : memref<!tpu.dma_semaphore, #tpu.memory_space<semaphore_mem>>
      %dma_start3A_209 = arith.constant 0 : i32
      %dma_start3A_210 = arith.constant 0 : i32
      %dma_start3A_211 = tpu.memref_slice %arg16[%run_scoped3A, %dma_start3A_209, %dma_start3A_210] : memref<2x80x128xf32, #tpu.memory_space<vmem>> -> memref<1x80x128xf32, #tpu.memory_space<vmem>>
      %dma_start3A_212 = tpu.memref_squeeze %dma_start3A_211 : memref<1x80x128xf32, #tpu.memory_space<vmem>> -> memref<80x128xf32, #tpu.memory_space<vmem>>
      %dma_start3A_213 = arith.constant 0 : i32
      %dma_start3A_214 = tpu.memref_slice %arg9[%add3A_207, %dma_start3A_213] : memref<320000x128xf32, #tpu.memory_space<hbm>> -> memref<80x128xf32, #tpu.memory_space<hbm>>
      %dma_start3A_215 = arith.constant 0 : i32
      %dma_start3A_216 = tpu.memref_slice %arg9[%add3A_207, %dma_start3A_215] : memref<320000x128xf32, #tpu.memory_space<hbm>> -> memref<80x128xf32, #tpu.memory_space<hbm>>
      %dma_start3A_217 = arith.constant 0 : i32
      %dma_start3A_218 = arith.constant 0 : i32
      %dma_start3A_219 = tpu.memref_slice %arg16[%run_scoped3A, %dma_start3A_217, %dma_start3A_218] : memref<2x80x128xf32, #tpu.memory_space<vmem>> -> memref<1x80x128xf32, #tpu.memory_space<vmem>>
      %dma_start3A_220 = tpu.memref_squeeze %dma_start3A_219 : memref<1x80x128xf32, #tpu.memory_space<vmem>> -> memref<80x128xf32, #tpu.memory_space<vmem>>
      tpu.enqueue_dma source(%dma_start3A_220 : memref<80x128xf32, #tpu.memory_space<vmem>>) target(%dma_start3A_216 : memref<80x128xf32, #tpu.memory_space<hbm>>) target_semaphore(%run_scoped3A_208 : memref<!tpu.dma_semaphore, #tpu.memory_space<semaphore_mem>>)
      %dma_wait3A_221 = arith.constant 0 : i32
      %dma_wait3A_222 = arith.constant 0 : i32
      %dma_wait3A_223 = tpu.memref_slice %arg16[%run_scoped3A, %dma_wait3A_221, %dma_wait3A_222] : memref<2x80x128xf32, #tpu.memory_space<vmem>> -> memref<1x80x128xf32, #tpu.memory_space<vmem>>
      %dma_wait3A_224 = tpu.memref_squeeze %dma_wait3A_223 : memref<1x80x128xf32, #tpu.memory_space<vmem>> -> memref<80x128xf32, #tpu.memory_space<vmem>>
      %dma_wait3A_225 = arith.constant 0 : i32
      %dma_wait3A_226 = tpu.memref_slice %arg9[%add3A_207, %dma_wait3A_225] : memref<320000x128xf32, #tpu.memory_space<hbm>> -> memref<80x128xf32, #tpu.memory_space<hbm>>
      %dma_wait3A_227 = arith.constant 0 : i32
      %dma_wait3A_228 = tpu.memref_slice %arg9[%add3A_207, %dma_wait3A_227] : memref<320000x128xf32, #tpu.memory_space<hbm>> -> memref<80x128xf32, #tpu.memory_space<hbm>>
      %dma_wait3A_229 = arith.constant 0 : i32
      %dma_wait3A_230 = arith.constant 0 : i32
      %dma_wait3A_231 = tpu.memref_slice %arg16[%run_scoped3A, %dma_wait3A_229, %dma_wait3A_230] : memref<2x80x128xf32, #tpu.memory_space<vmem>> -> memref<1x80x128xf32, #tpu.memory_space<vmem>>
      %dma_wait3A_232 = tpu.memref_squeeze %dma_wait3A_231 : memref<1x80x128xf32, #tpu.memory_space<vmem>> -> memref<80x128xf32, #tpu.memory_space<vmem>>
      tpu.wait_dma2 semaphore(%run_scoped3A_208 : memref<!tpu.dma_semaphore, #tpu.memory_space<semaphore_mem>>) src(%dma_wait3A_232 : memref<80x128xf32, #tpu.memory_space<vmem>>) dst(%dma_wait3A_228 : memref<80x128xf32, #tpu.memory_space<hbm>>)
      tpu.yield
    }) : () -> ()
    "tpu.region"() ({
      %run_scoped3A_208 = tpu.sem_alloc : memref<!tpu.dma_semaphore, #tpu.memory_space<semaphore_mem>>
      %dma_start3A_209 = arith.constant 0 : i32
      %dma_start3A_210 = tpu.memref_slice %arg10[%add3A_207, %dma_start3A_209] : memref<320000x16xf32, #tpu.memory_space<hbm>> -> memref<80x16xf32, #tpu.memory_space<hbm>>
      %dma_start3A_211 = arith.constant 0 : i32
      %dma_start3A_212 = tpu.memref_slice %arg10[%add3A_207, %dma_start3A_211] : memref<320000x16xf32, #tpu.memory_space<hbm>> -> memref<80x16xf32, #tpu.memory_space<hbm>>
      tpu.enqueue_dma source(%arg18 : memref<80x16xf32, #tpu.memory_space<vmem>>) target(%dma_start3A_212 : memref<80x16xf32, #tpu.memory_space<hbm>>) target_semaphore(%run_scoped3A_208 : memref<!tpu.dma_semaphore, #tpu.memory_space<semaphore_mem>>)
      %dma_wait3A_213 = arith.constant 0 : i32
      %dma_wait3A_214 = tpu.memref_slice %arg10[%add3A_207, %dma_wait3A_213] : memref<320000x16xf32, #tpu.memory_space<hbm>> -> memref<80x16xf32, #tpu.memory_space<hbm>>
      %dma_wait3A_215 = arith.constant 0 : i32
      %dma_wait3A_216 = tpu.memref_slice %arg10[%add3A_207, %dma_wait3A_215] : memref<320000x16xf32, #tpu.memory_space<hbm>> -> memref<80x16xf32, #tpu.memory_space<hbm>>
      tpu.wait_dma2 semaphore(%run_scoped3A_208 : memref<!tpu.dma_semaphore, #tpu.memory_space<semaphore_mem>>) src(%arg18 : memref<80x16xf32, #tpu.memory_space<vmem>>) dst(%dma_wait3A_216 : memref<80x16xf32, #tpu.memory_space<hbm>>)
      tpu.yield
    }) : () -> ()
    return
  }
}

#map = affine_map<(d0, d1) -> (0, 0)>
#map1 = affine_map<(d0, d1) -> (0, 0, 0)>
module attributes {stable_mosaic.version = 14 : i64} {
  func.func @body_fn(%arg0: i32, %arg1: i32, %arg2: memref<320000x128xf32, #tpu.memory_space<hbm>>, %arg3: memref<32x250x40xi32, #tpu.memory_space<hbm>>, %arg4: memref<10240x128xf32, #tpu.memory_space<hbm>>, %arg5: memref<2x10240x128xf32, #tpu.memory_space<hbm>>, %arg6: memref<250x40xi32, #tpu.memory_space<vmem>>, %arg7: memref<2x40x128xf32, #tpu.memory_space<vmem>>, %arg8: memref<10240x128xf32, #tpu.memory_space<vmem_shared>>, %arg9: memref<!tpu.dma_semaphore, #tpu.memory_space<semaphore_mem>>, %arg10: memref<!tpu.dma_semaphore, #tpu.memory_space<semaphore_mem>>) attributes {dimension_semantics = [#tpu.dimension_semantics<core_parallel>, #tpu.dimension_semantics<subcore_parallel>], iteration_bounds = array<i64: 2, 16>, scalar_prefetch = 0 : i64, scratch_operands = 5 : i64, tpu.core_type = #tpu.core_type<sc_vector_subcore>, window_params = [{transform_indices = #map}, {transform_indices = #map1}, {transform_indices = #map}, {transform_indices = #map1}]} {
    %mul3A = arith.constant 2 : i32
    %mul3A_0 = arith.muli %arg1, %mul3A : i32
    %add3A = arith.addi %mul3A_0, %arg0 : i32
    %mul3A_1 = arith.constant 10000 : i32
    %mul3A_2 = arith.muli %add3A, %mul3A_1 : i32
    %mul3A_3 = arith.constant 640 : i32
    %mul3A_4 = arith.muli %arg1, %mul3A_3 : i32
    %run_scoped3A = arith.constant 0 : i32
    "tpu.region"() ({
      %run_scoped3A_85 = tpu.sem_alloc : memref<!tpu.dma_semaphore, #tpu.memory_space<semaphore_mem>>
      %dma_start3A_86 = arith.constant 0 : i32
      %dma_start3A_87 = arith.constant 0 : i32
      %dma_start3A_88 = tpu.memref_slice %arg7[%run_scoped3A, %dma_start3A_86, %dma_start3A_87] : memref<2x40x128xf32, #tpu.memory_space<vmem>> -> memref<1x40x128xf32, #tpu.memory_space<vmem>>
      %dma_start3A_89 = tpu.memref_squeeze %dma_start3A_88 : memref<1x40x128xf32, #tpu.memory_space<vmem>> -> memref<40x128xf32, #tpu.memory_space<vmem>>
      %dma_start3A_90 = arith.constant 0 : i32
      %dma_start3A_91 = arith.constant 0 : i32
      %dma_start3A_92 = tpu.memref_slice %arg4[%dma_start3A_90, %dma_start3A_91] : memref<10240x128xf32, #tpu.memory_space<hbm>> -> memref<40x128xf32, #tpu.memory_space<hbm>>
      %dma_start3A_93 = arith.constant 0 : i32
      %dma_start3A_94 = arith.constant 0 : i32
      %dma_start3A_95 = tpu.memref_slice %arg7[%run_scoped3A, %dma_start3A_93, %dma_start3A_94] : memref<2x40x128xf32, #tpu.memory_space<vmem>> -> memref<1x40x128xf32, #tpu.memory_space<vmem>>
      %dma_start3A_96 = tpu.memref_squeeze %dma_start3A_95 : memref<1x40x128xf32, #tpu.memory_space<vmem>> -> memref<40x128xf32, #tpu.memory_space<vmem>>
      %dma_start3A_97 = arith.constant 0 : i32
      %dma_start3A_98 = arith.constant 0 : i32
      %dma_start3A_99 = tpu.memref_slice %arg4[%dma_start3A_97, %dma_start3A_98] : memref<10240x128xf32, #tpu.memory_space<hbm>> -> memref<40x128xf32, #tpu.memory_space<hbm>>
      tpu.enqueue_dma source(%dma_start3A_99 : memref<40x128xf32, #tpu.memory_space<hbm>>) target(%dma_start3A_96 : memref<40x128xf32, #tpu.memory_space<vmem>>) target_semaphore(%run_scoped3A_85 : memref<!tpu.dma_semaphore, #tpu.memory_space<semaphore_mem>>)
      %dma_wait3A_100 = arith.constant 0 : i32
      %dma_wait3A_101 = arith.constant 0 : i32
      %dma_wait3A_102 = tpu.memref_slice %arg7[%run_scoped3A, %dma_wait3A_100, %dma_wait3A_101] : memref<2x40x128xf32, #tpu.memory_space<vmem>> -> memref<1x40x128xf32, #tpu.memory_space<vmem>>
      %dma_wait3A_103 = tpu.memref_squeeze %dma_wait3A_102 : memref<1x40x128xf32, #tpu.memory_space<vmem>> -> memref<40x128xf32, #tpu.memory_space<vmem>>
      %dma_wait3A_104 = arith.constant 0 : i32
      %dma_wait3A_105 = arith.constant 0 : i32
      %dma_wait3A_106 = tpu.memref_slice %arg4[%dma_wait3A_104, %dma_wait3A_105] : memref<10240x128xf32, #tpu.memory_space<hbm>> -> memref<40x128xf32, #tpu.memory_space<hbm>>
      %dma_wait3A_107 = arith.constant 0 : i32
      %dma_wait3A_108 = arith.constant 0 : i32
      %dma_wait3A_109 = tpu.memref_slice %arg7[%run_scoped3A, %dma_wait3A_107, %dma_wait3A_108] : memref<2x40x128xf32, #tpu.memory_space<vmem>> -> memref<1x40x128xf32, #tpu.memory_space<vmem>>
      %dma_wait3A_110 = tpu.memref_squeeze %dma_wait3A_109 : memref<1x40x128xf32, #tpu.memory_space<vmem>> -> memref<40x128xf32, #tpu.memory_space<vmem>>
      %dma_wait3A_111 = arith.constant 0 : i32
      %dma_wait3A_112 = arith.constant 0 : i32
      %dma_wait3A_113 = tpu.memref_slice %arg4[%dma_wait3A_111, %dma_wait3A_112] : memref<10240x128xf32, #tpu.memory_space<hbm>> -> memref<40x128xf32, #tpu.memory_space<hbm>>
      tpu.wait_dma2 semaphore(%run_scoped3A_85 : memref<!tpu.dma_semaphore, #tpu.memory_space<semaphore_mem>>) src(%dma_wait3A_113 : memref<40x128xf32, #tpu.memory_space<hbm>>) dst(%dma_wait3A_110 : memref<40x128xf32, #tpu.memory_space<vmem>>)
      tpu.yield
    }) : () -> ()
    %scan3A = arith.constant 0 : i32
    %scan3A_5 = arith.constant 0 : i32
    %scan3A_6 = arith.constant 16 : i32
    %scan3A_7 = arith.addi %scan3A_5, %scan3A_6 : i32
    %scan3A_8 = arith.constant 1 : i32
    scf.for %scan3A_85 = %scan3A_5 to %scan3A_7 step %scan3A_8  : i32 {
      %mul3A_86 = arith.constant 40 : i32
      %mul3A_87 = arith.muli %scan3A_85, %mul3A_86 : i32
      %add3A_88 = arith.addi %mul3A_4, %mul3A_87 : i32
      %run_scoped3A_89 = arith.constant 0 : i32
      "tpu.region"() ({
        %run_scoped3A_90 = tpu.sem_alloc : memref<!tpu.dma_semaphore, #tpu.memory_space<semaphore_mem>>
        %dma_start3A_91 = arith.constant 0 : i32
        %dma_start3A_92 = arith.constant 0 : i32
        %dma_start3A_93 = tpu.memref_slice %arg7[%run_scoped3A_89, %dma_start3A_91, %dma_start3A_92] : memref<2x40x128xf32, #tpu.memory_space<vmem>> -> memref<1x40x128xf32, #tpu.memory_space<vmem>>
        %dma_start3A_94 = tpu.memref_squeeze %dma_start3A_93 : memref<1x40x128xf32, #tpu.memory_space<vmem>> -> memref<40x128xf32, #tpu.memory_space<vmem>>
        %dma_start3A_95 = arith.constant 0 : i32
        %dma_start3A_96 = tpu.memref_slice %arg8[%add3A_88, %dma_start3A_95] : memref<10240x128xf32, #tpu.memory_space<vmem_shared>> -> memref<40x128xf32, #tpu.memory_space<vmem_shared>>
        %dma_start3A_97 = arith.constant 0 : i32
        %dma_start3A_98 = tpu.memref_slice %arg8[%add3A_88, %dma_start3A_97] : memref<10240x128xf32, #tpu.memory_space<vmem_shared>> -> memref<40x128xf32, #tpu.memory_space<vmem_shared>>
        %dma_start3A_99 = arith.constant 0 : i32
        %dma_start3A_100 = arith.constant 0 : i32
        %dma_start3A_101 = tpu.memref_slice %arg7[%run_scoped3A_89, %dma_start3A_99, %dma_start3A_100] : memref<2x40x128xf32, #tpu.memory_space<vmem>> -> memref<1x40x128xf32, #tpu.memory_space<vmem>>
        %dma_start3A_102 = tpu.memref_squeeze %dma_start3A_101 : memref<1x40x128xf32, #tpu.memory_space<vmem>> -> memref<40x128xf32, #tpu.memory_space<vmem>>
        tpu.enqueue_dma source(%dma_start3A_102 : memref<40x128xf32, #tpu.memory_space<vmem>>) target(%dma_start3A_98 : memref<40x128xf32, #tpu.memory_space<vmem_shared>>) target_semaphore(%run_scoped3A_90 : memref<!tpu.dma_semaphore, #tpu.memory_space<semaphore_mem>>)
        %dma_wait3A_103 = arith.constant 0 : i32
        %dma_wait3A_104 = arith.constant 0 : i32
        %dma_wait3A_105 = tpu.memref_slice %arg7[%run_scoped3A_89, %dma_wait3A_103, %dma_wait3A_104] : memref<2x40x128xf32, #tpu.memory_space<vmem>> -> memref<1x40x128xf32, #tpu.memory_space<vmem>>
        %dma_wait3A_106 = tpu.memref_squeeze %dma_wait3A_105 : memref<1x40x128xf32, #tpu.memory_space<vmem>> -> memref<40x128xf32, #tpu.memory_space<vmem>>
        %dma_wait3A_107 = arith.constant 0 : i32
        %dma_wait3A_108 = tpu.memref_slice %arg8[%add3A_88, %dma_wait3A_107] : memref<10240x128xf32, #tpu.memory_space<vmem_shared>> -> memref<40x128xf32, #tpu.memory_space<vmem_shared>>
        %dma_wait3A_109 = arith.constant 0 : i32
        %dma_wait3A_110 = tpu.memref_slice %arg8[%add3A_88, %dma_wait3A_109] : memref<10240x128xf32, #tpu.memory_space<vmem_shared>> -> memref<40x128xf32, #tpu.memory_space<vmem_shared>>
        %dma_wait3A_111 = arith.constant 0 : i32
        %dma_wait3A_112 = arith.constant 0 : i32
        %dma_wait3A_113 = tpu.memref_slice %arg7[%run_scoped3A_89, %dma_wait3A_111, %dma_wait3A_112] : memref<2x40x128xf32, #tpu.memory_space<vmem>> -> memref<1x40x128xf32, #tpu.memory_space<vmem>>
        %dma_wait3A_114 = tpu.memref_squeeze %dma_wait3A_113 : memref<1x40x128xf32, #tpu.memory_space<vmem>> -> memref<40x128xf32, #tpu.memory_space<vmem>>
        tpu.wait_dma2 semaphore(%run_scoped3A_90 : memref<!tpu.dma_semaphore, #tpu.memory_space<semaphore_mem>>) src(%dma_wait3A_114 : memref<40x128xf32, #tpu.memory_space<vmem>>) dst(%dma_wait3A_110 : memref<40x128xf32, #tpu.memory_space<vmem_shared>>)
        tpu.yield
      }) : () -> ()
    }
    %scan3A_9 = arith.constant 16 : i32
    "tpu.region"() ({
      %run_scoped3A_85 = tpu.sem_alloc : memref<!tpu.dma_semaphore, #tpu.memory_space<semaphore_mem>>
      %dma_start3A_86 = arith.constant 0 : i32
      %dma_start3A_87 = arith.constant 0 : i32
      %dma_start3A_88 = tpu.memref_slice %arg3[%add3A, %dma_start3A_86, %dma_start3A_87] : memref<32x250x40xi32, #tpu.memory_space<hbm>> -> memref<1x250x40xi32, #tpu.memory_space<hbm>>
      %dma_start3A_89 = tpu.memref_squeeze %dma_start3A_88 : memref<1x250x40xi32, #tpu.memory_space<hbm>> -> memref<250x40xi32, #tpu.memory_space<hbm>>
      %dma_start3A_90 = arith.constant 0 : i32
      %dma_start3A_91 = arith.constant 0 : i32
      %dma_start3A_92 = tpu.memref_slice %arg3[%add3A, %dma_start3A_90, %dma_start3A_91] : memref<32x250x40xi32, #tpu.memory_space<hbm>> -> memref<1x250x40xi32, #tpu.memory_space<hbm>>
      %dma_start3A_93 = tpu.memref_squeeze %dma_start3A_92 : memref<1x250x40xi32, #tpu.memory_space<hbm>> -> memref<250x40xi32, #tpu.memory_space<hbm>>
      tpu.enqueue_dma source(%dma_start3A_93 : memref<250x40xi32, #tpu.memory_space<hbm>>) target(%arg6 : memref<250x40xi32, #tpu.memory_space<vmem>>) target_semaphore(%run_scoped3A_85 : memref<!tpu.dma_semaphore, #tpu.memory_space<semaphore_mem>>)
      %dma_wait3A_94 = arith.constant 0 : i32
      %dma_wait3A_95 = arith.constant 0 : i32
      %dma_wait3A_96 = tpu.memref_slice %arg3[%add3A, %dma_wait3A_94, %dma_wait3A_95] : memref<32x250x40xi32, #tpu.memory_space<hbm>> -> memref<1x250x40xi32, #tpu.memory_space<hbm>>
      %dma_wait3A_97 = tpu.memref_squeeze %dma_wait3A_96 : memref<1x250x40xi32, #tpu.memory_space<hbm>> -> memref<250x40xi32, #tpu.memory_space<hbm>>
      %dma_wait3A_98 = arith.constant 0 : i32
      %dma_wait3A_99 = arith.constant 0 : i32
      %dma_wait3A_100 = tpu.memref_slice %arg3[%add3A, %dma_wait3A_98, %dma_wait3A_99] : memref<32x250x40xi32, #tpu.memory_space<hbm>> -> memref<1x250x40xi32, #tpu.memory_space<hbm>>
      %dma_wait3A_101 = tpu.memref_squeeze %dma_wait3A_100 : memref<1x250x40xi32, #tpu.memory_space<hbm>> -> memref<250x40xi32, #tpu.memory_space<hbm>>
      tpu.wait_dma2 semaphore(%run_scoped3A_85 : memref<!tpu.dma_semaphore, #tpu.memory_space<semaphore_mem>>) src(%dma_wait3A_101 : memref<250x40xi32, #tpu.memory_space<hbm>>) dst(%arg6 : memref<250x40xi32, #tpu.memory_space<vmem>>)
      tpu.yield
    }) : () -> ()
    %barrier3A = arith.constant 0 : index
    tpu.barrier barrier_id(%barrier3A)
    %add3A_10 = arith.constant 0 : i32
    %add3A_11 = arith.addi %mul3A_2, %add3A_10 : i32
    %dma_start3A = arith.constant 0 : i32
    %dma_start3A_12 = arith.constant 0 : i32
    %dma_start3A_13 = arith.constant 0 : i32
    %dma_start3A_14 = tpu.memref_slice %arg7[%dma_start3A, %dma_start3A_12, %dma_start3A_13] : memref<2x40x128xf32, #tpu.memory_space<vmem>> -> memref<1x40x128xf32, #tpu.memory_space<vmem>>
    %dma_start3A_15 = tpu.memref_squeeze %dma_start3A_14 : memref<1x40x128xf32, #tpu.memory_space<vmem>> -> memref<40x128xf32, #tpu.memory_space<vmem>>
    %dma_start3A_16 = arith.constant 0 : i32
    %dma_start3A_17 = tpu.memref_slice %arg2[%add3A_11, %dma_start3A_16] : memref<320000x128xf32, #tpu.memory_space<hbm>> -> memref<40x128xf32, #tpu.memory_space<hbm>>
    %dma_start3A_18 = arith.constant 0 : i32
    %dma_start3A_19 = arith.constant 0 : i32
    %dma_start3A_20 = tpu.memref_slice %arg7[%dma_start3A, %dma_start3A_18, %dma_start3A_19] : memref<2x40x128xf32, #tpu.memory_space<vmem>> -> memref<1x40x128xf32, #tpu.memory_space<vmem>>
    %dma_start3A_21 = tpu.memref_squeeze %dma_start3A_20 : memref<1x40x128xf32, #tpu.memory_space<vmem>> -> memref<40x128xf32, #tpu.memory_space<vmem>>
    %dma_start3A_22 = arith.constant 0 : i32
    %dma_start3A_23 = tpu.memref_slice %arg2[%add3A_11, %dma_start3A_22] : memref<320000x128xf32, #tpu.memory_space<hbm>> -> memref<40x128xf32, #tpu.memory_space<hbm>>
    tpu.enqueue_dma source(%dma_start3A_23 : memref<40x128xf32, #tpu.memory_space<hbm>>) target(%dma_start3A_21 : memref<40x128xf32, #tpu.memory_space<vmem>>) target_semaphore(%arg9 : memref<!tpu.dma_semaphore, #tpu.memory_space<semaphore_mem>>)
    %scan3A_24 = arith.constant 0 : i32
    %scan3A_25 = arith.constant 0 : i32
    %scan3A_26 = arith.constant 124 : i32
    %scan3A_27 = arith.addi %scan3A_25, %scan3A_26 : i32
    %scan3A_28 = arith.constant 1 : i32
    scf.for %scan3A_85 = %scan3A_25 to %scan3A_27 step %scan3A_28  : i32 {
      %mul3A_86 = arith.constant 2 : i32
      %mul3A_87 = arith.muli %mul3A_86, %scan3A_85 : i32
      %add3A_88 = arith.constant 1 : i32
      %add3A_89 = arith.addi %mul3A_87, %add3A_88 : i32
      %mul3A_90 = arith.constant 40 : i32
      %mul3A_91 = arith.muli %add3A_89, %mul3A_90 : i32
      %add3A_92 = arith.addi %mul3A_2, %mul3A_91 : i32
      %dma_start3A_93 = arith.constant 1 : i32
      %dma_start3A_94 = arith.constant 0 : i32
      %dma_start3A_95 = arith.constant 0 : i32
      %dma_start3A_96 = tpu.memref_slice %arg7[%dma_start3A_93, %dma_start3A_94, %dma_start3A_95] : memref<2x40x128xf32, #tpu.memory_space<vmem>> -> memref<1x40x128xf32, #tpu.memory_space<vmem>>
      %dma_start3A_97 = tpu.memref_squeeze %dma_start3A_96 : memref<1x40x128xf32, #tpu.memory_space<vmem>> -> memref<40x128xf32, #tpu.memory_space<vmem>>
      %dma_start3A_98 = arith.constant 0 : i32
      %dma_start3A_99 = tpu.memref_slice %arg2[%add3A_92, %dma_start3A_98] : memref<320000x128xf32, #tpu.memory_space<hbm>> -> memref<40x128xf32, #tpu.memory_space<hbm>>
      %dma_start3A_100 = arith.constant 0 : i32
      %dma_start3A_101 = arith.constant 0 : i32
      %dma_start3A_102 = tpu.memref_slice %arg7[%dma_start3A_93, %dma_start3A_100, %dma_start3A_101] : memref<2x40x128xf32, #tpu.memory_space<vmem>> -> memref<1x40x128xf32, #tpu.memory_space<vmem>>
      %dma_start3A_103 = tpu.memref_squeeze %dma_start3A_102 : memref<1x40x128xf32, #tpu.memory_space<vmem>> -> memref<40x128xf32, #tpu.memory_space<vmem>>
      %dma_start3A_104 = arith.constant 0 : i32
      %dma_start3A_105 = tpu.memref_slice %arg2[%add3A_92, %dma_start3A_104] : memref<320000x128xf32, #tpu.memory_space<hbm>> -> memref<40x128xf32, #tpu.memory_space<hbm>>
      tpu.enqueue_dma source(%dma_start3A_105 : memref<40x128xf32, #tpu.memory_space<hbm>>) target(%dma_start3A_103 : memref<40x128xf32, #tpu.memory_space<vmem>>) target_semaphore(%arg10 : memref<!tpu.dma_semaphore, #tpu.memory_space<semaphore_mem>>)
      %dma_wait3A_106 = arith.constant 0 : i32
      %dma_wait3A_107 = arith.constant 0 : i32
      %dma_wait3A_108 = arith.constant 0 : i32
      %dma_wait3A_109 = tpu.memref_slice %arg7[%dma_wait3A_106, %dma_wait3A_107, %dma_wait3A_108] : memref<2x40x128xf32, #tpu.memory_space<vmem>> -> memref<1x40x128xf32, #tpu.memory_space<vmem>>
      %dma_wait3A_110 = tpu.memref_squeeze %dma_wait3A_109 : memref<1x40x128xf32, #tpu.memory_space<vmem>> -> memref<40x128xf32, #tpu.memory_space<vmem>>
      %dma_wait3A_111 = arith.constant 0 : i32
      %dma_wait3A_112 = arith.constant 0 : i32
      %dma_wait3A_113 = tpu.memref_slice %arg2[%dma_wait3A_111, %dma_wait3A_112] : memref<320000x128xf32, #tpu.memory_space<hbm>> -> memref<40x128xf32, #tpu.memory_space<hbm>>
      %dma_wait3A_114 = arith.constant 0 : i32
      %dma_wait3A_115 = arith.constant 0 : i32
      %dma_wait3A_116 = tpu.memref_slice %arg7[%dma_wait3A_106, %dma_wait3A_114, %dma_wait3A_115] : memref<2x40x128xf32, #tpu.memory_space<vmem>> -> memref<1x40x128xf32, #tpu.memory_space<vmem>>
      %dma_wait3A_117 = tpu.memref_squeeze %dma_wait3A_116 : memref<1x40x128xf32, #tpu.memory_space<vmem>> -> memref<40x128xf32, #tpu.memory_space<vmem>>
      %dma_wait3A_118 = arith.constant 0 : i32
      %dma_wait3A_119 = arith.constant 0 : i32
      %dma_wait3A_120 = tpu.memref_slice %arg2[%dma_wait3A_118, %dma_wait3A_119] : memref<320000x128xf32, #tpu.memory_space<hbm>> -> memref<40x128xf32, #tpu.memory_space<hbm>>
      tpu.wait_dma2 semaphore(%arg9 : memref<!tpu.dma_semaphore, #tpu.memory_space<semaphore_mem>>) src(%dma_wait3A_120 : memref<40x128xf32, #tpu.memory_space<hbm>>) dst(%dma_wait3A_117 : memref<40x128xf32, #tpu.memory_space<vmem>>)
      %run_scoped3A_121 = arith.constant 0 : i32
      "tpu.region"() ({
        %run_scoped3A_158 = tpu.sem_alloc : memref<!tpu.dma_semaphore, #tpu.memory_space<semaphore_mem>>
        %dma_start3A_159 = arith.constant 0 : i32
        %dma_start3A_160 = arith.constant 0 : i32
        %dma_start3A_161 = tpu.memref_slice %arg7[%run_scoped3A_121, %dma_start3A_159, %dma_start3A_160] : memref<2x40x128xf32, #tpu.memory_space<vmem>> -> memref<1x40x128xf32, #tpu.memory_space<vmem>>
        %dma_start3A_162 = tpu.memref_squeeze %dma_start3A_161 : memref<1x40x128xf32, #tpu.memory_space<vmem>> -> memref<40x128xf32, #tpu.memory_space<vmem>>
        %dma_start3A_163 = arith.constant 0 : i32
        %dma_start3A_164 = tpu.memref_slice %arg6[%mul3A_87, %dma_start3A_163] : memref<250x40xi32, #tpu.memory_space<vmem>> -> memref<1x40xi32, #tpu.memory_space<vmem>>
        %dma_start3A_165 = tpu.memref_squeeze %dma_start3A_164 : memref<1x40xi32, #tpu.memory_space<vmem>> -> memref<40xi32, #tpu.memory_space<vmem>>
        %dma_start3A_166 = arith.constant 0 : i32
        %dma_start3A_167 = arith.constant 0 : i32
        %dma_start3A_168 = tpu.memref_slice %arg8[%dma_start3A_166, %dma_start3A_167] : memref<10240x128xf32, #tpu.memory_space<vmem_shared>> -> memref<10240x128xf32, #tpu.memory_space<vmem_shared>>
        tpu.enqueue_indirect_dma source(%dma_start3A_162 : memref<40x128xf32, #tpu.memory_space<vmem>>) target(%dma_start3A_168 : memref<10240x128xf32, #tpu.memory_space<vmem_shared>>) offsets(%dma_start3A_165 : memref<40xi32, #tpu.memory_space<vmem>>) semaphore(%run_scoped3A_158 : memref<!tpu.dma_semaphore, #tpu.memory_space<semaphore_mem>>) {add = true}
        %dma_wait3A_169 = arith.constant 0 : i32
        %dma_wait3A_170 = arith.constant 0 : i32
        %dma_wait3A_171 = tpu.memref_slice %arg7[%run_scoped3A_121, %dma_wait3A_169, %dma_wait3A_170] : memref<2x40x128xf32, #tpu.memory_space<vmem>> -> memref<1x40x128xf32, #tpu.memory_space<vmem>>
        %dma_wait3A_172 = tpu.memref_squeeze %dma_wait3A_171 : memref<1x40x128xf32, #tpu.memory_space<vmem>> -> memref<40x128xf32, #tpu.memory_space<vmem>>
        %dma_wait3A_173 = arith.constant 0 : i32
        %dma_wait3A_174 = tpu.memref_slice %arg6[%mul3A_87, %dma_wait3A_173] : memref<250x40xi32, #tpu.memory_space<vmem>> -> memref<1x40xi32, #tpu.memory_space<vmem>>
        %dma_wait3A_175 = tpu.memref_squeeze %dma_wait3A_174 : memref<1x40xi32, #tpu.memory_space<vmem>> -> memref<40xi32, #tpu.memory_space<vmem>>
        %dma_wait3A_176 = arith.constant 0 : i32
        %dma_wait3A_177 = arith.constant 0 : i32
        %dma_wait3A_178 = tpu.memref_slice %arg8[%dma_wait3A_176, %dma_wait3A_177] : memref<10240x128xf32, #tpu.memory_space<vmem_shared>> -> memref<10240x128xf32, #tpu.memory_space<vmem_shared>>
        tpu.wait_indirect_dma semaphore(%run_scoped3A_158 : memref<!tpu.dma_semaphore, #tpu.memory_space<semaphore_mem>>) src(%dma_wait3A_172 : memref<40x128xf32, #tpu.memory_space<vmem>>) dst(%dma_wait3A_178 : memref<10240x128xf32, #tpu.memory_space<vmem_shared>>)
        tpu.yield
      }) : () -> ()
      %add3A_122 = arith.constant 2 : i32
      %add3A_123 = arith.addi %mul3A_87, %add3A_122 : i32
      %mul3A_124 = arith.constant 40 : i32
      %mul3A_125 = arith.muli %add3A_123, %mul3A_124 : i32
      %add3A_126 = arith.addi %mul3A_2, %mul3A_125 : i32
      %dma_start3A_127 = arith.constant 0 : i32
      %dma_start3A_128 = arith.constant 0 : i32
      %dma_start3A_129 = arith.constant 0 : i32
      %dma_start3A_130 = tpu.memref_slice %arg7[%dma_start3A_127, %dma_start3A_128, %dma_start3A_129] : memref<2x40x128xf32, #tpu.memory_space<vmem>> -> memref<1x40x128xf32, #tpu.memory_space<vmem>>
      %dma_start3A_131 = tpu.memref_squeeze %dma_start3A_130 : memref<1x40x128xf32, #tpu.memory_space<vmem>> -> memref<40x128xf32, #tpu.memory_space<vmem>>
      %dma_start3A_132 = arith.constant 0 : i32
      %dma_start3A_133 = tpu.memref_slice %arg2[%add3A_126, %dma_start3A_132] : memref<320000x128xf32, #tpu.memory_space<hbm>> -> memref<40x128xf32, #tpu.memory_space<hbm>>
      %dma_start3A_134 = arith.constant 0 : i32
      %dma_start3A_135 = arith.constant 0 : i32
      %dma_start3A_136 = tpu.memref_slice %arg7[%dma_start3A_127, %dma_start3A_134, %dma_start3A_135] : memref<2x40x128xf32, #tpu.memory_space<vmem>> -> memref<1x40x128xf32, #tpu.memory_space<vmem>>
      %dma_start3A_137 = tpu.memref_squeeze %dma_start3A_136 : memref<1x40x128xf32, #tpu.memory_space<vmem>> -> memref<40x128xf32, #tpu.memory_space<vmem>>
      %dma_start3A_138 = arith.constant 0 : i32
      %dma_start3A_139 = tpu.memref_slice %arg2[%add3A_126, %dma_start3A_138] : memref<320000x128xf32, #tpu.memory_space<hbm>> -> memref<40x128xf32, #tpu.memory_space<hbm>>
      tpu.enqueue_dma source(%dma_start3A_139 : memref<40x128xf32, #tpu.memory_space<hbm>>) target(%dma_start3A_137 : memref<40x128xf32, #tpu.memory_space<vmem>>) target_semaphore(%arg9 : memref<!tpu.dma_semaphore, #tpu.memory_space<semaphore_mem>>)
      %dma_wait3A_140 = arith.constant 1 : i32
      %dma_wait3A_141 = arith.constant 0 : i32
      %dma_wait3A_142 = arith.constant 0 : i32
      %dma_wait3A_143 = tpu.memref_slice %arg7[%dma_wait3A_140, %dma_wait3A_141, %dma_wait3A_142] : memref<2x40x128xf32, #tpu.memory_space<vmem>> -> memref<1x40x128xf32, #tpu.memory_space<vmem>>
      %dma_wait3A_144 = tpu.memref_squeeze %dma_wait3A_143 : memref<1x40x128xf32, #tpu.memory_space<vmem>> -> memref<40x128xf32, #tpu.memory_space<vmem>>
      %dma_wait3A_145 = arith.constant 0 : i32
      %dma_wait3A_146 = arith.constant 0 : i32
      %dma_wait3A_147 = tpu.memref_slice %arg2[%dma_wait3A_145, %dma_wait3A_146] : memref<320000x128xf32, #tpu.memory_space<hbm>> -> memref<40x128xf32, #tpu.memory_space<hbm>>
      %dma_wait3A_148 = arith.constant 0 : i32
      %dma_wait3A_149 = arith.constant 0 : i32
      %dma_wait3A_150 = tpu.memref_slice %arg7[%dma_wait3A_140, %dma_wait3A_148, %dma_wait3A_149] : memref<2x40x128xf32, #tpu.memory_space<vmem>> -> memref<1x40x128xf32, #tpu.memory_space<vmem>>
      %dma_wait3A_151 = tpu.memref_squeeze %dma_wait3A_150 : memref<1x40x128xf32, #tpu.memory_space<vmem>> -> memref<40x128xf32, #tpu.memory_space<vmem>>
      %dma_wait3A_152 = arith.constant 0 : i32
      %dma_wait3A_153 = arith.constant 0 : i32
      %dma_wait3A_154 = tpu.memref_slice %arg2[%dma_wait3A_152, %dma_wait3A_153] : memref<320000x128xf32, #tpu.memory_space<hbm>> -> memref<40x128xf32, #tpu.memory_space<hbm>>
      tpu.wait_dma2 semaphore(%arg10 : memref<!tpu.dma_semaphore, #tpu.memory_space<semaphore_mem>>) src(%dma_wait3A_154 : memref<40x128xf32, #tpu.memory_space<hbm>>) dst(%dma_wait3A_151 : memref<40x128xf32, #tpu.memory_space<vmem>>)
      %add3A_155 = arith.constant 1 : i32
      %add3A_156 = arith.addi %mul3A_87, %add3A_155 : i32
      %run_scoped3A_157 = arith.constant 1 : i32
      "tpu.region"() ({
        %run_scoped3A_158 = tpu.sem_alloc : memref<!tpu.dma_semaphore, #tpu.memory_space<semaphore_mem>>
        %dma_start3A_159 = arith.constant 0 : i32
        %dma_start3A_160 = arith.constant 0 : i32
        %dma_start3A_161 = tpu.memref_slice %arg7[%run_scoped3A_157, %dma_start3A_159, %dma_start3A_160] : memref<2x40x128xf32, #tpu.memory_space<vmem>> -> memref<1x40x128xf32, #tpu.memory_space<vmem>>
        %dma_start3A_162 = tpu.memref_squeeze %dma_start3A_161 : memref<1x40x128xf32, #tpu.memory_space<vmem>> -> memref<40x128xf32, #tpu.memory_space<vmem>>
        %dma_start3A_163 = arith.constant 0 : i32
        %dma_start3A_164 = tpu.memref_slice %arg6[%add3A_156, %dma_start3A_163] : memref<250x40xi32, #tpu.memory_space<vmem>> -> memref<1x40xi32, #tpu.memory_space<vmem>>
        %dma_start3A_165 = tpu.memref_squeeze %dma_start3A_164 : memref<1x40xi32, #tpu.memory_space<vmem>> -> memref<40xi32, #tpu.memory_space<vmem>>
        %dma_start3A_166 = arith.constant 0 : i32
        %dma_start3A_167 = arith.constant 0 : i32
        %dma_start3A_168 = tpu.memref_slice %arg8[%dma_start3A_166, %dma_start3A_167] : memref<10240x128xf32, #tpu.memory_space<vmem_shared>> -> memref<10240x128xf32, #tpu.memory_space<vmem_shared>>
        tpu.enqueue_indirect_dma source(%dma_start3A_162 : memref<40x128xf32, #tpu.memory_space<vmem>>) target(%dma_start3A_168 : memref<10240x128xf32, #tpu.memory_space<vmem_shared>>) offsets(%dma_start3A_165 : memref<40xi32, #tpu.memory_space<vmem>>) semaphore(%run_scoped3A_158 : memref<!tpu.dma_semaphore, #tpu.memory_space<semaphore_mem>>) {add = true}
        %dma_wait3A_169 = arith.constant 0 : i32
        %dma_wait3A_170 = arith.constant 0 : i32
        %dma_wait3A_171 = tpu.memref_slice %arg7[%run_scoped3A_157, %dma_wait3A_169, %dma_wait3A_170] : memref<2x40x128xf32, #tpu.memory_space<vmem>> -> memref<1x40x128xf32, #tpu.memory_space<vmem>>
        %dma_wait3A_172 = tpu.memref_squeeze %dma_wait3A_171 : memref<1x40x128xf32, #tpu.memory_space<vmem>> -> memref<40x128xf32, #tpu.memory_space<vmem>>
        %dma_wait3A_173 = arith.constant 0 : i32
        %dma_wait3A_174 = tpu.memref_slice %arg6[%add3A_156, %dma_wait3A_173] : memref<250x40xi32, #tpu.memory_space<vmem>> -> memref<1x40xi32, #tpu.memory_space<vmem>>
        %dma_wait3A_175 = tpu.memref_squeeze %dma_wait3A_174 : memref<1x40xi32, #tpu.memory_space<vmem>> -> memref<40xi32, #tpu.memory_space<vmem>>
        %dma_wait3A_176 = arith.constant 0 : i32
        %dma_wait3A_177 = arith.constant 0 : i32
        %dma_wait3A_178 = tpu.memref_slice %arg8[%dma_wait3A_176, %dma_wait3A_177] : memref<10240x128xf32, #tpu.memory_space<vmem_shared>> -> memref<10240x128xf32, #tpu.memory_space<vmem_shared>>
        tpu.wait_indirect_dma semaphore(%run_scoped3A_158 : memref<!tpu.dma_semaphore, #tpu.memory_space<semaphore_mem>>) src(%dma_wait3A_172 : memref<40x128xf32, #tpu.memory_space<vmem>>) dst(%dma_wait3A_178 : memref<10240x128xf32, #tpu.memory_space<vmem_shared>>)
        tpu.yield
      }) : () -> ()
    }
    %scan3A_29 = arith.constant 124 : i32
    %add3A_30 = arith.constant 9960 : i32
    %add3A_31 = arith.addi %mul3A_2, %add3A_30 : i32
    %dma_start3A_32 = arith.constant 1 : i32
    %dma_start3A_33 = arith.constant 0 : i32
    %dma_start3A_34 = arith.constant 0 : i32
    %dma_start3A_35 = tpu.memref_slice %arg7[%dma_start3A_32, %dma_start3A_33, %dma_start3A_34] : memref<2x40x128xf32, #tpu.memory_space<vmem>> -> memref<1x40x128xf32, #tpu.memory_space<vmem>>
    %dma_start3A_36 = tpu.memref_squeeze %dma_start3A_35 : memref<1x40x128xf32, #tpu.memory_space<vmem>> -> memref<40x128xf32, #tpu.memory_space<vmem>>
    %dma_start3A_37 = arith.constant 0 : i32
    %dma_start3A_38 = tpu.memref_slice %arg2[%add3A_31, %dma_start3A_37] : memref<320000x128xf32, #tpu.memory_space<hbm>> -> memref<40x128xf32, #tpu.memory_space<hbm>>
    %dma_start3A_39 = arith.constant 0 : i32
    %dma_start3A_40 = arith.constant 0 : i32
    %dma_start3A_41 = tpu.memref_slice %arg7[%dma_start3A_32, %dma_start3A_39, %dma_start3A_40] : memref<2x40x128xf32, #tpu.memory_space<vmem>> -> memref<1x40x128xf32, #tpu.memory_space<vmem>>
    %dma_start3A_42 = tpu.memref_squeeze %dma_start3A_41 : memref<1x40x128xf32, #tpu.memory_space<vmem>> -> memref<40x128xf32, #tpu.memory_space<vmem>>
    %dma_start3A_43 = arith.constant 0 : i32
    %dma_start3A_44 = tpu.memref_slice %arg2[%add3A_31, %dma_start3A_43] : memref<320000x128xf32, #tpu.memory_space<hbm>> -> memref<40x128xf32, #tpu.memory_space<hbm>>
    tpu.enqueue_dma source(%dma_start3A_44 : memref<40x128xf32, #tpu.memory_space<hbm>>) target(%dma_start3A_42 : memref<40x128xf32, #tpu.memory_space<vmem>>) target_semaphore(%arg10 : memref<!tpu.dma_semaphore, #tpu.memory_space<semaphore_mem>>)
    %dma_wait3A = arith.constant 0 : i32
    %dma_wait3A_45 = arith.constant 0 : i32
    %dma_wait3A_46 = arith.constant 0 : i32
    %dma_wait3A_47 = tpu.memref_slice %arg7[%dma_wait3A, %dma_wait3A_45, %dma_wait3A_46] : memref<2x40x128xf32, #tpu.memory_space<vmem>> -> memref<1x40x128xf32, #tpu.memory_space<vmem>>
    %dma_wait3A_48 = tpu.memref_squeeze %dma_wait3A_47 : memref<1x40x128xf32, #tpu.memory_space<vmem>> -> memref<40x128xf32, #tpu.memory_space<vmem>>
    %dma_wait3A_49 = arith.constant 0 : i32
    %dma_wait3A_50 = arith.constant 0 : i32
    %dma_wait3A_51 = tpu.memref_slice %arg2[%dma_wait3A_49, %dma_wait3A_50] : memref<320000x128xf32, #tpu.memory_space<hbm>> -> memref<40x128xf32, #tpu.memory_space<hbm>>
    %dma_wait3A_52 = arith.constant 0 : i32
    %dma_wait3A_53 = arith.constant 0 : i32
    %dma_wait3A_54 = tpu.memref_slice %arg7[%dma_wait3A, %dma_wait3A_52, %dma_wait3A_53] : memref<2x40x128xf32, #tpu.memory_space<vmem>> -> memref<1x40x128xf32, #tpu.memory_space<vmem>>
    %dma_wait3A_55 = tpu.memref_squeeze %dma_wait3A_54 : memref<1x40x128xf32, #tpu.memory_space<vmem>> -> memref<40x128xf32, #tpu.memory_space<vmem>>
    %dma_wait3A_56 = arith.constant 0 : i32
    %dma_wait3A_57 = arith.constant 0 : i32
    %dma_wait3A_58 = tpu.memref_slice %arg2[%dma_wait3A_56, %dma_wait3A_57] : memref<320000x128xf32, #tpu.memory_space<hbm>> -> memref<40x128xf32, #tpu.memory_space<hbm>>
    tpu.wait_dma2 semaphore(%arg9 : memref<!tpu.dma_semaphore, #tpu.memory_space<semaphore_mem>>) src(%dma_wait3A_58 : memref<40x128xf32, #tpu.memory_space<hbm>>) dst(%dma_wait3A_55 : memref<40x128xf32, #tpu.memory_space<vmem>>)
    %run_scoped3A_59 = arith.constant 0 : i32
    %run_scoped3A_60 = arith.constant 248 : i32
    "tpu.region"() ({
      %run_scoped3A_85 = tpu.sem_alloc : memref<!tpu.dma_semaphore, #tpu.memory_space<semaphore_mem>>
      %dma_start3A_86 = arith.constant 0 : i32
      %dma_start3A_87 = arith.constant 0 : i32
      %dma_start3A_88 = tpu.memref_slice %arg7[%run_scoped3A_59, %dma_start3A_86, %dma_start3A_87] : memref<2x40x128xf32, #tpu.memory_space<vmem>> -> memref<1x40x128xf32, #tpu.memory_space<vmem>>
      %dma_start3A_89 = tpu.memref_squeeze %dma_start3A_88 : memref<1x40x128xf32, #tpu.memory_space<vmem>> -> memref<40x128xf32, #tpu.memory_space<vmem>>
      %dma_start3A_90 = arith.constant 0 : i32
      %dma_start3A_91 = tpu.memref_slice %arg6[%run_scoped3A_60, %dma_start3A_90] : memref<250x40xi32, #tpu.memory_space<vmem>> -> memref<1x40xi32, #tpu.memory_space<vmem>>
      %dma_start3A_92 = tpu.memref_squeeze %dma_start3A_91 : memref<1x40xi32, #tpu.memory_space<vmem>> -> memref<40xi32, #tpu.memory_space<vmem>>
      %dma_start3A_93 = arith.constant 0 : i32
      %dma_start3A_94 = arith.constant 0 : i32
      %dma_start3A_95 = tpu.memref_slice %arg8[%dma_start3A_93, %dma_start3A_94] : memref<10240x128xf32, #tpu.memory_space<vmem_shared>> -> memref<10240x128xf32, #tpu.memory_space<vmem_shared>>
      tpu.enqueue_indirect_dma source(%dma_start3A_89 : memref<40x128xf32, #tpu.memory_space<vmem>>) target(%dma_start3A_95 : memref<10240x128xf32, #tpu.memory_space<vmem_shared>>) offsets(%dma_start3A_92 : memref<40xi32, #tpu.memory_space<vmem>>) semaphore(%run_scoped3A_85 : memref<!tpu.dma_semaphore, #tpu.memory_space<semaphore_mem>>) {add = true}
      %dma_wait3A_96 = arith.constant 0 : i32
      %dma_wait3A_97 = arith.constant 0 : i32
      %dma_wait3A_98 = tpu.memref_slice %arg7[%run_scoped3A_59, %dma_wait3A_96, %dma_wait3A_97] : memref<2x40x128xf32, #tpu.memory_space<vmem>> -> memref<1x40x128xf32, #tpu.memory_space<vmem>>
      %dma_wait3A_99 = tpu.memref_squeeze %dma_wait3A_98 : memref<1x40x128xf32, #tpu.memory_space<vmem>> -> memref<40x128xf32, #tpu.memory_space<vmem>>
      %dma_wait3A_100 = arith.constant 0 : i32
      %dma_wait3A_101 = tpu.memref_slice %arg6[%run_scoped3A_60, %dma_wait3A_100] : memref<250x40xi32, #tpu.memory_space<vmem>> -> memref<1x40xi32, #tpu.memory_space<vmem>>
      %dma_wait3A_102 = tpu.memref_squeeze %dma_wait3A_101 : memref<1x40xi32, #tpu.memory_space<vmem>> -> memref<40xi32, #tpu.memory_space<vmem>>
      %dma_wait3A_103 = arith.constant 0 : i32
      %dma_wait3A_104 = arith.constant 0 : i32
      %dma_wait3A_105 = tpu.memref_slice %arg8[%dma_wait3A_103, %dma_wait3A_104] : memref<10240x128xf32, #tpu.memory_space<vmem_shared>> -> memref<10240x128xf32, #tpu.memory_space<vmem_shared>>
      tpu.wait_indirect_dma semaphore(%run_scoped3A_85 : memref<!tpu.dma_semaphore, #tpu.memory_space<semaphore_mem>>) src(%dma_wait3A_99 : memref<40x128xf32, #tpu.memory_space<vmem>>) dst(%dma_wait3A_105 : memref<10240x128xf32, #tpu.memory_space<vmem_shared>>)
      tpu.yield
    }) : () -> ()
    %dma_wait3A_61 = arith.constant 1 : i32
    %dma_wait3A_62 = arith.constant 0 : i32
    %dma_wait3A_63 = arith.constant 0 : i32
    %dma_wait3A_64 = tpu.memref_slice %arg7[%dma_wait3A_61, %dma_wait3A_62, %dma_wait3A_63] : memref<2x40x128xf32, #tpu.memory_space<vmem>> -> memref<1x40x128xf32, #tpu.memory_space<vmem>>
    %dma_wait3A_65 = tpu.memref_squeeze %dma_wait3A_64 : memref<1x40x128xf32, #tpu.memory_space<vmem>> -> memref<40x128xf32, #tpu.memory_space<vmem>>
    %dma_wait3A_66 = arith.constant 0 : i32
    %dma_wait3A_67 = arith.constant 0 : i32
    %dma_wait3A_68 = tpu.memref_slice %arg2[%dma_wait3A_66, %dma_wait3A_67] : memref<320000x128xf32, #tpu.memory_space<hbm>> -> memref<40x128xf32, #tpu.memory_space<hbm>>
    %dma_wait3A_69 = arith.constant 0 : i32
    %dma_wait3A_70 = arith.constant 0 : i32
    %dma_wait3A_71 = tpu.memref_slice %arg7[%dma_wait3A_61, %dma_wait3A_69, %dma_wait3A_70] : memref<2x40x128xf32, #tpu.memory_space<vmem>> -> memref<1x40x128xf32, #tpu.memory_space<vmem>>
    %dma_wait3A_72 = tpu.memref_squeeze %dma_wait3A_71 : memref<1x40x128xf32, #tpu.memory_space<vmem>> -> memref<40x128xf32, #tpu.memory_space<vmem>>
    %dma_wait3A_73 = arith.constant 0 : i32
    %dma_wait3A_74 = arith.constant 0 : i32
    %dma_wait3A_75 = tpu.memref_slice %arg2[%dma_wait3A_73, %dma_wait3A_74] : memref<320000x128xf32, #tpu.memory_space<hbm>> -> memref<40x128xf32, #tpu.memory_space<hbm>>
    tpu.wait_dma2 semaphore(%arg10 : memref<!tpu.dma_semaphore, #tpu.memory_space<semaphore_mem>>) src(%dma_wait3A_75 : memref<40x128xf32, #tpu.memory_space<hbm>>) dst(%dma_wait3A_72 : memref<40x128xf32, #tpu.memory_space<vmem>>)
    %run_scoped3A_76 = arith.constant 1 : i32
    %run_scoped3A_77 = arith.constant 249 : i32
    "tpu.region"() ({
      %run_scoped3A_85 = tpu.sem_alloc : memref<!tpu.dma_semaphore, #tpu.memory_space<semaphore_mem>>
      %dma_start3A_86 = arith.constant 0 : i32
      %dma_start3A_87 = arith.constant 0 : i32
      %dma_start3A_88 = tpu.memref_slice %arg7[%run_scoped3A_76, %dma_start3A_86, %dma_start3A_87] : memref<2x40x128xf32, #tpu.memory_space<vmem>> -> memref<1x40x128xf32, #tpu.memory_space<vmem>>
      %dma_start3A_89 = tpu.memref_squeeze %dma_start3A_88 : memref<1x40x128xf32, #tpu.memory_space<vmem>> -> memref<40x128xf32, #tpu.memory_space<vmem>>
      %dma_start3A_90 = arith.constant 0 : i32
      %dma_start3A_91 = tpu.memref_slice %arg6[%run_scoped3A_77, %dma_start3A_90] : memref<250x40xi32, #tpu.memory_space<vmem>> -> memref<1x40xi32, #tpu.memory_space<vmem>>
      %dma_start3A_92 = tpu.memref_squeeze %dma_start3A_91 : memref<1x40xi32, #tpu.memory_space<vmem>> -> memref<40xi32, #tpu.memory_space<vmem>>
      %dma_start3A_93 = arith.constant 0 : i32
      %dma_start3A_94 = arith.constant 0 : i32
      %dma_start3A_95 = tpu.memref_slice %arg8[%dma_start3A_93, %dma_start3A_94] : memref<10240x128xf32, #tpu.memory_space<vmem_shared>> -> memref<10240x128xf32, #tpu.memory_space<vmem_shared>>
      tpu.enqueue_indirect_dma source(%dma_start3A_89 : memref<40x128xf32, #tpu.memory_space<vmem>>) target(%dma_start3A_95 : memref<10240x128xf32, #tpu.memory_space<vmem_shared>>) offsets(%dma_start3A_92 : memref<40xi32, #tpu.memory_space<vmem>>) semaphore(%run_scoped3A_85 : memref<!tpu.dma_semaphore, #tpu.memory_space<semaphore_mem>>) {add = true}
      %dma_wait3A_96 = arith.constant 0 : i32
      %dma_wait3A_97 = arith.constant 0 : i32
      %dma_wait3A_98 = tpu.memref_slice %arg7[%run_scoped3A_76, %dma_wait3A_96, %dma_wait3A_97] : memref<2x40x128xf32, #tpu.memory_space<vmem>> -> memref<1x40x128xf32, #tpu.memory_space<vmem>>
      %dma_wait3A_99 = tpu.memref_squeeze %dma_wait3A_98 : memref<1x40x128xf32, #tpu.memory_space<vmem>> -> memref<40x128xf32, #tpu.memory_space<vmem>>
      %dma_wait3A_100 = arith.constant 0 : i32
      %dma_wait3A_101 = tpu.memref_slice %arg6[%run_scoped3A_77, %dma_wait3A_100] : memref<250x40xi32, #tpu.memory_space<vmem>> -> memref<1x40xi32, #tpu.memory_space<vmem>>
      %dma_wait3A_102 = tpu.memref_squeeze %dma_wait3A_101 : memref<1x40xi32, #tpu.memory_space<vmem>> -> memref<40xi32, #tpu.memory_space<vmem>>
      %dma_wait3A_103 = arith.constant 0 : i32
      %dma_wait3A_104 = arith.constant 0 : i32
      %dma_wait3A_105 = tpu.memref_slice %arg8[%dma_wait3A_103, %dma_wait3A_104] : memref<10240x128xf32, #tpu.memory_space<vmem_shared>> -> memref<10240x128xf32, #tpu.memory_space<vmem_shared>>
      tpu.wait_indirect_dma semaphore(%run_scoped3A_85 : memref<!tpu.dma_semaphore, #tpu.memory_space<semaphore_mem>>) src(%dma_wait3A_99 : memref<40x128xf32, #tpu.memory_space<vmem>>) dst(%dma_wait3A_105 : memref<10240x128xf32, #tpu.memory_space<vmem_shared>>)
      tpu.yield
    }) : () -> ()
    %barrier3A_78 = arith.constant 0 : index
    tpu.barrier barrier_id(%barrier3A_78)
    %scan3A_79 = arith.constant 0 : i32
    %scan3A_80 = arith.constant 0 : i32
    %scan3A_81 = arith.constant 16 : i32
    %scan3A_82 = arith.addi %scan3A_80, %scan3A_81 : i32
    %scan3A_83 = arith.constant 1 : i32
    scf.for %scan3A_85 = %scan3A_80 to %scan3A_82 step %scan3A_83  : i32 {
      %mul3A_86 = arith.constant 40 : i32
      %mul3A_87 = arith.muli %scan3A_85, %mul3A_86 : i32
      %add3A_88 = arith.addi %mul3A_4, %mul3A_87 : i32
      %run_scoped3A_89 = arith.constant 0 : i32
      "tpu.region"() ({
        %run_scoped3A_91 = tpu.sem_alloc : memref<!tpu.dma_semaphore, #tpu.memory_space<semaphore_mem>>
        %dma_start3A_92 = arith.constant 0 : i32
        %dma_start3A_93 = arith.constant 0 : i32
        %dma_start3A_94 = tpu.memref_slice %arg7[%run_scoped3A_89, %dma_start3A_92, %dma_start3A_93] : memref<2x40x128xf32, #tpu.memory_space<vmem>> -> memref<1x40x128xf32, #tpu.memory_space<vmem>>
        %dma_start3A_95 = tpu.memref_squeeze %dma_start3A_94 : memref<1x40x128xf32, #tpu.memory_space<vmem>> -> memref<40x128xf32, #tpu.memory_space<vmem>>
        %dma_start3A_96 = arith.constant 0 : i32
        %dma_start3A_97 = tpu.memref_slice %arg8[%add3A_88, %dma_start3A_96] : memref<10240x128xf32, #tpu.memory_space<vmem_shared>> -> memref<40x128xf32, #tpu.memory_space<vmem_shared>>
        %dma_start3A_98 = arith.constant 0 : i32
        %dma_start3A_99 = arith.constant 0 : i32
        %dma_start3A_100 = tpu.memref_slice %arg7[%run_scoped3A_89, %dma_start3A_98, %dma_start3A_99] : memref<2x40x128xf32, #tpu.memory_space<vmem>> -> memref<1x40x128xf32, #tpu.memory_space<vmem>>
        %dma_start3A_101 = tpu.memref_squeeze %dma_start3A_100 : memref<1x40x128xf32, #tpu.memory_space<vmem>> -> memref<40x128xf32, #tpu.memory_space<vmem>>
        %dma_start3A_102 = arith.constant 0 : i32
        %dma_start3A_103 = tpu.memref_slice %arg8[%add3A_88, %dma_start3A_102] : memref<10240x128xf32, #tpu.memory_space<vmem_shared>> -> memref<40x128xf32, #tpu.memory_space<vmem_shared>>
        tpu.enqueue_dma source(%dma_start3A_103 : memref<40x128xf32, #tpu.memory_space<vmem_shared>>) target(%dma_start3A_101 : memref<40x128xf32, #tpu.memory_space<vmem>>) target_semaphore(%run_scoped3A_91 : memref<!tpu.dma_semaphore, #tpu.memory_space<semaphore_mem>>)
        %dma_wait3A_104 = arith.constant 0 : i32
        %dma_wait3A_105 = arith.constant 0 : i32
        %dma_wait3A_106 = tpu.memref_slice %arg7[%run_scoped3A_89, %dma_wait3A_104, %dma_wait3A_105] : memref<2x40x128xf32, #tpu.memory_space<vmem>> -> memref<1x40x128xf32, #tpu.memory_space<vmem>>
        %dma_wait3A_107 = tpu.memref_squeeze %dma_wait3A_106 : memref<1x40x128xf32, #tpu.memory_space<vmem>> -> memref<40x128xf32, #tpu.memory_space<vmem>>
        %dma_wait3A_108 = arith.constant 0 : i32
        %dma_wait3A_109 = tpu.memref_slice %arg8[%add3A_88, %dma_wait3A_108] : memref<10240x128xf32, #tpu.memory_space<vmem_shared>> -> memref<40x128xf32, #tpu.memory_space<vmem_shared>>
        %dma_wait3A_110 = arith.constant 0 : i32
        %dma_wait3A_111 = arith.constant 0 : i32
        %dma_wait3A_112 = tpu.memref_slice %arg7[%run_scoped3A_89, %dma_wait3A_110, %dma_wait3A_111] : memref<2x40x128xf32, #tpu.memory_space<vmem>> -> memref<1x40x128xf32, #tpu.memory_space<vmem>>
        %dma_wait3A_113 = tpu.memref_squeeze %dma_wait3A_112 : memref<1x40x128xf32, #tpu.memory_space<vmem>> -> memref<40x128xf32, #tpu.memory_space<vmem>>
        %dma_wait3A_114 = arith.constant 0 : i32
        %dma_wait3A_115 = tpu.memref_slice %arg8[%add3A_88, %dma_wait3A_114] : memref<10240x128xf32, #tpu.memory_space<vmem_shared>> -> memref<40x128xf32, #tpu.memory_space<vmem_shared>>
        tpu.wait_dma2 semaphore(%run_scoped3A_91 : memref<!tpu.dma_semaphore, #tpu.memory_space<semaphore_mem>>) src(%dma_wait3A_115 : memref<40x128xf32, #tpu.memory_space<vmem_shared>>) dst(%dma_wait3A_113 : memref<40x128xf32, #tpu.memory_space<vmem>>)
        tpu.yield
      }) : () -> ()
      %run_scoped3A_90 = arith.constant 0 : i32
      "tpu.region"() ({
        %run_scoped3A_91 = tpu.sem_alloc : memref<!tpu.dma_semaphore, #tpu.memory_space<semaphore_mem>>
        %dma_start3A_92 = arith.constant 0 : i32
        %dma_start3A_93 = arith.constant 0 : i32
        %dma_start3A_94 = tpu.memref_slice %arg7[%run_scoped3A_90, %dma_start3A_92, %dma_start3A_93] : memref<2x40x128xf32, #tpu.memory_space<vmem>> -> memref<1x40x128xf32, #tpu.memory_space<vmem>>
        %dma_start3A_95 = tpu.memref_squeeze %dma_start3A_94 : memref<1x40x128xf32, #tpu.memory_space<vmem>> -> memref<40x128xf32, #tpu.memory_space<vmem>>
        %dma_start3A_96 = arith.constant 0 : i32
        %dma_start3A_97 = tpu.memref_slice %arg5[%arg0, %add3A_88, %dma_start3A_96] : memref<2x10240x128xf32, #tpu.memory_space<hbm>> -> memref<1x40x128xf32, #tpu.memory_space<hbm>>
        %dma_start3A_98 = tpu.memref_squeeze %dma_start3A_97 : memref<1x40x128xf32, #tpu.memory_space<hbm>> -> memref<40x128xf32, #tpu.memory_space<hbm>>
        %dma_start3A_99 = arith.constant 0 : i32
        %dma_start3A_100 = tpu.memref_slice %arg5[%arg0, %add3A_88, %dma_start3A_99] : memref<2x10240x128xf32, #tpu.memory_space<hbm>> -> memref<1x40x128xf32, #tpu.memory_space<hbm>>
        %dma_start3A_101 = tpu.memref_squeeze %dma_start3A_100 : memref<1x40x128xf32, #tpu.memory_space<hbm>> -> memref<40x128xf32, #tpu.memory_space<hbm>>
        %dma_start3A_102 = arith.constant 0 : i32
        %dma_start3A_103 = arith.constant 0 : i32
        %dma_start3A_104 = tpu.memref_slice %arg7[%run_scoped3A_90, %dma_start3A_102, %dma_start3A_103] : memref<2x40x128xf32, #tpu.memory_space<vmem>> -> memref<1x40x128xf32, #tpu.memory_space<vmem>>
        %dma_start3A_105 = tpu.memref_squeeze %dma_start3A_104 : memref<1x40x128xf32, #tpu.memory_space<vmem>> -> memref<40x128xf32, #tpu.memory_space<vmem>>
        tpu.enqueue_dma source(%dma_start3A_105 : memref<40x128xf32, #tpu.memory_space<vmem>>) target(%dma_start3A_101 : memref<40x128xf32, #tpu.memory_space<hbm>>) target_semaphore(%run_scoped3A_91 : memref<!tpu.dma_semaphore, #tpu.memory_space<semaphore_mem>>)
        %dma_wait3A_106 = arith.constant 0 : i32
        %dma_wait3A_107 = arith.constant 0 : i32
        %dma_wait3A_108 = tpu.memref_slice %arg7[%run_scoped3A_90, %dma_wait3A_106, %dma_wait3A_107] : memref<2x40x128xf32, #tpu.memory_space<vmem>> -> memref<1x40x128xf32, #tpu.memory_space<vmem>>
        %dma_wait3A_109 = tpu.memref_squeeze %dma_wait3A_108 : memref<1x40x128xf32, #tpu.memory_space<vmem>> -> memref<40x128xf32, #tpu.memory_space<vmem>>
        %dma_wait3A_110 = arith.constant 0 : i32
        %dma_wait3A_111 = tpu.memref_slice %arg5[%arg0, %add3A_88, %dma_wait3A_110] : memref<2x10240x128xf32, #tpu.memory_space<hbm>> -> memref<1x40x128xf32, #tpu.memory_space<hbm>>
        %dma_wait3A_112 = tpu.memref_squeeze %dma_wait3A_111 : memref<1x40x128xf32, #tpu.memory_space<hbm>> -> memref<40x128xf32, #tpu.memory_space<hbm>>
        %dma_wait3A_113 = arith.constant 0 : i32
        %dma_wait3A_114 = tpu.memref_slice %arg5[%arg0, %add3A_88, %dma_wait3A_113] : memref<2x10240x128xf32, #tpu.memory_space<hbm>> -> memref<1x40x128xf32, #tpu.memory_space<hbm>>
        %dma_wait3A_115 = tpu.memref_squeeze %dma_wait3A_114 : memref<1x40x128xf32, #tpu.memory_space<hbm>> -> memref<40x128xf32, #tpu.memory_space<hbm>>
        %dma_wait3A_116 = arith.constant 0 : i32
        %dma_wait3A_117 = arith.constant 0 : i32
        %dma_wait3A_118 = tpu.memref_slice %arg7[%run_scoped3A_90, %dma_wait3A_116, %dma_wait3A_117] : memref<2x40x128xf32, #tpu.memory_space<vmem>> -> memref<1x40x128xf32, #tpu.memory_space<vmem>>
        %dma_wait3A_119 = tpu.memref_squeeze %dma_wait3A_118 : memref<1x40x128xf32, #tpu.memory_space<vmem>> -> memref<40x128xf32, #tpu.memory_space<vmem>>
        tpu.wait_dma2 semaphore(%run_scoped3A_91 : memref<!tpu.dma_semaphore, #tpu.memory_space<semaphore_mem>>) src(%dma_wait3A_119 : memref<40x128xf32, #tpu.memory_space<vmem>>) dst(%dma_wait3A_115 : memref<40x128xf32, #tpu.memory_space<hbm>>)
        tpu.yield
      }) : () -> ()
    }
    %scan3A_84 = arith.constant 16 : i32
    return
  }
}

module attributes {stable_mosaic.version = 14 : i64} {
  func.func @_prep_body(%arg0: i32, %arg1: memref<1000x128xf32, #tpu.memory_space<vmem>>, %arg2: memref<128x128xf32, #tpu.memory_space<vmem>>, %arg3: memref<128x128xf32, #tpu.memory_space<vmem>>, %arg4: memref<128x128xf32, #tpu.memory_space<vmem>>, %arg5: memref<1000x128xf32, #tpu.memory_space<vmem>>, %arg6: memref<1000x128xf32, #tpu.memory_space<vmem>>, %arg7: memref<1000x128xf32, #tpu.memory_space<vmem>>) attributes {dimension_semantics = [#tpu.dimension_semantics<arbitrary>], iteration_bounds = array<i64: 10>, scalar_prefetch = 0 : i64, scratch_operands = 0 : i64, tpu.core_type = #tpu.core_type<tc>, window_params = [{transform_indices = @transform_0, window_bounds = array<i64: 1000, 128>}, {pipeline_mode = #tpu.pipeline_mode<synchronous>, transform_indices = @transform_1, window_bounds = array<i64: 128, 128>}, {pipeline_mode = #tpu.pipeline_mode<synchronous>, transform_indices = @transform_2, window_bounds = array<i64: 128, 128>}, {pipeline_mode = #tpu.pipeline_mode<synchronous>, transform_indices = @transform_3, window_bounds = array<i64: 128, 128>}, {transform_indices = @transform_4, window_bounds = array<i64: 1000, 128>}, {transform_indices = @transform_5, window_bounds = array<i64: 1000, 128>}, {transform_indices = @transform_6, window_bounds = array<i64: 1000, 128>}]} {
    %get3A = arith.constant 0 : index
    %get3A_0 = arith.constant 0 : index
    %get3A_1 = vector.load %arg1[%get3A, %get3A_0] : memref<1000x128xf32, #tpu.memory_space<vmem>>, vector<1000x128xf32>
    %get3A_2 = arith.constant 0 : index
    %get3A_3 = arith.constant 0 : index
    %get3A_4 = vector.load %arg2[%get3A_2, %get3A_3] : memref<128x128xf32, #tpu.memory_space<vmem>>, vector<128x128xf32>
    %dot_general3A = arith.constant dense<0.000000e+00> : vector<1000x128xf32>
    %dot_general3A_5 = tpu.matmul %get3A_1, %get3A_4, %dot_general3A {dimension_numbers = #tpu.dot_dimension_numbers<[1], [0], [0], [1], [0, 0, 1, 1], [], []>, transpose_lhs_hint = false} : vector<1000x128xf32>, vector<128x128xf32>, vector<1000x128xf32> -> vector<1000x128xf32>
    %swap3A = arith.constant 0 : index
    %swap3A_6 = arith.constant 0 : index
    %swap3A_7 = vector.load %arg5[%swap3A, %swap3A_6] : memref<1000x128xf32, #tpu.memory_space<vmem>>, vector<1000x128xf32>
    tpu.vector_store %arg5[%swap3A, %swap3A_6], %dot_general3A_5 {strides = array<i32>} : memref<1000x128xf32, #tpu.memory_space<vmem>>, vector<1000x128xf32>,
    %get3A_8 = arith.constant 0 : index
    %get3A_9 = arith.constant 0 : index
    %get3A_10 = vector.load %arg3[%get3A_8, %get3A_9] : memref<128x128xf32, #tpu.memory_space<vmem>>, vector<128x128xf32>
    %dot_general3A_11 = arith.constant dense<0.000000e+00> : vector<1000x128xf32>
    %dot_general3A_12 = tpu.matmul %get3A_1, %get3A_10, %dot_general3A_11 {dimension_numbers = #tpu.dot_dimension_numbers<[1], [0], [0], [1], [0, 0, 1, 1], [], []>, transpose_lhs_hint = false} : vector<1000x128xf32>, vector<128x128xf32>, vector<1000x128xf32> -> vector<1000x128xf32>
    %swap3A_13 = arith.constant 0 : index
    %swap3A_14 = arith.constant 0 : index
    %swap3A_15 = vector.load %arg6[%swap3A_13, %swap3A_14] : memref<1000x128xf32, #tpu.memory_space<vmem>>, vector<1000x128xf32>
    tpu.vector_store %arg6[%swap3A_13, %swap3A_14], %dot_general3A_12 {strides = array<i32>} : memref<1000x128xf32, #tpu.memory_space<vmem>>, vector<1000x128xf32>,
    %get3A_16 = arith.constant 0 : index
    %get3A_17 = arith.constant 0 : index
    %get3A_18 = vector.load %arg4[%get3A_16, %get3A_17] : memref<128x128xf32, #tpu.memory_space<vmem>>, vector<128x128xf32>
    %dot_general3A_19 = arith.constant dense<0.000000e+00> : vector<1000x128xf32>
    %dot_general3A_20 = tpu.matmul %get3A_1, %get3A_18, %dot_general3A_19 {dimension_numbers = #tpu.dot_dimension_numbers<[1], [0], [0], [1], [0, 0, 1, 1], [], []>, transpose_lhs_hint = false} : vector<1000x128xf32>, vector<128x128xf32>, vector<1000x128xf32> -> vector<1000x128xf32>
    %swap3A_21 = arith.constant 0 : index
    %swap3A_22 = arith.constant 0 : index
    %swap3A_23 = vector.load %arg7[%swap3A_21, %swap3A_22] : memref<1000x128xf32, #tpu.memory_space<vmem>>, vector<1000x128xf32>
    tpu.vector_store %arg7[%swap3A_21, %swap3A_22], %dot_general3A_20 {strides = array<i32>} : memref<1000x128xf32, #tpu.memory_space<vmem>>, vector<1000x128xf32>,
    return
  }
  func.func @transform_0(%arg0: i32) -> (i32, i32) {
    %c0_i32 = arith.constant 0 : i32
    %c0_i32_0 = arith.constant 0 : i32
    return %arg0, %c0_i32 : i32, i32
  }
  func.func @transform_1(%arg0: i32) -> (i32, i32) {
    %c0_i32 = arith.constant 0 : i32
    %c0_i32_0 = arith.constant 0 : i32
    %c0_i32_1 = arith.constant 0 : i32
    return %c0_i32, %c0_i32_0 : i32, i32
  }
  func.func @transform_2(%arg0: i32) -> (i32, i32) {
    %c0_i32 = arith.constant 0 : i32
    %c0_i32_0 = arith.constant 0 : i32
    %c0_i32_1 = arith.constant 0 : i32
    return %c0_i32, %c0_i32_0 : i32, i32
  }
  func.func @transform_3(%arg0: i32) -> (i32, i32) {
    %c0_i32 = arith.constant 0 : i32
    %c0_i32_0 = arith.constant 0 : i32
    %c0_i32_1 = arith.constant 0 : i32
    return %c0_i32, %c0_i32_0 : i32, i32
  }
  func.func @transform_4(%arg0: i32) -> (i32, i32) {
    %c0_i32 = arith.constant 0 : i32
    %c0_i32_0 = arith.constant 0 : i32
    return %arg0, %c0_i32 : i32, i32
  }
  func.func @transform_5(%arg0: i32) -> (i32, i32) {
    %c0_i32 = arith.constant 0 : i32
    %c0_i32_0 = arith.constant 0 : i32
    return %arg0, %c0_i32 : i32, i32
  }
  func.func @transform_6(%arg0: i32) -> (i32, i32) {
    %c0_i32 = arith.constant 0 : i32
    %c0_i32_0 = arith.constant 0 : i32
    return %arg0, %c0_i32 : i32, i32
  }
}

module attributes {stable_mosaic.version = 14 : i64} {
  func.func @_edge_body(%arg0: i32, %arg1: memref<640x128xf32, #tpu.memory_space<vmem>>, %arg2: memref<640x16xf32, #tpu.memory_space<vmem>>, %arg3: memref<640x16xf32, #tpu.memory_space<vmem>>, %arg4: memref<640x1xi32, #tpu.memory_space<vmem>>, %arg5: memref<16x128xf32, #tpu.memory_space<vmem>>, %arg6: memref<1x128xf32, #tpu.memory_space<vmem>>, %arg7: memref<1x128xf32, #tpu.memory_space<vmem>>, %arg8: memref<128x128xf32, #tpu.memory_space<vmem>>, %arg9: memref<1x128xf32, #tpu.memory_space<vmem>>, %arg10: memref<128x128xf32, #tpu.memory_space<vmem>>, %arg11: memref<1x128xf32, #tpu.memory_space<vmem>>, %arg12: memref<1x128xf32, #tpu.memory_space<vmem>>, %arg13: memref<640x128xf32, #tpu.memory_space<vmem>>, %arg14: memref<640x128xf32, #tpu.memory_space<vmem>>) attributes {dimension_semantics = [#tpu.dimension_semantics<arbitrary>], iteration_bounds = array<i64: 500>, scalar_prefetch = 0 : i64, scratch_operands = 0 : i64, tpu.core_type = #tpu.core_type<tc>, window_params = [{transform_indices = @transform_0, window_bounds = array<i64: 640, 128>}, {transform_indices = @transform_1, window_bounds = array<i64: 640, 16>}, {transform_indices = @transform_2, window_bounds = array<i64: 640, 16>}, {transform_indices = @transform_3, window_bounds = array<i64: 640, 1>}, {pipeline_mode = #tpu.pipeline_mode<synchronous>, transform_indices = @transform_4, window_bounds = array<i64: 16, 128>}, {pipeline_mode = #tpu.pipeline_mode<synchronous>, transform_indices = @transform_5, window_bounds = array<i64: 1, 128>}, {pipeline_mode = #tpu.pipeline_mode<synchronous>, transform_indices = @transform_6, window_bounds = array<i64: 1, 128>}, {pipeline_mode = #tpu.pipeline_mode<synchronous>, transform_indices = @transform_7, window_bounds = array<i64: 128, 128>}, {pipeline_mode = #tpu.pipeline_mode<synchronous>, transform_indices = @transform_8, window_bounds = array<i64: 1, 128>}, {pipeline_mode = #tpu.pipeline_mode<synchronous>, transform_indices = @transform_9, window_bounds = array<i64: 128, 128>}, {pipeline_mode = #tpu.pipeline_mode<synchronous>, transform_indices = @transform_10, window_bounds = array<i64: 1, 128>}, {pipeline_mode = #tpu.pipeline_mode<synchronous>, transform_indices = @transform_11, window_bounds = array<i64: 1, 128>}, {transform_indices = @transform_12, window_bounds = array<i64: 640, 128>}, {transform_indices = @transform_13, window_bounds = array<i64: 640, 128>}]} {
    %get3A = arith.constant 0 : index
    %get3A_0 = arith.constant 0 : index
    %get3A_1 = vector.load %arg2[%get3A, %get3A_0] : memref<640x16xf32, #tpu.memory_space<vmem>>, vector<640x16xf32>
    %iota3A = tpu.iota {dimensions = array<i32: 1>} : vector<1x16xi32>
    %lt3A = arith.constant 3 : i32
    %lt3A_2 = vector.broadcast %lt3A : i32 to vector<1x16xi32>
    %lt3A_3 = arith.cmpi slt, %iota3A, %lt3A_2 : vector<1x16xi32>
    %jit3A = arith.constant 0.000000e+00 : f32
    %broadcast_in_dim3A = vector.shape_cast %lt3A_3 : vector<1x16xi1> to vector<1x16xi1>
    %broadcast_in_dim3A_4 = vector.broadcast %broadcast_in_dim3A : vector<1x16xi1> to vector<640x16xi1>
    %broadcast_in_dim3A_5 = vector.broadcast %jit3A : f32 to vector<640x16xf32>
    %select_n3A = arith.select %broadcast_in_dim3A_4, %get3A_1, %broadcast_in_dim3A_5 : vector<640x16xi1>, vector<640x16xf32>
    %eq3A = arith.constant 3 : i32
    %eq3A_6 = vector.broadcast %eq3A : i32 to vector<1x16xi32>
    %eq3A_7 = arith.cmpi eq, %iota3A, %eq3A_6 : vector<1x16xi32>
    %jit3A_8 = arith.constant 0.000000e+00 : f32
    %broadcast_in_dim3A_9 = vector.shape_cast %eq3A_7 : vector<1x16xi1> to vector<1x16xi1>
    %broadcast_in_dim3A_10 = vector.broadcast %broadcast_in_dim3A_9 : vector<1x16xi1> to vector<640x16xi1>
    %broadcast_in_dim3A_11 = vector.broadcast %jit3A_8 : f32 to vector<640x16xf32>
    %select_n3A_12 = arith.select %broadcast_in_dim3A_10, %get3A_1, %broadcast_in_dim3A_11 : vector<640x16xi1>, vector<640x16xf32>
    %reduce_sum3A = arith.constant dense<0.000000e+00> : vector<640xf32>
    %reduce_sum3A_13 = vector.multi_reduction <add>, %select_n3A_12, %reduce_sum3A [1] : vector<640x16xf32> to vector<640xf32>
    %broadcast_in_dim3A_14 = vector.shape_cast %reduce_sum3A_13 : vector<640xf32> to vector<640x1xf32>
    %add3A = arith.constant 9.99999993E-9 : f32
    %add3A_15 = vector.broadcast %add3A : f32 to vector<640x1xf32>
    %add3A_16 = arith.addf %broadcast_in_dim3A_14, %add3A_15 : vector<640x1xf32>
    %sqrt3A = math.sqrt %add3A_16 : vector<640x1xf32>
    %get3A_17 = arith.constant 0 : index
    %get3A_18 = arith.constant 0 : index
    %get3A_19 = vector.load %arg1[%get3A_17, %get3A_18] : memref<640x128xf32, #tpu.memory_space<vmem>>, vector<640x128xf32>
    %get3A_20 = arith.constant 0 : index
    %get3A_21 = arith.constant 0 : index
    %get3A_22 = vector.load %arg6[%get3A_20, %get3A_21] : memref<1x128xf32, #tpu.memory_space<vmem>>, vector<1x128xf32>
    %mul3A = vector.broadcast %broadcast_in_dim3A_14 : vector<640x1xf32> to vector<640x128xf32>
    %mul3A_23 = vector.broadcast %get3A_22 : vector<1x128xf32> to vector<640x128xf32>
    %mul3A_24 = arith.mulf %mul3A, %mul3A_23 : vector<640x128xf32>
    %add3A_25 = arith.addf %get3A_19, %mul3A_24 : vector<640x128xf32>
    %get3A_26 = arith.constant 0 : index
    %get3A_27 = arith.constant 0 : index
    %get3A_28 = vector.load %arg3[%get3A_26, %get3A_27] : memref<640x16xf32, #tpu.memory_space<vmem>>, vector<640x16xf32>
    %get3A_29 = arith.constant 0 : index
    %get3A_30 = arith.constant 0 : index
    %get3A_31 = vector.load %arg5[%get3A_29, %get3A_30] : memref<16x128xf32, #tpu.memory_space<vmem>>, vector<16x128xf32>
    %dot_general3A = arith.constant dense<0.000000e+00> : vector<640x128xf32>
    %dot_general3A_32 = tpu.matmul %get3A_28, %get3A_31, %dot_general3A {dimension_numbers = #tpu.dot_dimension_numbers<[1], [0], [0], [1], [0, 0, 1, 1], [], []>, transpose_lhs_hint = false} : vector<640x16xf32>, vector<16x128xf32>, vector<640x128xf32> -> vector<640x128xf32>
    %add3A_33 = arith.addf %add3A_25, %dot_general3A_32 : vector<640x128xf32>
    %get3A_34 = arith.constant 0 : index
    %get3A_35 = arith.constant 0 : index
    %get3A_36 = vector.load %arg7[%get3A_34, %get3A_35] : memref<1x128xf32, #tpu.memory_space<vmem>>, vector<1x128xf32>
    %add3A_37 = vector.broadcast %get3A_36 : vector<1x128xf32> to vector<640x128xf32>
    %add3A_38 = arith.addf %add3A_33, %add3A_37 : vector<640x128xf32>
    %logistic3A = arith.negf %add3A_38 : vector<640x128xf32>
    %logistic3A_39 = math.exp %logistic3A : vector<640x128xf32>
    %logistic3A_40 = arith.constant 1.000000e+00 : f32
    %logistic3A_41 = vector.broadcast %logistic3A_40 : f32 to vector<640x128xf32>
    %logistic3A_42 = arith.addf %logistic3A_41, %logistic3A_39 : vector<640x128xf32>
    %logistic3A_43 = arith.divf %logistic3A_41, %logistic3A_42 : vector<640x128xf32>
    %mul3A_44 = arith.mulf %add3A_38, %logistic3A_43 : vector<640x128xf32>
    %get3A_45 = arith.constant 0 : index
    %get3A_46 = arith.constant 0 : index
    %get3A_47 = vector.load %arg8[%get3A_45, %get3A_46] : memref<128x128xf32, #tpu.memory_space<vmem>>, vector<128x128xf32>
    %dot_general3A_48 = arith.constant dense<0.000000e+00> : vector<640x128xf32>
    %dot_general3A_49 = tpu.matmul %mul3A_44, %get3A_47, %dot_general3A_48 {dimension_numbers = #tpu.dot_dimension_numbers<[1], [0], [0], [1], [0, 0, 1, 1], [], []>, transpose_lhs_hint = false} : vector<640x128xf32>, vector<128x128xf32>, vector<640x128xf32> -> vector<640x128xf32>
    %get3A_50 = arith.constant 0 : index
    %get3A_51 = arith.constant 0 : index
    %get3A_52 = vector.load %arg9[%get3A_50, %get3A_51] : memref<1x128xf32, #tpu.memory_space<vmem>>, vector<1x128xf32>
    %add3A_53 = vector.broadcast %get3A_52 : vector<1x128xf32> to vector<640x128xf32>
    %add3A_54 = arith.addf %dot_general3A_49, %add3A_53 : vector<640x128xf32>
    %logistic3A_55 = arith.negf %add3A_54 : vector<640x128xf32>
    %logistic3A_56 = math.exp %logistic3A_55 : vector<640x128xf32>
    %logistic3A_57 = arith.constant 1.000000e+00 : f32
    %logistic3A_58 = vector.broadcast %logistic3A_57 : f32 to vector<640x128xf32>
    %logistic3A_59 = arith.addf %logistic3A_58, %logistic3A_56 : vector<640x128xf32>
    %logistic3A_60 = arith.divf %logistic3A_58, %logistic3A_59 : vector<640x128xf32>
    %mul3A_61 = arith.mulf %add3A_54, %logistic3A_60 : vector<640x128xf32>
    %get3A_62 = arith.constant 0 : index
    %get3A_63 = arith.constant 0 : index
    %get3A_64 = vector.load %arg10[%get3A_62, %get3A_63] : memref<128x128xf32, #tpu.memory_space<vmem>>, vector<128x128xf32>
    %dot_general3A_65 = arith.constant dense<0.000000e+00> : vector<640x128xf32>
    %dot_general3A_66 = tpu.matmul %mul3A_61, %get3A_64, %dot_general3A_65 {dimension_numbers = #tpu.dot_dimension_numbers<[1], [0], [0], [1], [0, 0, 1, 1], [], []>, transpose_lhs_hint = false} : vector<640x128xf32>, vector<128x128xf32>, vector<640x128xf32> -> vector<640x128xf32>
    %get3A_67 = arith.constant 0 : index
    %get3A_68 = arith.constant 0 : index
    %get3A_69 = vector.load %arg11[%get3A_67, %get3A_68] : memref<1x128xf32, #tpu.memory_space<vmem>>, vector<1x128xf32>
    %add3A_70 = vector.broadcast %get3A_69 : vector<1x128xf32> to vector<640x128xf32>
    %add3A_71 = arith.addf %dot_general3A_66, %add3A_70 : vector<640x128xf32>
    %logistic3A_72 = arith.negf %add3A_71 : vector<640x128xf32>
    %logistic3A_73 = math.exp %logistic3A_72 : vector<640x128xf32>
    %logistic3A_74 = arith.constant 1.000000e+00 : f32
    %logistic3A_75 = vector.broadcast %logistic3A_74 : f32 to vector<640x128xf32>
    %logistic3A_76 = arith.addf %logistic3A_75, %logistic3A_73 : vector<640x128xf32>
    %logistic3A_77 = arith.divf %logistic3A_75, %logistic3A_76 : vector<640x128xf32>
    %mul3A_78 = arith.mulf %add3A_71, %logistic3A_77 : vector<640x128xf32>
    %get3A_79 = arith.constant 0 : index
    %get3A_80 = arith.constant 0 : index
    %get3A_81 = vector.load %arg12[%get3A_79, %get3A_80] : memref<1x128xf32, #tpu.memory_space<vmem>>, vector<1x128xf32>
    %mul3A_82 = vector.broadcast %get3A_81 : vector<1x128xf32> to vector<640x128xf32>
    %mul3A_83 = arith.mulf %mul3A_78, %mul3A_82 : vector<640x128xf32>
    %reduce_sum3A_84 = arith.constant dense<0.000000e+00> : vector<640xf32>
    %reduce_sum3A_85 = vector.multi_reduction <add>, %mul3A_83, %reduce_sum3A_84 [1] : vector<640x128xf32> to vector<640xf32>
    %broadcast_in_dim3A_86 = vector.shape_cast %reduce_sum3A_85 : vector<640xf32> to vector<640x1xf32>
    %swap3A = arith.constant 0 : index
    %swap3A_87 = arith.constant 0 : index
    %swap3A_88 = vector.load %arg13[%swap3A, %swap3A_87] : memref<640x128xf32, #tpu.memory_space<vmem>>, vector<640x128xf32>
    tpu.vector_store %arg13[%swap3A, %swap3A_87], %mul3A_61 {strides = array<i32>} : memref<640x128xf32, #tpu.memory_space<vmem>>, vector<640x128xf32>,
    %div3A = arith.divf %broadcast_in_dim3A_86, %sqrt3A : vector<640x1xf32>
    %mul3A_89 = vector.broadcast %div3A : vector<640x1xf32> to vector<640x16xf32>
    %mul3A_90 = arith.mulf %select_n3A, %mul3A_89 : vector<640x16xf32>
    %slice3A = vector.extract_strided_slice %mul3A_90 {offsets = [0, 0], sizes = [640, 8], strides = [1, 1]} : vector<640x16xf32> to vector<640x8xf32>
    %concatenate3A = tpu.concatenate %slice3A, %slice3A, %slice3A, %slice3A, %slice3A, %slice3A, %slice3A, %slice3A, %slice3A, %slice3A, %slice3A, %slice3A, %slice3A, %slice3A, %slice3A, %slice3A in 1 : vector<640x8xf32>, vector<640x8xf32>, vector<640x8xf32>, vector<640x8xf32>, vector<640x8xf32>, vector<640x8xf32>, vector<640x8xf32>, vector<640x8xf32>, vector<640x8xf32>, vector<640x8xf32>, vector<640x8xf32>, vector<640x8xf32>, vector<640x8xf32>, vector<640x8xf32>, vector<640x8xf32>, vector<640x8xf32> -> vector<640x128xf32>
    %iota3A_91 = tpu.iota {dimensions = array<i32: 1>} : vector<1x128xi32>
    %jit3A_92 = arith.constant 8 : i32
    %div3A_93 = vector.broadcast %jit3A_92 : i32 to vector<1x128xi32>
    %div3A_94 = arith.divsi %iota3A_91, %div3A_93 : vector<1x128xi32>
    %sign3A = arith.constant 0 : i32
    %sign3A_95 = vector.broadcast %sign3A : i32 to vector<1x128xi32>
    %sign3A_96 = arith.cmpi sgt, %iota3A_91, %sign3A_95 : vector<1x128xi32>
    %sign3A_97 = arith.extui %sign3A_96 : vector<1x128xi1> to vector<1x128xi32>
    %sign3A_98 = arith.constant 0 : i32
    %sign3A_99 = vector.broadcast %sign3A_98 : i32 to vector<1x128xi32>
    %sign3A_100 = arith.cmpi slt, %iota3A_91, %sign3A_99 : vector<1x128xi32>
    %sign3A_101 = arith.extui %sign3A_100 : vector<1x128xi1> to vector<1x128xi32>
    %sign3A_102 = arith.subi %sign3A_97, %sign3A_101 : vector<1x128xi32>
    %sign3A_103 = arith.constant 0 : i32
    %sign3A_104 = arith.cmpi sgt, %jit3A_92, %sign3A_103 : i32
    %sign3A_105 = arith.extui %sign3A_104 : i1 to i32
    %sign3A_106 = arith.constant 0 : i32
    %sign3A_107 = arith.cmpi slt, %jit3A_92, %sign3A_106 : i32
    %sign3A_108 = arith.extui %sign3A_107 : i1 to i32
    %sign3A_109 = arith.subi %sign3A_105, %sign3A_108 : i32
    %ne3A = vector.broadcast %sign3A_109 : i32 to vector<1x128xi32>
    %ne3A_110 = arith.cmpi ne, %sign3A_102, %ne3A : vector<1x128xi32>
    %rem3A = vector.broadcast %jit3A_92 : i32 to vector<1x128xi32>
    %rem3A_111 = arith.remsi %iota3A_91, %rem3A : vector<1x128xi32>
    %ne3A_112 = arith.constant 0 : i32
    %ne3A_113 = vector.broadcast %ne3A_112 : i32 to vector<1x128xi32>
    %ne3A_114 = arith.cmpi ne, %rem3A_111, %ne3A_113 : vector<1x128xi32>
    %and3A = arith.andi %ne3A_110, %ne3A_114 : vector<1x128xi1>
    %sub3A = arith.constant 1 : i32
    %sub3A_115 = vector.broadcast %sub3A : i32 to vector<1x128xi32>
    %sub3A_116 = arith.subi %div3A_94, %sub3A_115 : vector<1x128xi32>
    %select_n3A_117 = arith.select %and3A, %sub3A_116, %div3A_94 : vector<1x128xi1>, vector<1x128xi32>
    %get3A_118 = arith.constant 0 : index
    %get3A_119 = arith.constant 0 : index
    %get3A_120 = vector.load %arg4[%get3A_118, %get3A_119] : memref<640x1xi32, #tpu.memory_space<vmem>>, vector<640x1xi32>
    %eq3A_121 = vector.broadcast %select_n3A_117 : vector<1x128xi32> to vector<640x128xi32>
    %eq3A_122 = vector.broadcast %get3A_120 : vector<640x1xi32> to vector<640x128xi32>
    %eq3A_123 = arith.cmpi eq, %eq3A_121, %eq3A_122 : vector<640x128xi32>
    %jit3A_124 = arith.constant 0.000000e+00 : f32
    %broadcast_in_dim3A_125 = vector.broadcast %jit3A_124 : f32 to vector<640x128xf32>
    %select_n3A_126 = arith.select %eq3A_123, %concatenate3A, %broadcast_in_dim3A_125 : vector<640x128xi1>, vector<640x128xf32>
    %swap3A_127 = arith.constant 0 : index
    %swap3A_128 = arith.constant 0 : index
    %swap3A_129 = vector.load %arg14[%swap3A_127, %swap3A_128] : memref<640x128xf32, #tpu.memory_space<vmem>>, vector<640x128xf32>
    tpu.vector_store %arg14[%swap3A_127, %swap3A_128], %select_n3A_126 {strides = array<i32>} : memref<640x128xf32, #tpu.memory_space<vmem>>, vector<640x128xf32>,
    return
  }
  func.func @transform_0(%arg0: i32) -> (i32, i32) {
    %c0_i32 = arith.constant 0 : i32
    %c0_i32_0 = arith.constant 0 : i32
    return %arg0, %c0_i32 : i32, i32
  }
  func.func @transform_1(%arg0: i32) -> (i32, i32) {
    %c0_i32 = arith.constant 0 : i32
    %c0_i32_0 = arith.constant 0 : i32
    return %arg0, %c0_i32 : i32, i32
  }
  func.func @transform_2(%arg0: i32) -> (i32, i32) {
    %c0_i32 = arith.constant 0 : i32
    %c0_i32_0 = arith.constant 0 : i32
    return %arg0, %c0_i32 : i32, i32
  }
  func.func @transform_3(%arg0: i32) -> (i32, i32) {
    %c0_i32 = arith.constant 0 : i32
    %c0_i32_0 = arith.constant 0 : i32
    return %arg0, %c0_i32 : i32, i32
  }
  func.func @transform_4(%arg0: i32) -> (i32, i32) {
    %c0_i32 = arith.constant 0 : i32
    %c0_i32_0 = arith.constant 0 : i32
    %c0_i32_1 = arith.constant 0 : i32
    return %c0_i32, %c0_i32_0 : i32, i32
  }
  func.func @transform_5(%arg0: i32) -> (i32, i32) {
    %c0_i32 = arith.constant 0 : i32
    %c0_i32_0 = arith.constant 0 : i32
    %c0_i32_1 = arith.constant 0 : i32
    return %c0_i32, %c0_i32_0 : i32, i32
  }
  func.func @transform_6(%arg0: i32) -> (i32, i32) {
    %c0_i32 = arith.constant 0 : i32
    %c0_i32_0 = arith.constant 0 : i32
    %c0_i32_1 = arith.constant 0 : i32
    return %c0_i32, %c0_i32_0 : i32, i32
  }
  func.func @transform_7(%arg0: i32) -> (i32, i32) {
    %c0_i32 = arith.constant 0 : i32
    %c0_i32_0 = arith.constant 0 : i32
    %c0_i32_1 = arith.constant 0 : i32
    return %c0_i32, %c0_i32_0 : i32, i32
  }
  func.func @transform_8(%arg0: i32) -> (i32, i32) {
    %c0_i32 = arith.constant 0 : i32
    %c0_i32_0 = arith.constant 0 : i32
    %c0_i32_1 = arith.constant 0 : i32
    return %c0_i32, %c0_i32_0 : i32, i32
  }
  func.func @transform_9(%arg0: i32) -> (i32, i32) {
    %c0_i32 = arith.constant 0 : i32
    %c0_i32_0 = arith.constant 0 : i32
    %c0_i32_1 = arith.constant 0 : i32
    return %c0_i32, %c0_i32_0 : i32, i32
  }
  func.func @transform_10(%arg0: i32) -> (i32, i32) {
    %c0_i32 = arith.constant 0 : i32
    %c0_i32_0 = arith.constant 0 : i32
    %c0_i32_1 = arith.constant 0 : i32
    return %c0_i32, %c0_i32_0 : i32, i32
  }
  func.func @transform_11(%arg0: i32) -> (i32, i32) {
    %c0_i32 = arith.constant 0 : i32
    %c0_i32_0 = arith.constant 0 : i32
    %c0_i32_1 = arith.constant 0 : i32
    return %c0_i32, %c0_i32_0 : i32, i32
  }
  func.func @transform_12(%arg0: i32) -> (i32, i32) {
    %c0_i32 = arith.constant 0 : i32
    %c0_i32_0 = arith.constant 0 : i32
    return %arg0, %c0_i32 : i32, i32
  }
  func.func @transform_13(%arg0: i32) -> (i32, i32) {
    %c0_i32 = arith.constant 0 : i32
    %c0_i32_0 = arith.constant 0 : i32
    return %arg0, %c0_i32 : i32, i32
  }
}

module attributes {stable_mosaic.version = 14 : i64} {
  func.func @_node_body(%arg0: i32, %arg1: memref<1000x128xf32, #tpu.memory_space<vmem>>, %arg2: memref<1000x128xf32, #tpu.memory_space<vmem>>, %arg3: memref<1000x128xf32, #tpu.memory_space<vmem>>, %arg4: memref<1000x128xf32, #tpu.memory_space<vmem>>, %arg5: memref<1000x8xf32, #tpu.memory_space<vmem>>, %arg6: memref<1000x8xf32, #tpu.memory_space<vmem>>, %arg7: memref<1000x8xf32, #tpu.memory_space<vmem>>, %arg8: memref<128x128xf32, #tpu.memory_space<vmem>>, %arg9: memref<1x128xf32, #tpu.memory_space<vmem>>, %arg10: memref<128x128xf32, #tpu.memory_space<vmem>>, %arg11: memref<1x128xf32, #tpu.memory_space<vmem>>, %arg12: memref<1000x128xf32, #tpu.memory_space<vmem>>, %arg13: memref<1000x8xf32, #tpu.memory_space<vmem>>) attributes {dimension_semantics = [#tpu.dimension_semantics<arbitrary>], iteration_bounds = array<i64: 10>, scalar_prefetch = 0 : i64, scratch_operands = 0 : i64, tpu.core_type = #tpu.core_type<tc>, window_params = [{transform_indices = @transform_0, window_bounds = array<i64: 1000, 128>}, {transform_indices = @transform_1, window_bounds = array<i64: 1000, 128>}, {transform_indices = @transform_2, window_bounds = array<i64: 1000, 128>}, {transform_indices = @transform_3, window_bounds = array<i64: 1000, 128>}, {transform_indices = @transform_4, window_bounds = array<i64: 1000, 8>}, {transform_indices = @transform_5, window_bounds = array<i64: 1000, 8>}, {transform_indices = @transform_6, window_bounds = array<i64: 1000, 8>}, {pipeline_mode = #tpu.pipeline_mode<synchronous>, transform_indices = @transform_7, window_bounds = array<i64: 128, 128>}, {pipeline_mode = #tpu.pipeline_mode<synchronous>, transform_indices = @transform_8, window_bounds = array<i64: 1, 128>}, {pipeline_mode = #tpu.pipeline_mode<synchronous>, transform_indices = @transform_9, window_bounds = array<i64: 128, 128>}, {pipeline_mode = #tpu.pipeline_mode<synchronous>, transform_indices = @transform_10, window_bounds = array<i64: 1, 128>}, {transform_indices = @transform_11, window_bounds = array<i64: 1000, 128>}, {transform_indices = @transform_12, window_bounds = array<i64: 1000, 8>}]} {
    %get3A = arith.constant 0 : index
    %get3A_0 = arith.constant 0 : index
    %get3A_1 = vector.load %arg3[%get3A, %get3A_0] : memref<1000x128xf32, #tpu.memory_space<vmem>>, vector<1000x128xf32>
    %get3A_2 = arith.constant 0 : index
    %get3A_3 = arith.constant 0 : index
    %get3A_4 = vector.load %arg4[%get3A_2, %get3A_3] : memref<1000x128xf32, #tpu.memory_space<vmem>>, vector<1000x128xf32>
    %add3A = arith.addf %get3A_1, %get3A_4 : vector<1000x128xf32>
    %get3A_5 = arith.constant 0 : index
    %get3A_6 = arith.constant 0 : index
    %get3A_7 = vector.load %arg2[%get3A_5, %get3A_6] : memref<1000x128xf32, #tpu.memory_space<vmem>>, vector<1000x128xf32>
    %get3A_8 = arith.constant 0 : index
    %get3A_9 = arith.constant 0 : index
    %get3A_10 = vector.load %arg8[%get3A_8, %get3A_9] : memref<128x128xf32, #tpu.memory_space<vmem>>, vector<128x128xf32>
    %dot_general3A = arith.constant dense<0.000000e+00> : vector<1000x128xf32>
    %dot_general3A_11 = tpu.matmul %add3A, %get3A_10, %dot_general3A {dimension_numbers = #tpu.dot_dimension_numbers<[1], [0], [0], [1], [0, 0, 1, 1], [], []>, transpose_lhs_hint = false} : vector<1000x128xf32>, vector<128x128xf32>, vector<1000x128xf32> -> vector<1000x128xf32>
    %add3A_12 = arith.addf %get3A_7, %dot_general3A_11 : vector<1000x128xf32>
    %get3A_13 = arith.constant 0 : index
    %get3A_14 = arith.constant 0 : index
    %get3A_15 = vector.load %arg9[%get3A_13, %get3A_14] : memref<1x128xf32, #tpu.memory_space<vmem>>, vector<1x128xf32>
    %add3A_16 = vector.broadcast %get3A_15 : vector<1x128xf32> to vector<1000x128xf32>
    %add3A_17 = arith.addf %add3A_12, %add3A_16 : vector<1000x128xf32>
    %logistic3A = arith.negf %add3A_17 : vector<1000x128xf32>
    %logistic3A_18 = math.exp %logistic3A : vector<1000x128xf32>
    %logistic3A_19 = arith.constant 1.000000e+00 : f32
    %logistic3A_20 = vector.broadcast %logistic3A_19 : f32 to vector<1000x128xf32>
    %logistic3A_21 = arith.addf %logistic3A_20, %logistic3A_18 : vector<1000x128xf32>
    %logistic3A_22 = arith.divf %logistic3A_20, %logistic3A_21 : vector<1000x128xf32>
    %mul3A = arith.mulf %add3A_17, %logistic3A_22 : vector<1000x128xf32>
    %get3A_23 = arith.constant 0 : index
    %get3A_24 = arith.constant 0 : index
    %get3A_25 = vector.load %arg1[%get3A_23, %get3A_24] : memref<1000x128xf32, #tpu.memory_space<vmem>>, vector<1000x128xf32>
    %get3A_26 = arith.constant 0 : index
    %get3A_27 = arith.constant 0 : index
    %get3A_28 = vector.load %arg10[%get3A_26, %get3A_27] : memref<128x128xf32, #tpu.memory_space<vmem>>, vector<128x128xf32>
    %dot_general3A_29 = arith.constant dense<0.000000e+00> : vector<1000x128xf32>
    %dot_general3A_30 = tpu.matmul %mul3A, %get3A_28, %dot_general3A_29 {dimension_numbers = #tpu.dot_dimension_numbers<[1], [0], [0], [1], [0, 0, 1, 1], [], []>, transpose_lhs_hint = false} : vector<1000x128xf32>, vector<128x128xf32>, vector<1000x128xf32> -> vector<1000x128xf32>
    %add3A_31 = arith.addf %get3A_25, %dot_general3A_30 : vector<1000x128xf32>
    %get3A_32 = arith.constant 0 : index
    %get3A_33 = arith.constant 0 : index
    %get3A_34 = vector.load %arg11[%get3A_32, %get3A_33] : memref<1x128xf32, #tpu.memory_space<vmem>>, vector<1x128xf32>
    %add3A_35 = vector.broadcast %get3A_34 : vector<1x128xf32> to vector<1000x128xf32>
    %add3A_36 = arith.addf %add3A_31, %add3A_35 : vector<1000x128xf32>
    %swap3A = arith.constant 0 : index
    %swap3A_37 = arith.constant 0 : index
    %swap3A_38 = vector.load %arg12[%swap3A, %swap3A_37] : memref<1000x128xf32, #tpu.memory_space<vmem>>, vector<1000x128xf32>
    tpu.vector_store %arg12[%swap3A, %swap3A_37], %add3A_36 {strides = array<i32>} : memref<1000x128xf32, #tpu.memory_space<vmem>>, vector<1000x128xf32>,
    %get3A_39 = arith.constant 0 : index
    %get3A_40 = arith.constant 0 : index
    %get3A_41 = vector.load %arg7[%get3A_39, %get3A_40] : memref<1000x8xf32, #tpu.memory_space<vmem>>, vector<1000x8xf32>
    %get3A_42 = arith.constant 0 : index
    %get3A_43 = arith.constant 0 : index
    %get3A_44 = vector.load %arg5[%get3A_42, %get3A_43] : memref<1000x8xf32, #tpu.memory_space<vmem>>, vector<1000x8xf32>
    %add3A_45 = arith.addf %get3A_41, %get3A_44 : vector<1000x8xf32>
    %get3A_46 = arith.constant 0 : index
    %get3A_47 = arith.constant 0 : index
    %get3A_48 = vector.load %arg6[%get3A_46, %get3A_47] : memref<1000x8xf32, #tpu.memory_space<vmem>>, vector<1000x8xf32>
    %add3A_49 = arith.addf %add3A_45, %get3A_48 : vector<1000x8xf32>
    %swap3A_50 = arith.constant 0 : index
    %swap3A_51 = arith.constant 0 : index
    %swap3A_52 = vector.load %arg13[%swap3A_50, %swap3A_51] : memref<1000x8xf32, #tpu.memory_space<vmem>>, vector<1000x8xf32>
    tpu.vector_store %arg13[%swap3A_50, %swap3A_51], %add3A_49 {strides = array<i32>} : memref<1000x8xf32, #tpu.memory_space<vmem>>, vector<1000x8xf32>,
    return
  }
  func.func @transform_0(%arg0: i32) -> (i32, i32) {
    %c0_i32 = arith.constant 0 : i32
    %c0_i32_0 = arith.constant 0 : i32
    return %arg0, %c0_i32 : i32, i32
  }
  func.func @transform_1(%arg0: i32) -> (i32, i32) {
    %c0_i32 = arith.constant 0 : i32
    %c0_i32_0 = arith.constant 0 : i32
    return %arg0, %c0_i32 : i32, i32
  }
  func.func @transform_2(%arg0: i32) -> (i32, i32) {
    %c0_i32 = arith.constant 0 : i32
    %c0_i32_0 = arith.constant 0 : i32
    return %arg0, %c0_i32 : i32, i32
  }
  func.func @transform_3(%arg0: i32) -> (i32, i32) {
    %c0_i32 = arith.constant 0 : i32
    %c0_i32_0 = arith.constant 0 : i32
    return %arg0, %c0_i32 : i32, i32
  }
  func.func @transform_4(%arg0: i32) -> (i32, i32) {
    %c0_i32 = arith.constant 0 : i32
    %c0_i32_0 = arith.constant 0 : i32
    return %arg0, %c0_i32 : i32, i32
  }
  func.func @transform_5(%arg0: i32) -> (i32, i32) {
    %c0_i32 = arith.constant 0 : i32
    %c0_i32_0 = arith.constant 0 : i32
    return %arg0, %c0_i32 : i32, i32
  }
  func.func @transform_6(%arg0: i32) -> (i32, i32) {
    %c0_i32 = arith.constant 0 : i32
    %c0_i32_0 = arith.constant 0 : i32
    return %arg0, %c0_i32 : i32, i32
  }
  func.func @transform_7(%arg0: i32) -> (i32, i32) {
    %c0_i32 = arith.constant 0 : i32
    %c0_i32_0 = arith.constant 0 : i32
    %c0_i32_1 = arith.constant 0 : i32
    return %c0_i32, %c0_i32_0 : i32, i32
  }
  func.func @transform_8(%arg0: i32) -> (i32, i32) {
    %c0_i32 = arith.constant 0 : i32
    %c0_i32_0 = arith.constant 0 : i32
    %c0_i32_1 = arith.constant 0 : i32
    return %c0_i32, %c0_i32_0 : i32, i32
  }
  func.func @transform_9(%arg0: i32) -> (i32, i32) {
    %c0_i32 = arith.constant 0 : i32
    %c0_i32_0 = arith.constant 0 : i32
    %c0_i32_1 = arith.constant 0 : i32
    return %c0_i32, %c0_i32_0 : i32, i32
  }
  func.func @transform_10(%arg0: i32) -> (i32, i32) {
    %c0_i32 = arith.constant 0 : i32
    %c0_i32_0 = arith.constant 0 : i32
    %c0_i32_1 = arith.constant 0 : i32
    return %c0_i32, %c0_i32_0 : i32, i32
  }
  func.func @transform_11(%arg0: i32) -> (i32, i32) {
    %c0_i32 = arith.constant 0 : i32
    %c0_i32_0 = arith.constant 0 : i32
    return %arg0, %c0_i32 : i32, i32
  }
  func.func @transform_12(%arg0: i32) -> (i32, i32) {
    %c0_i32 = arith.constant 0 : i32
    %c0_i32_0 = arith.constant 0 : i32
    return %arg0, %c0_i32 : i32, i32
  }
}

</mosaic_0001>

<sc_bundles>
// kernel: kernel.11.cloned.1.call-start
scs
__scs_entry_jumppad:
0x0: {  	(pc) =	sbr.rel $0x88, $3  }
0x1: {  	(tag) =	ssettag $0x0;
	lr =	simm.s32 $0x1  }
0x2: {  	[smem:$0x3F92] =	sst lr;
	_ =	strace $0xD0000000  }
0x3: {  	_ = 	snop  }
0x4: {  	_ = 	snop  }
0x5: {  	_ = 	snop  }
0x6: {  	_ = 	snop  }
0x7: {  	_ = 	snop  }
__scs_overlays_trampoline_lowered:
0x8: {  	[smem:$0x3FA1] =	sst s0  }
0x9: {  	[smem:$0x3FA2] =	sst s1  }
0xa: {  	[smem:$0x3FA3] =	sst s2  }
0xb: {  	[smem:$0x3FA4] =	sst s3  }
0xc: {  	[smem:$0x3FA5] =	sst s4  }
0xd: {  	[smem:$0x3FA6] =	sst s5  }
0xe: {  	[smem:$0x3FA7] =	sst s6  }
0xf: {  	[smem:$0x3FA8] =	sst s7  }
0x10: {  	[smem:$0x3FA9] =	sst s8  }
0x11: {  	[smem:$0x3FAA] =	sst s9;
	s0 =	simm.s32 @!p0 $0x0  }
0x12: {  	s1 =	sld [smem:$0x3F90];
	s0 =	simm.s32 @p0 $0x1  }
0x13: {  	[smem:$0x3FAB] =	sst s0;
	s0 =	simm.s32 @!p1 $0x0  }
0x14: {  	s2 =	sld [smem:$0x3F8F];
	s0 =	simm.s32 @p1 $0x1  }
0x15: {  	[smem:$0x3FAC] =	sst s0;
	s0 =	simm.s32 @!p2 $0x0  }
0x16: {  	s3 =	sld [smem:$0x3FDB];
	s0 =	simm.s32 @p2 $0x1  }
0x17: {  	s4 =	simm.s32 $0x1BF5;
	[smem:$0x3FAE] =	sst s0  }
0x18: {  	s0 =	sld [smem:$0x3F91];
	_ =	swait.ge [sflag:s4], $0x0  }
0x19: {  	s7 =	sld [smem:$0x3F92]  }
0x1a: {  	s8 =	sadd.s32 $0xFFFFE003, lr  }
0x1b: {  	s9 =	sadd.s32 $0xFFFFFEF7, lr;
	s5 =	simm.s32 $0xFFFFFFFF;
	p2 =	slt.u32 s8, $0xFFFFF086  }
0x1c: {  	p1 =	slt.u32 s9, $0xF7A;
	s5 =	simm.s32 @!p2 $0x0  }
0x1d: {  	s5 =	simm.s32 @p1 $0x1;
	p0 =	seq.s32 s7, s2  }
0x1e: {  	s7 =	smul.u32 @!p0 $0xF7A, s2;
	p2 =	seq.s32 @!p0 s5, $0x0  }
0x1f: {  	s9 =	smul.u32 $0xF7A, s1;
	s8 =	simm.s32 @!p0 $0x1BF5;
	p2 =	por !p2, p0  }
0x20: {  	[sflag:s8] =	ssyncset.s32 @!p0 $0xFFFFF086;
	s6 =	sadd.s32 @!p0 s3, s7;
	s7 =	simm.s32 @!p0 $0x108  }
0x21: {  	s3 =	sadd.s32 s3, s9;
	s6 =	sadd.s32 @!p0 $0x88, s6;
	s7 =	simm.s32 @p2 $0x1082  }
0x22: {  	[simem:s7], [sflag:s8] =	dma.local @!p0 [hbm:s6], $0xF7A  }
0x23: {  	s9 =	sor.u32 $0xD0000000, s2;
	s6 =	simm.s32 $0x108;
	_ =	swait.ge @!p0 [sflag:s8], $0x0  }
0x24: {  	s3 =	sadd.s32 $0x88, s3;
	s6 =	simm.s32 @!p1 $0x1082;
	[sflag:s4] =	ssyncset.s32 $0xFFFFF086  }
0x25: {  	[simem:s6], [sflag:s4] =	dma.local [hbm:s3], $0xF7A  }
0x26: {  	[smem:$0x3F92] =	sst s1;
	(tag) =	ssettag s2;
	_ =	strace s9  }
0x27: {  	s1 =	sld [smem:$0x3FA2]  }
0x28: {  	s2 =	sld [smem:$0x3FA3]  }
0x29: {  	s4 =	sld [smem:$0x3FA5]  }
0x2a: {  	p0 =	seq.s32 s5, $0x0;
	s5 =	sld [smem:$0x3FA6]  }
0x2b: {  	s6 =	sld [smem:$0x3FA7]  }
0x2c: {  	s7 =	sld [smem:$0x3FA8]  }
0x2d: {  	s3 =	simm.s32 $0x108;
	s8 =	sld [smem:$0x3FA9]  }
0x2e: {  	s3 =	simm.s32 @!p0 $0x1082;
	s9 =	sld [smem:$0x3FAA]  }
0x2f: {  	lr =	sadd.s32 s0, s3;
	s0 =	sld [smem:$0x3FA1]  }
0x30: {  	s3 =	sld [smem:$0x3FA4]  }
0x31: {  	[smem:$0x3FAD] =	sst s10  }
0x32: {  	s10 =	sld [smem:$0x3FAB];
	_ =	sdelay $0x3  }
0x33: {  	p0 =	seq.s32 s10, $0x1;
	s10 =	sld [smem:$0x3FAD];
	_ =	sdelay $0x3  }
0x34: {  	[smem:$0x3FAD] =	sst s10  }
0x35: {  	s10 =	sld [smem:$0x3FAC];
	_ =	sdelay $0x3  }
0x36: {  	p1 =	seq.s32 s10, $0x1;
	s10 =	sld [smem:$0x3FAD];
	_ =	sdelay $0x3  }
0x37: {  	[smem:$0x3FAD] =	sst s10  }
0x38: {  	s10 =	sld [smem:$0x3FAE]  }
0x39: {  	_ = 	snop;
	(pc) =	sbr.ind lr, $3  }
0x3a: {  	_ = 	snop  }
0x3b: {  	_ = 	snop  }
0x3c: {  	p2 =	seq.s32 s10, $0x1;
	s10 =	sld [smem:$0x3FAD]  }
0x3d: {  	_ =	shalt  }
0x3e: {  	_ =	shalt  }
0x3f: {  	_ =	shalt  }
0x40: {  	_ =	shalt  }
0x41: {  	_ =	shalt  }
0x42: {  	_ =	shalt  }
0x43: {  	_ =	shalt  }
0x44: {  	_ =	shalt  }
0x45: {  	_ =	shalt  }
0x46: {  	_ =	shalt  }
0x47: {  	_ =	shalt  }
0x48: {  	_ =	shalt  }
0x49: {  	_ =	shalt  }
0x4a: {  	_ =	shalt  }
0x4b: {  	_ =	shalt  }
0x4c: {  	_ =	shalt  }
0x4d: {  	_ =	shalt  }
0x4e: {  	_ =	shalt  }
0x4f: {  	_ =	shalt  }
0x50: {  	_ =	shalt  }
0x51: {  	_ =	shalt  }
0x52: {  	_ =	shalt  }
0x53: {  	_ =	shalt  }
0x54: {  	_ =	shalt  }
0x55: {  	_ =	shalt  }
0x56: {  	_ =	shalt  }
0x57: {  	_ =	shalt  }
0x58: {  	_ =	shalt  }
0x59: {  	_ =	shalt  }
0x5a: {  	_ =	shalt  }
0x5b: {  	_ =	shalt  }
0x5c: {  	_ =	shalt  }
0x5d: {  	_ =	shalt  }
0x5e: {  	_ =	shalt  }
0x5f: {  	_ =	shalt  }
0x60: {  	_ =	shalt  }
0x61: {  	_ =	shalt  }
0x62: {  	_ =	shalt  }
0x63: {  	_ =	shalt  }
0x64: {  	_ =	shalt  }
0x65: {  	_ =	shalt  }
0x66: {  	_ =	shalt  }
0x67: {  	_ =	shalt  }
0x68: {  	_ =	shalt  }
0x69: {  	_ =	shalt  }
0x6a: {  	_ =	shalt  }
0x6b: {  	_ =	shalt  }
0x6c: {  	_ =	shalt  }
0x6d: {  	_ =	shalt  }
0x6e: {  	_ =	shalt  }
0x6f: {  	_ =	shalt  }
0x70: {  	_ =	shalt  }
0x71: {  	_ =	shalt  }
0x72: {  	_ =	shalt  }
0x73: {  	_ =	shalt  }
0x74: {  	_ =	shalt  }
0x75: {  	_ =	shalt  }
0x76: {  	_ =	shalt  }
0x77: {  	_ =	shalt  }
0x78: {  	_ =	shalt  }
0x79: {  	_ =	shalt  }
0x7a: {  	_ =	shalt  }
0x7b: {  	_ =	shalt  }
0x7c: {  	_ =	shalt  }
0x7d: {  	_ =	shalt  }
0x7e: {  	_ =	shalt  }
0x7f: {  	_ =	shalt  }
0x80: {  	_ =	shalt  }
0x81: {  	_ =	shalt  }
0x82: {  	_ =	shalt  }
0x83: {  	_ =	shalt  }
0x84: {  	_ =	shalt  }
0x85: {  	_ =	shalt  }
0x86: {  	_ =	shalt  }
0x87: {  	_ =	shalt  }
.Lfunc_end0:
.L_simem_size_0:
called_computation.1_lowered:
.L_overlay_start_0:
0x88: {  	s2 =	sld [smem:$0x3FD9]  }
0x89: {  	s3 =	sld [smem:$0x3FFE];
	_ =	sdelay $0x1  }
0x8a: {  	s1 =	srdreg.scid  }
0x8b: {  	s0 =	sand.u32 $0x1, s1  }
0x8c: {  	s15 =	sshll.u32 s0, $0xA;
	s2 =	sadd.s32 s3, s2  }
0x8d: {  	s2 =	sadd.s32 s2, s15  }
0x8e: {  	[smem:$0x3FB9] =	sst s2  }
0x8f: {  	_ = 	snop  }
0x90: {  	s2 =	sld [smem:$0x3FD0];
	_ =	sdelay $0x2  }
0x91: {  	s16 =	simm.s32 $0xB;
	s4 =	simm.s32 $0x10  }
0x92: {  	[smem:s4], [sflag:s16] =	dma.local [hbm:s2], $0x1  }
0x93: {  	_ =	swait.eq [sflag:s16], $0x1  }
0x94: {  	[sflag:s16] =	ssyncset.done $0x0  }
0x95: {  	[sflag:s16] =	ssyncadd.s32 $0xFFFFFFFF  }
0x96: {  	s17 =	sld [smem:$0x12];
	(tm) =	ssettm $0x1  }
0x97: {  	s18 =	sld [smem:$0x3FFB];
	_ =	sdelay $0x3  }
0x98: {  	_ =	strace s18  }
0x99: {  	s2 =	sld [smem:$0x3FFC];
	_ =	sdelay $0x3  }
0x9a: {  	_ =	strace s2  }
0x9b: {  	s2 =	sld [smem:$0x3FFD];
	_ =	sdelay $0x3  }
0x9c: {  	_ =	strace s2  }
0x9d: {  	_ =	strace $0x8FFFFFFF  }
0x9e: {  	s19 =	sld [smem:$0x3FDB];
	_ =	sdelay $0x1  }
0x9f: {  	s20 =	simm.s32 $_scs_section_size  }
0xa0: {  	s5 =	simm.s32 $_size__tile_overlayer_lowered;
	s6 =	simm.s32 $_tile_overlayer_lowered  }
0xa1: {  	s7 =	simm.s32 $0x1BFF;
	s21 =	sshll.u32 s6, $0x1;
	s4 =	sadd.s32 s20, s19  }
0xa2: {  	s22 =	simm.s32 $0x0;
	s5 =	sshll.u32 s5, $0x1;
	s6 =	sadd.s32 s21, s4  }
0xa3: {  	[timem:s22], [sflag:s7] =	dma.local [hbm:s6], s5  }
0xa4: {  	_ =	swait.ge [sflag:s7], s5  }
0xa5: {  	s5 =	ssub.s32 $0x0, s5;
	[sflag:s7] =	ssyncset.done $0x0  }
0xa6: {  	[sflag:s7] =	ssyncadd.s32 s5;
	_ =	sdelay $0x1  }
0xa7: {  	s23 =	simm.s32 $0x1B8B  }
0xa8: {  	_ =	swait.ge [sflag:s23], $0x1  }
0xa9: {  	[sflag:s23] =	ssyncset.done $0x0  }
0xaa: {  	[sflag:s23] =	ssyncadd.s32 $0xFFFFFFFF  }
0xab: {  	s5 =	sld [smem:$0x0]  }
0xac: {  	s6 =	sand.u32 $0xFFFFFFFE, s1  }
0xad: {  	p0 =	sne.s32 s1, s6  }
0xae: {  	s6 =	sshll.u32 @p0 s6, $0xE  }
0xaf: {  	s6 =	sadd.s32 @p0 $0x11B8D, s6;
	s7 =	sshll.u32 @p0 s5, $0x11  }
0xb0: {  	s6 =	sor.u32 @p0 s7, s6  }
0xb1: {  	[sflag:s6] =	ssyncadd.remote.s32 @p0 $0x1;
	_ =	sdelay $0x1  }
0xb2: {  	s6 =	simm.s32 @p0 $0x1B8D  }
0xb3: {  	_ =	swait.eq @p0 [sflag:s6], $0x1  }
0xb4: {  	[sflag:s6] =	ssyncadd.s32 @p0 $0xFFFFFFFF  }
0xb5: {  	s7 =	sshll.u32 @!p0 s1, $0xE  }
0xb6: {  	s7 =	sor.u32 @!p0 $0x4000, s7;
	s6 =	simm.s32 @!p0 $0x1B8D  }
0xb7: {  	s5 =	sshll.u32 @!p0 s5, $0x11;
	s7 =	sadd.s32 @!p0 $0x11B8D, s7;
	_ =	swait.eq @!p0 [sflag:s6], $0x1  }
0xb8: {  	s5 =	sor.u32 @!p0 s5, s7;
	[sflag:s6] =	ssyncadd.s32 @!p0 $0xFFFFFFFF  }
0xb9: {  	s25 =	simm.s32 $0x1B8E;
	s24 =	sld [smem:$0x3FFE];
	[sflag:s5] =	ssyncadd.remote.s32 @!p0 $0x1  }
0xba: {  	s26 =	simm.s32 $execute0_lowered;
	[smem:$0x3FD2] =	sst s25  }
0xbb: {  	s6 =	sshll.u32 s26, $0x1;
	_ =	strace $0x8000004C;
	[dreg:$0x1] =	wrdreg $0xFFFFFFFF  }
0xbc: {  	s28 =	simm.s32 $_size_execute0_lowered;
	s4 =	sadd.s32 s4, s6;
	[dreg:$0x0] =	wrdreg $0x0  }
0xbd: {  	s6 =	sshll.u32 s28, $0x1;
	[dreg:$0x2] =	wrdreg s4  }
0xbe: {  	[dreg:$0x3] =	wrdreg s6  }
0xbf: {  	[dreg:$0x4] =	wrdreg $0xC0  }
0xc0: {  	_ =	task [dreg:s22], $0x5FFFF  }
0xc1: {  	[dreg:$0x1] =	wrdreg $0xFFFFFFFF  }
0xc2: {  	[dreg:$0x0] =	wrdreg $0x60  }
0xc3: {  	[dreg:$0x2] =	wrdreg s24  }
0xc4: {  	[dreg:$0x3] =	wrdreg s17  }
0xc5: {  	[dreg:$0x4] =	wrdreg $0xA8000  }
0xc6: {  	[dreg:$0x5] =	wrdreg $0x9  }
0xc7: {  	_ =	task.clear_ibuf [dreg:s22], $0x6FFFF;
	_ =	strace $0x9000004C  }
0xc8: {  	s29 =	simm.s32 $0x9;
	_ =	strace $0x8000004E  }
0xc9: {  	_ =	swait.ge [sflag:s29], $0x1  }
0xca: {  	[sflag:s29] =	ssyncadd.s32 $0xFFFFFFFF  }
0xcb: {  	_ =	strace $0x9000004E  }
0xcc: {  	_ =	sfence  }
0xcd: {  	s30 =	sld [smem:$0x0];
	_ =	sdelay $0x2  }
0xce: {  	s31 =	sshll.u32 s1, $0xD;
	s1 =	sshrl.u32 s1, $0x2  }
0xcf: {  	s4 =	sand.u32 $0x4000, s31;
	s1 =	sadd.s32 s1, s30  }
0xd0: {  	s0 =	sor.u32 s4, s0;
	s1 =	sshll.u32 s1, $0x11  }
0xd1: {  	s0 =	sor.u32 s1, s0  }
0xd2: {  	s0 =	sadd.s32 $0x8F2B, s0  }
0xd3: {  	[sflag:s0] =	ssyncadd.remote.s32 $0x1  }
0xd4: {  	_ =	sfence.sel $0xFFFF  }
0xd5: {  	[dreg:$0x0] =	wrdreg $0xFFFFFFFF;
	(pc) =	sbr.abs _section_cstart, $3  }
0xd6: {  	[dreg:$0x1] =	wrdreg $0xFFFFFFFF  }
0xd7: {  	_ =	task.clear_ibuf [dreg:s22], $0x2FFFF;
	_ =	strace $0x9FFFFFFF  }
0xd8: {  	(tm) =	ssettm $0x7FFFFFFF  }
0xd9: {  	_ =	shalt  }
tec
execute0_lowered:
.L_overlay_start_1:
0x0: {  	(tag) =	ssettag $0x1  }
0x1: {  	s0 =	rddreg [dreg:$0x0]  }
0x2: {  	s1 =	rddreg [dreg:$0x1]  }
0x3: {  	s2 =	rddreg [dreg:$0x2];
	s20 =	stileid.u32  }
0x4: {  	s4 =	srdreg.scid;
	s3 =	simm.s32 $0x0;
	s10 =	smul.u32 $0x50000, s20  }
0x5: {  	s28 =	simm.s32 $0x8000;
	s29 =	simm.s32 $0x3;
	s25 =	smul.u32 $0x14000, s20  }
0x6: {  	s30 =	simm.s32 $0x9400;
	s4 =	sand.u32 $0x1, s4;
	s26 =	smul.u32 $0x4E200, s20  }
0x7: {  	s5 =	sshll.u32 s20, $0x1;
	[smem:$0x7FF] =	sst s3;
	s23 =	smul.u32 $0x140000, s4  }
0x8: {  	s5 =	sor.u32 s4, s5;
	s18 =	ssub.s32 $0x2, s4;
	s4 =	smul.u32 $0x27100, s4  }
0x9: {  	s31 =	simm.s32 $0x1;
	s7 =	sadd.s32 $0x18EB400, s0;
	s8 =	smul.u32 $0x138800, s5  }
0xa: {  	_ =	strace $0x8000004D;
	s6 =	sshll.u32 s5, $0xC;
	s5 =	smul.u32 $0x27100, s5  }
0xb: {  	s9 =	sshrl.u32 s18, $0x1;
	s6 =	sadd.s32 s6, s0;
	s0 =	sadd.s32 $0xA25400, s0  }
0xc: {  	s22 =	sshrl.u32 s10, $0x2;
	[dreg:$0x4] =	wrdreg s0;
	s8 =	sshrl.u32 s8, $0x3  }
0xd: {  	s0 =	ssub.s32 s18, s9;
	s6 =	sadd.s32 $0xA05400, s6;
	s5 =	sadd.s32 s7, s5  }
0xe: {  	s9 =	sadd.s32 s22, s2;
	[dreg:$0x5] =	wrdreg s6;
	s19 =	sadd.s32 s7, s8  }
0xf: {  	[dreg:$0x6] =	wrdreg s5;
	s0 =	smax.u32 s0, $0x1;
	s24 =	sadd.s32 $0x1400, s9  }
0x10: {  	s11 =	sadd.s32 $0x2800, s9;
	s12 =	sadd.s32 $0x3C00, s9;
	s13 =	sadd.s32 $0x5000, s9  }
0x11: {  	s14 =	sadd.s32 $0x6400, s9;
	s15 =	sadd.s32 $0x7800, s9;
	s16 =	sadd.s32 $0x8C00, s9  }
0x12: {  	s17 =	sadd.s32 $0xA000, s9;
	s18 =	sadd.s32 $0xB400, s9;
	s20 =	sadd.s32 $0xDC00, s9  }
0x13: {  	s5 =	sadd.s32 s26, s7;
	s22 =	sadd.s32 $0x10400, s9;
	[dreg:$0x8] =	wrdreg s0  }
0x14: {  	s26 =	sadd.s32 $0x12C00, s9;
	s21 =	sadd.s32 $0x26E80, s19;
	[dreg:$0x9] =	wrdreg s24  }
0x15: {  	s19 =	sadd.s32 $0xC800, s9;
	s0 =	sadd.s32 s25, s23;
	s4 =	sadd.s32 s4, s5  }
0x16: {  	s24 =	sadd.s32 $0x11800, s9;
	[dreg:$0x7] =	wrdreg s21;
	s21 =	sadd.s32 $0xF000, s9  }
0x17: {  	s0 =	sshrl.u32 s0, $0x3;
	s25 =	sadd.s32 $0x500, s4;
	s4 =	simm.s32 $0x0  }
0x18: {  	s23 =	sadd.s32 s0, s1;
	s0 =	simm.s32 $0x28;
	s1 =	simm.s32 $0x2  }
.LBB2_1:
0x19: {  	s5 =	rddreg [dreg:$0x4]  }
0x1a: {  	[tilespmem:s28], [sflag:$0x3] =	stream.linear.gather [hbm4b:s5+s3], $0x1400, $0x38;
	[tilespmem:$0x1E800] =	vst v63  }
0x1b: {  	_ =	swait.ge [sflag:s29], $0x1400  }
0x1c: {  	[sflag:s29] =	ssyncset.done $0x0  }
0x1d: {  	[sflag:s29] =	ssyncadd.s32 $0xFFFFEC00  }
0x1e: {  	[spmem:s9] =	stream.linear.scatter [tilespmem:s28], [sflag:$0x3], $0x1400, $0x38;
	[tilespmem:$0x1E800] =	vst v63  }
0x1f: {  	_ =	swait.ge [sflag:s29], $0x1400  }
0x20: {  	[sflag:s29] =	ssyncset.done $0x0  }
0x21: {  	s8 =	rddreg [dreg:$0x9];
	[sflag:s29] =	ssyncadd.s32 $0xFFFFEC00  }
0x22: {  	[spmem:s8] =	stream.linear.scatter [tilespmem:s28], [sflag:$0x3], $0x1400, $0x38;
	[tilespmem:$0x1E800] =	vst v63  }
0x23: {  	_ =	swait.ge [sflag:s29], $0x1400  }
0x24: {  	[sflag:s29] =	ssyncset.done $0x0  }
0x25: {  	[sflag:s29] =	ssyncadd.s32 $0xFFFFEC00  }
0x26: {  	[spmem:s11] =	stream.linear.scatter [tilespmem:s28], [sflag:$0x3], $0x1400, $0x38;
	[tilespmem:$0x1E800] =	vst v63  }
0x27: {  	_ =	swait.ge [sflag:s29], $0x1400  }
0x28: {  	[sflag:s29] =	ssyncset.done $0x0  }
0x29: {  	[sflag:s29] =	ssyncadd.s32 $0xFFFFEC00  }
0x2a: {  	[spmem:s12] =	stream.linear.scatter [tilespmem:s28], [sflag:$0x3], $0x1400, $0x38;
	[tilespmem:$0x1E800] =	vst v63  }
0x2b: {  	_ =	swait.ge [sflag:s29], $0x1400  }
0x2c: {  	[sflag:s29] =	ssyncset.done $0x0  }
0x2d: {  	[sflag:s29] =	ssyncadd.s32 $0xFFFFEC00  }
0x2e: {  	[spmem:s13] =	stream.linear.scatter [tilespmem:s28], [sflag:$0x3], $0x1400, $0x38;
	[tilespmem:$0x1E800] =	vst v63  }
0x2f: {  	_ =	swait.ge [sflag:s29], $0x1400  }
0x30: {  	[sflag:s29] =	ssyncset.done $0x0  }
0x31: {  	[sflag:s29] =	ssyncadd.s32 $0xFFFFEC00  }
0x32: {  	[spmem:s14] =	stream.linear.scatter [tilespmem:s28], [sflag:$0x3], $0x1400, $0x38;
	[tilespmem:$0x1E800] =	vst v63  }
0x33: {  	_ =	swait.ge [sflag:s29], $0x1400  }
0x34: {  	[sflag:s29] =	ssyncset.done $0x0  }
0x35: {  	[sflag:s29] =	ssyncadd.s32 $0xFFFFEC00  }
0x36: {  	[spmem:s15] =	stream.linear.scatter [tilespmem:s28], [sflag:$0x3], $0x1400, $0x38;
	[tilespmem:$0x1E800] =	vst v63  }
0x37: {  	_ =	swait.ge [sflag:s29], $0x1400  }
0x38: {  	[sflag:s29] =	ssyncset.done $0x0  }
0x39: {  	[sflag:s29] =	ssyncadd.s32 $0xFFFFEC00  }
0x3a: {  	[spmem:s16] =	stream.linear.scatter [tilespmem:s28], [sflag:$0x3], $0x1400, $0x38;
	[tilespmem:$0x1E800] =	vst v63  }
0x3b: {  	_ =	swait.ge [sflag:s29], $0x1400  }
0x3c: {  	[sflag:s29] =	ssyncset.done $0x0  }
0x3d: {  	[sflag:s29] =	ssyncadd.s32 $0xFFFFEC00  }
0x3e: {  	[spmem:s17] =	stream.linear.scatter [tilespmem:s28], [sflag:$0x3], $0x1400, $0x38;
	[tilespmem:$0x1E800] =	vst v63  }
0x3f: {  	_ =	swait.ge [sflag:s29], $0x1400  }
0x40: {  	[sflag:s29] =	ssyncset.done $0x0  }
0x41: {  	[sflag:s29] =	ssyncadd.s32 $0xFFFFEC00  }
0x42: {  	[spmem:s18] =	stream.linear.scatter [tilespmem:s28], [sflag:$0x3], $0x1400, $0x38;
	[tilespmem:$0x1E800] =	vst v63  }
0x43: {  	_ =	swait.ge [sflag:s29], $0x1400  }
0x44: {  	[sflag:s29] =	ssyncset.done $0x0  }
0x45: {  	[sflag:s29] =	ssyncadd.s32 $0xFFFFEC00  }
0x46: {  	[spmem:s19] =	stream.linear.scatter [tilespmem:s28], [sflag:$0x3], $0x1400, $0x38;
	[tilespmem:$0x1E800] =	vst v63  }
0x47: {  	_ =	swait.ge [sflag:s29], $0x1400  }
0x48: {  	[sflag:s29] =	ssyncset.done $0x0  }
0x49: {  	[sflag:s29] =	ssyncadd.s32 $0xFFFFEC00  }
0x4a: {  	[spmem:s20] =	stream.linear.scatter [tilespmem:s28], [sflag:$0x3], $0x1400, $0x38;
	[tilespmem:$0x1E800] =	vst v63  }
0x4b: {  	_ =	swait.ge [sflag:s29], $0x1400  }
0x4c: {  	[sflag:s29] =	ssyncset.done $0x0  }
0x4d: {  	[sflag:s29] =	ssyncadd.s32 $0xFFFFEC00  }
0x4e: {  	[spmem:s21] =	stream.linear.scatter [tilespmem:s28], [sflag:$0x3], $0x1400, $0x38;
	[tilespmem:$0x1E800] =	vst v63  }
0x4f: {  	_ =	swait.ge [sflag:s29], $0x1400  }
0x50: {  	[sflag:s29] =	ssyncset.done $0x0  }
0x51: {  	[sflag:s29] =	ssyncadd.s32 $0xFFFFEC00  }
0x52: {  	[spmem:s22] =	stream.linear.scatter [tilespmem:s28], [sflag:$0x3], $0x1400, $0x38;
	[tilespmem:$0x1E800] =	vst v63  }
0x53: {  	_ =	swait.ge [sflag:s29], $0x1400  }
0x54: {  	[sflag:s29] =	ssyncset.done $0x0  }
0x55: {  	[sflag:s29] =	ssyncadd.s32 $0xFFFFEC00  }
0x56: {  	[spmem:s24] =	stream.linear.scatter [tilespmem:s28], [sflag:$0x3], $0x1400, $0x38;
	[tilespmem:$0x1E800] =	vst v63  }
0x57: {  	_ =	swait.ge [sflag:s29], $0x1400  }
0x58: {  	[sflag:s29] =	ssyncset.done $0x0  }
0x59: {  	[sflag:s29] =	ssyncadd.s32 $0xFFFFEC00  }
0x5a: {  	[spmem:s26] =	stream.linear.scatter [tilespmem:s28], [sflag:$0x3], $0x1400, $0x38;
	[tilespmem:$0x1E800] =	vst v63  }
0x5b: {  	_ =	swait.ge [sflag:s29], $0x1400  }
0x5c: {  	[sflag:s29] =	ssyncset.done $0x0  }
0x5d: {  	s10 =	rddreg [dreg:$0x5];
	[sflag:s29] =	ssyncadd.s32 $0xFFFFEC00  }
0x5e: {  	[tilespmem:s3], [sflag:$0x3] =	stream.linear.gather [hbm4b:s10+s3], $0x7D00, $0x38;
	[tilespmem:$0x1E800] =	vst v63  }
0x5f: {  	_ =	swait.ge [sflag:s29], $0x7D00  }
0x60: {  	[sflag:s29] =	ssyncset.done $0x0  }
0x61: {  	[sflag:s29] =	ssyncadd.s32 $0xFFFF8300  }
0x62: {  	[bflag:$0x0] =	sbarrier.arrive $0xFFFF  }
0x63: {  	s6 =	rddreg [dreg:$0x6]  }
0x64: {  	[tilespmem:s28], [sflag:$0x1] =	stream.linear.gather [hbm4b:s6+s3], $0x1400, $0x38;
	[tilespmem:$0x1E800] =	vst v63  }
0x65: {  	s7 =	sadd.s32 $0xFFFFFD80, s25  }
0x66: {  	[tilespmem:s30], [sflag:$0x2] =	stream.linear.gather [hbm4b:s7+s3], $0x1400, $0x38;
	[tilespmem:$0x1E800] =	vst v63  }
0x67: {  	_ =	swait.ge [sflag:s31], $0x1400  }
0x68: {  	[sflag:s31] =	ssyncset.done $0x0  }
0x69: {  	s8 =	simm.s32 $0x0;
	[sflag:s31] =	ssyncadd.s32 $0xFFFFEC00  }
0x6a: {  	[spmem:s2] =	stream.indirect.scatter.add.f32 [tilespmem:s28], [sflag:$0x3], $0x80, s8, s0, $0xb8;
	[tilespmem:$0x1E800] =	vst v63  }
0x6b: {  	_ =	swait.ge [sflag:s29], $0x1400  }
0x6c: {  	[sflag:s29] =	ssyncset.done $0x0  }
0x6d: {  	[sflag:s29] =	ssyncadd.s32 $0xFFFFEC00  }
0x6e: {  	[tilespmem:s28], [sflag:$0x1] =	stream.linear.gather [hbm4b:s25+s3], $0x1400, $0x38;
	[tilespmem:$0x1E800] =	vst v63  }
0x6f: {  	_ =	swait.ge [sflag:s1], $0x1400  }
0x70: {  	[sflag:s1] =	ssyncset.done $0x0  }
0x71: {  	s10 =	simm.s32 $0x80;
	[sflag:s1] =	ssyncadd.s32 $0xFFFFEC00  }
0x72: {  	[spmem:s2] =	stream.indirect.scatter.add.f32 [tilespmem:s30], [sflag:$0x3], $0x80, s10, s0, $0xb8;
	[tilespmem:$0x1E800] =	vst v63  }
0x73: {  	s5 =	sadd.s32 $0x500, s25;
	_ =	swait.ge [sflag:s29], $0x1400  }
0x74: {  	s6 =	simm.s32 $0x400;
	s7 =	simm.s32 $0x800;
	[sflag:s29] =	ssyncset.done $0x0  }
.LBB2_2:
0x75: {  	p0 =	sne.s32 s7, $0x1EC00;
	s8 =	sadd.s32 $0xFFFFFD80, s5;
	[sflag:s29] =	ssyncadd.s32 $0xFFFFEC00  }
0x76: {  	[tilespmem:s30], [sflag:$0x2] =	stream.linear.gather [hbm4b:s8+s3], $0x1400, $0x38;
	[tilespmem:$0x1E800] =	vst v63  }
0x77: {  	s8 =	smov.u32 s7;
	s7 =	sadd.s32 $0x400, s7;
	_ =	swait.ge [sflag:s31], $0x1400  }
0x78: {  	[sflag:s31] =	ssyncset.done $0x0  }
0x79: {  	s10 =	sshra.s32 s6, $0x2;
	s6 =	smov.u32 s8;
	[sflag:s31] =	ssyncadd.s32 $0xFFFFEC00  }
0x7a: {  	[spmem:s2] =	stream.indirect.scatter.add.f32 [tilespmem:s28], [sflag:$0x3], $0x80, s10, s0, $0xb8;
	[tilespmem:$0x1E800] =	vst v63  }
0x7b: {  	_ =	swait.ge [sflag:s29], $0x1400  }
0x7c: {  	[sflag:s29] =	ssyncset.done $0x0  }
0x7d: {  	[sflag:s29] =	ssyncadd.s32 $0xFFFFEC00  }
0x7e: {  	[tilespmem:s28], [sflag:$0x1] =	stream.linear.gather [hbm4b:s5+s3], $0x1400, $0x38;
	[tilespmem:$0x1E800] =	vst v63  }
0x7f: {  	_ =	swait.ge [sflag:s1], $0x1400  }
.Ltmp0:
0x80: {  	[sflag:s1] =	ssyncset.done $0x0;
	(pc) =	sbr.rel @p0 .LBB2_2-.Ltmp0, $4  }
0x81: {  	s8 =	sadd.s32 $0x80, s10;
	[sflag:s1] =	ssyncadd.s32 $0xFFFFEC00  }
0x82: {  	[spmem:s2] =	stream.indirect.scatter.add.f32 [tilespmem:s30], [sflag:$0x3], $0x80, s8, s0, $0xb8;
	[tilespmem:$0x1E800] =	vst v63  }
0x83: {  	_ =	swait.ge [sflag:s29], $0x1400  }
0x84: {  	s5 =	sadd.s32 $0x500, s5;
	[sflag:s29] =	ssyncset.done $0x0  }
0x85: {  	s7 =	sadd.s32 $0xFFFFFD80, s5;
	[sflag:s29] =	ssyncadd.s32 $0xFFFFEC00  }
0x86: {  	[tilespmem:s30], [sflag:$0x2] =	stream.linear.gather [hbm4b:s7+s3], $0x1400, $0x38;
	[tilespmem:$0x1E800] =	vst v63  }
0x87: {  	_ =	swait.ge [sflag:s31], $0x1400  }
0x88: {  	[sflag:s31] =	ssyncset.done $0x0  }
0x89: {  	s6 =	sshra.s32 s6, $0x2;
	[sflag:s31] =	ssyncadd.s32 $0xFFFFEC00  }
0x8a: {  	[spmem:s2] =	stream.indirect.scatter.add.f32 [tilespmem:s28], [sflag:$0x3], $0x80, s6, s0, $0xb8;
	[tilespmem:$0x1E800] =	vst v63  }
0x8b: {  	_ =	swait.ge [sflag:s29], $0x1400  }
0x8c: {  	[sflag:s29] =	ssyncset.done $0x0  }
0x8d: {  	[sflag:s29] =	ssyncadd.s32 $0xFFFFEC00  }
0x8e: {  	[tilespmem:s28], [sflag:$0x1] =	stream.linear.gather [hbm4b:s5+s3], $0x1400, $0x38;
	[tilespmem:$0x1E800] =	vst v63  }
0x8f: {  	_ =	swait.ge [sflag:s1], $0x1400  }
0x90: {  	[sflag:s1] =	ssyncset.done $0x0  }
0x91: {  	s7 =	sadd.s32 $0x80, s6;
	[sflag:s1] =	ssyncadd.s32 $0xFFFFEC00  }
0x92: {  	[spmem:s2] =	stream.indirect.scatter.add.f32 [tilespmem:s30], [sflag:$0x3], $0x80, s7, s0, $0xb8;
	[tilespmem:$0x1E800] =	vst v63  }
0x93: {  	_ =	swait.ge [sflag:s29], $0x1400  }
0x94: {  	[sflag:s29] =	ssyncset.done $0x0  }
0x95: {  	s8 =	simm.s32 $0x0;
	s10 =	rddreg [dreg:$0x7];
	[sflag:s29] =	ssyncadd.s32 $0xFFFFEC00  }
0x96: {  	[tilespmem:s30], [sflag:$0x2] =	stream.linear.gather [hbm4b:s10+s8], $0x1400, $0x38;
	[tilespmem:$0x1E800] =	vst v63  }
0x97: {  	_ =	swait.ge [sflag:s31], $0x1400  }
0x98: {  	[sflag:s31] =	ssyncset.done $0x0  }
0x99: {  	s7 =	simm.s32 $0x7C00;
	[sflag:s31] =	ssyncadd.s32 $0xFFFFEC00  }
0x9a: {  	[spmem:s2] =	stream.indirect.scatter.add.f32 [tilespmem:s28], [sflag:$0x3], $0x80, s7, s0, $0xb8;
	[tilespmem:$0x1E800] =	vst v63  }
0x9b: {  	_ =	swait.ge [sflag:s29], $0x1400  }
0x9c: {  	[sflag:s29] =	ssyncset.done $0x0  }
0x9d: {  	[sflag:s29] =	ssyncadd.s32 $0xFFFFEC00  }
0x9e: {  	_ =	swait.ge [sflag:s1], $0x1400  }
0x9f: {  	[sflag:s1] =	ssyncset.done $0x0  }
0xa0: {  	s8 =	simm.s32 $0x7C80;
	[sflag:s1] =	ssyncadd.s32 $0xFFFFEC00  }
0xa1: {  	[spmem:s2] =	stream.indirect.scatter.add.f32 [tilespmem:s30], [sflag:$0x3], $0x80, s8, s0, $0xb8;
	[tilespmem:$0x1E800] =	vst v63  }
0xa2: {  	_ =	swait.ge [sflag:s29], $0x1400  }
0xa3: {  	[sflag:s29] =	ssyncset.done $0x0  }
0xa4: {  	[sflag:s29] =	ssyncadd.s32 $0xFFFFEC00  }
0xa5: {  	[bflag:$0x0] =	sbarrier.arrive $0xFFFF  }
0xa6: {  	[tilespmem:s28], [sflag:$0x3] =	stream.linear.gather [spmem:s9], $0x1400, $0x38;
	[tilespmem:$0x1E800] =	vst v63  }
0xa7: {  	_ =	swait.ge [sflag:s29], $0x1400  }
0xa8: {  	[sflag:s29] =	ssyncset.done $0x0  }
0xa9: {  	s10 =	sadd.s32 $0x0, s23;
	[sflag:s29] =	ssyncadd.s32 $0xFFFFEC00  }
0xaa: {  	[hbm4b:s10+s3] =	stream.linear.scatter [tilespmem:s28], [sflag:$0x3], $0x1400, $0x38;
	[tilespmem:$0x1E800] =	vst v63  }
0xab: {  	_ =	swait.ge [sflag:s29], $0x1400  }
0xac: {  	s6 =	smov.u32 s9;
	s5 =	simm.s32 $0x280;
	[sflag:s29] =	ssyncset.done $0x0  }
.LBB2_4:
0xad: {  	p0 =	sne.s32 s5, $0x2580;
	[sflag:s29] =	ssyncadd.s32 $0xFFFFEC00;
	s6 =	sadd.s32 $0x1400, s6  }
0xae: {  	[tilespmem:s28], [sflag:$0x3] =	stream.linear.gather [spmem:s6], $0x1400, $0x38;
	[tilespmem:$0x1E800] =	vst v63  }
0xaf: {  	s7 =	smov.u32 s5;
	s5 =	sadd.s32 $0x280, s5;
	_ =	swait.ge [sflag:s29], $0x1400  }
.Ltmp1:
0xb0: {  	[sflag:s29] =	ssyncset.done $0x0;
	(pc) =	sbr.rel @p0 .LBB2_4-.Ltmp1, $4  }
0xb1: {  	s7 =	sadd.s32 s7, s23;
	[sflag:s29] =	ssyncadd.s32 $0xFFFFEC00  }
0xb2: {  	[hbm4b:s7+s3] =	stream.linear.scatter [tilespmem:s28], [sflag:$0x3], $0x1400, $0x38;
	[tilespmem:$0x1E800] =	vst v63  }
0xb3: {  	_ =	swait.ge [sflag:s29], $0x1400  }
0xb4: {  	[sflag:s29] =	ssyncset.done $0x0  }
0xb5: {  	s4 =	sadd.s32 $0x1, s4;
	s5 =	rddreg [dreg:$0x8]  }
0xb6: {  	p0 =	sne.s32 s4, s5  }
.Ltmp2:
0xb7: {  	_ = 	snop;
	(pc) =	sbr.rel @p0 .LBB2_1-.Ltmp2, $2  }
0xb8: {  	_ =	sdelay $0x2  }
0xb9: {  	[sflag:s29] =	ssyncadd.s32 $0xFFFFEC00  }
0xba: {  	_ =	sfence.sel $0x180000  }
0xbb: {  	[bflag:$0x0] =	sbarrier.arrive $0xFFFF  }
0xbc: {  	_ =	strace $0x9000004D  }
0xbd: {  	s0 =	stileid.u32;
	[bflag:$0x2] =	sbarrier.arrive $0xFFFF  }
0xbe: {  	p0 =	sne.s32 s0, $0x0;
	s0 =	rddreg [dreg:$0x3]  }
0xbf: {  	s0 =	sadd.s32 @!p0 $0x100000, s0  }
0xc0: {  	[sflag:s0] =	ssyncadd.tile.s32 @!p0 $0x1;
	_ =	shalt  }
.Lfunc_end2:
_tile_overlayer_lowered:
.L_overlay_start_2:
0xc1: {  	(tag) =	ssettag $0x2  }
0xc2: {  	s0 =	rddreg [dreg:$0x0];
	s2 =	stileid.u32  }
0xc3: {  	s1 =	rddreg [dreg:$0x1];
	p0 =	sne.s32 s2, $0x0  }
0xc4: {  	s3 =	rddreg [dreg:$0x2];
	[bflag:$0x3] =	sbarrier.arrive $0xFFFF;
	s2 =	simm.s32 @!p0 $0x1C03  }
0xc5: {  	[timem:s3], [sflag:s2] =	dma.local @!p0 [hbm:s0], s1  }
0xc6: {  	s0 =	simm.s32 @!p0 $0x3  }
0xc7: {  	_ =	swait.ge @!p0 [sflag:s0], s1  }
0xc8: {  	s1 =	ssub.s32 @!p0 $0x0, s1;
	[sflag:s0] =	ssyncset.done @!p0 $0x0  }
0xc9: {  	[sflag:s0] =	ssyncadd.s32 @!p0 s1  }
0xca: {  	[bflag:$0x3] =	sbarrier.arrive $0xFFFF  }
0xcb: {  	_ =	shalt  }

// kernel: kernel.14.cloned.1.call-start
scs
__scs_entry_jumppad:
0x0: {  	(pc) =	sbr.rel $0x88, $3  }
0x1: {  	(tag) =	ssettag $0x0;
	lr =	simm.s32 $0x1  }
0x2: {  	[smem:$0x3F92] =	sst lr;
	_ =	strace $0xD0000000  }
0x3: {  	_ = 	snop  }
0x4: {  	_ = 	snop  }
0x5: {  	_ = 	snop  }
0x6: {  	_ = 	snop  }
0x7: {  	_ = 	snop  }
__scs_overlays_trampoline_lowered:
0x8: {  	[smem:$0x3FA1] =	sst s0  }
0x9: {  	[smem:$0x3FA2] =	sst s1  }
0xa: {  	[smem:$0x3FA3] =	sst s2  }
0xb: {  	[smem:$0x3FA4] =	sst s3  }
0xc: {  	[smem:$0x3FA5] =	sst s4  }
0xd: {  	[smem:$0x3FA6] =	sst s5  }
0xe: {  	[smem:$0x3FA7] =	sst s6  }
0xf: {  	[smem:$0x3FA8] =	sst s7  }
0x10: {  	[smem:$0x3FA9] =	sst s8  }
0x11: {  	[smem:$0x3FAA] =	sst s9;
	s0 =	simm.s32 @!p0 $0x0  }
0x12: {  	s1 =	sld [smem:$0x3F90];
	s0 =	simm.s32 @p0 $0x1  }
0x13: {  	[smem:$0x3FAB] =	sst s0;
	s0 =	simm.s32 @!p1 $0x0  }
0x14: {  	s2 =	sld [smem:$0x3F8F];
	s0 =	simm.s32 @p1 $0x1  }
0x15: {  	[smem:$0x3FAC] =	sst s0;
	s0 =	simm.s32 @!p2 $0x0  }
0x16: {  	s3 =	sld [smem:$0x3FDB];
	s0 =	simm.s32 @p2 $0x1  }
0x17: {  	s4 =	simm.s32 $0x1BF5;
	[smem:$0x3FAE] =	sst s0  }
0x18: {  	s0 =	sld [smem:$0x3F91];
	_ =	swait.ge [sflag:s4], $0x0  }
0x19: {  	s7 =	sld [smem:$0x3F92]  }
0x1a: {  	s8 =	sadd.s32 $0xFFFFE003, lr  }
0x1b: {  	s9 =	sadd.s32 $0xFFFFFEF7, lr;
	s5 =	simm.s32 $0xFFFFFFFF;
	p2 =	slt.u32 s8, $0xFFFFF086  }
0x1c: {  	p1 =	slt.u32 s9, $0xF7A;
	s5 =	simm.s32 @!p2 $0x0  }
0x1d: {  	s5 =	simm.s32 @p1 $0x1;
	p0 =	seq.s32 s7, s2  }
0x1e: {  	s7 =	smul.u32 @!p0 $0xF7A, s2;
	p2 =	seq.s32 @!p0 s5, $0x0  }
0x1f: {  	s9 =	smul.u32 $0xF7A, s1;
	s8 =	simm.s32 @!p0 $0x1BF5;
	p2 =	por !p2, p0  }
0x20: {  	[sflag:s8] =	ssyncset.s32 @!p0 $0xFFFFF086;
	s6 =	sadd.s32 @!p0 s3, s7;
	s7 =	simm.s32 @!p0 $0x108  }
0x21: {  	s3 =	sadd.s32 s3, s9;
	s6 =	sadd.s32 @!p0 $0x88, s6;
	s7 =	simm.s32 @p2 $0x1082  }
0x22: {  	[simem:s7], [sflag:s8] =	dma.local @!p0 [hbm:s6], $0xF7A  }
0x23: {  	s9 =	sor.u32 $0xD0000000, s2;
	s6 =	simm.s32 $0x108;
	_ =	swait.ge @!p0 [sflag:s8], $0x0  }
0x24: {  	s3 =	sadd.s32 $0x88, s3;
	s6 =	simm.s32 @!p1 $0x1082;
	[sflag:s4] =	ssyncset.s32 $0xFFFFF086  }
0x25: {  	[simem:s6], [sflag:s4] =	dma.local [hbm:s3], $0xF7A  }
0x26: {  	[smem:$0x3F92] =	sst s1;
	(tag) =	ssettag s2;
	_ =	strace s9  }
0x27: {  	s1 =	sld [smem:$0x3FA2]  }
0x28: {  	s2 =	sld [smem:$0x3FA3]  }
0x29: {  	s4 =	sld [smem:$0x3FA5]  }
0x2a: {  	p0 =	seq.s32 s5, $0x0;
	s5 =	sld [smem:$0x3FA6]  }
0x2b: {  	s6 =	sld [smem:$0x3FA7]  }
0x2c: {  	s7 =	sld [smem:$0x3FA8]  }
0x2d: {  	s3 =	simm.s32 $0x108;
	s8 =	sld [smem:$0x3FA9]  }
0x2e: {  	s3 =	simm.s32 @!p0 $0x1082;
	s9 =	sld [smem:$0x3FAA]  }
0x2f: {  	lr =	sadd.s32 s0, s3;
	s0 =	sld [smem:$0x3FA1]  }
0x30: {  	s3 =	sld [smem:$0x3FA4]  }
0x31: {  	[smem:$0x3FAD] =	sst s10  }
0x32: {  	s10 =	sld [smem:$0x3FAB];
	_ =	sdelay $0x3  }
0x33: {  	p0 =	seq.s32 s10, $0x1;
	s10 =	sld [smem:$0x3FAD];
	_ =	sdelay $0x3  }
0x34: {  	[smem:$0x3FAD] =	sst s10  }
0x35: {  	s10 =	sld [smem:$0x3FAC];
	_ =	sdelay $0x3  }
0x36: {  	p1 =	seq.s32 s10, $0x1;
	s10 =	sld [smem:$0x3FAD];
	_ =	sdelay $0x3  }
0x37: {  	[smem:$0x3FAD] =	sst s10  }
0x38: {  	s10 =	sld [smem:$0x3FAE]  }
0x39: {  	_ = 	snop;
	(pc) =	sbr.ind lr, $3  }
0x3a: {  	_ = 	snop  }
0x3b: {  	_ = 	snop  }
0x3c: {  	p2 =	seq.s32 s10, $0x1;
	s10 =	sld [smem:$0x3FAD]  }
0x3d: {  	_ =	shalt  }
0x3e: {  	_ =	shalt  }
0x3f: {  	_ =	shalt  }
0x40: {  	_ =	shalt  }
0x41: {  	_ =	shalt  }
0x42: {  	_ =	shalt  }
0x43: {  	_ =	shalt  }
0x44: {  	_ =	shalt  }
0x45: {  	_ =	shalt  }
0x46: {  	_ =	shalt  }
0x47: {  	_ =	shalt  }
0x48: {  	_ =	shalt  }
0x49: {  	_ =	shalt  }
0x4a: {  	_ =	shalt  }
0x4b: {  	_ =	shalt  }
0x4c: {  	_ =	shalt  }
0x4d: {  	_ =	shalt  }
0x4e: {  	_ =	shalt  }
0x4f: {  	_ =	shalt  }
0x50: {  	_ =	shalt  }
0x51: {  	_ =	shalt  }
0x52: {  	_ =	shalt  }
0x53: {  	_ =	shalt  }
0x54: {  	_ =	shalt  }
0x55: {  	_ =	shalt  }
0x56: {  	_ =	shalt  }
0x57: {  	_ =	shalt  }
0x58: {  	_ =	shalt  }
0x59: {  	_ =	shalt  }
0x5a: {  	_ =	shalt  }
0x5b: {  	_ =	shalt  }
0x5c: {  	_ =	shalt  }
0x5d: {  	_ =	shalt  }
0x5e: {  	_ =	shalt  }
0x5f: {  	_ =	shalt  }
0x60: {  	_ =	shalt  }
0x61: {  	_ =	shalt  }
0x62: {  	_ =	shalt  }
0x63: {  	_ =	shalt  }
0x64: {  	_ =	shalt  }
0x65: {  	_ =	shalt  }
0x66: {  	_ =	shalt  }
0x67: {  	_ =	shalt  }
0x68: {  	_ =	shalt  }
0x69: {  	_ =	shalt  }
0x6a: {  	_ =	shalt  }
0x6b: {  	_ =	shalt  }
0x6c: {  	_ =	shalt  }
0x6d: {  	_ =	shalt  }
0x6e: {  	_ =	shalt  }
0x6f: {  	_ =	shalt  }
0x70: {  	_ =	shalt  }
0x71: {  	_ =	shalt  }
0x72: {  	_ =	shalt  }
0x73: {  	_ =	shalt  }
0x74: {  	_ =	shalt  }
0x75: {  	_ =	shalt  }
0x76: {  	_ =	shalt  }
0x77: {  	_ =	shalt  }
0x78: {  	_ =	shalt  }
0x79: {  	_ =	shalt  }
0x7a: {  	_ =	shalt  }
0x7b: {  	_ =	shalt  }
0x7c: {  	_ =	shalt  }
0x7d: {  	_ =	shalt  }
0x7e: {  	_ =	shalt  }
0x7f: {  	_ =	shalt  }
0x80: {  	_ =	shalt  }
0x81: {  	_ =	shalt  }
0x82: {  	_ =	shalt  }
0x83: {  	_ =	shalt  }
0x84: {  	_ =	shalt  }
0x85: {  	_ =	shalt  }
0x86: {  	_ =	shalt  }
0x87: {  	_ =	shalt  }
.Lfunc_end0:
.L_simem_size_0:
called_computation.2_lowered:
.L_overlay_start_0:
0x88: {  	s2 =	sld [smem:$0x3FD9]  }
0x89: {  	s3 =	sld [smem:$0x3FFE];
	_ =	sdelay $0x1  }
0x8a: {  	s1 =	srdreg.scid  }
0x8b: {  	s0 =	sand.u32 $0x1, s1  }
0x8c: {  	s16 =	sshll.u32 s0, $0xA;
	s2 =	sadd.s32 s3, s2  }
0x8d: {  	s2 =	sadd.s32 s2, s16  }
0x8e: {  	[smem:$0x3FB9] =	sst s2  }
0x8f: {  	_ = 	snop  }
0x90: {  	(tm) =	ssettm $0x1  }
0x91: {  	s17 =	sld [smem:$0x3FFB];
	_ =	sdelay $0x3  }
0x92: {  	_ =	strace s17  }
0x93: {  	s2 =	sld [smem:$0x3FFC];
	_ =	sdelay $0x3  }
0x94: {  	_ =	strace s2  }
0x95: {  	s2 =	sld [smem:$0x3FFD];
	_ =	sdelay $0x3  }
0x96: {  	_ =	strace s2  }
0x97: {  	_ =	strace $0x8FFFFFFF  }
0x98: {  	s18 =	sld [smem:$0x3FDB];
	_ =	sdelay $0x1  }
0x99: {  	s19 =	simm.s32 $_scs_section_size  }
0x9a: {  	s4 =	simm.s32 $_size__tile_overlayer_lowered;
	s5 =	simm.s32 $_tile_overlayer_lowered  }
0x9b: {  	s22 =	simm.s32 $0x1BFF;
	s21 =	sshll.u32 s5, $0x1;
	s2 =	sadd.s32 s19, s18  }
0x9c: {  	s6 =	simm.s32 $0x0;
	s20 =	sshll.u32 s4, $0x1;
	s4 =	sadd.s32 s21, s2  }
0x9d: {  	[timem:s6], [sflag:s22] =	dma.local [hbm:s4], s20  }
0x9e: {  	_ =	swait.ge [sflag:s22], s20  }
0x9f: {  	s3 =	ssub.s32 $0x0, s20;
	[sflag:s22] =	ssyncset.done $0x0  }
0xa0: {  	[sflag:s22] =	ssyncadd.s32 s3;
	_ =	sdelay $0x1  }
0xa1: {  	s23 =	simm.s32 $0x1B8B  }
0xa2: {  	_ =	swait.ge [sflag:s23], $0x1  }
0xa3: {  	[sflag:s23] =	ssyncset.done $0x0  }
0xa4: {  	s25 =	simm.s32 $0x1B8E;
	s24 =	sld [smem:$0x3FFE];
	[sflag:s23] =	ssyncadd.s32 $0xFFFFFFFF  }
0xa5: {  	s26 =	simm.s32 $execute0_lowered;
	[smem:$0x3FD2] =	sst s25  }
0xa6: {  	s4 =	sshll.u32 s26, $0x1;
	_ =	strace $0x80000049;
	[dreg:$0x1] =	wrdreg $0xFFFFFFFF  }
0xa7: {  	s28 =	simm.s32 $_size_execute0_lowered;
	s2 =	sadd.s32 s2, s4;
	[dreg:$0x0] =	wrdreg $0x0  }
0xa8: {  	s4 =	sshll.u32 s28, $0x1;
	[dreg:$0x2] =	wrdreg s2  }
0xa9: {  	[dreg:$0x3] =	wrdreg s4  }
0xaa: {  	[dreg:$0x4] =	wrdreg $0xC0  }
0xab: {  	_ =	task [dreg:s6], $0x5FFFF  }
0xac: {  	[dreg:$0x1] =	wrdreg $0xFFFFFFFF  }
0xad: {  	[dreg:$0x0] =	wrdreg $0x60  }
0xae: {  	[dreg:$0x2] =	wrdreg s24  }
0xaf: {  	[dreg:$0x3] =	wrdreg $0xA8000  }
0xb0: {  	[dreg:$0x4] =	wrdreg $0xA  }
0xb1: {  	_ =	task.clear_ibuf [dreg:s6], $0x5FFFF;
	_ =	strace $0x90000049  }
0xb2: {  	s29 =	simm.s32 $0xA;
	_ =	strace $0x8000004B  }
0xb3: {  	_ =	swait.ge [sflag:s29], $0x1  }
0xb4: {  	[sflag:s29] =	ssyncadd.s32 $0xFFFFFFFF  }
0xb5: {  	_ =	strace $0x9000004B  }
0xb6: {  	_ =	sfence  }
0xb7: {  	s30 =	sld [smem:$0x0];
	_ =	sdelay $0x2  }
0xb8: {  	s31 =	sshll.u32 s1, $0xD;
	s1 =	sshrl.u32 s1, $0x2  }
0xb9: {  	s3 =	sand.u32 $0x4000, s31;
	s1 =	sadd.s32 s1, s30  }
0xba: {  	s0 =	sor.u32 s3, s0;
	s1 =	sshll.u32 s1, $0x11  }
0xbb: {  	s0 =	sor.u32 s1, s0  }
0xbc: {  	s0 =	sadd.s32 $0x8F2B, s0  }
0xbd: {  	[sflag:s0] =	ssyncadd.remote.s32 $0x1  }
0xbe: {  	_ =	sfence.sel $0xFFFF  }
0xbf: {  	[dreg:$0x0] =	wrdreg $0xFFFFFFFF;
	(pc) =	sbr.abs _section_cstart, $3  }
0xc0: {  	[dreg:$0x1] =	wrdreg $0xFFFFFFFF  }
0xc1: {  	_ =	task.clear_ibuf [dreg:s6], $0x2FFFF;
	_ =	strace $0x9FFFFFFF  }
0xc2: {  	(tm) =	ssettm $0x7FFFFFFF  }
0xc3: {  	_ =	shalt  }
tec
execute0_lowered:
.L_overlay_start_1:
0x0: {  	(tag) =	ssettag $0x1  }
0x1: {  	s5 =	rddreg [dreg:$0x0]  }
0x2: {  	s2 =	rddreg [dreg:$0x1]  }
0x3: {  	s3 =	srdreg.scid;
	s1 =	stileid.u32  }
0x4: {  	s0 =	rddreg [dreg:$0x2];
	s16 =	simm.s32 $0x28;
	s17 =	simm.s32 $0x2  }
0x5: {  	s18 =	simm.s32 $0x7C00;
	s19 =	simm.s32 $0x7C80;
	s9 =	smul.u32 $0x1400, s1  }
0x6: {  	s20 =	simm.s32 $0x0;
	s6 =	sand.u32 $0x1, s3;
	s24 =	smul.u32 $0x5000, s1  }
0x7: {  	s4 =	sshll.u32 s1, $0x1;
	s3 =	simm.s32 $0x0;
	s28 =	smul.u32 $0x4E200, s1  }
0x8: {  	s10 =	sadd.s32 $0x1409400, s5;
	s7 =	sor.u32 s6, s4;
	s8 =	smul.u32 $0x14000, s6  }
0x9: {  	[smem:$0x7FF] =	sst s3;
	s12 =	ssub.s32 $0x2, s6;
	s29 =	smul.u32 $0x27100, s6  }
0xa: {  	s4 =	sshll.u32 s7, $0xC;
	_ =	strace $0x8000004A;
	s13 =	smul.u32 $0x27100, s7  }
0xb: {  	s25 =	sshrl.u32 s12, $0x1;
	s7 =	smul.u32 $0x138800, s7;
	s26 =	sshrl.u32 s24, $0x2  }
0xc: {  	s15 =	sadd.s32 s28, s10;
	s11 =	sadd.s32 s4, s5;
	s4 =	sadd.s32 $0xA25400, s5  }
0xd: {  	s8 =	sadd.s32 s9, s8;
	s12 =	ssub.s32 s12, s25;
	s31 =	sadd.s32 s29, s15  }
0xe: {  	s15 =	simm.s32 $0x1;
	s8 =	sshrl.u32 s8, $0x3;
	s7 =	sshrl.u32 s7, $0x3  }
0xf: {  	s6 =	sadd.s32 $0x13E9400, s11;
	s11 =	sadd.s32 $0x500, s31;
	s14 =	sadd.s32 s8, s5  }
0x10: {  	s5 =	sadd.s32 s26, s2;
	s30 =	sadd.s32 s10, s7;
	s7 =	sadd.s32 s10, s13  }
0x11: {  	s10 =	smax.u32 s12, $0x1;
	s12 =	simm.s32 $0x8000;
	s13 =	simm.s32 $0x3  }
0x12: {  	s8 =	sadd.s32 $0x26E80, s30;
	s9 =	sadd.s32 $0xA4D400, s14;
	s14 =	simm.s32 $0x9400  }
.LBB2_1:
0x13: {  	[tilespmem:s12], [sflag:$0x3] =	stream.linear.gather [hbm4b:s4+s3], $0x1400, $0x38;
	[tilespmem:$0xBC00] =	vst v63  }
0x14: {  	_ =	swait.ge [sflag:s13], $0x1400  }
0x15: {  	[sflag:s13] =	ssyncset.done $0x0  }
0x16: {  	[sflag:s13] =	ssyncadd.s32 $0xFFFFEC00  }
0x17: {  	[spmem:s5] =	stream.linear.scatter [tilespmem:s12], [sflag:$0x3], $0x1400, $0x38;
	[tilespmem:$0xBC00] =	vst v63  }
0x18: {  	_ =	swait.ge [sflag:s13], $0x1400  }
0x19: {  	[sflag:s13] =	ssyncset.done $0x0  }
0x1a: {  	[sflag:s13] =	ssyncadd.s32 $0xFFFFEC00  }
0x1b: {  	[tilespmem:s3], [sflag:$0x3] =	stream.linear.gather [hbm4b:s6+s3], $0x7D00, $0x38;
	[tilespmem:$0xBC00] =	vst v63  }
0x1c: {  	_ =	swait.ge [sflag:s13], $0x7D00  }
0x1d: {  	[sflag:s13] =	ssyncset.done $0x0  }
0x1e: {  	[sflag:s13] =	ssyncadd.s32 $0xFFFF8300  }
0x1f: {  	[bflag:$0x0] =	sbarrier.arrive $0xFFFF  }
0x20: {  	[tilespmem:s12], [sflag:$0x1] =	stream.linear.gather [hbm4b:s7+s3], $0x1400, $0x38;
	[tilespmem:$0xBC00] =	vst v63  }
0x21: {  	s21 =	sadd.s32 $0xFFFFFD80, s11  }
0x22: {  	[tilespmem:s14], [sflag:$0x2] =	stream.linear.gather [hbm4b:s21+s3], $0x1400, $0x38;
	[tilespmem:$0xBC00] =	vst v63  }
0x23: {  	_ =	swait.ge [sflag:s15], $0x1400  }
0x24: {  	[sflag:s15] =	ssyncset.done $0x0  }
0x25: {  	s30 =	simm.s32 $0x0;
	[sflag:s15] =	ssyncadd.s32 $0xFFFFEC00  }
0x26: {  	[spmem:s2] =	stream.indirect.scatter.add.f32 [tilespmem:s12], [sflag:$0x3], $0x80, s30, s16, $0xb8;
	[tilespmem:$0xBC00] =	vst v63  }
0x27: {  	_ =	swait.ge [sflag:s13], $0x1400  }
0x28: {  	[sflag:s13] =	ssyncset.done $0x0  }
0x29: {  	[sflag:s13] =	ssyncadd.s32 $0xFFFFEC00  }
0x2a: {  	[tilespmem:s12], [sflag:$0x1] =	stream.linear.gather [hbm4b:s11+s3], $0x1400, $0x38;
	[tilespmem:$0xBC00] =	vst v63  }
0x2b: {  	_ =	swait.ge [sflag:s17], $0x1400  }
0x2c: {  	[sflag:s17] =	ssyncset.done $0x0  }
0x2d: {  	s31 =	simm.s32 $0x80;
	[sflag:s17] =	ssyncadd.s32 $0xFFFFEC00  }
0x2e: {  	[spmem:s2] =	stream.indirect.scatter.add.f32 [tilespmem:s14], [sflag:$0x3], $0x80, s31, s16, $0xb8;
	[tilespmem:$0xBC00] =	vst v63  }
0x2f: {  	s22 =	simm.s32 $0x400;
	_ =	swait.ge [sflag:s13], $0x1400  }
0x30: {  	s23 =	simm.s32 $0x800;
	s21 =	sadd.s32 $0x500, s11;
	[sflag:s13] =	ssyncset.done $0x0  }
.LBB2_2:
0x31: {  	p0 =	sne.s32 s23, $0x1EC00;
	s24 =	sadd.s32 $0xFFFFFD80, s21;
	[sflag:s13] =	ssyncadd.s32 $0xFFFFEC00  }
0x32: {  	[tilespmem:s14], [sflag:$0x2] =	stream.linear.gather [hbm4b:s24+s3], $0x1400, $0x38;
	[tilespmem:$0xBC00] =	vst v63  }
0x33: {  	s24 =	smov.u32 s23;
	s23 =	sadd.s32 $0x400, s23;
	_ =	swait.ge [sflag:s15], $0x1400  }
0x34: {  	[sflag:s15] =	ssyncset.done $0x0  }
0x35: {  	s25 =	sshra.s32 s22, $0x2;
	s22 =	smov.u32 s24;
	[sflag:s15] =	ssyncadd.s32 $0xFFFFEC00  }
0x36: {  	[spmem:s2] =	stream.indirect.scatter.add.f32 [tilespmem:s12], [sflag:$0x3], $0x80, s25, s16, $0xb8;
	[tilespmem:$0xBC00] =	vst v63  }
0x37: {  	_ =	swait.ge [sflag:s13], $0x1400  }
0x38: {  	[sflag:s13] =	ssyncset.done $0x0  }
0x39: {  	[sflag:s13] =	ssyncadd.s32 $0xFFFFEC00  }
0x3a: {  	[tilespmem:s12], [sflag:$0x1] =	stream.linear.gather [hbm4b:s21+s3], $0x1400, $0x38;
	[tilespmem:$0xBC00] =	vst v63  }
0x3b: {  	_ =	swait.ge [sflag:s17], $0x1400  }
.Ltmp0:
0x3c: {  	[sflag:s17] =	ssyncset.done $0x0;
	(pc) =	sbr.rel @p0 .LBB2_2-.Ltmp0, $4  }
0x3d: {  	s24 =	sadd.s32 $0x80, s25;
	[sflag:s17] =	ssyncadd.s32 $0xFFFFEC00  }
0x3e: {  	[spmem:s2] =	stream.indirect.scatter.add.f32 [tilespmem:s14], [sflag:$0x3], $0x80, s24, s16, $0xb8;
	[tilespmem:$0xBC00] =	vst v63  }
0x3f: {  	_ =	swait.ge [sflag:s13], $0x1400  }
0x40: {  	s21 =	sadd.s32 $0x500, s21;
	[sflag:s13] =	ssyncset.done $0x0  }
0x41: {  	s23 =	sadd.s32 $0xFFFFFD80, s21;
	[sflag:s13] =	ssyncadd.s32 $0xFFFFEC00  }
0x42: {  	[tilespmem:s14], [sflag:$0x2] =	stream.linear.gather [hbm4b:s23+s3], $0x1400, $0x38;
	[tilespmem:$0xBC00] =	vst v63  }
0x43: {  	_ =	swait.ge [sflag:s15], $0x1400  }
0x44: {  	[sflag:s15] =	ssyncset.done $0x0  }
0x45: {  	s22 =	sshra.s32 s22, $0x2;
	[sflag:s15] =	ssyncadd.s32 $0xFFFFEC00  }
0x46: {  	[spmem:s2] =	stream.indirect.scatter.add.f32 [tilespmem:s12], [sflag:$0x3], $0x80, s22, s16, $0xb8;
	[tilespmem:$0xBC00] =	vst v63  }
0x47: {  	_ =	swait.ge [sflag:s13], $0x1400  }
0x48: {  	[sflag:s13] =	ssyncset.done $0x0  }
0x49: {  	[sflag:s13] =	ssyncadd.s32 $0xFFFFEC00  }
0x4a: {  	[tilespmem:s12], [sflag:$0x1] =	stream.linear.gather [hbm4b:s21+s3], $0x1400, $0x38;
	[tilespmem:$0xBC00] =	vst v63  }
0x4b: {  	_ =	swait.ge [sflag:s17], $0x1400  }
0x4c: {  	[sflag:s17] =	ssyncset.done $0x0  }
0x4d: {  	s31 =	sadd.s32 $0x80, s22;
	[sflag:s17] =	ssyncadd.s32 $0xFFFFEC00  }
0x4e: {  	[spmem:s2] =	stream.indirect.scatter.add.f32 [tilespmem:s14], [sflag:$0x3], $0x80, s31, s16, $0xb8;
	[tilespmem:$0xBC00] =	vst v63  }
0x4f: {  	_ =	swait.ge [sflag:s13], $0x1400  }
0x50: {  	[sflag:s13] =	ssyncset.done $0x0  }
0x51: {  	[sflag:s13] =	ssyncadd.s32 $0xFFFFEC00  }
0x52: {  	[tilespmem:s14], [sflag:$0x2] =	stream.linear.gather [hbm4b:s8+s3], $0x1400, $0x38;
	[tilespmem:$0xBC00] =	vst v63  }
0x53: {  	_ =	swait.ge [sflag:s15], $0x1400  }
0x54: {  	[sflag:s15] =	ssyncset.done $0x0  }
0x55: {  	[sflag:s15] =	ssyncadd.s32 $0xFFFFEC00  }
0x56: {  	[spmem:s2] =	stream.indirect.scatter.add.f32 [tilespmem:s12], [sflag:$0x3], $0x80, s18, s16, $0xb8;
	[tilespmem:$0xBC00] =	vst v63  }
0x57: {  	_ =	swait.ge [sflag:s13], $0x1400  }
0x58: {  	[sflag:s13] =	ssyncset.done $0x0  }
0x59: {  	[sflag:s13] =	ssyncadd.s32 $0xFFFFEC00  }
0x5a: {  	_ =	swait.ge [sflag:s17], $0x1400  }
0x5b: {  	[sflag:s17] =	ssyncset.done $0x0  }
0x5c: {  	[sflag:s17] =	ssyncadd.s32 $0xFFFFEC00  }
0x5d: {  	[spmem:s2] =	stream.indirect.scatter.add.f32 [tilespmem:s14], [sflag:$0x3], $0x80, s19, s16, $0xb8;
	[tilespmem:$0xBC00] =	vst v63  }
0x5e: {  	_ =	swait.ge [sflag:s13], $0x1400  }
0x5f: {  	[sflag:s13] =	ssyncset.done $0x0  }
0x60: {  	[sflag:s13] =	ssyncadd.s32 $0xFFFFEC00  }
0x61: {  	[bflag:$0x0] =	sbarrier.arrive $0xFFFF  }
0x62: {  	[tilespmem:s12], [sflag:$0x3] =	stream.linear.gather [spmem:s5], $0x1400, $0x38;
	[tilespmem:$0xBC00] =	vst v63  }
0x63: {  	s20 =	sadd.s32 $0x1, s20;
	_ =	swait.ge [sflag:s13], $0x1400  }
0x64: {  	p0 =	sne.s32 s20, s10;
	[sflag:s13] =	ssyncset.done $0x0  }
.Ltmp1:
0x65: {  	[sflag:s13] =	ssyncadd.s32 $0xFFFFEC00;
	(pc) =	sbr.rel @p0 .LBB2_1-.Ltmp1, $4  }
0x66: {  	[hbm4b:s9+s3] =	stream.linear.scatter [tilespmem:s12], [sflag:$0x3], $0x1400, $0x38;
	[tilespmem:$0xBC00] =	vst v63  }
0x67: {  	_ =	swait.ge [sflag:s13], $0x1400  }
0x68: {  	[sflag:s13] =	ssyncset.done $0x0  }
0x69: {  	[sflag:s13] =	ssyncadd.s32 $0xFFFFEC00  }
0x6a: {  	_ =	sfence.sel $0x180000  }
0x6b: {  	[bflag:$0x0] =	sbarrier.arrive $0xFFFF  }
0x6c: {  	p0 =	sne.s32 s1, $0x0;
	_ =	strace $0x9000004A  }
0x6d: {  	s0 =	sadd.s32 @!p0 $0x100000, s0;
	[bflag:$0x2] =	sbarrier.arrive $0xFFFF  }
0x6e: {  	[sflag:s0] =	ssyncadd.tile.s32 @!p0 $0x1;
	_ =	shalt  }
.Lfunc_end2:
_tile_overlayer_lowered:
.L_overlay_start_2:
0x6f: {  	(tag) =	ssettag $0x2  }
0x70: {  	s0 =	rddreg [dreg:$0x0];
	s2 =	stileid.u32  }
0x71: {  	s1 =	rddreg [dreg:$0x1];
	p0 =	sne.s32 s2, $0x0  }
0x72: {  	s3 =	rddreg [dreg:$0x2];
	[bflag:$0x3] =	sbarrier.arrive $0xFFFF;
	s2 =	simm.s32 @!p0 $0x1C03  }
0x73: {  	[timem:s3], [sflag:s2] =	dma.local @!p0 [hbm:s0], s1  }
0x74: {  	s0 =	simm.s32 @!p0 $0x3  }
0x75: {  	_ =	swait.ge @!p0 [sflag:s0], s1  }
0x76: {  	s1 =	ssub.s32 @!p0 $0x0, s1;
	[sflag:s0] =	ssyncset.done @!p0 $0x0  }
0x77: {  	[sflag:s0] =	ssyncadd.s32 @!p0 s1  }
0x78: {  	[bflag:$0x3] =	sbarrier.arrive $0xFFFF  }
0x79: {  	_ =	shalt  }

// kernel: kernel.8.cloned.1.call-start
scs
__scs_entry_jumppad:
0x0: {  	(pc) =	sbr.rel $0x88, $3  }
0x1: {  	(tag) =	ssettag $0x0;
	lr =	simm.s32 $0x1  }
0x2: {  	[smem:$0x3F92] =	sst lr;
	_ =	strace $0xD0000000  }
0x3: {  	_ = 	snop  }
0x4: {  	_ = 	snop  }
0x5: {  	_ = 	snop  }
0x6: {  	_ = 	snop  }
0x7: {  	_ = 	snop  }
__scs_overlays_trampoline_lowered:
0x8: {  	[smem:$0x3FA1] =	sst s0  }
0x9: {  	[smem:$0x3FA2] =	sst s1  }
0xa: {  	[smem:$0x3FA3] =	sst s2  }
0xb: {  	[smem:$0x3FA4] =	sst s3  }
0xc: {  	[smem:$0x3FA5] =	sst s4  }
0xd: {  	[smem:$0x3FA6] =	sst s5  }
0xe: {  	[smem:$0x3FA7] =	sst s6  }
0xf: {  	[smem:$0x3FA8] =	sst s7  }
0x10: {  	[smem:$0x3FA9] =	sst s8  }
0x11: {  	[smem:$0x3FAA] =	sst s9;
	s0 =	simm.s32 @!p0 $0x0  }
0x12: {  	s1 =	sld [smem:$0x3F90];
	s0 =	simm.s32 @p0 $0x1  }
0x13: {  	[smem:$0x3FAB] =	sst s0;
	s0 =	simm.s32 @!p1 $0x0  }
0x14: {  	s2 =	sld [smem:$0x3F8F];
	s0 =	simm.s32 @p1 $0x1  }
0x15: {  	[smem:$0x3FAC] =	sst s0;
	s0 =	simm.s32 @!p2 $0x0  }
0x16: {  	s3 =	sld [smem:$0x3FDB];
	s0 =	simm.s32 @p2 $0x1  }
0x17: {  	s4 =	simm.s32 $0x1BF5;
	[smem:$0x3FAE] =	sst s0  }
0x18: {  	s0 =	sld [smem:$0x3F91];
	_ =	swait.ge [sflag:s4], $0x0  }
0x19: {  	s7 =	sld [smem:$0x3F92]  }
0x1a: {  	s8 =	sadd.s32 $0xFFFFE003, lr  }
0x1b: {  	s9 =	sadd.s32 $0xFFFFFEF7, lr;
	s5 =	simm.s32 $0xFFFFFFFF;
	p2 =	slt.u32 s8, $0xFFFFF086  }
0x1c: {  	p1 =	slt.u32 s9, $0xF7A;
	s5 =	simm.s32 @!p2 $0x0  }
0x1d: {  	s5 =	simm.s32 @p1 $0x1;
	p0 =	seq.s32 s7, s2  }
0x1e: {  	s7 =	smul.u32 @!p0 $0xF7A, s2;
	p2 =	seq.s32 @!p0 s5, $0x0  }
0x1f: {  	s9 =	smul.u32 $0xF7A, s1;
	s8 =	simm.s32 @!p0 $0x1BF5;
	p2 =	por !p2, p0  }
0x20: {  	[sflag:s8] =	ssyncset.s32 @!p0 $0xFFFFF086;
	s6 =	sadd.s32 @!p0 s3, s7;
	s7 =	simm.s32 @!p0 $0x108  }
0x21: {  	s3 =	sadd.s32 s3, s9;
	s6 =	sadd.s32 @!p0 $0x88, s6;
	s7 =	simm.s32 @p2 $0x1082  }
0x22: {  	[simem:s7], [sflag:s8] =	dma.local @!p0 [hbm:s6], $0xF7A  }
0x23: {  	s9 =	sor.u32 $0xD0000000, s2;
	s6 =	simm.s32 $0x108;
	_ =	swait.ge @!p0 [sflag:s8], $0x0  }
0x24: {  	s3 =	sadd.s32 $0x88, s3;
	s6 =	simm.s32 @!p1 $0x1082;
	[sflag:s4] =	ssyncset.s32 $0xFFFFF086  }
0x25: {  	[simem:s6], [sflag:s4] =	dma.local [hbm:s3], $0xF7A  }
0x26: {  	[smem:$0x3F92] =	sst s1;
	(tag) =	ssettag s2;
	_ =	strace s9  }
0x27: {  	s1 =	sld [smem:$0x3FA2]  }
0x28: {  	s2 =	sld [smem:$0x3FA3]  }
0x29: {  	s4 =	sld [smem:$0x3FA5]  }
0x2a: {  	p0 =	seq.s32 s5, $0x0;
	s5 =	sld [smem:$0x3FA6]  }
0x2b: {  	s6 =	sld [smem:$0x3FA7]  }
0x2c: {  	s7 =	sld [smem:$0x3FA8]  }
0x2d: {  	s3 =	simm.s32 $0x108;
	s8 =	sld [smem:$0x3FA9]  }
0x2e: {  	s3 =	simm.s32 @!p0 $0x1082;
	s9 =	sld [smem:$0x3FAA]  }
0x2f: {  	lr =	sadd.s32 s0, s3;
	s0 =	sld [smem:$0x3FA1]  }
0x30: {  	s3 =	sld [smem:$0x3FA4]  }
0x31: {  	[smem:$0x3FAD] =	sst s10  }
0x32: {  	s10 =	sld [smem:$0x3FAB];
	_ =	sdelay $0x3  }
0x33: {  	p0 =	seq.s32 s10, $0x1;
	s10 =	sld [smem:$0x3FAD];
	_ =	sdelay $0x3  }
0x34: {  	[smem:$0x3FAD] =	sst s10  }
0x35: {  	s10 =	sld [smem:$0x3FAC];
	_ =	sdelay $0x3  }
0x36: {  	p1 =	seq.s32 s10, $0x1;
	s10 =	sld [smem:$0x3FAD];
	_ =	sdelay $0x3  }
0x37: {  	[smem:$0x3FAD] =	sst s10  }
0x38: {  	s10 =	sld [smem:$0x3FAE]  }
0x39: {  	_ = 	snop;
	(pc) =	sbr.ind lr, $3  }
0x3a: {  	_ = 	snop  }
0x3b: {  	_ = 	snop  }
0x3c: {  	p2 =	seq.s32 s10, $0x1;
	s10 =	sld [smem:$0x3FAD]  }
0x3d: {  	_ =	shalt  }
0x3e: {  	_ =	shalt  }
0x3f: {  	_ =	shalt  }
0x40: {  	_ =	shalt  }
0x41: {  	_ =	shalt  }
0x42: {  	_ =	shalt  }
0x43: {  	_ =	shalt  }
0x44: {  	_ =	shalt  }
0x45: {  	_ =	shalt  }
0x46: {  	_ =	shalt  }
0x47: {  	_ =	shalt  }
0x48: {  	_ =	shalt  }
0x49: {  	_ =	shalt  }
0x4a: {  	_ =	shalt  }
0x4b: {  	_ =	shalt  }
0x4c: {  	_ =	shalt  }
0x4d: {  	_ =	shalt  }
0x4e: {  	_ =	shalt  }
0x4f: {  	_ =	shalt  }
0x50: {  	_ =	shalt  }
0x51: {  	_ =	shalt  }
0x52: {  	_ =	shalt  }
0x53: {  	_ =	shalt  }
0x54: {  	_ =	shalt  }
0x55: {  	_ =	shalt  }
0x56: {  	_ =	shalt  }
0x57: {  	_ =	shalt  }
0x58: {  	_ =	shalt  }
0x59: {  	_ =	shalt  }
0x5a: {  	_ =	shalt  }
0x5b: {  	_ =	shalt  }
0x5c: {  	_ =	shalt  }
0x5d: {  	_ =	shalt  }
0x5e: {  	_ =	shalt  }
0x5f: {  	_ =	shalt  }
0x60: {  	_ =	shalt  }
0x61: {  	_ =	shalt  }
0x62: {  	_ =	shalt  }
0x63: {  	_ =	shalt  }
0x64: {  	_ =	shalt  }
0x65: {  	_ =	shalt  }
0x66: {  	_ =	shalt  }
0x67: {  	_ =	shalt  }
0x68: {  	_ =	shalt  }
0x69: {  	_ =	shalt  }
0x6a: {  	_ =	shalt  }
0x6b: {  	_ =	shalt  }
0x6c: {  	_ =	shalt  }
0x6d: {  	_ =	shalt  }
0x6e: {  	_ =	shalt  }
0x6f: {  	_ =	shalt  }
0x70: {  	_ =	shalt  }
0x71: {  	_ =	shalt  }
0x72: {  	_ =	shalt  }
0x73: {  	_ =	shalt  }
0x74: {  	_ =	shalt  }
0x75: {  	_ =	shalt  }
0x76: {  	_ =	shalt  }
0x77: {  	_ =	shalt  }
0x78: {  	_ =	shalt  }
0x79: {  	_ =	shalt  }
0x7a: {  	_ =	shalt  }
0x7b: {  	_ =	shalt  }
0x7c: {  	_ =	shalt  }
0x7d: {  	_ =	shalt  }
0x7e: {  	_ =	shalt  }
0x7f: {  	_ =	shalt  }
0x80: {  	_ =	shalt  }
0x81: {  	_ =	shalt  }
0x82: {  	_ =	shalt  }
0x83: {  	_ =	shalt  }
0x84: {  	_ =	shalt  }
0x85: {  	_ =	shalt  }
0x86: {  	_ =	shalt  }
0x87: {  	_ =	shalt  }
.Lfunc_end0:
.L_simem_size_0:
called_computation_lowered:
.L_overlay_start_0:
0x88: {  	s2 =	sld [smem:$0x3FD9]  }
0x89: {  	s3 =	sld [smem:$0x3FFE];
	_ =	sdelay $0x1  }
0x8a: {  	s1 =	srdreg.scid  }
0x8b: {  	s0 =	sand.u32 $0x1, s1  }
0x8c: {  	s14 =	sshll.u32 s0, $0xA;
	s2 =	sadd.s32 s3, s2  }
0x8d: {  	s2 =	sadd.s32 s2, s14  }
0x8e: {  	[smem:$0x3FB9] =	sst s2  }
0x8f: {  	_ = 	snop  }
0x90: {  	s2 =	sld [smem:$0x3FD0];
	_ =	sdelay $0x2  }
0x91: {  	s15 =	simm.s32 $0xB;
	s4 =	simm.s32 $0x10  }
0x92: {  	[smem:s4], [sflag:s15] =	dma.local [hbm:s2], $0x1  }
0x93: {  	_ =	swait.eq [sflag:s15], $0x1  }
0x94: {  	[sflag:s15] =	ssyncset.done $0x0  }
0x95: {  	[sflag:s15] =	ssyncadd.s32 $0xFFFFFFFF  }
0x96: {  	s16 =	sld [smem:$0x12];
	(tm) =	ssettm $0x1  }
0x97: {  	s17 =	sld [smem:$0x3FFB];
	_ =	sdelay $0x3  }
0x98: {  	_ =	strace s17  }
0x99: {  	s3 =	sld [smem:$0x3FFC];
	_ =	sdelay $0x3  }
0x9a: {  	_ =	strace s3  }
0x9b: {  	s3 =	sld [smem:$0x3FFD];
	_ =	sdelay $0x3  }
0x9c: {  	_ =	strace s3  }
0x9d: {  	_ =	strace $0x8FFFFFFF  }
0x9e: {  	s18 =	sld [smem:$0x3FDB];
	_ =	sdelay $0x1  }
0x9f: {  	s19 =	simm.s32 $_scs_section_size  }
0xa0: {  	s5 =	simm.s32 $_size__tile_overlayer_lowered;
	s6 =	simm.s32 $_tile_overlayer_lowered  }
0xa1: {  	s22 =	simm.s32 $0x1BFF;
	s21 =	sshll.u32 s6, $0x1;
	s3 =	sadd.s32 s19, s18  }
0xa2: {  	s7 =	simm.s32 $0x0;
	s20 =	sshll.u32 s5, $0x1;
	s5 =	sadd.s32 s21, s3  }
0xa3: {  	[timem:s7], [sflag:s22] =	dma.local [hbm:s5], s20  }
0xa4: {  	_ =	swait.ge [sflag:s22], s20  }
0xa5: {  	s4 =	ssub.s32 $0x0, s20;
	[sflag:s22] =	ssyncset.done $0x0  }
0xa6: {  	[sflag:s22] =	ssyncadd.s32 s4;
	_ =	sdelay $0x1  }
0xa7: {  	s23 =	simm.s32 $0x1B8B  }
0xa8: {  	_ =	swait.ge [sflag:s23], $0x1  }
0xa9: {  	[sflag:s23] =	ssyncset.done $0x0  }
0xaa: {  	s25 =	simm.s32 $0x1B8E;
	s24 =	sld [smem:$0x3FFE];
	[sflag:s23] =	ssyncadd.s32 $0xFFFFFFFF  }
0xab: {  	s26 =	simm.s32 $execute0_lowered;
	[smem:$0x3FD2] =	sst s25  }
0xac: {  	s5 =	sshll.u32 s26, $0x1;
	_ =	strace $0x80000046;
	[dreg:$0x1] =	wrdreg $0xFFFFFFFF  }
0xad: {  	s28 =	simm.s32 $_size_execute0_lowered;
	s3 =	sadd.s32 s3, s5;
	[dreg:$0x0] =	wrdreg $0x0  }
0xae: {  	s5 =	sshll.u32 s28, $0x1;
	[dreg:$0x2] =	wrdreg s3  }
0xaf: {  	[dreg:$0x3] =	wrdreg s5  }
0xb0: {  	[dreg:$0x4] =	wrdreg $0xC0  }
0xb1: {  	_ =	task [dreg:s7], $0x5FFFF  }
0xb2: {  	[dreg:$0x1] =	wrdreg $0xFFFFFFFF  }
0xb3: {  	[dreg:$0x0] =	wrdreg $0x60  }
0xb4: {  	[dreg:$0x2] =	wrdreg s16  }
0xb5: {  	[dreg:$0x3] =	wrdreg s24  }
0xb6: {  	[dreg:$0x4] =	wrdreg $0x9  }
0xb7: {  	_ =	task.clear_ibuf [dreg:s7], $0x5FFFF;
	_ =	strace $0x90000046  }
0xb8: {  	s29 =	simm.s32 $0x9;
	_ =	strace $0x80000048  }
0xb9: {  	_ =	swait.ge [sflag:s29], $0x1  }
0xba: {  	[sflag:s29] =	ssyncadd.s32 $0xFFFFFFFF  }
0xbb: {  	_ =	strace $0x90000048  }
0xbc: {  	_ =	sfence  }
0xbd: {  	s30 =	sld [smem:$0x0];
	_ =	sdelay $0x2  }
0xbe: {  	s31 =	sshll.u32 s1, $0xD;
	s1 =	sshrl.u32 s1, $0x2  }
0xbf: {  	s3 =	sand.u32 $0x4000, s31;
	s1 =	sadd.s32 s1, s30  }
0xc0: {  	s0 =	sor.u32 s3, s0;
	s1 =	sshll.u32 s1, $0x11  }
0xc1: {  	s0 =	sor.u32 s1, s0  }
0xc2: {  	s0 =	sadd.s32 $0x8F2B, s0  }
0xc3: {  	[sflag:s0] =	ssyncadd.remote.s32 $0x1  }
0xc4: {  	_ =	sfence.sel $0xFFFF  }
0xc5: {  	[dreg:$0x0] =	wrdreg $0xFFFFFFFF;
	(pc) =	sbr.abs _section_cstart, $3  }
0xc6: {  	[dreg:$0x1] =	wrdreg $0xFFFFFFFF  }
0xc7: {  	_ =	task.clear_ibuf [dreg:s7], $0x2FFFF;
	_ =	strace $0x9FFFFFFF  }
0xc8: {  	(tm) =	ssettm $0x7FFFFFFF  }
0xc9: {  	_ =	shalt  }
tec
execute0_lowered:
.L_overlay_start_1:
0x0: {  	(tag) =	ssettag $0x1  }
0x1: {  	s2 =	rddreg [dreg:$0x0]  }
0x2: {  	s0 =	rddreg [dreg:$0x1]  }
0x3: {  	s1 =	srdreg.scid;
	s6 =	stileid.u32;
	s3 =	simm.s32 $0x0  }
0x4: {  	s28 =	simm.s32 $0x13D80;
	s29 =	simm.s32 $0x16580;
	s30 =	simm.s32 $0x1  }
0x5: {  	s31 =	simm.s32 $0x2;
	s1 =	sand.u32 $0x1, s1;
	s4 =	sshll.u32 s6, $0x1  }
0x6: {  	s18 =	sshrl.u32 s6, $0x2;
	[smem:$0x7FF] =	sst s3;
	s8 =	sadd.s32 $0x5C00, s0  }
0x7: {  	s20 =	sadd.s32 $0x5600, s0;
	s21 =	sadd.s32 $0x5000, s0;
	s9 =	sadd.s32 $0x523000, s0  }
0x8: {  	s5 =	sor.u32 s1, s4;
	_ =	strace $0x80000047;
	[dreg:$0x3] =	wrdreg s8  }
0x9: {  	s6 =	smul.u32 $0x13C00, s18;
	s4 =	sadd.s32 $0x19E00, s0;
	[dreg:$0x4] =	wrdreg s20  }
0xa: {  	[dreg:$0x5] =	wrdreg s21;
	s1 =	ssub.s32 $0x2, s1;
	s8 =	sadd.s32 $0x41000, s0  }
0xb: {  	v0 =	vlaneseq.u32;
	s18 =	simm.s32 $0x5;
	s20 =	simm.s32 $0x4F00;
	s19 =	sshll.u32 s5, $0x7  }
0xc: {  	v0 =	vmul.u32 $0x80, v0;
	s21 =	simm.s32 $0x7680;
	s22 =	smul.u32 $0x138800, s5;
	s7 =	sand.u32 $0x380, s19  }
0xd: {  	s23 =	sshrl.u32 s1, $0x1;
	s10 =	smul.u32 $0x2710, s5;
	s6 =	sor.u32 s6, s7  }
0xe: {  	v1 =	vor.u32 $0x1, v0;
	s5 =	simm.s32 $0x0;
	s19 =	simm.s32 $0x2780;
	s6 =	sshrl.u32 s6, $0x3  }
0xf: {  	v2 =	vor.u32 $0x2, v0;
	v3 =	vor.u32 $0x3, v0;
	v4 =	vor.u32 $0x800, v0;
	s24 =	sshrl.u32 s22, $0x3;
	s22 =	simm.s32 $0x9E00;
	s6 =	sadd.s32 s6, s0  }
0x10: {  	v5 =	vor.u32 $0x801, v0;
	v6 =	vor.u32 $0x802, v0;
	v7 =	vor.u32 $0x803, v0;
	s0 =	ssub.s32 s1, s23;
	s1 =	sadd.s32 $0x26C00, s24;
	s23 =	simm.s32 $0x50  }
0x11: {  	v8 =	vor.u32 $0x1000, v0;
	v9 =	vor.u32 $0x1001, v0;
	v10 =	vor.u32 $0x1002, v0;
	s24 =	simm.s32 $0xC580;
	s25 =	sadd.s32 $0x6200, s6;
	s26 =	sadd.s32 $0x10000, s6  }
0x12: {  	v11 =	vor.u32 $0x1003, v0;
	v12 =	vor.u32 $0x1800, v0;
	v13 =	vor.u32 $0x1801, v0;
	s13 =	sadd.s32 s8, s1;
	s14 =	sadd.s32 s9, s1;
	s15 =	smax.u32 s0, $0x1  }
0x13: {  	v14 =	vor.u32 $0x1802, v0;
	v15 =	vor.u32 $0x1803, v0;
	v16 =	vor.u32 $0x2000, v0;
	s0 =	simm.s32 $0x3;
	s1 =	simm.s32 $0x4;
	[dreg:$0x6] =	wrdreg s25  }
0x14: {  	v17 =	vor.u32 $0x2001, v0;
	v18 =	vor.u32 $0x2002, v0;
	v19 =	vor.u32 $0x2003, v0;
	[dreg:$0x7] =	wrdreg s26;
	s25 =	simm.s32 $0x11580;
	s26 =	simm.s32 $0xED80  }
.LBB2_1:
0x15: {  	s6 =	rddreg [dreg:$0x6];
	s7 =	simm.s32 $0x80;
	s11 =	simm.s32 $0x400  }
0x16: {  	[tilespmem:s3], [sflag:$0x5] =	stream.strided.gather [hbm4b:s6+s7], $0x2780, s11, s7, $0x38;
	[tilespmem:$0x18D80] =	vst v63  }
0x17: {  	_ =	swait.ge [sflag:s18], $0x2780  }
0x18: {  	[sflag:s18] =	ssyncset.done $0x0  }
0x19: {  	s17 =	rddreg [dreg:$0x7];
	[sflag:s18] =	ssyncadd.s32 $0xFFFFD880  }
0x1a: {  	[tilespmem:s19], [sflag:$0x5] =	stream.strided.gather [hbm4b:s17+s7], $0x2780, s11, s7, $0x38;
	[tilespmem:$0x18D80] =	vst v63  }
0x1b: {  	_ =	swait.ge [sflag:s18], $0x2780  }
0x1c: {  	[sflag:s18] =	ssyncset.done $0x0  }
0x1d: {  	s12 =	rddreg [dreg:$0x3];
	[sflag:s18] =	ssyncadd.s32 $0xFFFFD880  }
0x1e: {  	[tilespmem:s20], [sflag:$0x5] =	stream.linear.gather [hbm4b:s12+s3], $0x2780, $0x38;
	[tilespmem:$0x18D80] =	vst v63  }
0x1f: {  	_ =	swait.ge [sflag:s18], $0x2780  }
0x20: {  	[sflag:s18] =	ssyncset.done $0x0  }
0x21: {  	s16 =	rddreg [dreg:$0x4];
	[sflag:s18] =	ssyncadd.s32 $0xFFFFD880  }
0x22: {  	[tilespmem:s21], [sflag:$0x5] =	stream.linear.gather [hbm4b:s16+s3], $0x2780, $0x38;
	[tilespmem:$0x18D80] =	vst v63  }
0x23: {  	_ =	swait.ge [sflag:s18], $0x2780  }
0x24: {  	[sflag:s18] =	ssyncset.done $0x0  }
0x25: {  	s17 =	rddreg [dreg:$0x5];
	[sflag:s18] =	ssyncadd.s32 $0xFFFFD880  }
0x26: {  	[tilespmem:s22], [sflag:$0x5] =	stream.linear.gather [hbm4b:s17+s3], $0x2780, $0x38;
	[tilespmem:$0x18D80] =	vst v63  }
0x27: {  	_ =	swait.ge [sflag:s18], $0x2780  }
0x28: {  	[sflag:s18] =	ssyncset.done $0x0  }
0x29: {  	[sflag:s18] =	ssyncadd.s32 $0xFFFFD880  }
0x2a: {  	[tilespmem:s24], [sflag:$0x1] =	stream.indirect.gather [hbm4b:s2+s23], $0x80, s3, s23, $0xb8;
	[tilespmem:$0x18D80] =	vst v63  }
0x2b: {  	s6 =	simm.s32 $0x0  }
0x2c: {  	[tilespmem:s25], [sflag:$0x2] =	stream.indirect.gather [hbm4b:s4+s23], $0x80, s19, s23, $0xb8;
	[tilespmem:$0x18D80] =	vst v63  }
.LBB2_2:
0x2d: {  	s16 =	smul.u32 $0xA0, s6;
	_ =	sdelay $0x1  }
0x2e: {  	s7 =	sadd.s32 $0x50, s16  }
0x2f: {  	[tilespmem:s26], [sflag:$0x3] =	stream.indirect.gather [hbm4b:s2+s23], $0x80, s7, s23, $0xb8;
	[tilespmem:$0x18D80] =	vst v63  }
0x30: {  	s11 =	sadd.s32 $0x27D0, s16  }
0x31: {  	[tilespmem:s28], [sflag:$0x4] =	stream.indirect.gather [hbm4b:s4+s23], $0x80, s11, s23, $0xb8;
	[tilespmem:$0x18D80] =	vst v63  }
0x32: {  	v20 =	vld [tilespmem:s16+$0x0]  }
0x33: {  	v21 =	vld [tilespmem:s16+$0x2780];
	_ =	sdelay $0x6  }
0x34: {  	v22 =	vld.idx.msk [tilespmem:v20+s20+$0x0], $0xffff  }
0x35: {  	v23 =	vld.idx.msk [tilespmem:v21+s20+$0x0], $0xffff  }
0x36: {  	v24 =	vld.idx.msk [tilespmem:v20+s21+$0x0], $0xffff  }
0x37: {  	v25 =	vld.idx.msk [tilespmem:v21+s21+$0x0], $0xffff  }
0x38: {  	v20 =	vld.idx.msk [tilespmem:v20+s22+$0x0], $0xffff  }
0x39: {  	v21 =	vld.idx.msk [tilespmem:v21+s22+$0x0], $0xffff;
	_ =	sdelay $0x2  }
0x3a: {  	v22 =	vsub.f32 v22, v23;
	v23 =	vsub.f32 v24, v25;
	_ =	sdelay $0x1  }
0x3b: {  	v20 =	vsub.f32 v20, v21;
	v21 =	vmul.f32 v22, v22;
	v24 =	vmul.f32 v23, v23;
	_ =	sdelay $0x1  }
0x3c: {  	v21 =	vadd.f32 v24, v21;
	v24 =	vmul.f32 v20, v20  }
0x3d: {  	[tilespmem:v0+s29+$0x0] =	vst.idx.msk $0xffff, v22  }
0x3e: {  	[tilespmem:v1+s29+$0x0] =	vst.idx.msk $0xffff, v23;
	v21 =	vadd.f32 v24, v21  }
0x3f: {  	[tilespmem:v2+s29+$0x0] =	vst.idx.msk $0xffff, v20  }
0x40: {  	[tilespmem:v3+s29+$0x0] =	vst.idx.msk $0xffff, v21  }
0x41: {  	v20 =	vld [tilespmem:s16+$0x10]  }
0x42: {  	v21 =	vld [tilespmem:s16+$0x2790];
	_ =	sdelay $0x6  }
0x43: {  	v22 =	vld.idx.msk [tilespmem:v20+s20+$0x0], $0xffff  }
0x44: {  	v23 =	vld.idx.msk [tilespmem:v21+s20+$0x0], $0xffff  }
0x45: {  	v24 =	vld.idx.msk [tilespmem:v20+s21+$0x0], $0xffff  }
0x46: {  	v25 =	vld.idx.msk [tilespmem:v21+s21+$0x0], $0xffff  }
0x47: {  	v20 =	vld.idx.msk [tilespmem:v20+s22+$0x0], $0xffff  }
0x48: {  	v21 =	vld.idx.msk [tilespmem:v21+s22+$0x0], $0xffff;
	_ =	sdelay $0x2  }
0x49: {  	v22 =	vsub.f32 v22, v23;
	v23 =	vsub.f32 v24, v25;
	_ =	sdelay $0x1  }
0x4a: {  	v20 =	vsub.f32 v20, v21;
	v21 =	vmul.f32 v22, v22;
	v24 =	vmul.f32 v23, v23;
	_ =	sdelay $0x1  }
0x4b: {  	v21 =	vadd.f32 v24, v21;
	v24 =	vmul.f32 v20, v20  }
0x4c: {  	[tilespmem:v4+s29+$0x0] =	vst.idx.msk $0xffff, v22  }
0x4d: {  	[tilespmem:v5+s29+$0x0] =	vst.idx.msk $0xffff, v23;
	v21 =	vadd.f32 v24, v21  }
0x4e: {  	[tilespmem:v6+s29+$0x0] =	vst.idx.msk $0xffff, v20  }
0x4f: {  	[tilespmem:v7+s29+$0x0] =	vst.idx.msk $0xffff, v21  }
0x50: {  	v20 =	vld [tilespmem:s16+$0x20]  }
0x51: {  	v21 =	vld [tilespmem:s16+$0x27A0];
	_ =	sdelay $0x6  }
0x52: {  	v22 =	vld.idx.msk [tilespmem:v20+s20+$0x0], $0xffff  }
0x53: {  	v23 =	vld.idx.msk [tilespmem:v21+s20+$0x0], $0xffff  }
0x54: {  	v24 =	vld.idx.msk [tilespmem:v20+s21+$0x0], $0xffff  }
0x55: {  	v25 =	vld.idx.msk [tilespmem:v21+s21+$0x0], $0xffff  }
0x56: {  	v20 =	vld.idx.msk [tilespmem:v20+s22+$0x0], $0xffff  }
0x57: {  	v21 =	vld.idx.msk [tilespmem:v21+s22+$0x0], $0xffff;
	_ =	sdelay $0x2  }
0x58: {  	v22 =	vsub.f32 v22, v23;
	v23 =	vsub.f32 v24, v25;
	_ =	sdelay $0x1  }
0x59: {  	v20 =	vsub.f32 v20, v21;
	v21 =	vmul.f32 v22, v22;
	v24 =	vmul.f32 v23, v23;
	_ =	sdelay $0x1  }
0x5a: {  	v21 =	vadd.f32 v24, v21;
	v24 =	vmul.f32 v20, v20  }
0x5b: {  	[tilespmem:v8+s29+$0x0] =	vst.idx.msk $0xffff, v22  }
0x5c: {  	[tilespmem:v9+s29+$0x0] =	vst.idx.msk $0xffff, v23;
	v21 =	vadd.f32 v24, v21  }
0x5d: {  	[tilespmem:v10+s29+$0x0] =	vst.idx.msk $0xffff, v20  }
0x5e: {  	[tilespmem:v11+s29+$0x0] =	vst.idx.msk $0xffff, v21  }
0x5f: {  	v20 =	vld [tilespmem:s16+$0x30]  }
0x60: {  	v21 =	vld [tilespmem:s16+$0x27B0];
	_ =	sdelay $0x6  }
0x61: {  	v22 =	vld.idx.msk [tilespmem:v20+s20+$0x0], $0xffff  }
0x62: {  	v23 =	vld.idx.msk [tilespmem:v21+s20+$0x0], $0xffff  }
0x63: {  	v24 =	vld.idx.msk [tilespmem:v20+s21+$0x0], $0xffff  }
0x64: {  	v25 =	vld.idx.msk [tilespmem:v21+s21+$0x0], $0xffff  }
0x65: {  	v20 =	vld.idx.msk [tilespmem:v20+s22+$0x0], $0xffff  }
0x66: {  	v21 =	vld.idx.msk [tilespmem:v21+s22+$0x0], $0xffff;
	_ =	sdelay $0x2  }
0x67: {  	v22 =	vsub.f32 v22, v23;
	v23 =	vsub.f32 v24, v25;
	_ =	sdelay $0x1  }
0x68: {  	v20 =	vsub.f32 v20, v21;
	v21 =	vmul.f32 v22, v22;
	v24 =	vmul.f32 v23, v23;
	_ =	sdelay $0x1  }
0x69: {  	v21 =	vadd.f32 v24, v21;
	v24 =	vmul.f32 v20, v20  }
0x6a: {  	[tilespmem:v12+s29+$0x0] =	vst.idx.msk $0xffff, v22  }
0x6b: {  	[tilespmem:v13+s29+$0x0] =	vst.idx.msk $0xffff, v23;
	v21 =	vadd.f32 v24, v21  }
0x6c: {  	[tilespmem:v14+s29+$0x0] =	vst.idx.msk $0xffff, v20  }
0x6d: {  	[tilespmem:v15+s29+$0x0] =	vst.idx.msk $0xffff, v21  }
0x6e: {  	v20 =	vld [tilespmem:s16+$0x40]  }
0x6f: {  	v21 =	vld [tilespmem:s16+$0x27C0];
	_ =	sdelay $0x6  }
0x70: {  	v22 =	vld.idx.msk [tilespmem:v20+s20+$0x0], $0xffff  }
0x71: {  	v23 =	vld.idx.msk [tilespmem:v21+s20+$0x0], $0xffff  }
0x72: {  	v24 =	vld.idx.msk [tilespmem:v20+s21+$0x0], $0xffff  }
0x73: {  	v25 =	vld.idx.msk [tilespmem:v21+s21+$0x0], $0xffff  }
0x74: {  	v20 =	vld.idx.msk [tilespmem:v20+s22+$0x0], $0xffff  }
0x75: {  	v21 =	vld.idx.msk [tilespmem:v21+s22+$0x0], $0xffff;
	_ =	sdelay $0x2  }
0x76: {  	v22 =	vsub.f32 v22, v23;
	v23 =	vsub.f32 v24, v25;
	_ =	sdelay $0x1  }
0x77: {  	v20 =	vsub.f32 v20, v21;
	v21 =	vmul.f32 v22, v22;
	v24 =	vmul.f32 v23, v23;
	_ =	sdelay $0x1  }
0x78: {  	v21 =	vadd.f32 v24, v21;
	v24 =	vmul.f32 v20, v20  }
0x79: {  	[tilespmem:v16+s29+$0x0] =	vst.idx.msk $0xffff, v22  }
0x7a: {  	[tilespmem:v17+s29+$0x0] =	vst.idx.msk $0xffff, v23;
	v21 =	vadd.f32 v24, v21  }
0x7b: {  	[tilespmem:v18+s29+$0x0] =	vst.idx.msk $0xffff, v20  }
0x7c: {  	[tilespmem:v19+s29+$0x0] =	vst.idx.msk $0xffff, v21  }
0x7d: {  	_ =	swait.ge [sflag:s30], $0x2800  }
0x7e: {  	[sflag:s30] =	ssyncset.done $0x0  }
0x7f: {  	[sflag:s30] =	ssyncadd.s32 $0xFFFFD800  }
0x80: {  	_ =	swait.ge [sflag:s31], $0x2800  }
0x81: {  	[sflag:s31] =	ssyncset.done $0x0  }
0x82: {  	s17 =	simm.s32 $0x0;
	[sflag:s31] =	ssyncadd.s32 $0xFFFFD800  }
0x83: {  	v27 =	vld [tilespmem:s17+$0x11580]  }
0x84: {  	v31 =	vld [tilespmem:s17+$0x11590]  }
0x85: {  	v25 =	vld [tilespmem:s17+$0x115A0]  }
0x86: {  	v24 =	vld [tilespmem:s17+$0x115B0]  }
0x87: {  	v23 =	vld [tilespmem:s17+$0x115C0]  }
0x88: {  	v22 =	vld [tilespmem:s17+$0x115D0]  }
0x89: {  	v21 =	vld [tilespmem:s17+$0x115E0]  }
0x8a: {  	v20 =	vld [tilespmem:s17+$0x115F0]  }
0x8b: {  	v32 =	vld [tilespmem:s17+$0xC580]  }
0x8c: {  	v33 =	vld [tilespmem:s17+$0xC590]  }
0x8d: {  	v30 =	vld [tilespmem:s17+$0xC5A0]  }
0x8e: {  	v29 =	vld [tilespmem:s17+$0xC5B0]  }
0x8f: {  	v28 =	vld [tilespmem:s17+$0xC5C0]  }
0x90: {  	v26 =	vld [tilespmem:s17+$0xC5D0];
	v32 =	vadd.f32 v27, v32  }
0x91: {  	s11 =	simm.s32 $0x200;
	v31 =	vadd.f32 v31, v33;
	v27 =	vld [tilespmem:s17+$0xC5E0]  }
.LBB2_3:
0x92: {  	s12 =	sshra.s32 s11, $0x2;
	p0 =	sne.s32 s11, $0x9E00;
	[tilespmem:s17+$0xC580] =	vst v32;
	v25 =	vadd.f32 v25, v30;
	v30 =	vld [tilespmem:s17+$0xC5F0]  }
0x93: {  	v32 =	vld [tilespmem:s12+$0x11580];
	[tilespmem:s17+$0xC590] =	vst v31;
	v24 =	vadd.f32 v24, v29  }
0x94: {  	v31 =	vld [tilespmem:s12+$0x11590];
	[tilespmem:s17+$0xC5A0] =	vst v25;
	v23 =	vadd.f32 v23, v28  }
0x95: {  	v25 =	vld [tilespmem:s12+$0x115A0];
	[tilespmem:s17+$0xC5B0] =	vst v24;
	v22 =	vadd.f32 v22, v26  }
0x96: {  	v24 =	vld [tilespmem:s12+$0x115B0];
	[tilespmem:s17+$0xC5C0] =	vst v23;
	v21 =	vadd.f32 v21, v27  }
0x97: {  	v23 =	vld [tilespmem:s12+$0x115C0];
	[tilespmem:s17+$0xC5D0] =	vst v22;
	v20 =	vadd.f32 v20, v30  }
0x98: {  	v22 =	vld [tilespmem:s12+$0x115D0];
	[tilespmem:s17+$0xC5E0] =	vst v21  }
0x99: {  	v21 =	vld [tilespmem:s12+$0x115E0];
	[tilespmem:s17+$0xC5F0] =	vst v20;
	s17 =	smov.u32 s12  }
0x9a: {  	v20 =	vld [tilespmem:s17+$0x115F0]  }
0x9b: {  	v26 =	vld [tilespmem:s17+$0xC580]  }
0x9c: {  	v27 =	vld [tilespmem:s17+$0xC590]  }
.Ltmp0:
0x9d: {  	v30 =	vld [tilespmem:s17+$0xC5A0];
	(pc) =	sbr.rel @p0 .LBB2_3-.Ltmp0, $4  }
0x9e: {  	v29 =	vld [tilespmem:s17+$0xC5B0]  }
0x9f: {  	v28 =	vld [tilespmem:s17+$0xC5C0]  }
0xa0: {  	v32 =	vadd.f32 v32, v26;
	v26 =	vld [tilespmem:s17+$0xC5D0]  }
0xa1: {  	s11 =	sadd.s32 $0x200, s11;
	v31 =	vadd.f32 v31, v27;
	v27 =	vld [tilespmem:s17+$0xC5E0]  }
0xa2: {  	[tilespmem:s17+$0xC580] =	vst v32;
	v25 =	vadd.f32 v25, v30;
	v30 =	vld [tilespmem:s17+$0xC5F0]  }
0xa3: {  	[tilespmem:s17+$0xC590] =	vst v31;
	v24 =	vadd.f32 v24, v29  }
0xa4: {  	[tilespmem:s17+$0xC5A0] =	vst v25;
	v23 =	vadd.f32 v23, v28  }
0xa5: {  	[tilespmem:s17+$0xC5B0] =	vst v24;
	v22 =	vadd.f32 v22, v26  }
0xa6: {  	[tilespmem:s17+$0xC5C0] =	vst v23;
	v21 =	vadd.f32 v21, v27  }
0xa7: {  	s11 =	sadd.s32 s10, s16;
	[tilespmem:s17+$0xC5D0] =	vst v22;
	v20 =	vadd.f32 v20, v30  }
0xa8: {  	s11 =	sshll.u32 s11, $0x4;
	[tilespmem:s17+$0xC5E0] =	vst v21  }
0xa9: {  	s12 =	sadd.s32 s8, s11;
	[tilespmem:s17+$0xC5F0] =	vst v20;
	s17 =	simm.s32 $0x0  }
0xaa: {  	[hbm4b:s12+s17] =	stream.linear.scatter [tilespmem:s24], [sflag:$0x5], $0x2800, $0x38;
	[tilespmem:$0x18D80] =	vst v63  }
0xab: {  	_ =	swait.ge [sflag:s18], $0x2800  }
0xac: {  	[sflag:s18] =	ssyncset.done $0x0  }
0xad: {  	s11 =	sadd.s32 s9, s11;
	[sflag:s18] =	ssyncadd.s32 $0xFFFFD800  }
0xae: {  	[hbm4b:s11+s17] =	stream.linear.scatter [tilespmem:s29], [sflag:$0x5], $0x2800, $0x38;
	[tilespmem:$0x18D80] =	vst v63  }
0xaf: {  	_ =	swait.ge [sflag:s18], $0x2800  }
0xb0: {  	[sflag:s18] =	ssyncset.done $0x0  }
0xb1: {  	s17 =	sadd.s32 $0xA0, s16;
	[sflag:s18] =	ssyncadd.s32 $0xFFFFD800  }
0xb2: {  	[tilespmem:s24], [sflag:$0x1] =	stream.indirect.gather [hbm4b:s2+s23], $0x80, s17, s23, $0xb8;
	[tilespmem:$0x18D80] =	vst v63  }
0xb3: {  	s12 =	sadd.s32 $0x2820, s16  }
0xb4: {  	[tilespmem:s25], [sflag:$0x2] =	stream.indirect.gather [hbm4b:s4+s23], $0x80, s12, s23, $0xb8;
	[tilespmem:$0x18D80] =	vst v63  }
0xb5: {  	v20 =	vld [tilespmem:s16+$0x50]  }
0xb6: {  	v21 =	vld [tilespmem:s7+$0x2780];
	_ =	sdelay $0x6  }
0xb7: {  	v22 =	vld.idx.msk [tilespmem:v20+s20+$0x0], $0xffff  }
0xb8: {  	v23 =	vld.idx.msk [tilespmem:v21+s20+$0x0], $0xffff  }
0xb9: {  	v24 =	vld.idx.msk [tilespmem:v20+s21+$0x0], $0xffff  }
0xba: {  	v25 =	vld.idx.msk [tilespmem:v21+s21+$0x0], $0xffff  }
0xbb: {  	v20 =	vld.idx.msk [tilespmem:v20+s22+$0x0], $0xffff  }
0xbc: {  	v21 =	vld.idx.msk [tilespmem:v21+s22+$0x0], $0xffff;
	_ =	sdelay $0x2  }
0xbd: {  	v22 =	vsub.f32 v22, v23;
	v23 =	vsub.f32 v24, v25;
	_ =	sdelay $0x1  }
0xbe: {  	v20 =	vsub.f32 v20, v21;
	v21 =	vmul.f32 v22, v22;
	v24 =	vmul.f32 v23, v23;
	_ =	sdelay $0x1  }
0xbf: {  	v21 =	vadd.f32 v24, v21;
	v24 =	vmul.f32 v20, v20  }
0xc0: {  	[tilespmem:v0+s29+$0x0] =	vst.idx.msk $0xffff, v22  }
0xc1: {  	[tilespmem:v1+s29+$0x0] =	vst.idx.msk $0xffff, v23;
	v21 =	vadd.f32 v24, v21  }
0xc2: {  	[tilespmem:v2+s29+$0x0] =	vst.idx.msk $0xffff, v20  }
0xc3: {  	[tilespmem:v3+s29+$0x0] =	vst.idx.msk $0xffff, v21  }
0xc4: {  	v20 =	vld [tilespmem:s16+$0x60]  }
0xc5: {  	v21 =	vld [tilespmem:s16+$0x27E0];
	_ =	sdelay $0x6  }
0xc6: {  	v22 =	vld.idx.msk [tilespmem:v20+s20+$0x0], $0xffff  }
0xc7: {  	v23 =	vld.idx.msk [tilespmem:v21+s20+$0x0], $0xffff  }
0xc8: {  	v24 =	vld.idx.msk [tilespmem:v20+s21+$0x0], $0xffff  }
0xc9: {  	v25 =	vld.idx.msk [tilespmem:v21+s21+$0x0], $0xffff  }
0xca: {  	v20 =	vld.idx.msk [tilespmem:v20+s22+$0x0], $0xffff  }
0xcb: {  	v21 =	vld.idx.msk [tilespmem:v21+s22+$0x0], $0xffff;
	_ =	sdelay $0x2  }
0xcc: {  	v22 =	vsub.f32 v22, v23;
	v23 =	vsub.f32 v24, v25;
	_ =	sdelay $0x1  }
0xcd: {  	v20 =	vsub.f32 v20, v21;
	v21 =	vmul.f32 v22, v22;
	v24 =	vmul.f32 v23, v23;
	_ =	sdelay $0x1  }
0xce: {  	v21 =	vadd.f32 v24, v21;
	v24 =	vmul.f32 v20, v20  }
0xcf: {  	[tilespmem:v4+s29+$0x0] =	vst.idx.msk $0xffff, v22  }
0xd0: {  	[tilespmem:v5+s29+$0x0] =	vst.idx.msk $0xffff, v23;
	v21 =	vadd.f32 v24, v21  }
0xd1: {  	[tilespmem:v6+s29+$0x0] =	vst.idx.msk $0xffff, v20  }
0xd2: {  	[tilespmem:v7+s29+$0x0] =	vst.idx.msk $0xffff, v21  }
0xd3: {  	v20 =	vld [tilespmem:s16+$0x70]  }
0xd4: {  	v21 =	vld [tilespmem:s16+$0x27F0];
	_ =	sdelay $0x6  }
0xd5: {  	v22 =	vld.idx.msk [tilespmem:v20+s20+$0x0], $0xffff  }
0xd6: {  	v23 =	vld.idx.msk [tilespmem:v21+s20+$0x0], $0xffff  }
0xd7: {  	v24 =	vld.idx.msk [tilespmem:v20+s21+$0x0], $0xffff  }
0xd8: {  	v25 =	vld.idx.msk [tilespmem:v21+s21+$0x0], $0xffff  }
0xd9: {  	v20 =	vld.idx.msk [tilespmem:v20+s22+$0x0], $0xffff  }
0xda: {  	v21 =	vld.idx.msk [tilespmem:v21+s22+$0x0], $0xffff;
	_ =	sdelay $0x2  }
0xdb: {  	v22 =	vsub.f32 v22, v23;
	v23 =	vsub.f32 v24, v25;
	_ =	sdelay $0x1  }
0xdc: {  	v20 =	vsub.f32 v20, v21;
	v21 =	vmul.f32 v22, v22;
	v24 =	vmul.f32 v23, v23;
	_ =	sdelay $0x1  }
0xdd: {  	v21 =	vadd.f32 v24, v21;
	v24 =	vmul.f32 v20, v20  }
0xde: {  	[tilespmem:v8+s29+$0x0] =	vst.idx.msk $0xffff, v22  }
0xdf: {  	[tilespmem:v9+s29+$0x0] =	vst.idx.msk $0xffff, v23;
	v21 =	vadd.f32 v24, v21  }
0xe0: {  	[tilespmem:v10+s29+$0x0] =	vst.idx.msk $0xffff, v20  }
0xe1: {  	s17 =	sand.u32 $0x3FE0, s16;
	[tilespmem:v11+s29+$0x0] =	vst.idx.msk $0xffff, v21  }
0xe2: {  	v20 =	vld [tilespmem:s17+$0x80]  }
0xe3: {  	v21 =	vld [tilespmem:s17+$0x2800];
	_ =	sdelay $0x6  }
0xe4: {  	v22 =	vld.idx.msk [tilespmem:v20+s20+$0x0], $0xffff  }
0xe5: {  	v23 =	vld.idx.msk [tilespmem:v21+s20+$0x0], $0xffff  }
0xe6: {  	v24 =	vld.idx.msk [tilespmem:v20+s21+$0x0], $0xffff  }
0xe7: {  	v25 =	vld.idx.msk [tilespmem:v21+s21+$0x0], $0xffff  }
0xe8: {  	v20 =	vld.idx.msk [tilespmem:v20+s22+$0x0], $0xffff  }
0xe9: {  	v21 =	vld.idx.msk [tilespmem:v21+s22+$0x0], $0xffff;
	_ =	sdelay $0x2  }
0xea: {  	v22 =	vsub.f32 v22, v23;
	v23 =	vsub.f32 v24, v25;
	_ =	sdelay $0x1  }
0xeb: {  	v20 =	vsub.f32 v20, v21;
	v21 =	vmul.f32 v22, v22;
	v24 =	vmul.f32 v23, v23;
	_ =	sdelay $0x1  }
0xec: {  	v21 =	vadd.f32 v24, v21;
	v24 =	vmul.f32 v20, v20  }
0xed: {  	[tilespmem:v12+s29+$0x0] =	vst.idx.msk $0xffff, v22  }
0xee: {  	[tilespmem:v13+s29+$0x0] =	vst.idx.msk $0xffff, v23;
	v21 =	vadd.f32 v24, v21  }
0xef: {  	[tilespmem:v14+s29+$0x0] =	vst.idx.msk $0xffff, v20  }
0xf0: {  	[tilespmem:v15+s29+$0x0] =	vst.idx.msk $0xffff, v21  }
0xf1: {  	v20 =	vld [tilespmem:s16+$0x90]  }
0xf2: {  	v21 =	vld [tilespmem:s16+$0x2810];
	_ =	sdelay $0x6  }
0xf3: {  	v22 =	vld.idx.msk [tilespmem:v20+s20+$0x0], $0xffff  }
0xf4: {  	v23 =	vld.idx.msk [tilespmem:v21+s20+$0x0], $0xffff  }
0xf5: {  	v24 =	vld.idx.msk [tilespmem:v20+s21+$0x0], $0xffff  }
0xf6: {  	v25 =	vld.idx.msk [tilespmem:v21+s21+$0x0], $0xffff  }
0xf7: {  	v20 =	vld.idx.msk [tilespmem:v20+s22+$0x0], $0xffff  }
0xf8: {  	v21 =	vld.idx.msk [tilespmem:v21+s22+$0x0], $0xffff;
	_ =	sdelay $0x2  }
0xf9: {  	v22 =	vsub.f32 v22, v23;
	v23 =	vsub.f32 v24, v25;
	_ =	sdelay $0x1  }
0xfa: {  	v20 =	vsub.f32 v20, v21;
	v21 =	vmul.f32 v22, v22;
	v24 =	vmul.f32 v23, v23;
	_ =	sdelay $0x1  }
0xfb: {  	v21 =	vadd.f32 v24, v21;
	v24 =	vmul.f32 v20, v20  }
0xfc: {  	[tilespmem:v16+s29+$0x0] =	vst.idx.msk $0xffff, v22  }
0xfd: {  	[tilespmem:v17+s29+$0x0] =	vst.idx.msk $0xffff, v23;
	v21 =	vadd.f32 v24, v21  }
0xfe: {  	[tilespmem:v18+s29+$0x0] =	vst.idx.msk $0xffff, v20  }
0xff: {  	[tilespmem:v19+s29+$0x0] =	vst.idx.msk $0xffff, v21  }
0x100: {  	_ =	swait.ge [sflag:s0], $0x2800  }
0x101: {  	[sflag:s0] =	ssyncset.done $0x0  }
0x102: {  	[sflag:s0] =	ssyncadd.s32 $0xFFFFD800  }
0x103: {  	_ =	swait.ge [sflag:s1], $0x2800  }
0x104: {  	[sflag:s1] =	ssyncset.done $0x0  }
0x105: {  	s16 =	simm.s32 $0x0;
	[sflag:s1] =	ssyncadd.s32 $0xFFFFD800  }
0x106: {  	v27 =	vld [tilespmem:s16+$0x13D80]  }
0x107: {  	v31 =	vld [tilespmem:s16+$0x13D90]  }
0x108: {  	v25 =	vld [tilespmem:s16+$0x13DA0]  }
0x109: {  	v24 =	vld [tilespmem:s16+$0x13DB0]  }
0x10a: {  	v23 =	vld [tilespmem:s16+$0x13DC0]  }
0x10b: {  	v22 =	vld [tilespmem:s16+$0x13DD0]  }
0x10c: {  	v21 =	vld [tilespmem:s16+$0x13DE0]  }
0x10d: {  	v20 =	vld [tilespmem:s16+$0x13DF0]  }
0x10e: {  	v63 =	vld [tilespmem:s16+$0xED80]  }
0x10f: {  	v33 =	vld [tilespmem:s16+$0xED90]  }
0x110: {  	v30 =	vld [tilespmem:s16+$0xEDA0]  }
0x111: {  	v29 =	vld [tilespmem:s16+$0xEDB0]  }
0x112: {  	v28 =	vld [tilespmem:s16+$0xEDC0]  }
0x113: {  	v26 =	vld [tilespmem:s16+$0xEDD0];
	v32 =	vadd.f32 v27, v63  }
0x114: {  	s11 =	simm.s32 $0x200;
	v31 =	vadd.f32 v31, v33;
	v27 =	vld [tilespmem:s16+$0xEDE0]  }
.LBB2_5:
0x115: {  	s12 =	sshra.s32 s11, $0x2;
	p0 =	sne.s32 s11, $0x9E00;
	[tilespmem:s16+$0xED80] =	vst v32;
	v25 =	vadd.f32 v25, v30;
	v30 =	vld [tilespmem:s16+$0xEDF0]  }
0x116: {  	v32 =	vld [tilespmem:s12+$0x13D80];
	[tilespmem:s16+$0xED90] =	vst v31;
	v24 =	vadd.f32 v24, v29  }
0x117: {  	v31 =	vld [tilespmem:s12+$0x13D90];
	[tilespmem:s16+$0xEDA0] =	vst v25;
	v23 =	vadd.f32 v23, v28  }
0x118: {  	v25 =	vld [tilespmem:s12+$0x13DA0];
	[tilespmem:s16+$0xEDB0] =	vst v24;
	v22 =	vadd.f32 v22, v26  }
0x119: {  	v24 =	vld [tilespmem:s12+$0x13DB0];
	[tilespmem:s16+$0xEDC0] =	vst v23;
	v21 =	vadd.f32 v21, v27  }
0x11a: {  	v23 =	vld [tilespmem:s12+$0x13DC0];
	[tilespmem:s16+$0xEDD0] =	vst v22;
	v20 =	vadd.f32 v20, v30  }
0x11b: {  	v22 =	vld [tilespmem:s12+$0x13DD0];
	[tilespmem:s16+$0xEDE0] =	vst v21  }
0x11c: {  	v21 =	vld [tilespmem:s12+$0x13DE0];
	[tilespmem:s16+$0xEDF0] =	vst v20;
	s16 =	smov.u32 s12  }
0x11d: {  	v20 =	vld [tilespmem:s16+$0x13DF0]  }
0x11e: {  	v26 =	vld [tilespmem:s16+$0xED80]  }
0x11f: {  	v27 =	vld [tilespmem:s16+$0xED90]  }
.Ltmp1:
0x120: {  	v30 =	vld [tilespmem:s16+$0xEDA0];
	(pc) =	sbr.rel @p0 .LBB2_5-.Ltmp1, $4  }
0x121: {  	v29 =	vld [tilespmem:s16+$0xEDB0]  }
0x122: {  	v28 =	vld [tilespmem:s16+$0xEDC0]  }
0x123: {  	v32 =	vadd.f32 v32, v26;
	v26 =	vld [tilespmem:s16+$0xEDD0]  }
0x124: {  	s11 =	sadd.s32 $0x200, s11;
	v31 =	vadd.f32 v31, v27;
	v27 =	vld [tilespmem:s16+$0xEDE0]  }
0x125: {  	[tilespmem:s16+$0xED80] =	vst v32;
	v25 =	vadd.f32 v25, v30;
	v63 =	vld [tilespmem:s16+$0xEDF0]  }
0x126: {  	[tilespmem:s16+$0xED90] =	vst v31;
	v24 =	vadd.f32 v24, v29  }
0x127: {  	[tilespmem:s16+$0xEDA0] =	vst v25;
	v23 =	vadd.f32 v23, v28  }
0x128: {  	[tilespmem:s16+$0xEDB0] =	vst v24;
	v22 =	vadd.f32 v22, v26  }
0x129: {  	[tilespmem:s16+$0xEDC0] =	vst v23;
	v21 =	vadd.f32 v21, v27  }
0x12a: {  	s7 =	sadd.s32 s10, s7;
	[tilespmem:s16+$0xEDD0] =	vst v22;
	v20 =	vadd.f32 v20, v63  }
0x12b: {  	s7 =	sshll.u32 s7, $0x4;
	[tilespmem:s16+$0xEDE0] =	vst v21  }
0x12c: {  	s11 =	sadd.s32 s8, s7;
	[tilespmem:s16+$0xEDF0] =	vst v20  }
0x12d: {  	[hbm4b:s11+s3] =	stream.linear.scatter [tilespmem:s26], [sflag:$0x5], $0x2800, $0x38;
	[tilespmem:$0x18D80] =	vst v63  }
0x12e: {  	s6 =	sadd.s32 $0x1, s6;
	_ =	swait.ge [sflag:s18], $0x2800  }
0x12f: {  	p0 =	sne.s32 s6, $0x3E;
	[sflag:s18] =	ssyncset.done $0x0  }
.Ltmp2:
0x130: {  	s7 =	sadd.s32 s9, s7;
	[sflag:s18] =	ssyncadd.s32 $0xFFFFD800;
	(pc) =	sbr.rel @p0 .LBB2_2-.Ltmp2, $4  }
0x131: {  	[hbm4b:s7+s3] =	stream.linear.scatter [tilespmem:s29], [sflag:$0x5], $0x2800, $0x38;
	[tilespmem:$0x18D80] =	vst v63  }
0x132: {  	_ =	swait.ge [sflag:s18], $0x2800  }
0x133: {  	[sflag:s18] =	ssyncset.done $0x0  }
0x134: {  	[sflag:s18] =	ssyncadd.s32 $0xFFFFD800  }
0x135: {  	v20 =	vld [tilespmem:$0x26C0]  }
0x136: {  	v21 =	vld [tilespmem:$0x4E40];
	_ =	sdelay $0x6  }
0x137: {  	v22 =	vld.idx.msk [tilespmem:v20+s20+$0x0], $0xffff  }
0x138: {  	v23 =	vld.idx.msk [tilespmem:v21+s20+$0x0], $0xffff  }
0x139: {  	v24 =	vld.idx.msk [tilespmem:v20+s21+$0x0], $0xffff  }
0x13a: {  	v25 =	vld.idx.msk [tilespmem:v21+s21+$0x0], $0xffff  }
0x13b: {  	v20 =	vld.idx.msk [tilespmem:v20+s22+$0x0], $0xffff  }
0x13c: {  	v21 =	vld.idx.msk [tilespmem:v21+s22+$0x0], $0xffff;
	_ =	sdelay $0x2  }
0x13d: {  	v22 =	vsub.f32 v22, v23;
	v23 =	vsub.f32 v24, v25;
	_ =	sdelay $0x1  }
0x13e: {  	v20 =	vsub.f32 v20, v21;
	v21 =	vmul.f32 v22, v22;
	v24 =	vmul.f32 v23, v23;
	_ =	sdelay $0x1  }
0x13f: {  	v21 =	vadd.f32 v24, v21;
	v24 =	vmul.f32 v20, v20  }
0x140: {  	[tilespmem:v0+s29+$0x0] =	vst.idx.msk $0xffff, v22  }
0x141: {  	[tilespmem:v1+s29+$0x0] =	vst.idx.msk $0xffff, v23;
	v21 =	vadd.f32 v24, v21  }
0x142: {  	[tilespmem:v2+s29+$0x0] =	vst.idx.msk $0xffff, v20  }
0x143: {  	[tilespmem:v3+s29+$0x0] =	vst.idx.msk $0xffff, v21  }
0x144: {  	v20 =	vld [tilespmem:$0x26D0]  }
0x145: {  	v21 =	vld [tilespmem:$0x4E50];
	_ =	sdelay $0x6  }
0x146: {  	v22 =	vld.idx.msk [tilespmem:v20+s20+$0x0], $0xffff  }
0x147: {  	v23 =	vld.idx.msk [tilespmem:v21+s20+$0x0], $0xffff  }
0x148: {  	v24 =	vld.idx.msk [tilespmem:v20+s21+$0x0], $0xffff  }
0x149: {  	v25 =	vld.idx.msk [tilespmem:v21+s21+$0x0], $0xffff  }
0x14a: {  	v20 =	vld.idx.msk [tilespmem:v20+s22+$0x0], $0xffff  }
0x14b: {  	v21 =	vld.idx.msk [tilespmem:v21+s22+$0x0], $0xffff;
	_ =	sdelay $0x2  }
0x14c: {  	v22 =	vsub.f32 v22, v23;
	v23 =	vsub.f32 v24, v25;
	_ =	sdelay $0x1  }
0x14d: {  	v20 =	vsub.f32 v20, v21;
	v21 =	vmul.f32 v22, v22;
	v24 =	vmul.f32 v23, v23;
	_ =	sdelay $0x1  }
0x14e: {  	v21 =	vadd.f32 v24, v21;
	v24 =	vmul.f32 v20, v20  }
0x14f: {  	[tilespmem:v4+s29+$0x0] =	vst.idx.msk $0xffff, v22  }
0x150: {  	[tilespmem:v5+s29+$0x0] =	vst.idx.msk $0xffff, v23;
	v21 =	vadd.f32 v24, v21  }
0x151: {  	[tilespmem:v6+s29+$0x0] =	vst.idx.msk $0xffff, v20  }
0x152: {  	[tilespmem:v7+s29+$0x0] =	vst.idx.msk $0xffff, v21  }
0x153: {  	v20 =	vld [tilespmem:$0x26E0]  }
0x154: {  	v21 =	vld [tilespmem:$0x4E60];
	_ =	sdelay $0x6  }
0x155: {  	v22 =	vld.idx.msk [tilespmem:v20+s20+$0x0], $0xffff  }
0x156: {  	v23 =	vld.idx.msk [tilespmem:v21+s20+$0x0], $0xffff  }
0x157: {  	v24 =	vld.idx.msk [tilespmem:v20+s21+$0x0], $0xffff  }
0x158: {  	v25 =	vld.idx.msk [tilespmem:v21+s21+$0x0], $0xffff  }
0x159: {  	v20 =	vld.idx.msk [tilespmem:v20+s22+$0x0], $0xffff  }
0x15a: {  	v21 =	vld.idx.msk [tilespmem:v21+s22+$0x0], $0xffff;
	_ =	sdelay $0x2  }
0x15b: {  	v22 =	vsub.f32 v22, v23;
	v23 =	vsub.f32 v24, v25;
	_ =	sdelay $0x1  }
0x15c: {  	v20 =	vsub.f32 v20, v21;
	v21 =	vmul.f32 v22, v22;
	v24 =	vmul.f32 v23, v23;
	_ =	sdelay $0x1  }
0x15d: {  	v21 =	vadd.f32 v24, v21;
	v24 =	vmul.f32 v20, v20  }
0x15e: {  	[tilespmem:v8+s29+$0x0] =	vst.idx.msk $0xffff, v22  }
0x15f: {  	[tilespmem:v9+s29+$0x0] =	vst.idx.msk $0xffff, v23;
	v21 =	vadd.f32 v24, v21  }
0x160: {  	[tilespmem:v10+s29+$0x0] =	vst.idx.msk $0xffff, v20  }
0x161: {  	[tilespmem:v11+s29+$0x0] =	vst.idx.msk $0xffff, v21  }
0x162: {  	v20 =	vld [tilespmem:$0x26F0]  }
0x163: {  	v21 =	vld [tilespmem:$0x4E70];
	_ =	sdelay $0x6  }
0x164: {  	v22 =	vld.idx.msk [tilespmem:v20+s20+$0x0], $0xffff  }
0x165: {  	v23 =	vld.idx.msk [tilespmem:v21+s20+$0x0], $0xffff  }
0x166: {  	v24 =	vld.idx.msk [tilespmem:v20+s21+$0x0], $0xffff  }
0x167: {  	v25 =	vld.idx.msk [tilespmem:v21+s21+$0x0], $0xffff  }
0x168: {  	v20 =	vld.idx.msk [tilespmem:v20+s22+$0x0], $0xffff  }
0x169: {  	v21 =	vld.idx.msk [tilespmem:v21+s22+$0x0], $0xffff;
	_ =	sdelay $0x2  }
0x16a: {  	v22 =	vsub.f32 v22, v23;
	v23 =	vsub.f32 v24, v25;
	_ =	sdelay $0x1  }
0x16b: {  	v20 =	vsub.f32 v20, v21;
	v21 =	vmul.f32 v22, v22;
	v24 =	vmul.f32 v23, v23;
	_ =	sdelay $0x1  }
0x16c: {  	v21 =	vadd.f32 v24, v21;
	v24 =	vmul.f32 v20, v20  }
0x16d: {  	[tilespmem:v12+s29+$0x0] =	vst.idx.msk $0xffff, v22  }
0x16e: {  	[tilespmem:v13+s29+$0x0] =	vst.idx.msk $0xffff, v23;
	v21 =	vadd.f32 v24, v21  }
0x16f: {  	[tilespmem:v14+s29+$0x0] =	vst.idx.msk $0xffff, v20  }
0x170: {  	[tilespmem:v15+s29+$0x0] =	vst.idx.msk $0xffff, v21  }
0x171: {  	v20 =	vld [tilespmem:$0x2700]  }
0x172: {  	v21 =	vld [tilespmem:$0x4E80];
	_ =	sdelay $0x6  }
0x173: {  	v22 =	vld.idx.msk [tilespmem:v20+s20+$0x0], $0xffff  }
0x174: {  	v23 =	vld.idx.msk [tilespmem:v21+s20+$0x0], $0xffff  }
0x175: {  	v24 =	vld.idx.msk [tilespmem:v20+s21+$0x0], $0xffff  }
0x176: {  	v25 =	vld.idx.msk [tilespmem:v21+s21+$0x0], $0xffff  }
0x177: {  	v20 =	vld.idx.msk [tilespmem:v20+s22+$0x0], $0xffff  }
0x178: {  	v21 =	vld.idx.msk [tilespmem:v21+s22+$0x0], $0xffff;
	_ =	sdelay $0x2  }
0x179: {  	v22 =	vsub.f32 v22, v23;
	v23 =	vsub.f32 v24, v25;
	_ =	sdelay $0x1  }
0x17a: {  	v20 =	vsub.f32 v20, v21;
	v21 =	vmul.f32 v22, v22;
	v24 =	vmul.f32 v23, v23;
	_ =	sdelay $0x1  }
0x17b: {  	v21 =	vadd.f32 v24, v21;
	v24 =	vmul.f32 v20, v20  }
0x17c: {  	[tilespmem:v16+s29+$0x0] =	vst.idx.msk $0xffff, v22  }
0x17d: {  	[tilespmem:v17+s29+$0x0] =	vst.idx.msk $0xffff, v23;
	v21 =	vadd.f32 v24, v21  }
0x17e: {  	[tilespmem:v18+s29+$0x0] =	vst.idx.msk $0xffff, v20  }
0x17f: {  	[tilespmem:v19+s29+$0x0] =	vst.idx.msk $0xffff, v21  }
0x180: {  	_ =	swait.ge [sflag:s30], $0x2800  }
0x181: {  	[sflag:s30] =	ssyncset.done $0x0  }
0x182: {  	[sflag:s30] =	ssyncadd.s32 $0xFFFFD800  }
0x183: {  	_ =	swait.ge [sflag:s31], $0x2800  }
0x184: {  	[sflag:s31] =	ssyncset.done $0x0  }
0x185: {  	s6 =	simm.s32 $0x0;
	[sflag:s31] =	ssyncadd.s32 $0xFFFFD800  }
0x186: {  	v27 =	vld [tilespmem:s6+$0x11580]  }
0x187: {  	v31 =	vld [tilespmem:s6+$0x11590]  }
0x188: {  	v25 =	vld [tilespmem:s6+$0x115A0]  }
0x189: {  	v24 =	vld [tilespmem:s6+$0x115B0]  }
0x18a: {  	v23 =	vld [tilespmem:s6+$0x115C0]  }
0x18b: {  	v22 =	vld [tilespmem:s6+$0x115D0]  }
0x18c: {  	v21 =	vld [tilespmem:s6+$0x115E0]  }
0x18d: {  	v20 =	vld [tilespmem:s6+$0x115F0]  }
0x18e: {  	v32 =	vld [tilespmem:s6+$0xC580]  }
0x18f: {  	v33 =	vld [tilespmem:s6+$0xC590]  }
0x190: {  	v30 =	vld [tilespmem:s6+$0xC5A0]  }
0x191: {  	v29 =	vld [tilespmem:s6+$0xC5B0]  }
0x192: {  	v28 =	vld [tilespmem:s6+$0xC5C0]  }
0x193: {  	v26 =	vld [tilespmem:s6+$0xC5D0];
	v32 =	vadd.f32 v27, v32  }
0x194: {  	s7 =	simm.s32 $0x200;
	v31 =	vadd.f32 v31, v33;
	v27 =	vld [tilespmem:s6+$0xC5E0]  }
.LBB2_8:
0x195: {  	s11 =	sshra.s32 s7, $0x2;
	p0 =	sne.s32 s7, $0x9E00;
	[tilespmem:s6+$0xC580] =	vst v32;
	v25 =	vadd.f32 v25, v30;
	v30 =	vld [tilespmem:s6+$0xC5F0]  }
0x196: {  	v32 =	vld [tilespmem:s11+$0x11580];
	[tilespmem:s6+$0xC590] =	vst v31;
	v24 =	vadd.f32 v24, v29  }
0x197: {  	v31 =	vld [tilespmem:s11+$0x11590];
	[tilespmem:s6+$0xC5A0] =	vst v25;
	v23 =	vadd.f32 v23, v28  }
0x198: {  	v25 =	vld [tilespmem:s11+$0x115A0];
	[tilespmem:s6+$0xC5B0] =	vst v24;
	v22 =	vadd.f32 v22, v26  }
0x199: {  	v24 =	vld [tilespmem:s11+$0x115B0];
	[tilespmem:s6+$0xC5C0] =	vst v23;
	v21 =	vadd.f32 v21, v27  }
0x19a: {  	v23 =	vld [tilespmem:s11+$0x115C0];
	[tilespmem:s6+$0xC5D0] =	vst v22;
	v20 =	vadd.f32 v20, v30  }
0x19b: {  	v22 =	vld [tilespmem:s11+$0x115D0];
	[tilespmem:s6+$0xC5E0] =	vst v21  }
0x19c: {  	v21 =	vld [tilespmem:s11+$0x115E0];
	[tilespmem:s6+$0xC5F0] =	vst v20;
	s6 =	smov.u32 s11  }
0x19d: {  	v20 =	vld [tilespmem:s6+$0x115F0]  }
0x19e: {  	v26 =	vld [tilespmem:s6+$0xC580]  }
0x19f: {  	v27 =	vld [tilespmem:s6+$0xC590]  }
.Ltmp3:
0x1a0: {  	v30 =	vld [tilespmem:s6+$0xC5A0];
	(pc) =	sbr.rel @p0 .LBB2_8-.Ltmp3, $4  }
0x1a1: {  	v29 =	vld [tilespmem:s6+$0xC5B0]  }
0x1a2: {  	v28 =	vld [tilespmem:s6+$0xC5C0]  }
0x1a3: {  	v32 =	vadd.f32 v32, v26;
	v26 =	vld [tilespmem:s6+$0xC5D0]  }
0x1a4: {  	s7 =	sadd.s32 $0x200, s7;
	v31 =	vadd.f32 v31, v27;
	v27 =	vld [tilespmem:s6+$0xC5E0]  }
0x1a5: {  	[tilespmem:s6+$0xC580] =	vst v32;
	v25 =	vadd.f32 v25, v30;
	v63 =	vld [tilespmem:s6+$0xC5F0]  }
0x1a6: {  	[tilespmem:s6+$0xC590] =	vst v31;
	v24 =	vadd.f32 v24, v29  }
0x1a7: {  	[tilespmem:s6+$0xC5A0] =	vst v25;
	v23 =	vadd.f32 v23, v28  }
0x1a8: {  	[tilespmem:s6+$0xC5B0] =	vst v24;
	v22 =	vadd.f32 v22, v26  }
0x1a9: {  	[tilespmem:s6+$0xC5C0] =	vst v23;
	v21 =	vadd.f32 v21, v27  }
0x1aa: {  	[tilespmem:s6+$0xC5D0] =	vst v22;
	v20 =	vadd.f32 v20, v63  }
0x1ab: {  	[tilespmem:s6+$0xC5E0] =	vst v21  }
0x1ac: {  	[tilespmem:s6+$0xC5F0] =	vst v20  }
0x1ad: {  	[hbm4b:s13+s3] =	stream.linear.scatter [tilespmem:s24], [sflag:$0x5], $0x2800, $0x38;
	[tilespmem:$0x18D80] =	vst v63  }
0x1ae: {  	s5 =	sadd.s32 $0x1, s5;
	_ =	swait.ge [sflag:s18], $0x2800  }
0x1af: {  	p0 =	sne.s32 s5, s15;
	[sflag:s18] =	ssyncset.done $0x0  }
.Ltmp4:
0x1b0: {  	[sflag:s18] =	ssyncadd.s32 $0xFFFFD800;
	(pc) =	sbr.rel @p0 .LBB2_1-.Ltmp4, $4  }
0x1b1: {  	[hbm4b:s14+s3] =	stream.linear.scatter [tilespmem:s29], [sflag:$0x5], $0x2800, $0x38;
	[tilespmem:$0x18D80] =	vst v63  }
0x1b2: {  	_ =	swait.ge [sflag:s18], $0x2800  }
0x1b3: {  	[sflag:s18] =	ssyncset.done $0x0  }
0x1b4: {  	[sflag:s18] =	ssyncadd.s32 $0xFFFFD800  }
0x1b5: {  	_ =	sfence.sel $0x180000  }
0x1b6: {  	[bflag:$0x0] =	sbarrier.arrive $0xFFFF  }
0x1b7: {  	_ =	strace $0x90000047  }
0x1b8: {  	s0 =	stileid.u32;
	[bflag:$0x2] =	sbarrier.arrive $0xFFFF  }
0x1b9: {  	p0 =	sne.s32 s0, $0x0;
	s0 =	rddreg [dreg:$0x2]  }
0x1ba: {  	s0 =	sadd.s32 @!p0 $0x100000, s0  }
0x1bb: {  	[sflag:s0] =	ssyncadd.tile.s32 @!p0 $0x1;
	_ =	shalt  }
.Lfunc_end2:
_tile_overlayer_lowered:
.L_overlay_start_2:
0x1bc: {  	(tag) =	ssettag $0x2  }
0x1bd: {  	s0 =	rddreg [dreg:$0x0];
	s2 =	stileid.u32  }
0x1be: {  	s1 =	rddreg [dreg:$0x1];
	p0 =	sne.s32 s2, $0x0  }
0x1bf: {  	s3 =	rddreg [dreg:$0x2];
	[bflag:$0x3] =	sbarrier.arrive $0xFFFF;
	s2 =	simm.s32 @!p0 $0x1C05  }
0x1c0: {  	[timem:s3], [sflag:s2] =	dma.local @!p0 [hbm:s0], s1  }
0x1c1: {  	s0 =	simm.s32 @!p0 $0x5  }
0x1c2: {  	_ =	swait.ge @!p0 [sflag:s0], s1  }
0x1c3: {  	s1 =	ssub.s32 @!p0 $0x0, s1;
	[sflag:s0] =	ssyncset.done @!p0 $0x0  }
0x1c4: {  	[sflag:s0] =	ssyncadd.s32 @!p0 s1  }
0x1c5: {  	[bflag:$0x3] =	sbarrier.arrive $0xFFFF  }
0x1c6: {  	_ =	shalt  }

</sc_bundles>
